<compile_context>
chip_gen: v7x
topology: tpu7x:2x2x1
jax: 0.10.2.dev20260603
libtpu: 0.0.44.dev20260713+nightly
codegen_flags: <defaults>
</compile_context>

<pallas_src>
import functools

import jax
import jax.numpy as jnp
from jax import lax
from jax.experimental import pallas as pl
from jax.experimental.pallas import tpu as pltpu
from jax.experimental.pallas import tpu_sc as plsc

N = 10000
D = 128
E = 320000
NC = 2
NS = 16
NW = NC * NS
C = 125
NR = 3
NQ = 4
NCH = 80
EPW = NCH * C
EPAD = NW * EPW
AGG_ROWS = 10112
ZROWS = AGG_ROWS // NS
RB = 2000


def _sc_scatter(m, src_idx, dst_idx, zeros):
    mesh = plsc.VectorSubcoreMesh(core_axis_name="c", subcore_axis_name="s")

    @functools.partial(
        pl.kernel,
        out_type=jax.ShapeDtypeStruct((NC, AGG_ROWS, D), jnp.float32),
        mesh=mesh,
        scratch_types=[
            pltpu.VMEM((NQ, C), jnp.int32),
            pltpu.VMEM((NQ, C), jnp.int32),
            pltpu.VMEM((NR, C, D), jnp.float32),
            pltpu.VMEM_SHARED((AGG_ROWS, D), jnp.float32),
            pltpu.SemaphoreType.DMA,
            pltpu.SemaphoreType.DMA,
            pltpu.SemaphoreType.DMA,
        ],
    )
    def k(m_hbm, src_hbm, dst_hbm, z_hbm, out_hbm, srcq, dstq, rows_v, agg_sh,
          gsem, isem, ssem):
        cid = lax.axis_index("c")
        sid = lax.axis_index("s")

        def idx_start(g, slot):
            pltpu.async_copy(src_hbm.at[cid, sid, g], srcq.at[slot], isem)
            pltpu.async_copy(dst_hbm.at[cid, sid, g], dstq.at[slot], isem)

        def idx_wait(g, slot):
            pltpu.make_async_copy(src_hbm.at[cid, sid, g], srcq.at[slot],
                                  isem).wait()
            pltpu.make_async_copy(dst_hbm.at[cid, sid, g], dstq.at[slot],
                                  isem).wait()

        def gather_start(qslot, rslot):
            pltpu.async_copy(m_hbm.at[srcq.at[qslot]], rows_v.at[rslot], gsem)

        def gather_wait(rslot):
            pltpu.make_async_copy(m_hbm.at[srcq.at[0]], rows_v.at[rslot],
                                  gsem).wait()

        def scat_start(qslot, rslot):
            pltpu.async_copy(rows_v.at[rslot], agg_sh.at[dstq.at[qslot]],
                             ssem, add=True)

        def scat_wait(rslot):
            pltpu.make_async_copy(rows_v.at[rslot], agg_sh.at[dstq.at[0]],
                                  ssem).wait()

        for q in range(NQ):
            idx_start(q, q)
        pltpu.sync_copy(z_hbm.at[pl.ds(sid * ZROWS, ZROWS)],
                        agg_sh.at[pl.ds(sid * ZROWS, ZROWS)])
        for b in range(2):
            idx_wait(b, b)
            gather_start(b, b)
        plsc.subcore_barrier()

        def body(g, carry):
            b = g % NR
            qb = g % NQ
            gather_wait(b)
            scat_start(qb, b)

            @pl.when(g >= 1)
            def _():
                scat_wait((g - 1) % NR)

                @pl.when(g + 3 < NCH)
                def _():
                    idx_start(g + 3, (g - 1) % NQ)

            @pl.when(g + 2 < NCH)
            def _():
                idx_wait(g + 2, (g + 2) % NQ)
                gather_start((g + 2) % NQ, (g + 2) % NR)

            return carry

        lax.fori_loop(0, NCH, body, 0)
        scat_wait((NCH - 1) % NR)
        plsc.subcore_barrier()
        pltpu.sync_copy(agg_sh.at[pl.ds(sid * ZROWS, ZROWS)],
                        out_hbm.at[cid, pl.ds(sid * ZROWS, ZROWS)])

    return k(m, src_idx, dst_idx, zeros)


def _matmul(h, w):
    def body(h_ref, w_ref, o_ref):
        o_ref[...] = jnp.dot(h_ref[...], w_ref[...],
                             preferred_element_type=jnp.float32)

    return pl.pallas_call(
        body,
        grid=(N // RB,),
        in_specs=[pl.BlockSpec((RB, D), lambda i: (i, 0)),
                  pl.BlockSpec((D, D), lambda i: (0, 0))],
        out_specs=pl.BlockSpec((RB, D), lambda i: (i, 0)),
        out_shape=jax.ShapeDtypeStruct((N, D), jnp.float32),
    )(h, w)


def _gru(p, h, wihT, whhT, bih, bhh, w_next):
    fuse = w_next is not None

    def body(p_ref, h_ref, wih_ref, whh_ref, bih_ref, bhh_ref, *rest):
        if fuse:
            wn_ref, h_out_ref, m_out_ref = rest
        else:
            (h_out_ref,) = rest
        agg = p_ref[0] + p_ref[1]
        h_blk = h_ref[...]
        gi = jnp.dot(agg, wih_ref[...], preferred_element_type=jnp.float32) + bih_ref[...]
        gh = jnp.dot(h_blk, whh_ref[...], preferred_element_type=jnp.float32) + bhh_ref[...]
        r = jax.nn.sigmoid(gi[:, :D] + gh[:, :D])
        z = jax.nn.sigmoid(gi[:, D:2 * D] + gh[:, D:2 * D])
        n = jnp.tanh(gi[:, 2 * D:] + r * gh[:, 2 * D:])
        hn = (1.0 - z) * n + z * h_blk
        h_out_ref[...] = hn
        if fuse:
            m_out_ref[...] = jnp.dot(hn, wn_ref[...],
                                     preferred_element_type=jnp.float32)

    in_specs = [
        pl.BlockSpec((NC, RB, D), lambda i: (0, i, 0)),
        pl.BlockSpec((RB, D), lambda i: (i, 0)),
        pl.BlockSpec((D, 3 * D), lambda i: (0, 0)),
        pl.BlockSpec((D, 3 * D), lambda i: (0, 0)),
        pl.BlockSpec((1, 3 * D), lambda i: (0, 0)),
        pl.BlockSpec((1, 3 * D), lambda i: (0, 0)),
    ]
    out_shape = jax.ShapeDtypeStruct((N, D), jnp.float32)
    if fuse:
        in_specs.append(pl.BlockSpec((D, D), lambda i: (0, 0)))
        out_shape = (out_shape, jax.ShapeDtypeStruct((N, D), jnp.float32))
    out_specs = pl.BlockSpec((RB, D), lambda i: (i, 0))
    if fuse:
        out_specs = (out_specs, pl.BlockSpec((RB, D), lambda i: (i, 0)))

    args = (p, h, wihT, whhT, bih, bhh) + ((w_next,) if fuse else ())
    return pl.pallas_call(
        body,
        grid=(N // RB,),
        in_specs=in_specs,
        out_specs=out_specs,
        out_shape=out_shape,
    )(*args)


def kernel(x, edge_index, weight, W_ih, W_hh, b_ih, b_hh):
    num_layers = weight.shape[0]
    src = edge_index[0]
    dst = edge_index[1]
    padw = EPW - E // NW
    wcol = jnp.arange(NW, dtype=jnp.int32)[:, None]
    jcol = jnp.arange(padw, dtype=jnp.int32)[None, :]
    pad_src = ((wcol * padw + jcol) * 997) % N
    pad_dst = N + (wcol * padw + jcol) % (AGG_ROWS - N)
    src_p = jnp.concatenate([src.reshape(NW, E // NW), pad_src], axis=1)
    dst_p = jnp.concatenate([dst.reshape(NW, E // NW), pad_dst], axis=1)
    src_p = src_p.reshape(NC, NS, NCH, C)
    dst_p = dst_p.reshape(NC, NS, NCH, C)
    zeros = jnp.zeros((AGG_ROWS, D), jnp.float32)
    wihT = W_ih.T
    whhT = W_hh.T
    bih = b_ih.reshape(1, 3 * D)
    bhh = b_hh.reshape(1, 3 * D)

    h = x
    m = _matmul(h, weight[0])
    for i in range(num_layers):
        p = _sc_scatter(m, src_p, dst_p, zeros)
        if i < num_layers - 1:
            h, m = _gru(p, h, wihT, whhT, bih, bhh, weight[i + 1])
        else:
            h = _gru(p, h, wihT, whhT, bih, bhh, None)
    return h

# --- scband reference (transcript-rebuilt; emitter-appended) ---
"""Pipeline reference for scband-ggnn-node-17952963297399 (READ-ONLY COPY).

The authoritative reference and input builder live on the scoring server;
editing this copy changes nothing except your own understanding.
"""

import jax, jax.numpy as jnp
import numpy as np

N = 10000
E = 320000
D = 128
L = 5

def setup_inputs(seed: int = 0) -> dict:
    key = jax.random.key(seed)
    k1, k2, k3, k4, k5, k6, k7 = jax.random.split(key, 7)
    x = jax.random.normal(k1, (N, D), dtype=jnp.float32)
    edge_index = jax.random.randint(k2, (2, E), 0, N, dtype=jnp.int32)
    s = 1.0 / np.sqrt(D)
    weight = jax.random.uniform(k3, (L, D, D), dtype=jnp.float32, minval=-s, maxval=s)
    W_ih = jax.random.uniform(k4, (3 * D, D), dtype=jnp.float32, minval=-s, maxval=s)
    W_hh = jax.random.uniform(k5, (3 * D, D), dtype=jnp.float32, minval=-s, maxval=s)
    b_ih = jax.random.uniform(k6, (3 * D,), dtype=jnp.float32, minval=-s, maxval=s)
    b_hh = jax.random.uniform(k7, (3 * D,), dtype=jnp.float32, minval=-s, maxval=s)
    return {"x": x, "edge_index": edge_index, "weight": weight,
            "W_ih": W_ih, "W_hh": W_hh, "b_ih": b_ih, "b_hh": b_hh}

def _gru_cell(m, h, W_ih, W_hh, b_ih, b_hh):
    gi = m @ W_ih.T + b_ih
    gh = h @ W_hh.T + b_hh
    i_r, i_z, i_n = jnp.split(gi, 3, axis=-1)
    h_r, h_z, h_n = jnp.split(gh, 3, axis=-1)
    r = jax.nn.sigmoid(i_r + h_r)
    z = jax.nn.sigmoid(i_z + h_z)
    n = jnp.tanh(i_n + r * h_n)
    return (1.0 - z) * n + z * h

def reference(x, edge_index, weight, W_ih, W_hh, b_ih, b_hh):
    # GatedGraphConv: per layer, linear transform, sum-aggregate over edges, GRU update.
    src = edge_index[0]
    dst = edge_index[1]
    h = x
    num_layers = weight.shape[0]
    for i in range(num_layers):
        m = h @ weight[i]
        msg = jnp.take(m, src, axis=0)           # gather from source nodes
        agg = jnp.zeros_like(h).at[dst].add(msg)  # scatter-add at destination nodes
        h = _gru_cell(agg, h, W_ih, W_hh, b_ih, b_hh)
    return h

if __name__ == "__main__":
    import jax
    _d = setup_inputs()
    print(jax.jit(kernel)(*tuple(_d.values())))

</pallas_src>

<mosaic_0001>
#map = affine_map<(d0, d1) -> (0, 0)>
#map1 = affine_map<(d0, d1) -> (0, 0, 0, 0)>
#map2 = affine_map<(d0, d1) -> (0, 0, 0)>
module attributes {stable_mosaic.version = 14 : i64} {
  func.func @k(%arg0: i32, %arg1: i32, %arg2: memref<10000x128xf32, #tpu.memory_space<hbm>>, %arg3: memref<2x16x80x125xi32, #tpu.memory_space<hbm>>, %arg4: memref<2x16x80x125xi32, #tpu.memory_space<hbm>>, %arg5: memref<10112x128xf32, #tpu.memory_space<hbm>>, %arg6: memref<2x10112x128xf32, #tpu.memory_space<hbm>>, %arg7: memref<4x125xi32, #tpu.memory_space<vmem>>, %arg8: memref<4x125xi32, #tpu.memory_space<vmem>>, %arg9: memref<3x125x128xf32, #tpu.memory_space<vmem>>, %arg10: memref<10112x128xf32, #tpu.memory_space<vmem_shared>>, %arg11: memref<!tpu.dma_semaphore, #tpu.memory_space<semaphore_mem>>, %arg12: memref<!tpu.dma_semaphore, #tpu.memory_space<semaphore_mem>>, %arg13: memref<!tpu.dma_semaphore, #tpu.memory_space<semaphore_mem>>) attributes {dimension_semantics = [#tpu.dimension_semantics<core_parallel>, #tpu.dimension_semantics<subcore_parallel>], iteration_bounds = array<i64: 2, 16>, scalar_prefetch = 0 : i64, scratch_operands = 7 : i64, tpu.core_type = #tpu.core_type<sc_vector_subcore>, window_params = [{transform_indices = #map}, {transform_indices = #map1}, {transform_indices = #map1}, {transform_indices = #map}, {transform_indices = #map2}]} {
    %dma_start3A = arith.constant 0 : i32
    %dma_start3A_0 = arith.constant 0 : i32
    %dma_start3A_1 = arith.constant 0 : i32
    %dma_start3A_2 = tpu.memref_slice %arg7[%dma_start3A_0, %dma_start3A_1] : memref<4x125xi32, #tpu.memory_space<vmem>> -> memref<1x125xi32, #tpu.memory_space<vmem>>
    %dma_start3A_3 = tpu.memref_squeeze %dma_start3A_2 : memref<1x125xi32, #tpu.memory_space<vmem>> -> memref<125xi32, #tpu.memory_space<vmem>>
    %dma_start3A_4 = arith.constant 0 : i32
    %dma_start3A_5 = tpu.memref_slice %arg3[%arg0, %arg1, %dma_start3A, %dma_start3A_4] : memref<2x16x80x125xi32, #tpu.memory_space<hbm>> -> memref<1x1x1x125xi32, #tpu.memory_space<hbm>>
    %dma_start3A_6 = tpu.memref_squeeze %dma_start3A_5 : memref<1x1x1x125xi32, #tpu.memory_space<hbm>> -> memref<125xi32, #tpu.memory_space<hbm>>
    %dma_start3A_7 = arith.constant 0 : i32
    %dma_start3A_8 = tpu.memref_slice %arg7[%dma_start3A_0, %dma_start3A_7] : memref<4x125xi32, #tpu.memory_space<vmem>> -> memref<1x125xi32, #tpu.memory_space<vmem>>
    %dma_start3A_9 = tpu.memref_squeeze %dma_start3A_8 : memref<1x125xi32, #tpu.memory_space<vmem>> -> memref<125xi32, #tpu.memory_space<vmem>>
    %dma_start3A_10 = arith.constant 0 : i32
    %dma_start3A_11 = tpu.memref_slice %arg3[%arg0, %arg1, %dma_start3A, %dma_start3A_10] : memref<2x16x80x125xi32, #tpu.memory_space<hbm>> -> memref<1x1x1x125xi32, #tpu.memory_space<hbm>>
    %dma_start3A_12 = tpu.memref_squeeze %dma_start3A_11 : memref<1x1x1x125xi32, #tpu.memory_space<hbm>> -> memref<125xi32, #tpu.memory_space<hbm>>
    tpu.enqueue_dma source(%dma_start3A_12 : memref<125xi32, #tpu.memory_space<hbm>>) target(%dma_start3A_9 : memref<125xi32, #tpu.memory_space<vmem>>) target_semaphore(%arg12 : memref<!tpu.dma_semaphore, #tpu.memory_space<semaphore_mem>>)
    %dma_start3A_13 = arith.constant 0 : i32
    %dma_start3A_14 = arith.constant 0 : i32
    %dma_start3A_15 = arith.constant 0 : i32
    %dma_start3A_16 = tpu.memref_slice %arg8[%dma_start3A_14, %dma_start3A_15] : memref<4x125xi32, #tpu.memory_space<vmem>> -> memref<1x125xi32, #tpu.memory_space<vmem>>
    %dma_start3A_17 = tpu.memref_squeeze %dma_start3A_16 : memref<1x125xi32, #tpu.memory_space<vmem>> -> memref<125xi32, #tpu.memory_space<vmem>>
    %dma_start3A_18 = arith.constant 0 : i32
    %dma_start3A_19 = tpu.memref_slice %arg4[%arg0, %arg1, %dma_start3A_13, %dma_start3A_18] : memref<2x16x80x125xi32, #tpu.memory_space<hbm>> -> memref<1x1x1x125xi32, #tpu.memory_space<hbm>>
    %dma_start3A_20 = tpu.memref_squeeze %dma_start3A_19 : memref<1x1x1x125xi32, #tpu.memory_space<hbm>> -> memref<125xi32, #tpu.memory_space<hbm>>
    %dma_start3A_21 = arith.constant 0 : i32
    %dma_start3A_22 = tpu.memref_slice %arg8[%dma_start3A_14, %dma_start3A_21] : memref<4x125xi32, #tpu.memory_space<vmem>> -> memref<1x125xi32, #tpu.memory_space<vmem>>
    %dma_start3A_23 = tpu.memref_squeeze %dma_start3A_22 : memref<1x125xi32, #tpu.memory_space<vmem>> -> memref<125xi32, #tpu.memory_space<vmem>>
    %dma_start3A_24 = arith.constant 0 : i32
    %dma_start3A_25 = tpu.memref_slice %arg4[%arg0, %arg1, %dma_start3A_13, %dma_start3A_24] : memref<2x16x80x125xi32, #tpu.memory_space<hbm>> -> memref<1x1x1x125xi32, #tpu.memory_space<hbm>>
    %dma_start3A_26 = tpu.memref_squeeze %dma_start3A_25 : memref<1x1x1x125xi32, #tpu.memory_space<hbm>> -> memref<125xi32, #tpu.memory_space<hbm>>
    tpu.enqueue_dma source(%dma_start3A_26 : memref<125xi32, #tpu.memory_space<hbm>>) target(%dma_start3A_23 : memref<125xi32, #tpu.memory_space<vmem>>) target_semaphore(%arg12 : memref<!tpu.dma_semaphore, #tpu.memory_space<semaphore_mem>>)
    %dma_start3A_27 = arith.constant 1 : i32
    %dma_start3A_28 = arith.constant 1 : i32
    %dma_start3A_29 = arith.constant 0 : i32
    %dma_start3A_30 = tpu.memref_slice %arg7[%dma_start3A_28, %dma_start3A_29] : memref<4x125xi32, #tpu.memory_space<vmem>> -> memref<1x125xi32, #tpu.memory_space<vmem>>
    %dma_start3A_31 = tpu.memref_squeeze %dma_start3A_30 : memref<1x125xi32, #tpu.memory_space<vmem>> -> memref<125xi32, #tpu.memory_space<vmem>>
    %dma_start3A_32 = arith.constant 0 : i32
    %dma_start3A_33 = tpu.memref_slice %arg3[%arg0, %arg1, %dma_start3A_27, %dma_start3A_32] : memref<2x16x80x125xi32, #tpu.memory_space<hbm>> -> memref<1x1x1x125xi32, #tpu.memory_space<hbm>>
    %dma_start3A_34 = tpu.memref_squeeze %dma_start3A_33 : memref<1x1x1x125xi32, #tpu.memory_space<hbm>> -> memref<125xi32, #tpu.memory_space<hbm>>
    %dma_start3A_35 = arith.constant 0 : i32
    %dma_start3A_36 = tpu.memref_slice %arg7[%dma_start3A_28, %dma_start3A_35] : memref<4x125xi32, #tpu.memory_space<vmem>> -> memref<1x125xi32, #tpu.memory_space<vmem>>
    %dma_start3A_37 = tpu.memref_squeeze %dma_start3A_36 : memref<1x125xi32, #tpu.memory_space<vmem>> -> memref<125xi32, #tpu.memory_space<vmem>>
    %dma_start3A_38 = arith.constant 0 : i32
    %dma_start3A_39 = tpu.memref_slice %arg3[%arg0, %arg1, %dma_start3A_27, %dma_start3A_38] : memref<2x16x80x125xi32, #tpu.memory_space<hbm>> -> memref<1x1x1x125xi32, #tpu.memory_space<hbm>>
    %dma_start3A_40 = tpu.memref_squeeze %dma_start3A_39 : memref<1x1x1x125xi32, #tpu.memory_space<hbm>> -> memref<125xi32, #tpu.memory_space<hbm>>
    tpu.enqueue_dma source(%dma_start3A_40 : memref<125xi32, #tpu.memory_space<hbm>>) target(%dma_start3A_37 : memref<125xi32, #tpu.memory_space<vmem>>) target_semaphore(%arg12 : memref<!tpu.dma_semaphore, #tpu.memory_space<semaphore_mem>>)
    %dma_start3A_41 = arith.constant 1 : i32
    %dma_start3A_42 = arith.constant 1 : i32
    %dma_start3A_43 = arith.constant 0 : i32
    %dma_start3A_44 = tpu.memref_slice %arg8[%dma_start3A_42, %dma_start3A_43] : memref<4x125xi32, #tpu.memory_space<vmem>> -> memref<1x125xi32, #tpu.memory_space<vmem>>
    %dma_start3A_45 = tpu.memref_squeeze %dma_start3A_44 : memref<1x125xi32, #tpu.memory_space<vmem>> -> memref<125xi32, #tpu.memory_space<vmem>>
    %dma_start3A_46 = arith.constant 0 : i32
    %dma_start3A_47 = tpu.memref_slice %arg4[%arg0, %arg1, %dma_start3A_41, %dma_start3A_46] : memref<2x16x80x125xi32, #tpu.memory_space<hbm>> -> memref<1x1x1x125xi32, #tpu.memory_space<hbm>>
    %dma_start3A_48 = tpu.memref_squeeze %dma_start3A_47 : memref<1x1x1x125xi32, #tpu.memory_space<hbm>> -> memref<125xi32, #tpu.memory_space<hbm>>
    %dma_start3A_49 = arith.constant 0 : i32
    %dma_start3A_50 = tpu.memref_slice %arg8[%dma_start3A_42, %dma_start3A_49] : memref<4x125xi32, #tpu.memory_space<vmem>> -> memref<1x125xi32, #tpu.memory_space<vmem>>
    %dma_start3A_51 = tpu.memref_squeeze %dma_start3A_50 : memref<1x125xi32, #tpu.memory_space<vmem>> -> memref<125xi32, #tpu.memory_space<vmem>>
    %dma_start3A_52 = arith.constant 0 : i32
    %dma_start3A_53 = tpu.memref_slice %arg4[%arg0, %arg1, %dma_start3A_41, %dma_start3A_52] : memref<2x16x80x125xi32, #tpu.memory_space<hbm>> -> memref<1x1x1x125xi32, #tpu.memory_space<hbm>>
    %dma_start3A_54 = tpu.memref_squeeze %dma_start3A_53 : memref<1x1x1x125xi32, #tpu.memory_space<hbm>> -> memref<125xi32, #tpu.memory_space<hbm>>
    tpu.enqueue_dma source(%dma_start3A_54 : memref<125xi32, #tpu.memory_space<hbm>>) target(%dma_start3A_51 : memref<125xi32, #tpu.memory_space<vmem>>) target_semaphore(%arg12 : memref<!tpu.dma_semaphore, #tpu.memory_space<semaphore_mem>>)
    %dma_start3A_55 = arith.constant 2 : i32
    %dma_start3A_56 = arith.constant 2 : i32
    %dma_start3A_57 = arith.constant 0 : i32
    %dma_start3A_58 = tpu.memref_slice %arg7[%dma_start3A_56, %dma_start3A_57] : memref<4x125xi32, #tpu.memory_space<vmem>> -> memref<1x125xi32, #tpu.memory_space<vmem>>
    %dma_start3A_59 = tpu.memref_squeeze %dma_start3A_58 : memref<1x125xi32, #tpu.memory_space<vmem>> -> memref<125xi32, #tpu.memory_space<vmem>>
    %dma_start3A_60 = arith.constant 0 : i32
    %dma_start3A_61 = tpu.memref_slice %arg3[%arg0, %arg1, %dma_start3A_55, %dma_start3A_60] : memref<2x16x80x125xi32, #tpu.memory_space<hbm>> -> memref<1x1x1x125xi32, #tpu.memory_space<hbm>>
    %dma_start3A_62 = tpu.memref_squeeze %dma_start3A_61 : memref<1x1x1x125xi32, #tpu.memory_space<hbm>> -> memref<125xi32, #tpu.memory_space<hbm>>
    %dma_start3A_63 = arith.constant 0 : i32
    %dma_start3A_64 = tpu.memref_slice %arg7[%dma_start3A_56, %dma_start3A_63] : memref<4x125xi32, #tpu.memory_space<vmem>> -> memref<1x125xi32, #tpu.memory_space<vmem>>
    %dma_start3A_65 = tpu.memref_squeeze %dma_start3A_64 : memref<1x125xi32, #tpu.memory_space<vmem>> -> memref<125xi32, #tpu.memory_space<vmem>>
    %dma_start3A_66 = arith.constant 0 : i32
    %dma_start3A_67 = tpu.memref_slice %arg3[%arg0, %arg1, %dma_start3A_55, %dma_start3A_66] : memref<2x16x80x125xi32, #tpu.memory_space<hbm>> -> memref<1x1x1x125xi32, #tpu.memory_space<hbm>>
    %dma_start3A_68 = tpu.memref_squeeze %dma_start3A_67 : memref<1x1x1x125xi32, #tpu.memory_space<hbm>> -> memref<125xi32, #tpu.memory_space<hbm>>
    tpu.enqueue_dma source(%dma_start3A_68 : memref<125xi32, #tpu.memory_space<hbm>>) target(%dma_start3A_65 : memref<125xi32, #tpu.memory_space<vmem>>) target_semaphore(%arg12 : memref<!tpu.dma_semaphore, #tpu.memory_space<semaphore_mem>>)
    %dma_start3A_69 = arith.constant 2 : i32
    %dma_start3A_70 = arith.constant 2 : i32
    %dma_start3A_71 = arith.constant 0 : i32
    %dma_start3A_72 = tpu.memref_slice %arg8[%dma_start3A_70, %dma_start3A_71] : memref<4x125xi32, #tpu.memory_space<vmem>> -> memref<1x125xi32, #tpu.memory_space<vmem>>
    %dma_start3A_73 = tpu.memref_squeeze %dma_start3A_72 : memref<1x125xi32, #tpu.memory_space<vmem>> -> memref<125xi32, #tpu.memory_space<vmem>>
    %dma_start3A_74 = arith.constant 0 : i32
    %dma_start3A_75 = tpu.memref_slice %arg4[%arg0, %arg1, %dma_start3A_69, %dma_start3A_74] : memref<2x16x80x125xi32, #tpu.memory_space<hbm>> -> memref<1x1x1x125xi32, #tpu.memory_space<hbm>>
    %dma_start3A_76 = tpu.memref_squeeze %dma_start3A_75 : memref<1x1x1x125xi32, #tpu.memory_space<hbm>> -> memref<125xi32, #tpu.memory_space<hbm>>
    %dma_start3A_77 = arith.constant 0 : i32
    %dma_start3A_78 = tpu.memref_slice %arg8[%dma_start3A_70, %dma_start3A_77] : memref<4x125xi32, #tpu.memory_space<vmem>> -> memref<1x125xi32, #tpu.memory_space<vmem>>
    %dma_start3A_79 = tpu.memref_squeeze %dma_start3A_78 : memref<1x125xi32, #tpu.memory_space<vmem>> -> memref<125xi32, #tpu.memory_space<vmem>>
    %dma_start3A_80 = arith.constant 0 : i32
    %dma_start3A_81 = tpu.memref_slice %arg4[%arg0, %arg1, %dma_start3A_69, %dma_start3A_80] : memref<2x16x80x125xi32, #tpu.memory_space<hbm>> -> memref<1x1x1x125xi32, #tpu.memory_space<hbm>>
    %dma_start3A_82 = tpu.memref_squeeze %dma_start3A_81 : memref<1x1x1x125xi32, #tpu.memory_space<hbm>> -> memref<125xi32, #tpu.memory_space<hbm>>
    tpu.enqueue_dma source(%dma_start3A_82 : memref<125xi32, #tpu.memory_space<hbm>>) target(%dma_start3A_79 : memref<125xi32, #tpu.memory_space<vmem>>) target_semaphore(%arg12 : memref<!tpu.dma_semaphore, #tpu.memory_space<semaphore_mem>>)
    %dma_start3A_83 = arith.constant 3 : i32
    %dma_start3A_84 = arith.constant 3 : i32
    %dma_start3A_85 = arith.constant 0 : i32
    %dma_start3A_86 = tpu.memref_slice %arg7[%dma_start3A_84, %dma_start3A_85] : memref<4x125xi32, #tpu.memory_space<vmem>> -> memref<1x125xi32, #tpu.memory_space<vmem>>
    %dma_start3A_87 = tpu.memref_squeeze %dma_start3A_86 : memref<1x125xi32, #tpu.memory_space<vmem>> -> memref<125xi32, #tpu.memory_space<vmem>>
    %dma_start3A_88 = arith.constant 0 : i32
    %dma_start3A_89 = tpu.memref_slice %arg3[%arg0, %arg1, %dma_start3A_83, %dma_start3A_88] : memref<2x16x80x125xi32, #tpu.memory_space<hbm>> -> memref<1x1x1x125xi32, #tpu.memory_space<hbm>>
    %dma_start3A_90 = tpu.memref_squeeze %dma_start3A_89 : memref<1x1x1x125xi32, #tpu.memory_space<hbm>> -> memref<125xi32, #tpu.memory_space<hbm>>
    %dma_start3A_91 = arith.constant 0 : i32
    %dma_start3A_92 = tpu.memref_slice %arg7[%dma_start3A_84, %dma_start3A_91] : memref<4x125xi32, #tpu.memory_space<vmem>> -> memref<1x125xi32, #tpu.memory_space<vmem>>
    %dma_start3A_93 = tpu.memref_squeeze %dma_start3A_92 : memref<1x125xi32, #tpu.memory_space<vmem>> -> memref<125xi32, #tpu.memory_space<vmem>>
    %dma_start3A_94 = arith.constant 0 : i32
    %dma_start3A_95 = tpu.memref_slice %arg3[%arg0, %arg1, %dma_start3A_83, %dma_start3A_94] : memref<2x16x80x125xi32, #tpu.memory_space<hbm>> -> memref<1x1x1x125xi32, #tpu.memory_space<hbm>>
    %dma_start3A_96 = tpu.memref_squeeze %dma_start3A_95 : memref<1x1x1x125xi32, #tpu.memory_space<hbm>> -> memref<125xi32, #tpu.memory_space<hbm>>
    tpu.enqueue_dma source(%dma_start3A_96 : memref<125xi32, #tpu.memory_space<hbm>>) target(%dma_start3A_93 : memref<125xi32, #tpu.memory_space<vmem>>) target_semaphore(%arg12 : memref<!tpu.dma_semaphore, #tpu.memory_space<semaphore_mem>>)
    %dma_start3A_97 = arith.constant 3 : i32
    %dma_start3A_98 = arith.constant 3 : i32
    %dma_start3A_99 = arith.constant 0 : i32
    %dma_start3A_100 = tpu.memref_slice %arg8[%dma_start3A_98, %dma_start3A_99] : memref<4x125xi32, #tpu.memory_space<vmem>> -> memref<1x125xi32, #tpu.memory_space<vmem>>
    %dma_start3A_101 = tpu.memref_squeeze %dma_start3A_100 : memref<1x125xi32, #tpu.memory_space<vmem>> -> memref<125xi32, #tpu.memory_space<vmem>>
    %dma_start3A_102 = arith.constant 0 : i32
    %dma_start3A_103 = tpu.memref_slice %arg4[%arg0, %arg1, %dma_start3A_97, %dma_start3A_102] : memref<2x16x80x125xi32, #tpu.memory_space<hbm>> -> memref<1x1x1x125xi32, #tpu.memory_space<hbm>>
    %dma_start3A_104 = tpu.memref_squeeze %dma_start3A_103 : memref<1x1x1x125xi32, #tpu.memory_space<hbm>> -> memref<125xi32, #tpu.memory_space<hbm>>
    %dma_start3A_105 = arith.constant 0 : i32
    %dma_start3A_106 = tpu.memref_slice %arg8[%dma_start3A_98, %dma_start3A_105] : memref<4x125xi32, #tpu.memory_space<vmem>> -> memref<1x125xi32, #tpu.memory_space<vmem>>
    %dma_start3A_107 = tpu.memref_squeeze %dma_start3A_106 : memref<1x125xi32, #tpu.memory_space<vmem>> -> memref<125xi32, #tpu.memory_space<vmem>>
    %dma_start3A_108 = arith.constant 0 : i32
    %dma_start3A_109 = tpu.memref_slice %arg4[%arg0, %arg1, %dma_start3A_97, %dma_start3A_108] : memref<2x16x80x125xi32, #tpu.memory_space<hbm>> -> memref<1x1x1x125xi32, #tpu.memory_space<hbm>>
    %dma_start3A_110 = tpu.memref_squeeze %dma_start3A_109 : memref<1x1x1x125xi32, #tpu.memory_space<hbm>> -> memref<125xi32, #tpu.memory_space<hbm>>
    tpu.enqueue_dma source(%dma_start3A_110 : memref<125xi32, #tpu.memory_space<hbm>>) target(%dma_start3A_107 : memref<125xi32, #tpu.memory_space<vmem>>) target_semaphore(%arg12 : memref<!tpu.dma_semaphore, #tpu.memory_space<semaphore_mem>>)
    %mul3A = arith.constant 632 : i32
    %mul3A_111 = arith.muli %arg1, %mul3A : i32
    %mul3A_112 = arith.constant 632 : i32
    %mul3A_113 = arith.muli %arg1, %mul3A_112 : i32
    "tpu.region"() ({
      %run_scoped3A = tpu.sem_alloc : memref<!tpu.dma_semaphore, #tpu.memory_space<semaphore_mem>>
      %dma_start3A_215 = arith.constant 0 : i32
      %dma_start3A_216 = tpu.memref_slice %arg10[%mul3A_113, %dma_start3A_215] : memref<10112x128xf32, #tpu.memory_space<vmem_shared>> -> memref<632x128xf32, #tpu.memory_space<vmem_shared>>
      %dma_start3A_217 = arith.constant 0 : i32
      %dma_start3A_218 = tpu.memref_slice %arg5[%mul3A_111, %dma_start3A_217] : memref<10112x128xf32, #tpu.memory_space<hbm>> -> memref<632x128xf32, #tpu.memory_space<hbm>>
      tpu.enqueue_dma source(%dma_start3A_218 : memref<632x128xf32, #tpu.memory_space<hbm>>) target(%dma_start3A_216 : memref<632x128xf32, #tpu.memory_space<vmem_shared>>) target_semaphore(%run_scoped3A : memref<!tpu.dma_semaphore, #tpu.memory_space<semaphore_mem>>)
      %dma_wait3A_219 = arith.constant 0 : i32
      %dma_wait3A_220 = tpu.memref_slice %arg10[%mul3A_113, %dma_wait3A_219] : memref<10112x128xf32, #tpu.memory_space<vmem_shared>> -> memref<632x128xf32, #tpu.memory_space<vmem_shared>>
      %dma_wait3A_221 = arith.constant 0 : i32
      %dma_wait3A_222 = tpu.memref_slice %arg5[%mul3A_111, %dma_wait3A_221] : memref<10112x128xf32, #tpu.memory_space<hbm>> -> memref<632x128xf32, #tpu.memory_space<hbm>>
      tpu.wait_dma2 semaphore(%run_scoped3A : memref<!tpu.dma_semaphore, #tpu.memory_space<semaphore_mem>>) src(%dma_wait3A_222 : memref<632x128xf32, #tpu.memory_space<hbm>>) dst(%dma_wait3A_220 : memref<632x128xf32, #tpu.memory_space<vmem_shared>>)
      tpu.yield
    }) : () -> ()
    %dma_wait3A = arith.constant 0 : i32
    %dma_wait3A_114 = arith.constant 0 : i32
    %dma_wait3A_115 = arith.constant 0 : i32
    %dma_wait3A_116 = tpu.memref_slice %arg7[%dma_wait3A_114, %dma_wait3A_115] : memref<4x125xi32, #tpu.memory_space<vmem>> -> memref<1x125xi32, #tpu.memory_space<vmem>>
    %dma_wait3A_117 = tpu.memref_squeeze %dma_wait3A_116 : memref<1x125xi32, #tpu.memory_space<vmem>> -> memref<125xi32, #tpu.memory_space<vmem>>
    %dma_wait3A_118 = arith.constant 0 : i32
    %dma_wait3A_119 = tpu.memref_slice %arg3[%arg0, %arg1, %dma_wait3A, %dma_wait3A_118] : memref<2x16x80x125xi32, #tpu.memory_space<hbm>> -> memref<1x1x1x125xi32, #tpu.memory_space<hbm>>
    %dma_wait3A_120 = tpu.memref_squeeze %dma_wait3A_119 : memref<1x1x1x125xi32, #tpu.memory_space<hbm>> -> memref<125xi32, #tpu.memory_space<hbm>>
    %dma_wait3A_121 = arith.constant 0 : i32
    %dma_wait3A_122 = tpu.memref_slice %arg7[%dma_wait3A_114, %dma_wait3A_121] : memref<4x125xi32, #tpu.memory_space<vmem>> -> memref<1x125xi32, #tpu.memory_space<vmem>>
    %dma_wait3A_123 = tpu.memref_squeeze %dma_wait3A_122 : memref<1x125xi32, #tpu.memory_space<vmem>> -> memref<125xi32, #tpu.memory_space<vmem>>
    %dma_wait3A_124 = arith.constant 0 : i32
    %dma_wait3A_125 = tpu.memref_slice %arg3[%arg0, %arg1, %dma_wait3A, %dma_wait3A_124] : memref<2x16x80x125xi32, #tpu.memory_space<hbm>> -> memref<1x1x1x125xi32, #tpu.memory_space<hbm>>
    %dma_wait3A_126 = tpu.memref_squeeze %dma_wait3A_125 : memref<1x1x1x125xi32, #tpu.memory_space<hbm>> -> memref<125xi32, #tpu.memory_space<hbm>>
    tpu.wait_dma2 semaphore(%arg12 : memref<!tpu.dma_semaphore, #tpu.memory_space<semaphore_mem>>) src(%dma_wait3A_126 : memref<125xi32, #tpu.memory_space<hbm>>) dst(%dma_wait3A_123 : memref<125xi32, #tpu.memory_space<vmem>>)
    %dma_wait3A_127 = arith.constant 0 : i32
    %dma_wait3A_128 = arith.constant 0 : i32
    %dma_wait3A_129 = arith.constant 0 : i32
    %dma_wait3A_130 = tpu.memref_slice %arg8[%dma_wait3A_128, %dma_wait3A_129] : memref<4x125xi32, #tpu.memory_space<vmem>> -> memref<1x125xi32, #tpu.memory_space<vmem>>
    %dma_wait3A_131 = tpu.memref_squeeze %dma_wait3A_130 : memref<1x125xi32, #tpu.memory_space<vmem>> -> memref<125xi32, #tpu.memory_space<vmem>>
    %dma_wait3A_132 = arith.constant 0 : i32
    %dma_wait3A_133 = tpu.memref_slice %arg4[%arg0, %arg1, %dma_wait3A_127, %dma_wait3A_132] : memref<2x16x80x125xi32, #tpu.memory_space<hbm>> -> memref<1x1x1x125xi32, #tpu.memory_space<hbm>>
    %dma_wait3A_134 = tpu.memref_squeeze %dma_wait3A_133 : memref<1x1x1x125xi32, #tpu.memory_space<hbm>> -> memref<125xi32, #tpu.memory_space<hbm>>
    %dma_wait3A_135 = arith.constant 0 : i32
    %dma_wait3A_136 = tpu.memref_slice %arg8[%dma_wait3A_128, %dma_wait3A_135] : memref<4x125xi32, #tpu.memory_space<vmem>> -> memref<1x125xi32, #tpu.memory_space<vmem>>
    %dma_wait3A_137 = tpu.memref_squeeze %dma_wait3A_136 : memref<1x125xi32, #tpu.memory_space<vmem>> -> memref<125xi32, #tpu.memory_space<vmem>>
    %dma_wait3A_138 = arith.constant 0 : i32
    %dma_wait3A_139 = tpu.memref_slice %arg4[%arg0, %arg1, %dma_wait3A_127, %dma_wait3A_138] : memref<2x16x80x125xi32, #tpu.memory_space<hbm>> -> memref<1x1x1x125xi32, #tpu.memory_space<hbm>>
    %dma_wait3A_140 = tpu.memref_squeeze %dma_wait3A_139 : memref<1x1x1x125xi32, #tpu.memory_space<hbm>> -> memref<125xi32, #tpu.memory_space<hbm>>
    tpu.wait_dma2 semaphore(%arg12 : memref<!tpu.dma_semaphore, #tpu.memory_space<semaphore_mem>>) src(%dma_wait3A_140 : memref<125xi32, #tpu.memory_space<hbm>>) dst(%dma_wait3A_137 : memref<125xi32, #tpu.memory_space<vmem>>)
    %dma_start3A_141 = arith.constant 0 : i32
    %dma_start3A_142 = arith.constant 0 : i32
    %dma_start3A_143 = arith.constant 0 : i32
    %dma_start3A_144 = arith.constant 0 : i32
    %dma_start3A_145 = tpu.memref_slice %arg9[%dma_start3A_142, %dma_start3A_143, %dma_start3A_144] : memref<3x125x128xf32, #tpu.memory_space<vmem>> -> memref<1x125x128xf32, #tpu.memory_space<vmem>>
    %dma_start3A_146 = tpu.memref_squeeze %dma_start3A_145 : memref<1x125x128xf32, #tpu.memory_space<vmem>> -> memref<125x128xf32, #tpu.memory_space<vmem>>
    %dma_start3A_147 = arith.constant 0 : i32
    %dma_start3A_148 = tpu.memref_slice %arg7[%dma_start3A_141, %dma_start3A_147] : memref<4x125xi32, #tpu.memory_space<vmem>> -> memref<1x125xi32, #tpu.memory_space<vmem>>
    %dma_start3A_149 = tpu.memref_squeeze %dma_start3A_148 : memref<1x125xi32, #tpu.memory_space<vmem>> -> memref<125xi32, #tpu.memory_space<vmem>>
    %dma_start3A_150 = arith.constant 0 : i32
    %dma_start3A_151 = arith.constant 0 : i32
    %dma_start3A_152 = tpu.memref_slice %arg2[%dma_start3A_150, %dma_start3A_151] : memref<10000x128xf32, #tpu.memory_space<hbm>> -> memref<10000x128xf32, #tpu.memory_space<hbm>>
    tpu.enqueue_indirect_dma source(%dma_start3A_152 : memref<10000x128xf32, #tpu.memory_space<hbm>>) target(%dma_start3A_146 : memref<125x128xf32, #tpu.memory_space<vmem>>) offsets(%dma_start3A_149 : memref<125xi32, #tpu.memory_space<vmem>>) semaphore(%arg11 : memref<!tpu.dma_semaphore, #tpu.memory_space<semaphore_mem>>)
    %dma_wait3A_153 = arith.constant 1 : i32
    %dma_wait3A_154 = arith.constant 1 : i32
    %dma_wait3A_155 = arith.constant 0 : i32
    %dma_wait3A_156 = tpu.memref_slice %arg7[%dma_wait3A_154, %dma_wait3A_155] : memref<4x125xi32, #tpu.memory_space<vmem>> -> memref<1x125xi32, #tpu.memory_space<vmem>>
    %dma_wait3A_157 = tpu.memref_squeeze %dma_wait3A_156 : memref<1x125xi32, #tpu.memory_space<vmem>> -> memref<125xi32, #tpu.memory_space<vmem>>
    %dma_wait3A_158 = arith.constant 0 : i32
    %dma_wait3A_159 = tpu.memref_slice %arg3[%arg0, %arg1, %dma_wait3A_153, %dma_wait3A_158] : memref<2x16x80x125xi32, #tpu.memory_space<hbm>> -> memref<1x1x1x125xi32, #tpu.memory_space<hbm>>
    %dma_wait3A_160 = tpu.memref_squeeze %dma_wait3A_159 : memref<1x1x1x125xi32, #tpu.memory_space<hbm>> -> memref<125xi32, #tpu.memory_space<hbm>>
    %dma_wait3A_161 = arith.constant 0 : i32
    %dma_wait3A_162 = tpu.memref_slice %arg7[%dma_wait3A_154, %dma_wait3A_161] : memref<4x125xi32, #tpu.memory_space<vmem>> -> memref<1x125xi32, #tpu.memory_space<vmem>>
    %dma_wait3A_163 = tpu.memref_squeeze %dma_wait3A_162 : memref<1x125xi32, #tpu.memory_space<vmem>> -> memref<125xi32, #tpu.memory_space<vmem>>
    %dma_wait3A_164 = arith.constant 0 : i32
    %dma_wait3A_165 = tpu.memref_slice %arg3[%arg0, %arg1, %dma_wait3A_153, %dma_wait3A_164] : memref<2x16x80x125xi32, #tpu.memory_space<hbm>> -> memref<1x1x1x125xi32, #tpu.memory_space<hbm>>
    %dma_wait3A_166 = tpu.memref_squeeze %dma_wait3A_165 : memref<1x1x1x125xi32, #tpu.memory_space<hbm>> -> memref<125xi32, #tpu.memory_space<hbm>>
    tpu.wait_dma2 semaphore(%arg12 : memref<!tpu.dma_semaphore, #tpu.memory_space<semaphore_mem>>) src(%dma_wait3A_166 : memref<125xi32, #tpu.memory_space<hbm>>) dst(%dma_wait3A_163 : memref<125xi32, #tpu.memory_space<vmem>>)
    %dma_wait3A_167 = arith.constant 1 : i32
    %dma_wait3A_168 = arith.constant 1 : i32
    %dma_wait3A_169 = arith.constant 0 : i32
    %dma_wait3A_170 = tpu.memref_slice %arg8[%dma_wait3A_168, %dma_wait3A_169] : memref<4x125xi32, #tpu.memory_space<vmem>> -> memref<1x125xi32, #tpu.memory_space<vmem>>
    %dma_wait3A_171 = tpu.memref_squeeze %dma_wait3A_170 : memref<1x125xi32, #tpu.memory_space<vmem>> -> memref<125xi32, #tpu.memory_space<vmem>>
    %dma_wait3A_172 = arith.constant 0 : i32
    %dma_wait3A_173 = tpu.memref_slice %arg4[%arg0, %arg1, %dma_wait3A_167, %dma_wait3A_172] : memref<2x16x80x125xi32, #tpu.memory_space<hbm>> -> memref<1x1x1x125xi32, #tpu.memory_space<hbm>>
    %dma_wait3A_174 = tpu.memref_squeeze %dma_wait3A_173 : memref<1x1x1x125xi32, #tpu.memory_space<hbm>> -> memref<125xi32, #tpu.memory_space<hbm>>
    %dma_wait3A_175 = arith.constant 0 : i32
    %dma_wait3A_176 = tpu.memref_slice %arg8[%dma_wait3A_168, %dma_wait3A_175] : memref<4x125xi32, #tpu.memory_space<vmem>> -> memref<1x125xi32, #tpu.memory_space<vmem>>
    %dma_wait3A_177 = tpu.memref_squeeze %dma_wait3A_176 : memref<1x125xi32, #tpu.memory_space<vmem>> -> memref<125xi32, #tpu.memory_space<vmem>>
    %dma_wait3A_178 = arith.constant 0 : i32
    %dma_wait3A_179 = tpu.memref_slice %arg4[%arg0, %arg1, %dma_wait3A_167, %dma_wait3A_178] : memref<2x16x80x125xi32, #tpu.memory_space<hbm>> -> memref<1x1x1x125xi32, #tpu.memory_space<hbm>>
    %dma_wait3A_180 = tpu.memref_squeeze %dma_wait3A_179 : memref<1x1x1x125xi32, #tpu.memory_space<hbm>> -> memref<125xi32, #tpu.memory_space<hbm>>
    tpu.wait_dma2 semaphore(%arg12 : memref<!tpu.dma_semaphore, #tpu.memory_space<semaphore_mem>>) src(%dma_wait3A_180 : memref<125xi32, #tpu.memory_space<hbm>>) dst(%dma_wait3A_177 : memref<125xi32, #tpu.memory_space<vmem>>)
    %dma_start3A_181 = arith.constant 1 : i32
    %dma_start3A_182 = arith.constant 1 : i32
    %dma_start3A_183 = arith.constant 0 : i32
    %dma_start3A_184 = arith.constant 0 : i32
    %dma_start3A_185 = tpu.memref_slice %arg9[%dma_start3A_182, %dma_start3A_183, %dma_start3A_184] : memref<3x125x128xf32, #tpu.memory_space<vmem>> -> memref<1x125x128xf32, #tpu.memory_space<vmem>>
    %dma_start3A_186 = tpu.memref_squeeze %dma_start3A_185 : memref<1x125x128xf32, #tpu.memory_space<vmem>> -> memref<125x128xf32, #tpu.memory_space<vmem>>
    %dma_start3A_187 = arith.constant 0 : i32
    %dma_start3A_188 = tpu.memref_slice %arg7[%dma_start3A_181, %dma_start3A_187] : memref<4x125xi32, #tpu.memory_space<vmem>> -> memref<1x125xi32, #tpu.memory_space<vmem>>
    %dma_start3A_189 = tpu.memref_squeeze %dma_start3A_188 : memref<1x125xi32, #tpu.memory_space<vmem>> -> memref<125xi32, #tpu.memory_space<vmem>>
    %dma_start3A_190 = arith.constant 0 : i32
    %dma_start3A_191 = arith.constant 0 : i32
    %dma_start3A_192 = tpu.memref_slice %arg2[%dma_start3A_190, %dma_start3A_191] : memref<10000x128xf32, #tpu.memory_space<hbm>> -> memref<10000x128xf32, #tpu.memory_space<hbm>>
    tpu.enqueue_indirect_dma source(%dma_start3A_192 : memref<10000x128xf32, #tpu.memory_space<hbm>>) target(%dma_start3A_186 : memref<125x128xf32, #tpu.memory_space<vmem>>) offsets(%dma_start3A_189 : memref<125xi32, #tpu.memory_space<vmem>>) semaphore(%arg11 : memref<!tpu.dma_semaphore, #tpu.memory_space<semaphore_mem>>)
    %barrier3A = arith.constant 0 : index
    tpu.barrier barrier_id(%barrier3A)
    %scan3A = arith.constant 0 : i32
    %scan3A_193 = arith.constant 0 : i32
    %scan3A_194 = arith.constant 80 : i32
    %scan3A_195 = arith.addi %scan3A_193, %scan3A_194 : i32
    %scan3A_196 = arith.constant 1 : i32
    scf.for %scan3A_215 = %scan3A_193 to %scan3A_195 step %scan3A_196  : i32 {
      %jit3A = arith.constant 3 : i32
      %eq3A = arith.constant 0 : i32
      %eq3A_216 = arith.cmpi eq, %jit3A, %eq3A : i32
      %jit3A_217 = arith.constant 1 : i32
      %select_n3A = arith.select %eq3A_216, %jit3A_217, %jit3A : i32
      %rem3A = arith.remsi %scan3A_215, %select_n3A : i32
      %ne3A = arith.constant 0 : i32
      %ne3A_218 = arith.cmpi ne, %rem3A, %ne3A : i32
      %lt3A = arith.constant 0 : i32
      %lt3A_219 = arith.cmpi slt, %rem3A, %lt3A : i32
      %lt3A_220 = arith.constant 0 : i32
      %lt3A_221 = arith.cmpi slt, %select_n3A, %lt3A_220 : i32
      %ne3A_222 = arith.xori %lt3A_219, %lt3A_221 : i1
      %and3A = arith.andi %ne3A_222, %ne3A_218 : i1
      %add3A = arith.addi %rem3A, %select_n3A : i32
      %select_n3A_223 = arith.select %and3A, %add3A, %rem3A : i32
      %jit3A_224 = arith.constant 4 : i32
      %eq3A_225 = arith.constant 0 : i32
      %eq3A_226 = arith.cmpi eq, %jit3A_224, %eq3A_225 : i32
      %jit3A_227 = arith.constant 1 : i32
      %select_n3A_228 = arith.select %eq3A_226, %jit3A_227, %jit3A_224 : i32
      %rem3A_229 = arith.remsi %scan3A_215, %select_n3A_228 : i32
      %ne3A_230 = arith.constant 0 : i32
      %ne3A_231 = arith.cmpi ne, %rem3A_229, %ne3A_230 : i32
      %lt3A_232 = arith.constant 0 : i32
      %lt3A_233 = arith.cmpi slt, %rem3A_229, %lt3A_232 : i32
      %lt3A_234 = arith.constant 0 : i32
      %lt3A_235 = arith.cmpi slt, %select_n3A_228, %lt3A_234 : i32
      %ne3A_236 = arith.xori %lt3A_233, %lt3A_235 : i1
      %and3A_237 = arith.andi %ne3A_236, %ne3A_231 : i1
      %add3A_238 = arith.addi %rem3A_229, %select_n3A_228 : i32
      %select_n3A_239 = arith.select %and3A_237, %add3A_238, %rem3A_229 : i32
      %dma_wait3A_240 = arith.constant 0 : i32
      %dma_wait3A_241 = arith.constant 0 : i32
      %dma_wait3A_242 = arith.constant 0 : i32
      %dma_wait3A_243 = tpu.memref_slice %arg9[%select_n3A_223, %dma_wait3A_241, %dma_wait3A_242] : memref<3x125x128xf32, #tpu.memory_space<vmem>> -> memref<1x125x128xf32, #tpu.memory_space<vmem>>
      %dma_wait3A_244 = tpu.memref_squeeze %dma_wait3A_243 : memref<1x125x128xf32, #tpu.memory_space<vmem>> -> memref<125x128xf32, #tpu.memory_space<vmem>>
      %dma_wait3A_245 = arith.constant 0 : i32
      %dma_wait3A_246 = tpu.memref_slice %arg7[%dma_wait3A_240, %dma_wait3A_245] : memref<4x125xi32, #tpu.memory_space<vmem>> -> memref<1x125xi32, #tpu.memory_space<vmem>>
      %dma_wait3A_247 = tpu.memref_squeeze %dma_wait3A_246 : memref<1x125xi32, #tpu.memory_space<vmem>> -> memref<125xi32, #tpu.memory_space<vmem>>
      %dma_wait3A_248 = arith.constant 0 : i32
      %dma_wait3A_249 = arith.constant 0 : i32
      %dma_wait3A_250 = tpu.memref_slice %arg2[%dma_wait3A_248, %dma_wait3A_249] : memref<10000x128xf32, #tpu.memory_space<hbm>> -> memref<10000x128xf32, #tpu.memory_space<hbm>>
      tpu.wait_indirect_dma semaphore(%arg11 : memref<!tpu.dma_semaphore, #tpu.memory_space<semaphore_mem>>) src(%dma_wait3A_250 : memref<10000x128xf32, #tpu.memory_space<hbm>>) dst(%dma_wait3A_244 : memref<125x128xf32, #tpu.memory_space<vmem>>)
      %dma_start3A_251 = arith.constant 0 : i32
      %dma_start3A_252 = arith.constant 0 : i32
      %dma_start3A_253 = tpu.memref_slice %arg9[%select_n3A_223, %dma_start3A_251, %dma_start3A_252] : memref<3x125x128xf32, #tpu.memory_space<vmem>> -> memref<1x125x128xf32, #tpu.memory_space<vmem>>
      %dma_start3A_254 = tpu.memref_squeeze %dma_start3A_253 : memref<1x125x128xf32, #tpu.memory_space<vmem>> -> memref<125x128xf32, #tpu.memory_space<vmem>>
      %dma_start3A_255 = arith.constant 0 : i32
      %dma_start3A_256 = tpu.memref_slice %arg8[%select_n3A_239, %dma_start3A_255] : memref<4x125xi32, #tpu.memory_space<vmem>> -> memref<1x125xi32, #tpu.memory_space<vmem>>
      %dma_start3A_257 = tpu.memref_squeeze %dma_start3A_256 : memref<1x125xi32, #tpu.memory_space<vmem>> -> memref<125xi32, #tpu.memory_space<vmem>>
      %dma_start3A_258 = arith.constant 0 : i32
      %dma_start3A_259 = arith.constant 0 : i32
      %dma_start3A_260 = tpu.memref_slice %arg10[%dma_start3A_258, %dma_start3A_259] : memref<10112x128xf32, #tpu.memory_space<vmem_shared>> -> memref<10112x128xf32, #tpu.memory_space<vmem_shared>>
      tpu.enqueue_indirect_dma source(%dma_start3A_254 : memref<125x128xf32, #tpu.memory_space<vmem>>) target(%dma_start3A_260 : memref<10112x128xf32, #tpu.memory_space<vmem_shared>>) offsets(%dma_start3A_257 : memref<125xi32, #tpu.memory_space<vmem>>) semaphore(%arg13 : memref<!tpu.dma_semaphore, #tpu.memory_space<semaphore_mem>>) {add = true}
      %ge3A = arith.constant 1 : i32
      %ge3A_261 = arith.cmpi sge, %scan3A_215, %ge3A : i32
      %convert_element_type3A = arith.extui %ge3A_261 : i1 to i32
      %cond3A = arith.constant 0 : i32
      %cond3A_262 = arith.cmpi ne, %convert_element_type3A, %cond3A : i32
      scf.if %cond3A_262 {
        %sub3A = arith.constant 1 : i32
        %sub3A_270 = arith.subi %scan3A_215, %sub3A : i32
        %jit3A_271 = arith.constant 3 : i32
        %eq3A_272 = arith.constant 0 : i32
        %eq3A_273 = arith.cmpi eq, %jit3A_271, %eq3A_272 : i32
        %jit3A_274 = arith.constant 1 : i32
        %select_n3A_275 = arith.select %eq3A_273, %jit3A_274, %jit3A_271 : i32
        %rem3A_276 = arith.remsi %sub3A_270, %select_n3A_275 : i32
        %ne3A_277 = arith.constant 0 : i32
        %ne3A_278 = arith.cmpi ne, %rem3A_276, %ne3A_277 : i32
        %lt3A_279 = arith.constant 0 : i32
        %lt3A_280 = arith.cmpi slt, %rem3A_276, %lt3A_279 : i32
        %lt3A_281 = arith.constant 0 : i32
        %lt3A_282 = arith.cmpi slt, %select_n3A_275, %lt3A_281 : i32
        %ne3A_283 = arith.xori %lt3A_280, %lt3A_282 : i1
        %and3A_284 = arith.andi %ne3A_283, %ne3A_278 : i1
        %add3A_285 = arith.addi %rem3A_276, %select_n3A_275 : i32
        %select_n3A_286 = arith.select %and3A_284, %add3A_285, %rem3A_276 : i32
        %dma_wait3A_287 = arith.constant 0 : i32
        %dma_wait3A_288 = arith.constant 0 : i32
        %dma_wait3A_289 = arith.constant 0 : i32
        %dma_wait3A_290 = tpu.memref_slice %arg9[%select_n3A_286, %dma_wait3A_288, %dma_wait3A_289] : memref<3x125x128xf32, #tpu.memory_space<vmem>> -> memref<1x125x128xf32, #tpu.memory_space<vmem>>
        %dma_wait3A_291 = tpu.memref_squeeze %dma_wait3A_290 : memref<1x125x128xf32, #tpu.memory_space<vmem>> -> memref<125x128xf32, #tpu.memory_space<vmem>>
        %dma_wait3A_292 = arith.constant 0 : i32
        %dma_wait3A_293 = tpu.memref_slice %arg8[%dma_wait3A_287, %dma_wait3A_292] : memref<4x125xi32, #tpu.memory_space<vmem>> -> memref<1x125xi32, #tpu.memory_space<vmem>>
        %dma_wait3A_294 = tpu.memref_squeeze %dma_wait3A_293 : memref<1x125xi32, #tpu.memory_space<vmem>> -> memref<125xi32, #tpu.memory_space<vmem>>
        %dma_wait3A_295 = arith.constant 0 : i32
        %dma_wait3A_296 = arith.constant 0 : i32
        %dma_wait3A_297 = tpu.memref_slice %arg10[%dma_wait3A_295, %dma_wait3A_296] : memref<10112x128xf32, #tpu.memory_space<vmem_shared>> -> memref<10112x128xf32, #tpu.memory_space<vmem_shared>>
        tpu.wait_indirect_dma semaphore(%arg13 : memref<!tpu.dma_semaphore, #tpu.memory_space<semaphore_mem>>) src(%dma_wait3A_291 : memref<125x128xf32, #tpu.memory_space<vmem>>) dst(%dma_wait3A_297 : memref<10112x128xf32, #tpu.memory_space<vmem_shared>>)
        %add3A_298 = arith.constant 3 : i32
        %add3A_299 = arith.addi %scan3A_215, %add3A_298 : i32
        %lt3A_300 = arith.constant 80 : i32
        %lt3A_301 = arith.cmpi slt, %add3A_299, %lt3A_300 : i32
        %convert_element_type3A_302 = arith.extui %lt3A_301 : i1 to i32
        %cond3A_303 = arith.constant 0 : i32
        %cond3A_304 = arith.cmpi ne, %convert_element_type3A_302, %cond3A_303 : i32
        scf.if %cond3A_304 {
          %add3A_305 = arith.constant 3 : i32
          %add3A_306 = arith.addi %scan3A_215, %add3A_305 : i32
          %sub3A_307 = arith.constant 1 : i32
          %sub3A_308 = arith.subi %scan3A_215, %sub3A_307 : i32
          %jit3A_309 = arith.constant 4 : i32
          %eq3A_310 = arith.constant 0 : i32
          %eq3A_311 = arith.cmpi eq, %jit3A_309, %eq3A_310 : i32
          %jit3A_312 = arith.constant 1 : i32
          %select_n3A_313 = arith.select %eq3A_311, %jit3A_312, %jit3A_309 : i32
          %rem3A_314 = arith.remsi %sub3A_308, %select_n3A_313 : i32
          %ne3A_315 = arith.constant 0 : i32
          %ne3A_316 = arith.cmpi ne, %rem3A_314, %ne3A_315 : i32
          %lt3A_317 = arith.constant 0 : i32
          %lt3A_318 = arith.cmpi slt, %rem3A_314, %lt3A_317 : i32
          %lt3A_319 = arith.constant 0 : i32
          %lt3A_320 = arith.cmpi slt, %select_n3A_313, %lt3A_319 : i32
          %ne3A_321 = arith.xori %lt3A_318, %lt3A_320 : i1
          %and3A_322 = arith.andi %ne3A_321, %ne3A_316 : i1
          %add3A_323 = arith.addi %rem3A_314, %select_n3A_313 : i32
          %select_n3A_324 = arith.select %and3A_322, %add3A_323, %rem3A_314 : i32
          %dma_start3A_325 = arith.constant 0 : i32
          %dma_start3A_326 = tpu.memref_slice %arg7[%select_n3A_324, %dma_start3A_325] : memref<4x125xi32, #tpu.memory_space<vmem>> -> memref<1x125xi32, #tpu.memory_space<vmem>>
          %dma_start3A_327 = tpu.memref_squeeze %dma_start3A_326 : memref<1x125xi32, #tpu.memory_space<vmem>> -> memref<125xi32, #tpu.memory_space<vmem>>
          %dma_start3A_328 = arith.constant 0 : i32
          %dma_start3A_329 = tpu.memref_slice %arg3[%arg0, %arg1, %add3A_306, %dma_start3A_328] : memref<2x16x80x125xi32, #tpu.memory_space<hbm>> -> memref<1x1x1x125xi32, #tpu.memory_space<hbm>>
          %dma_start3A_330 = tpu.memref_squeeze %dma_start3A_329 : memref<1x1x1x125xi32, #tpu.memory_space<hbm>> -> memref<125xi32, #tpu.memory_space<hbm>>
          %dma_start3A_331 = arith.constant 0 : i32
          %dma_start3A_332 = tpu.memref_slice %arg7[%select_n3A_324, %dma_start3A_331] : memref<4x125xi32, #tpu.memory_space<vmem>> -> memref<1x125xi32, #tpu.memory_space<vmem>>
          %dma_start3A_333 = tpu.memref_squeeze %dma_start3A_332 : memref<1x125xi32, #tpu.memory_space<vmem>> -> memref<125xi32, #tpu.memory_space<vmem>>
          %dma_start3A_334 = arith.constant 0 : i32
          %dma_start3A_335 = tpu.memref_slice %arg3[%arg0, %arg1, %add3A_306, %dma_start3A_334] : memref<2x16x80x125xi32, #tpu.memory_space<hbm>> -> memref<1x1x1x125xi32, #tpu.memory_space<hbm>>
          %dma_start3A_336 = tpu.memref_squeeze %dma_start3A_335 : memref<1x1x1x125xi32, #tpu.memory_space<hbm>> -> memref<125xi32, #tpu.memory_space<hbm>>
          tpu.enqueue_dma source(%dma_start3A_336 : memref<125xi32, #tpu.memory_space<hbm>>) target(%dma_start3A_333 : memref<125xi32, #tpu.memory_space<vmem>>) target_semaphore(%arg12 : memref<!tpu.dma_semaphore, #tpu.memory_space<semaphore_mem>>)
          %dma_start3A_337 = arith.constant 0 : i32
          %dma_start3A_338 = tpu.memref_slice %arg8[%select_n3A_324, %dma_start3A_337] : memref<4x125xi32, #tpu.memory_space<vmem>> -> memref<1x125xi32, #tpu.memory_space<vmem>>
          %dma_start3A_339 = tpu.memref_squeeze %dma_start3A_338 : memref<1x125xi32, #tpu.memory_space<vmem>> -> memref<125xi32, #tpu.memory_space<vmem>>
          %dma_start3A_340 = arith.constant 0 : i32
          %dma_start3A_341 = tpu.memref_slice %arg4[%arg0, %arg1, %add3A_306, %dma_start3A_340] : memref<2x16x80x125xi32, #tpu.memory_space<hbm>> -> memref<1x1x1x125xi32, #tpu.memory_space<hbm>>
          %dma_start3A_342 = tpu.memref_squeeze %dma_start3A_341 : memref<1x1x1x125xi32, #tpu.memory_space<hbm>> -> memref<125xi32, #tpu.memory_space<hbm>>
          %dma_start3A_343 = arith.constant 0 : i32
          %dma_start3A_344 = tpu.memref_slice %arg8[%select_n3A_324, %dma_start3A_343] : memref<4x125xi32, #tpu.memory_space<vmem>> -> memref<1x125xi32, #tpu.memory_space<vmem>>
          %dma_start3A_345 = tpu.memref_squeeze %dma_start3A_344 : memref<1x125xi32, #tpu.memory_space<vmem>> -> memref<125xi32, #tpu.memory_space<vmem>>
          %dma_start3A_346 = arith.constant 0 : i32
          %dma_start3A_347 = tpu.memref_slice %arg4[%arg0, %arg1, %add3A_306, %dma_start3A_346] : memref<2x16x80x125xi32, #tpu.memory_space<hbm>> -> memref<1x1x1x125xi32, #tpu.memory_space<hbm>>
          %dma_start3A_348 = tpu.memref_squeeze %dma_start3A_347 : memref<1x1x1x125xi32, #tpu.memory_space<hbm>> -> memref<125xi32, #tpu.memory_space<hbm>>
          tpu.enqueue_dma source(%dma_start3A_348 : memref<125xi32, #tpu.memory_space<hbm>>) target(%dma_start3A_345 : memref<125xi32, #tpu.memory_space<vmem>>) target_semaphore(%arg12 : memref<!tpu.dma_semaphore, #tpu.memory_space<semaphore_mem>>)
        } else {
        }
      } else {
      }
      %add3A_263 = arith.constant 2 : i32
      %add3A_264 = arith.addi %scan3A_215, %add3A_263 : i32
      %lt3A_265 = arith.constant 80 : i32
      %lt3A_266 = arith.cmpi slt, %add3A_264, %lt3A_265 : i32
      %convert_element_type3A_267 = arith.extui %lt3A_266 : i1 to i32
      %cond3A_268 = arith.constant 0 : i32
      %cond3A_269 = arith.cmpi ne, %convert_element_type3A_267, %cond3A_268 : i32
      scf.if %cond3A_269 {
        %add3A_270 = arith.constant 2 : i32
        %add3A_271 = arith.addi %scan3A_215, %add3A_270 : i32
        %add3A_272 = arith.constant 2 : i32
        %add3A_273 = arith.addi %scan3A_215, %add3A_272 : i32
        %jit3A_274 = arith.constant 4 : i32
        %eq3A_275 = arith.constant 0 : i32
        %eq3A_276 = arith.cmpi eq, %jit3A_274, %eq3A_275 : i32
        %jit3A_277 = arith.constant 1 : i32
        %select_n3A_278 = arith.select %eq3A_276, %jit3A_277, %jit3A_274 : i32
        %rem3A_279 = arith.remsi %add3A_273, %select_n3A_278 : i32
        %ne3A_280 = arith.constant 0 : i32
        %ne3A_281 = arith.cmpi ne, %rem3A_279, %ne3A_280 : i32
        %lt3A_282 = arith.constant 0 : i32
        %lt3A_283 = arith.cmpi slt, %rem3A_279, %lt3A_282 : i32
        %lt3A_284 = arith.constant 0 : i32
        %lt3A_285 = arith.cmpi slt, %select_n3A_278, %lt3A_284 : i32
        %ne3A_286 = arith.xori %lt3A_283, %lt3A_285 : i1
        %and3A_287 = arith.andi %ne3A_286, %ne3A_281 : i1
        %add3A_288 = arith.addi %rem3A_279, %select_n3A_278 : i32
        %select_n3A_289 = arith.select %and3A_287, %add3A_288, %rem3A_279 : i32
        %dma_wait3A_290 = arith.constant 0 : i32
        %dma_wait3A_291 = tpu.memref_slice %arg7[%select_n3A_289, %dma_wait3A_290] : memref<4x125xi32, #tpu.memory_space<vmem>> -> memref<1x125xi32, #tpu.memory_space<vmem>>
        %dma_wait3A_292 = tpu.memref_squeeze %dma_wait3A_291 : memref<1x125xi32, #tpu.memory_space<vmem>> -> memref<125xi32, #tpu.memory_space<vmem>>
        %dma_wait3A_293 = arith.constant 0 : i32
        %dma_wait3A_294 = tpu.memref_slice %arg3[%arg0, %arg1, %add3A_271, %dma_wait3A_293] : memref<2x16x80x125xi32, #tpu.memory_space<hbm>> -> memref<1x1x1x125xi32, #tpu.memory_space<hbm>>
        %dma_wait3A_295 = tpu.memref_squeeze %dma_wait3A_294 : memref<1x1x1x125xi32, #tpu.memory_space<hbm>> -> memref<125xi32, #tpu.memory_space<hbm>>
        %dma_wait3A_296 = arith.constant 0 : i32
        %dma_wait3A_297 = tpu.memref_slice %arg7[%select_n3A_289, %dma_wait3A_296] : memref<4x125xi32, #tpu.memory_space<vmem>> -> memref<1x125xi32, #tpu.memory_space<vmem>>
        %dma_wait3A_298 = tpu.memref_squeeze %dma_wait3A_297 : memref<1x125xi32, #tpu.memory_space<vmem>> -> memref<125xi32, #tpu.memory_space<vmem>>
        %dma_wait3A_299 = arith.constant 0 : i32
        %dma_wait3A_300 = tpu.memref_slice %arg3[%arg0, %arg1, %add3A_271, %dma_wait3A_299] : memref<2x16x80x125xi32, #tpu.memory_space<hbm>> -> memref<1x1x1x125xi32, #tpu.memory_space<hbm>>
        %dma_wait3A_301 = tpu.memref_squeeze %dma_wait3A_300 : memref<1x1x1x125xi32, #tpu.memory_space<hbm>> -> memref<125xi32, #tpu.memory_space<hbm>>
        tpu.wait_dma2 semaphore(%arg12 : memref<!tpu.dma_semaphore, #tpu.memory_space<semaphore_mem>>) src(%dma_wait3A_301 : memref<125xi32, #tpu.memory_space<hbm>>) dst(%dma_wait3A_298 : memref<125xi32, #tpu.memory_space<vmem>>)
        %dma_wait3A_302 = arith.constant 0 : i32
        %dma_wait3A_303 = tpu.memref_slice %arg8[%select_n3A_289, %dma_wait3A_302] : memref<4x125xi32, #tpu.memory_space<vmem>> -> memref<1x125xi32, #tpu.memory_space<vmem>>
        %dma_wait3A_304 = tpu.memref_squeeze %dma_wait3A_303 : memref<1x125xi32, #tpu.memory_space<vmem>> -> memref<125xi32, #tpu.memory_space<vmem>>
        %dma_wait3A_305 = arith.constant 0 : i32
        %dma_wait3A_306 = tpu.memref_slice %arg4[%arg0, %arg1, %add3A_271, %dma_wait3A_305] : memref<2x16x80x125xi32, #tpu.memory_space<hbm>> -> memref<1x1x1x125xi32, #tpu.memory_space<hbm>>
        %dma_wait3A_307 = tpu.memref_squeeze %dma_wait3A_306 : memref<1x1x1x125xi32, #tpu.memory_space<hbm>> -> memref<125xi32, #tpu.memory_space<hbm>>
        %dma_wait3A_308 = arith.constant 0 : i32
        %dma_wait3A_309 = tpu.memref_slice %arg8[%select_n3A_289, %dma_wait3A_308] : memref<4x125xi32, #tpu.memory_space<vmem>> -> memref<1x125xi32, #tpu.memory_space<vmem>>
        %dma_wait3A_310 = tpu.memref_squeeze %dma_wait3A_309 : memref<1x125xi32, #tpu.memory_space<vmem>> -> memref<125xi32, #tpu.memory_space<vmem>>
        %dma_wait3A_311 = arith.constant 0 : i32
        %dma_wait3A_312 = tpu.memref_slice %arg4[%arg0, %arg1, %add3A_271, %dma_wait3A_311] : memref<2x16x80x125xi32, #tpu.memory_space<hbm>> -> memref<1x1x1x125xi32, #tpu.memory_space<hbm>>
        %dma_wait3A_313 = tpu.memref_squeeze %dma_wait3A_312 : memref<1x1x1x125xi32, #tpu.memory_space<hbm>> -> memref<125xi32, #tpu.memory_space<hbm>>
        tpu.wait_dma2 semaphore(%arg12 : memref<!tpu.dma_semaphore, #tpu.memory_space<semaphore_mem>>) src(%dma_wait3A_313 : memref<125xi32, #tpu.memory_space<hbm>>) dst(%dma_wait3A_310 : memref<125xi32, #tpu.memory_space<vmem>>)
        %add3A_314 = arith.constant 2 : i32
        %add3A_315 = arith.addi %scan3A_215, %add3A_314 : i32
        %jit3A_316 = arith.constant 4 : i32
        %eq3A_317 = arith.constant 0 : i32
        %eq3A_318 = arith.cmpi eq, %jit3A_316, %eq3A_317 : i32
        %jit3A_319 = arith.constant 1 : i32
        %select_n3A_320 = arith.select %eq3A_318, %jit3A_319, %jit3A_316 : i32
        %rem3A_321 = arith.remsi %add3A_315, %select_n3A_320 : i32
        %ne3A_322 = arith.constant 0 : i32
        %ne3A_323 = arith.cmpi ne, %rem3A_321, %ne3A_322 : i32
        %lt3A_324 = arith.constant 0 : i32
        %lt3A_325 = arith.cmpi slt, %rem3A_321, %lt3A_324 : i32
        %lt3A_326 = arith.constant 0 : i32
        %lt3A_327 = arith.cmpi slt, %select_n3A_320, %lt3A_326 : i32
        %ne3A_328 = arith.xori %lt3A_325, %lt3A_327 : i1
        %and3A_329 = arith.andi %ne3A_328, %ne3A_323 : i1
        %add3A_330 = arith.addi %rem3A_321, %select_n3A_320 : i32
        %select_n3A_331 = arith.select %and3A_329, %add3A_330, %rem3A_321 : i32
        %add3A_332 = arith.constant 2 : i32
        %add3A_333 = arith.addi %scan3A_215, %add3A_332 : i32
        %jit3A_334 = arith.constant 3 : i32
        %eq3A_335 = arith.constant 0 : i32
        %eq3A_336 = arith.cmpi eq, %jit3A_334, %eq3A_335 : i32
        %jit3A_337 = arith.constant 1 : i32
        %select_n3A_338 = arith.select %eq3A_336, %jit3A_337, %jit3A_334 : i32
        %rem3A_339 = arith.remsi %add3A_333, %select_n3A_338 : i32
        %ne3A_340 = arith.constant 0 : i32
        %ne3A_341 = arith.cmpi ne, %rem3A_339, %ne3A_340 : i32
        %lt3A_342 = arith.constant 0 : i32
        %lt3A_343 = arith.cmpi slt, %rem3A_339, %lt3A_342 : i32
        %lt3A_344 = arith.constant 0 : i32
        %lt3A_345 = arith.cmpi slt, %select_n3A_338, %lt3A_344 : i32
        %ne3A_346 = arith.xori %lt3A_343, %lt3A_345 : i1
        %and3A_347 = arith.andi %ne3A_346, %ne3A_341 : i1
        %add3A_348 = arith.addi %rem3A_339, %select_n3A_338 : i32
        %select_n3A_349 = arith.select %and3A_347, %add3A_348, %rem3A_339 : i32
        %dma_start3A_350 = arith.constant 0 : i32
        %dma_start3A_351 = arith.constant 0 : i32
        %dma_start3A_352 = tpu.memref_slice %arg9[%select_n3A_349, %dma_start3A_350, %dma_start3A_351] : memref<3x125x128xf32, #tpu.memory_space<vmem>> -> memref<1x125x128xf32, #tpu.memory_space<vmem>>
        %dma_start3A_353 = tpu.memref_squeeze %dma_start3A_352 : memref<1x125x128xf32, #tpu.memory_space<vmem>> -> memref<125x128xf32, #tpu.memory_space<vmem>>
        %dma_start3A_354 = arith.constant 0 : i32
        %dma_start3A_355 = tpu.memref_slice %arg7[%select_n3A_331, %dma_start3A_354] : memref<4x125xi32, #tpu.memory_space<vmem>> -> memref<1x125xi32, #tpu.memory_space<vmem>>
        %dma_start3A_356 = tpu.memref_squeeze %dma_start3A_355 : memref<1x125xi32, #tpu.memory_space<vmem>> -> memref<125xi32, #tpu.memory_space<vmem>>
        %dma_start3A_357 = arith.constant 0 : i32
        %dma_start3A_358 = arith.constant 0 : i32
        %dma_start3A_359 = tpu.memref_slice %arg2[%dma_start3A_357, %dma_start3A_358] : memref<10000x128xf32, #tpu.memory_space<hbm>> -> memref<10000x128xf32, #tpu.memory_space<hbm>>
        tpu.enqueue_indirect_dma source(%dma_start3A_359 : memref<10000x128xf32, #tpu.memory_space<hbm>>) target(%dma_start3A_353 : memref<125x128xf32, #tpu.memory_space<vmem>>) offsets(%dma_start3A_356 : memref<125xi32, #tpu.memory_space<vmem>>) semaphore(%arg11 : memref<!tpu.dma_semaphore, #tpu.memory_space<semaphore_mem>>)
      } else {
      }
    }
    %scan3A_197 = arith.constant 80 : i32
    %dma_wait3A_198 = arith.constant 1 : i32
    %dma_wait3A_199 = arith.constant 0 : i32
    %dma_wait3A_200 = arith.constant 0 : i32
    %dma_wait3A_201 = arith.constant 0 : i32
    %dma_wait3A_202 = tpu.memref_slice %arg9[%dma_wait3A_198, %dma_wait3A_200, %dma_wait3A_201] : memref<3x125x128xf32, #tpu.memory_space<vmem>> -> memref<1x125x128xf32, #tpu.memory_space<vmem>>
    %dma_wait3A_203 = tpu.memref_squeeze %dma_wait3A_202 : memref<1x125x128xf32, #tpu.memory_space<vmem>> -> memref<125x128xf32, #tpu.memory_space<vmem>>
    %dma_wait3A_204 = arith.constant 0 : i32
    %dma_wait3A_205 = tpu.memref_slice %arg8[%dma_wait3A_199, %dma_wait3A_204] : memref<4x125xi32, #tpu.memory_space<vmem>> -> memref<1x125xi32, #tpu.memory_space<vmem>>
    %dma_wait3A_206 = tpu.memref_squeeze %dma_wait3A_205 : memref<1x125xi32, #tpu.memory_space<vmem>> -> memref<125xi32, #tpu.memory_space<vmem>>
    %dma_wait3A_207 = arith.constant 0 : i32
    %dma_wait3A_208 = arith.constant 0 : i32
    %dma_wait3A_209 = tpu.memref_slice %arg10[%dma_wait3A_207, %dma_wait3A_208] : memref<10112x128xf32, #tpu.memory_space<vmem_shared>> -> memref<10112x128xf32, #tpu.memory_space<vmem_shared>>
    tpu.wait_indirect_dma semaphore(%arg13 : memref<!tpu.dma_semaphore, #tpu.memory_space<semaphore_mem>>) src(%dma_wait3A_203 : memref<125x128xf32, #tpu.memory_space<vmem>>) dst(%dma_wait3A_209 : memref<10112x128xf32, #tpu.memory_space<vmem_shared>>)
    %barrier3A_210 = arith.constant 0 : index
    tpu.barrier barrier_id(%barrier3A_210)
    %mul3A_211 = arith.constant 632 : i32
    %mul3A_212 = arith.muli %arg1, %mul3A_211 : i32
    %mul3A_213 = arith.constant 632 : i32
    %mul3A_214 = arith.muli %arg1, %mul3A_213 : i32
    "tpu.region"() ({
      %run_scoped3A = tpu.sem_alloc : memref<!tpu.dma_semaphore, #tpu.memory_space<semaphore_mem>>
      %dma_start3A_215 = arith.constant 0 : i32
      %dma_start3A_216 = tpu.memref_slice %arg6[%arg0, %mul3A_214, %dma_start3A_215] : memref<2x10112x128xf32, #tpu.memory_space<hbm>> -> memref<1x632x128xf32, #tpu.memory_space<hbm>>
      %dma_start3A_217 = tpu.memref_squeeze %dma_start3A_216 : memref<1x632x128xf32, #tpu.memory_space<hbm>> -> memref<632x128xf32, #tpu.memory_space<hbm>>
      %dma_start3A_218 = arith.constant 0 : i32
      %dma_start3A_219 = tpu.memref_slice %arg10[%mul3A_212, %dma_start3A_218] : memref<10112x128xf32, #tpu.memory_space<vmem_shared>> -> memref<632x128xf32, #tpu.memory_space<vmem_shared>>
      tpu.enqueue_dma source(%dma_start3A_219 : memref<632x128xf32, #tpu.memory_space<vmem_shared>>) target(%dma_start3A_217 : memref<632x128xf32, #tpu.memory_space<hbm>>) target_semaphore(%run_scoped3A : memref<!tpu.dma_semaphore, #tpu.memory_space<semaphore_mem>>)
      %dma_wait3A_220 = arith.constant 0 : i32
      %dma_wait3A_221 = tpu.memref_slice %arg6[%arg0, %mul3A_214, %dma_wait3A_220] : memref<2x10112x128xf32, #tpu.memory_space<hbm>> -> memref<1x632x128xf32, #tpu.memory_space<hbm>>
      %dma_wait3A_222 = tpu.memref_squeeze %dma_wait3A_221 : memref<1x632x128xf32, #tpu.memory_space<hbm>> -> memref<632x128xf32, #tpu.memory_space<hbm>>
      %dma_wait3A_223 = arith.constant 0 : i32
      %dma_wait3A_224 = tpu.memref_slice %arg10[%mul3A_212, %dma_wait3A_223] : memref<10112x128xf32, #tpu.memory_space<vmem_shared>> -> memref<632x128xf32, #tpu.memory_space<vmem_shared>>
      tpu.wait_dma2 semaphore(%run_scoped3A : memref<!tpu.dma_semaphore, #tpu.memory_space<semaphore_mem>>) src(%dma_wait3A_224 : memref<632x128xf32, #tpu.memory_space<vmem_shared>>) dst(%dma_wait3A_222 : memref<632x128xf32, #tpu.memory_space<hbm>>)
      tpu.yield
    }) : () -> ()
    return
  }
}

#map = affine_map<(d0, d1) -> (0, 0)>
#map1 = affine_map<(d0, d1) -> (0, 0, 0, 0)>
#map2 = affine_map<(d0, d1) -> (0, 0, 0)>
module attributes {stable_mosaic.version = 14 : i64} {
  func.func @k(%arg0: i32, %arg1: i32, %arg2: memref<10000x128xf32, #tpu.memory_space<hbm>>, %arg3: memref<2x16x80x125xi32, #tpu.memory_space<hbm>>, %arg4: memref<2x16x80x125xi32, #tpu.memory_space<hbm>>, %arg5: memref<10112x128xf32, #tpu.memory_space<hbm>>, %arg6: memref<2x10112x128xf32, #tpu.memory_space<hbm>>, %arg7: memref<4x125xi32, #tpu.memory_space<vmem>>, %arg8: memref<4x125xi32, #tpu.memory_space<vmem>>, %arg9: memref<3x125x128xf32, #tpu.memory_space<vmem>>, %arg10: memref<10112x128xf32, #tpu.memory_space<vmem_shared>>, %arg11: memref<!tpu.dma_semaphore, #tpu.memory_space<semaphore_mem>>, %arg12: memref<!tpu.dma_semaphore, #tpu.memory_space<semaphore_mem>>, %arg13: memref<!tpu.dma_semaphore, #tpu.memory_space<semaphore_mem>>) attributes {dimension_semantics = [#tpu.dimension_semantics<core_parallel>, #tpu.dimension_semantics<subcore_parallel>], iteration_bounds = array<i64: 2, 16>, scalar_prefetch = 0 : i64, scratch_operands = 7 : i64, tpu.core_type = #tpu.core_type<sc_vector_subcore>, window_params = [{transform_indices = #map}, {transform_indices = #map1}, {transform_indices = #map1}, {transform_indices = #map}, {transform_indices = #map2}]} {
    %dma_start3A = arith.constant 0 : i32
    %dma_start3A_0 = arith.constant 0 : i32
    %dma_start3A_1 = arith.constant 0 : i32
    %dma_start3A_2 = tpu.memref_slice %arg7[%dma_start3A_0, %dma_start3A_1] : memref<4x125xi32, #tpu.memory_space<vmem>> -> memref<1x125xi32, #tpu.memory_space<vmem>>
    %dma_start3A_3 = tpu.memref_squeeze %dma_start3A_2 : memref<1x125xi32, #tpu.memory_space<vmem>> -> memref<125xi32, #tpu.memory_space<vmem>>
    %dma_start3A_4 = arith.constant 0 : i32
    %dma_start3A_5 = tpu.memref_slice %arg3[%arg0, %arg1, %dma_start3A, %dma_start3A_4] : memref<2x16x80x125xi32, #tpu.memory_space<hbm>> -> memref<1x1x1x125xi32, #tpu.memory_space<hbm>>
    %dma_start3A_6 = tpu.memref_squeeze %dma_start3A_5 : memref<1x1x1x125xi32, #tpu.memory_space<hbm>> -> memref<125xi32, #tpu.memory_space<hbm>>
    %dma_start3A_7 = arith.constant 0 : i32
    %dma_start3A_8 = tpu.memref_slice %arg7[%dma_start3A_0, %dma_start3A_7] : memref<4x125xi32, #tpu.memory_space<vmem>> -> memref<1x125xi32, #tpu.memory_space<vmem>>
    %dma_start3A_9 = tpu.memref_squeeze %dma_start3A_8 : memref<1x125xi32, #tpu.memory_space<vmem>> -> memref<125xi32, #tpu.memory_space<vmem>>
    %dma_start3A_10 = arith.constant 0 : i32
    %dma_start3A_11 = tpu.memref_slice %arg3[%arg0, %arg1, %dma_start3A, %dma_start3A_10] : memref<2x16x80x125xi32, #tpu.memory_space<hbm>> -> memref<1x1x1x125xi32, #tpu.memory_space<hbm>>
    %dma_start3A_12 = tpu.memref_squeeze %dma_start3A_11 : memref<1x1x1x125xi32, #tpu.memory_space<hbm>> -> memref<125xi32, #tpu.memory_space<hbm>>
    tpu.enqueue_dma source(%dma_start3A_12 : memref<125xi32, #tpu.memory_space<hbm>>) target(%dma_start3A_9 : memref<125xi32, #tpu.memory_space<vmem>>) target_semaphore(%arg12 : memref<!tpu.dma_semaphore, #tpu.memory_space<semaphore_mem>>)
    %dma_start3A_13 = arith.constant 0 : i32
    %dma_start3A_14 = arith.constant 0 : i32
    %dma_start3A_15 = arith.constant 0 : i32
    %dma_start3A_16 = tpu.memref_slice %arg8[%dma_start3A_14, %dma_start3A_15] : memref<4x125xi32, #tpu.memory_space<vmem>> -> memref<1x125xi32, #tpu.memory_space<vmem>>
    %dma_start3A_17 = tpu.memref_squeeze %dma_start3A_16 : memref<1x125xi32, #tpu.memory_space<vmem>> -> memref<125xi32, #tpu.memory_space<vmem>>
    %dma_start3A_18 = arith.constant 0 : i32
    %dma_start3A_19 = tpu.memref_slice %arg4[%arg0, %arg1, %dma_start3A_13, %dma_start3A_18] : memref<2x16x80x125xi32, #tpu.memory_space<hbm>> -> memref<1x1x1x125xi32, #tpu.memory_space<hbm>>
    %dma_start3A_20 = tpu.memref_squeeze %dma_start3A_19 : memref<1x1x1x125xi32, #tpu.memory_space<hbm>> -> memref<125xi32, #tpu.memory_space<hbm>>
    %dma_start3A_21 = arith.constant 0 : i32
    %dma_start3A_22 = tpu.memref_slice %arg8[%dma_start3A_14, %dma_start3A_21] : memref<4x125xi32, #tpu.memory_space<vmem>> -> memref<1x125xi32, #tpu.memory_space<vmem>>
    %dma_start3A_23 = tpu.memref_squeeze %dma_start3A_22 : memref<1x125xi32, #tpu.memory_space<vmem>> -> memref<125xi32, #tpu.memory_space<vmem>>
    %dma_start3A_24 = arith.constant 0 : i32
    %dma_start3A_25 = tpu.memref_slice %arg4[%arg0, %arg1, %dma_start3A_13, %dma_start3A_24] : memref<2x16x80x125xi32, #tpu.memory_space<hbm>> -> memref<1x1x1x125xi32, #tpu.memory_space<hbm>>
    %dma_start3A_26 = tpu.memref_squeeze %dma_start3A_25 : memref<1x1x1x125xi32, #tpu.memory_space<hbm>> -> memref<125xi32, #tpu.memory_space<hbm>>
    tpu.enqueue_dma source(%dma_start3A_26 : memref<125xi32, #tpu.memory_space<hbm>>) target(%dma_start3A_23 : memref<125xi32, #tpu.memory_space<vmem>>) target_semaphore(%arg12 : memref<!tpu.dma_semaphore, #tpu.memory_space<semaphore_mem>>)
    %dma_start3A_27 = arith.constant 1 : i32
    %dma_start3A_28 = arith.constant 1 : i32
    %dma_start3A_29 = arith.constant 0 : i32
    %dma_start3A_30 = tpu.memref_slice %arg7[%dma_start3A_28, %dma_start3A_29] : memref<4x125xi32, #tpu.memory_space<vmem>> -> memref<1x125xi32, #tpu.memory_space<vmem>>
    %dma_start3A_31 = tpu.memref_squeeze %dma_start3A_30 : memref<1x125xi32, #tpu.memory_space<vmem>> -> memref<125xi32, #tpu.memory_space<vmem>>
    %dma_start3A_32 = arith.constant 0 : i32
    %dma_start3A_33 = tpu.memref_slice %arg3[%arg0, %arg1, %dma_start3A_27, %dma_start3A_32] : memref<2x16x80x125xi32, #tpu.memory_space<hbm>> -> memref<1x1x1x125xi32, #tpu.memory_space<hbm>>
    %dma_start3A_34 = tpu.memref_squeeze %dma_start3A_33 : memref<1x1x1x125xi32, #tpu.memory_space<hbm>> -> memref<125xi32, #tpu.memory_space<hbm>>
    %dma_start3A_35 = arith.constant 0 : i32
    %dma_start3A_36 = tpu.memref_slice %arg7[%dma_start3A_28, %dma_start3A_35] : memref<4x125xi32, #tpu.memory_space<vmem>> -> memref<1x125xi32, #tpu.memory_space<vmem>>
    %dma_start3A_37 = tpu.memref_squeeze %dma_start3A_36 : memref<1x125xi32, #tpu.memory_space<vmem>> -> memref<125xi32, #tpu.memory_space<vmem>>
    %dma_start3A_38 = arith.constant 0 : i32
    %dma_start3A_39 = tpu.memref_slice %arg3[%arg0, %arg1, %dma_start3A_27, %dma_start3A_38] : memref<2x16x80x125xi32, #tpu.memory_space<hbm>> -> memref<1x1x1x125xi32, #tpu.memory_space<hbm>>
    %dma_start3A_40 = tpu.memref_squeeze %dma_start3A_39 : memref<1x1x1x125xi32, #tpu.memory_space<hbm>> -> memref<125xi32, #tpu.memory_space<hbm>>
    tpu.enqueue_dma source(%dma_start3A_40 : memref<125xi32, #tpu.memory_space<hbm>>) target(%dma_start3A_37 : memref<125xi32, #tpu.memory_space<vmem>>) target_semaphore(%arg12 : memref<!tpu.dma_semaphore, #tpu.memory_space<semaphore_mem>>)
    %dma_start3A_41 = arith.constant 1 : i32
    %dma_start3A_42 = arith.constant 1 : i32
    %dma_start3A_43 = arith.constant 0 : i32
    %dma_start3A_44 = tpu.memref_slice %arg8[%dma_start3A_42, %dma_start3A_43] : memref<4x125xi32, #tpu.memory_space<vmem>> -> memref<1x125xi32, #tpu.memory_space<vmem>>
    %dma_start3A_45 = tpu.memref_squeeze %dma_start3A_44 : memref<1x125xi32, #tpu.memory_space<vmem>> -> memref<125xi32, #tpu.memory_space<vmem>>
    %dma_start3A_46 = arith.constant 0 : i32
    %dma_start3A_47 = tpu.memref_slice %arg4[%arg0, %arg1, %dma_start3A_41, %dma_start3A_46] : memref<2x16x80x125xi32, #tpu.memory_space<hbm>> -> memref<1x1x1x125xi32, #tpu.memory_space<hbm>>
    %dma_start3A_48 = tpu.memref_squeeze %dma_start3A_47 : memref<1x1x1x125xi32, #tpu.memory_space<hbm>> -> memref<125xi32, #tpu.memory_space<hbm>>
    %dma_start3A_49 = arith.constant 0 : i32
    %dma_start3A_50 = tpu.memref_slice %arg8[%dma_start3A_42, %dma_start3A_49] : memref<4x125xi32, #tpu.memory_space<vmem>> -> memref<1x125xi32, #tpu.memory_space<vmem>>
    %dma_start3A_51 = tpu.memref_squeeze %dma_start3A_50 : memref<1x125xi32, #tpu.memory_space<vmem>> -> memref<125xi32, #tpu.memory_space<vmem>>
    %dma_start3A_52 = arith.constant 0 : i32
    %dma_start3A_53 = tpu.memref_slice %arg4[%arg0, %arg1, %dma_start3A_41, %dma_start3A_52] : memref<2x16x80x125xi32, #tpu.memory_space<hbm>> -> memref<1x1x1x125xi32, #tpu.memory_space<hbm>>
    %dma_start3A_54 = tpu.memref_squeeze %dma_start3A_53 : memref<1x1x1x125xi32, #tpu.memory_space<hbm>> -> memref<125xi32, #tpu.memory_space<hbm>>
    tpu.enqueue_dma source(%dma_start3A_54 : memref<125xi32, #tpu.memory_space<hbm>>) target(%dma_start3A_51 : memref<125xi32, #tpu.memory_space<vmem>>) target_semaphore(%arg12 : memref<!tpu.dma_semaphore, #tpu.memory_space<semaphore_mem>>)
    %dma_start3A_55 = arith.constant 2 : i32
    %dma_start3A_56 = arith.constant 2 : i32
    %dma_start3A_57 = arith.constant 0 : i32
    %dma_start3A_58 = tpu.memref_slice %arg7[%dma_start3A_56, %dma_start3A_57] : memref<4x125xi32, #tpu.memory_space<vmem>> -> memref<1x125xi32, #tpu.memory_space<vmem>>
    %dma_start3A_59 = tpu.memref_squeeze %dma_start3A_58 : memref<1x125xi32, #tpu.memory_space<vmem>> -> memref<125xi32, #tpu.memory_space<vmem>>
    %dma_start3A_60 = arith.constant 0 : i32
    %dma_start3A_61 = tpu.memref_slice %arg3[%arg0, %arg1, %dma_start3A_55, %dma_start3A_60] : memref<2x16x80x125xi32, #tpu.memory_space<hbm>> -> memref<1x1x1x125xi32, #tpu.memory_space<hbm>>
    %dma_start3A_62 = tpu.memref_squeeze %dma_start3A_61 : memref<1x1x1x125xi32, #tpu.memory_space<hbm>> -> memref<125xi32, #tpu.memory_space<hbm>>
    %dma_start3A_63 = arith.constant 0 : i32
    %dma_start3A_64 = tpu.memref_slice %arg7[%dma_start3A_56, %dma_start3A_63] : memref<4x125xi32, #tpu.memory_space<vmem>> -> memref<1x125xi32, #tpu.memory_space<vmem>>
    %dma_start3A_65 = tpu.memref_squeeze %dma_start3A_64 : memref<1x125xi32, #tpu.memory_space<vmem>> -> memref<125xi32, #tpu.memory_space<vmem>>
    %dma_start3A_66 = arith.constant 0 : i32
    %dma_start3A_67 = tpu.memref_slice %arg3[%arg0, %arg1, %dma_start3A_55, %dma_start3A_66] : memref<2x16x80x125xi32, #tpu.memory_space<hbm>> -> memref<1x1x1x125xi32, #tpu.memory_space<hbm>>
    %dma_start3A_68 = tpu.memref_squeeze %dma_start3A_67 : memref<1x1x1x125xi32, #tpu.memory_space<hbm>> -> memref<125xi32, #tpu.memory_space<hbm>>
    tpu.enqueue_dma source(%dma_start3A_68 : memref<125xi32, #tpu.memory_space<hbm>>) target(%dma_start3A_65 : memref<125xi32, #tpu.memory_space<vmem>>) target_semaphore(%arg12 : memref<!tpu.dma_semaphore, #tpu.memory_space<semaphore_mem>>)
    %dma_start3A_69 = arith.constant 2 : i32
    %dma_start3A_70 = arith.constant 2 : i32
    %dma_start3A_71 = arith.constant 0 : i32
    %dma_start3A_72 = tpu.memref_slice %arg8[%dma_start3A_70, %dma_start3A_71] : memref<4x125xi32, #tpu.memory_space<vmem>> -> memref<1x125xi32, #tpu.memory_space<vmem>>
    %dma_start3A_73 = tpu.memref_squeeze %dma_start3A_72 : memref<1x125xi32, #tpu.memory_space<vmem>> -> memref<125xi32, #tpu.memory_space<vmem>>
    %dma_start3A_74 = arith.constant 0 : i32
    %dma_start3A_75 = tpu.memref_slice %arg4[%arg0, %arg1, %dma_start3A_69, %dma_start3A_74] : memref<2x16x80x125xi32, #tpu.memory_space<hbm>> -> memref<1x1x1x125xi32, #tpu.memory_space<hbm>>
    %dma_start3A_76 = tpu.memref_squeeze %dma_start3A_75 : memref<1x1x1x125xi32, #tpu.memory_space<hbm>> -> memref<125xi32, #tpu.memory_space<hbm>>
    %dma_start3A_77 = arith.constant 0 : i32
    %dma_start3A_78 = tpu.memref_slice %arg8[%dma_start3A_70, %dma_start3A_77] : memref<4x125xi32, #tpu.memory_space<vmem>> -> memref<1x125xi32, #tpu.memory_space<vmem>>
    %dma_start3A_79 = tpu.memref_squeeze %dma_start3A_78 : memref<1x125xi32, #tpu.memory_space<vmem>> -> memref<125xi32, #tpu.memory_space<vmem>>
    %dma_start3A_80 = arith.constant 0 : i32
    %dma_start3A_81 = tpu.memref_slice %arg4[%arg0, %arg1, %dma_start3A_69, %dma_start3A_80] : memref<2x16x80x125xi32, #tpu.memory_space<hbm>> -> memref<1x1x1x125xi32, #tpu.memory_space<hbm>>
    %dma_start3A_82 = tpu.memref_squeeze %dma_start3A_81 : memref<1x1x1x125xi32, #tpu.memory_space<hbm>> -> memref<125xi32, #tpu.memory_space<hbm>>
    tpu.enqueue_dma source(%dma_start3A_82 : memref<125xi32, #tpu.memory_space<hbm>>) target(%dma_start3A_79 : memref<125xi32, #tpu.memory_space<vmem>>) target_semaphore(%arg12 : memref<!tpu.dma_semaphore, #tpu.memory_space<semaphore_mem>>)
    %dma_start3A_83 = arith.constant 3 : i32
    %dma_start3A_84 = arith.constant 3 : i32
    %dma_start3A_85 = arith.constant 0 : i32
    %dma_start3A_86 = tpu.memref_slice %arg7[%dma_start3A_84, %dma_start3A_85] : memref<4x125xi32, #tpu.memory_space<vmem>> -> memref<1x125xi32, #tpu.memory_space<vmem>>
    %dma_start3A_87 = tpu.memref_squeeze %dma_start3A_86 : memref<1x125xi32, #tpu.memory_space<vmem>> -> memref<125xi32, #tpu.memory_space<vmem>>
    %dma_start3A_88 = arith.constant 0 : i32
    %dma_start3A_89 = tpu.memref_slice %arg3[%arg0, %arg1, %dma_start3A_83, %dma_start3A_88] : memref<2x16x80x125xi32, #tpu.memory_space<hbm>> -> memref<1x1x1x125xi32, #tpu.memory_space<hbm>>
    %dma_start3A_90 = tpu.memref_squeeze %dma_start3A_89 : memref<1x1x1x125xi32, #tpu.memory_space<hbm>> -> memref<125xi32, #tpu.memory_space<hbm>>
    %dma_start3A_91 = arith.constant 0 : i32
    %dma_start3A_92 = tpu.memref_slice %arg7[%dma_start3A_84, %dma_start3A_91] : memref<4x125xi32, #tpu.memory_space<vmem>> -> memref<1x125xi32, #tpu.memory_space<vmem>>
    %dma_start3A_93 = tpu.memref_squeeze %dma_start3A_92 : memref<1x125xi32, #tpu.memory_space<vmem>> -> memref<125xi32, #tpu.memory_space<vmem>>
    %dma_start3A_94 = arith.constant 0 : i32
    %dma_start3A_95 = tpu.memref_slice %arg3[%arg0, %arg1, %dma_start3A_83, %dma_start3A_94] : memref<2x16x80x125xi32, #tpu.memory_space<hbm>> -> memref<1x1x1x125xi32, #tpu.memory_space<hbm>>
    %dma_start3A_96 = tpu.memref_squeeze %dma_start3A_95 : memref<1x1x1x125xi32, #tpu.memory_space<hbm>> -> memref<125xi32, #tpu.memory_space<hbm>>
    tpu.enqueue_dma source(%dma_start3A_96 : memref<125xi32, #tpu.memory_space<hbm>>) target(%dma_start3A_93 : memref<125xi32, #tpu.memory_space<vmem>>) target_semaphore(%arg12 : memref<!tpu.dma_semaphore, #tpu.memory_space<semaphore_mem>>)
    %dma_start3A_97 = arith.constant 3 : i32
    %dma_start3A_98 = arith.constant 3 : i32
    %dma_start3A_99 = arith.constant 0 : i32
    %dma_start3A_100 = tpu.memref_slice %arg8[%dma_start3A_98, %dma_start3A_99] : memref<4x125xi32, #tpu.memory_space<vmem>> -> memref<1x125xi32, #tpu.memory_space<vmem>>
    %dma_start3A_101 = tpu.memref_squeeze %dma_start3A_100 : memref<1x125xi32, #tpu.memory_space<vmem>> -> memref<125xi32, #tpu.memory_space<vmem>>
    %dma_start3A_102 = arith.constant 0 : i32
    %dma_start3A_103 = tpu.memref_slice %arg4[%arg0, %arg1, %dma_start3A_97, %dma_start3A_102] : memref<2x16x80x125xi32, #tpu.memory_space<hbm>> -> memref<1x1x1x125xi32, #tpu.memory_space<hbm>>
    %dma_start3A_104 = tpu.memref_squeeze %dma_start3A_103 : memref<1x1x1x125xi32, #tpu.memory_space<hbm>> -> memref<125xi32, #tpu.memory_space<hbm>>
    %dma_start3A_105 = arith.constant 0 : i32
    %dma_start3A_106 = tpu.memref_slice %arg8[%dma_start3A_98, %dma_start3A_105] : memref<4x125xi32, #tpu.memory_space<vmem>> -> memref<1x125xi32, #tpu.memory_space<vmem>>
    %dma_start3A_107 = tpu.memref_squeeze %dma_start3A_106 : memref<1x125xi32, #tpu.memory_space<vmem>> -> memref<125xi32, #tpu.memory_space<vmem>>
    %dma_start3A_108 = arith.constant 0 : i32
    %dma_start3A_109 = tpu.memref_slice %arg4[%arg0, %arg1, %dma_start3A_97, %dma_start3A_108] : memref<2x16x80x125xi32, #tpu.memory_space<hbm>> -> memref<1x1x1x125xi32, #tpu.memory_space<hbm>>
    %dma_start3A_110 = tpu.memref_squeeze %dma_start3A_109 : memref<1x1x1x125xi32, #tpu.memory_space<hbm>> -> memref<125xi32, #tpu.memory_space<hbm>>
    tpu.enqueue_dma source(%dma_start3A_110 : memref<125xi32, #tpu.memory_space<hbm>>) target(%dma_start3A_107 : memref<125xi32, #tpu.memory_space<vmem>>) target_semaphore(%arg12 : memref<!tpu.dma_semaphore, #tpu.memory_space<semaphore_mem>>)
    %mul3A = arith.constant 632 : i32
    %mul3A_111 = arith.muli %arg1, %mul3A : i32
    %mul3A_112 = arith.constant 632 : i32
    %mul3A_113 = arith.muli %arg1, %mul3A_112 : i32
    "tpu.region"() ({
      %run_scoped3A = tpu.sem_alloc : memref<!tpu.dma_semaphore, #tpu.memory_space<semaphore_mem>>
      %dma_start3A_215 = arith.constant 0 : i32
      %dma_start3A_216 = tpu.memref_slice %arg10[%mul3A_113, %dma_start3A_215] : memref<10112x128xf32, #tpu.memory_space<vmem_shared>> -> memref<632x128xf32, #tpu.memory_space<vmem_shared>>
      %dma_start3A_217 = arith.constant 0 : i32
      %dma_start3A_218 = tpu.memref_slice %arg5[%mul3A_111, %dma_start3A_217] : memref<10112x128xf32, #tpu.memory_space<hbm>> -> memref<632x128xf32, #tpu.memory_space<hbm>>
      tpu.enqueue_dma source(%dma_start3A_218 : memref<632x128xf32, #tpu.memory_space<hbm>>) target(%dma_start3A_216 : memref<632x128xf32, #tpu.memory_space<vmem_shared>>) target_semaphore(%run_scoped3A : memref<!tpu.dma_semaphore, #tpu.memory_space<semaphore_mem>>)
      %dma_wait3A_219 = arith.constant 0 : i32
      %dma_wait3A_220 = tpu.memref_slice %arg10[%mul3A_113, %dma_wait3A_219] : memref<10112x128xf32, #tpu.memory_space<vmem_shared>> -> memref<632x128xf32, #tpu.memory_space<vmem_shared>>
      %dma_wait3A_221 = arith.constant 0 : i32
      %dma_wait3A_222 = tpu.memref_slice %arg5[%mul3A_111, %dma_wait3A_221] : memref<10112x128xf32, #tpu.memory_space<hbm>> -> memref<632x128xf32, #tpu.memory_space<hbm>>
      tpu.wait_dma2 semaphore(%run_scoped3A : memref<!tpu.dma_semaphore, #tpu.memory_space<semaphore_mem>>) src(%dma_wait3A_222 : memref<632x128xf32, #tpu.memory_space<hbm>>) dst(%dma_wait3A_220 : memref<632x128xf32, #tpu.memory_space<vmem_shared>>)
      tpu.yield
    }) : () -> ()
    %dma_wait3A = arith.constant 0 : i32
    %dma_wait3A_114 = arith.constant 0 : i32
    %dma_wait3A_115 = arith.constant 0 : i32
    %dma_wait3A_116 = tpu.memref_slice %arg7[%dma_wait3A_114, %dma_wait3A_115] : memref<4x125xi32, #tpu.memory_space<vmem>> -> memref<1x125xi32, #tpu.memory_space<vmem>>
    %dma_wait3A_117 = tpu.memref_squeeze %dma_wait3A_116 : memref<1x125xi32, #tpu.memory_space<vmem>> -> memref<125xi32, #tpu.memory_space<vmem>>
    %dma_wait3A_118 = arith.constant 0 : i32
    %dma_wait3A_119 = tpu.memref_slice %arg3[%arg0, %arg1, %dma_wait3A, %dma_wait3A_118] : memref<2x16x80x125xi32, #tpu.memory_space<hbm>> -> memref<1x1x1x125xi32, #tpu.memory_space<hbm>>
    %dma_wait3A_120 = tpu.memref_squeeze %dma_wait3A_119 : memref<1x1x1x125xi32, #tpu.memory_space<hbm>> -> memref<125xi32, #tpu.memory_space<hbm>>
    %dma_wait3A_121 = arith.constant 0 : i32
    %dma_wait3A_122 = tpu.memref_slice %arg7[%dma_wait3A_114, %dma_wait3A_121] : memref<4x125xi32, #tpu.memory_space<vmem>> -> memref<1x125xi32, #tpu.memory_space<vmem>>
    %dma_wait3A_123 = tpu.memref_squeeze %dma_wait3A_122 : memref<1x125xi32, #tpu.memory_space<vmem>> -> memref<125xi32, #tpu.memory_space<vmem>>
    %dma_wait3A_124 = arith.constant 0 : i32
    %dma_wait3A_125 = tpu.memref_slice %arg3[%arg0, %arg1, %dma_wait3A, %dma_wait3A_124] : memref<2x16x80x125xi32, #tpu.memory_space<hbm>> -> memref<1x1x1x125xi32, #tpu.memory_space<hbm>>
    %dma_wait3A_126 = tpu.memref_squeeze %dma_wait3A_125 : memref<1x1x1x125xi32, #tpu.memory_space<hbm>> -> memref<125xi32, #tpu.memory_space<hbm>>
    tpu.wait_dma2 semaphore(%arg12 : memref<!tpu.dma_semaphore, #tpu.memory_space<semaphore_mem>>) src(%dma_wait3A_126 : memref<125xi32, #tpu.memory_space<hbm>>) dst(%dma_wait3A_123 : memref<125xi32, #tpu.memory_space<vmem>>)
    %dma_wait3A_127 = arith.constant 0 : i32
    %dma_wait3A_128 = arith.constant 0 : i32
    %dma_wait3A_129 = arith.constant 0 : i32
    %dma_wait3A_130 = tpu.memref_slice %arg8[%dma_wait3A_128, %dma_wait3A_129] : memref<4x125xi32, #tpu.memory_space<vmem>> -> memref<1x125xi32, #tpu.memory_space<vmem>>
    %dma_wait3A_131 = tpu.memref_squeeze %dma_wait3A_130 : memref<1x125xi32, #tpu.memory_space<vmem>> -> memref<125xi32, #tpu.memory_space<vmem>>
    %dma_wait3A_132 = arith.constant 0 : i32
    %dma_wait3A_133 = tpu.memref_slice %arg4[%arg0, %arg1, %dma_wait3A_127, %dma_wait3A_132] : memref<2x16x80x125xi32, #tpu.memory_space<hbm>> -> memref<1x1x1x125xi32, #tpu.memory_space<hbm>>
    %dma_wait3A_134 = tpu.memref_squeeze %dma_wait3A_133 : memref<1x1x1x125xi32, #tpu.memory_space<hbm>> -> memref<125xi32, #tpu.memory_space<hbm>>
    %dma_wait3A_135 = arith.constant 0 : i32
    %dma_wait3A_136 = tpu.memref_slice %arg8[%dma_wait3A_128, %dma_wait3A_135] : memref<4x125xi32, #tpu.memory_space<vmem>> -> memref<1x125xi32, #tpu.memory_space<vmem>>
    %dma_wait3A_137 = tpu.memref_squeeze %dma_wait3A_136 : memref<1x125xi32, #tpu.memory_space<vmem>> -> memref<125xi32, #tpu.memory_space<vmem>>
    %dma_wait3A_138 = arith.constant 0 : i32
    %dma_wait3A_139 = tpu.memref_slice %arg4[%arg0, %arg1, %dma_wait3A_127, %dma_wait3A_138] : memref<2x16x80x125xi32, #tpu.memory_space<hbm>> -> memref<1x1x1x125xi32, #tpu.memory_space<hbm>>
    %dma_wait3A_140 = tpu.memref_squeeze %dma_wait3A_139 : memref<1x1x1x125xi32, #tpu.memory_space<hbm>> -> memref<125xi32, #tpu.memory_space<hbm>>
    tpu.wait_dma2 semaphore(%arg12 : memref<!tpu.dma_semaphore, #tpu.memory_space<semaphore_mem>>) src(%dma_wait3A_140 : memref<125xi32, #tpu.memory_space<hbm>>) dst(%dma_wait3A_137 : memref<125xi32, #tpu.memory_space<vmem>>)
    %dma_start3A_141 = arith.constant 0 : i32
    %dma_start3A_142 = arith.constant 0 : i32
    %dma_start3A_143 = arith.constant 0 : i32
    %dma_start3A_144 = arith.constant 0 : i32
    %dma_start3A_145 = tpu.memref_slice %arg9[%dma_start3A_142, %dma_start3A_143, %dma_start3A_144] : memref<3x125x128xf32, #tpu.memory_space<vmem>> -> memref<1x125x128xf32, #tpu.memory_space<vmem>>
    %dma_start3A_146 = tpu.memref_squeeze %dma_start3A_145 : memref<1x125x128xf32, #tpu.memory_space<vmem>> -> memref<125x128xf32, #tpu.memory_space<vmem>>
    %dma_start3A_147 = arith.constant 0 : i32
    %dma_start3A_148 = tpu.memref_slice %arg7[%dma_start3A_141, %dma_start3A_147] : memref<4x125xi32, #tpu.memory_space<vmem>> -> memref<1x125xi32, #tpu.memory_space<vmem>>
    %dma_start3A_149 = tpu.memref_squeeze %dma_start3A_148 : memref<1x125xi32, #tpu.memory_space<vmem>> -> memref<125xi32, #tpu.memory_space<vmem>>
    %dma_start3A_150 = arith.constant 0 : i32
    %dma_start3A_151 = arith.constant 0 : i32
    %dma_start3A_152 = tpu.memref_slice %arg2[%dma_start3A_150, %dma_start3A_151] : memref<10000x128xf32, #tpu.memory_space<hbm>> -> memref<10000x128xf32, #tpu.memory_space<hbm>>
    tpu.enqueue_indirect_dma source(%dma_start3A_152 : memref<10000x128xf32, #tpu.memory_space<hbm>>) target(%dma_start3A_146 : memref<125x128xf32, #tpu.memory_space<vmem>>) offsets(%dma_start3A_149 : memref<125xi32, #tpu.memory_space<vmem>>) semaphore(%arg11 : memref<!tpu.dma_semaphore, #tpu.memory_space<semaphore_mem>>)
    %dma_wait3A_153 = arith.constant 1 : i32
    %dma_wait3A_154 = arith.constant 1 : i32
    %dma_wait3A_155 = arith.constant 0 : i32
    %dma_wait3A_156 = tpu.memref_slice %arg7[%dma_wait3A_154, %dma_wait3A_155] : memref<4x125xi32, #tpu.memory_space<vmem>> -> memref<1x125xi32, #tpu.memory_space<vmem>>
    %dma_wait3A_157 = tpu.memref_squeeze %dma_wait3A_156 : memref<1x125xi32, #tpu.memory_space<vmem>> -> memref<125xi32, #tpu.memory_space<vmem>>
    %dma_wait3A_158 = arith.constant 0 : i32
    %dma_wait3A_159 = tpu.memref_slice %arg3[%arg0, %arg1, %dma_wait3A_153, %dma_wait3A_158] : memref<2x16x80x125xi32, #tpu.memory_space<hbm>> -> memref<1x1x1x125xi32, #tpu.memory_space<hbm>>
    %dma_wait3A_160 = tpu.memref_squeeze %dma_wait3A_159 : memref<1x1x1x125xi32, #tpu.memory_space<hbm>> -> memref<125xi32, #tpu.memory_space<hbm>>
    %dma_wait3A_161 = arith.constant 0 : i32
    %dma_wait3A_162 = tpu.memref_slice %arg7[%dma_wait3A_154, %dma_wait3A_161] : memref<4x125xi32, #tpu.memory_space<vmem>> -> memref<1x125xi32, #tpu.memory_space<vmem>>
    %dma_wait3A_163 = tpu.memref_squeeze %dma_wait3A_162 : memref<1x125xi32, #tpu.memory_space<vmem>> -> memref<125xi32, #tpu.memory_space<vmem>>
    %dma_wait3A_164 = arith.constant 0 : i32
    %dma_wait3A_165 = tpu.memref_slice %arg3[%arg0, %arg1, %dma_wait3A_153, %dma_wait3A_164] : memref<2x16x80x125xi32, #tpu.memory_space<hbm>> -> memref<1x1x1x125xi32, #tpu.memory_space<hbm>>
    %dma_wait3A_166 = tpu.memref_squeeze %dma_wait3A_165 : memref<1x1x1x125xi32, #tpu.memory_space<hbm>> -> memref<125xi32, #tpu.memory_space<hbm>>
    tpu.wait_dma2 semaphore(%arg12 : memref<!tpu.dma_semaphore, #tpu.memory_space<semaphore_mem>>) src(%dma_wait3A_166 : memref<125xi32, #tpu.memory_space<hbm>>) dst(%dma_wait3A_163 : memref<125xi32, #tpu.memory_space<vmem>>)
    %dma_wait3A_167 = arith.constant 1 : i32
    %dma_wait3A_168 = arith.constant 1 : i32
    %dma_wait3A_169 = arith.constant 0 : i32
    %dma_wait3A_170 = tpu.memref_slice %arg8[%dma_wait3A_168, %dma_wait3A_169] : memref<4x125xi32, #tpu.memory_space<vmem>> -> memref<1x125xi32, #tpu.memory_space<vmem>>
    %dma_wait3A_171 = tpu.memref_squeeze %dma_wait3A_170 : memref<1x125xi32, #tpu.memory_space<vmem>> -> memref<125xi32, #tpu.memory_space<vmem>>
    %dma_wait3A_172 = arith.constant 0 : i32
    %dma_wait3A_173 = tpu.memref_slice %arg4[%arg0, %arg1, %dma_wait3A_167, %dma_wait3A_172] : memref<2x16x80x125xi32, #tpu.memory_space<hbm>> -> memref<1x1x1x125xi32, #tpu.memory_space<hbm>>
    %dma_wait3A_174 = tpu.memref_squeeze %dma_wait3A_173 : memref<1x1x1x125xi32, #tpu.memory_space<hbm>> -> memref<125xi32, #tpu.memory_space<hbm>>
    %dma_wait3A_175 = arith.constant 0 : i32
    %dma_wait3A_176 = tpu.memref_slice %arg8[%dma_wait3A_168, %dma_wait3A_175] : memref<4x125xi32, #tpu.memory_space<vmem>> -> memref<1x125xi32, #tpu.memory_space<vmem>>
    %dma_wait3A_177 = tpu.memref_squeeze %dma_wait3A_176 : memref<1x125xi32, #tpu.memory_space<vmem>> -> memref<125xi32, #tpu.memory_space<vmem>>
    %dma_wait3A_178 = arith.constant 0 : i32
    %dma_wait3A_179 = tpu.memref_slice %arg4[%arg0, %arg1, %dma_wait3A_167, %dma_wait3A_178] : memref<2x16x80x125xi32, #tpu.memory_space<hbm>> -> memref<1x1x1x125xi32, #tpu.memory_space<hbm>>
    %dma_wait3A_180 = tpu.memref_squeeze %dma_wait3A_179 : memref<1x1x1x125xi32, #tpu.memory_space<hbm>> -> memref<125xi32, #tpu.memory_space<hbm>>
    tpu.wait_dma2 semaphore(%arg12 : memref<!tpu.dma_semaphore, #tpu.memory_space<semaphore_mem>>) src(%dma_wait3A_180 : memref<125xi32, #tpu.memory_space<hbm>>) dst(%dma_wait3A_177 : memref<125xi32, #tpu.memory_space<vmem>>)
    %dma_start3A_181 = arith.constant 1 : i32
    %dma_start3A_182 = arith.constant 1 : i32
    %dma_start3A_183 = arith.constant 0 : i32
    %dma_start3A_184 = arith.constant 0 : i32
    %dma_start3A_185 = tpu.memref_slice %arg9[%dma_start3A_182, %dma_start3A_183, %dma_start3A_184] : memref<3x125x128xf32, #tpu.memory_space<vmem>> -> memref<1x125x128xf32, #tpu.memory_space<vmem>>
    %dma_start3A_186 = tpu.memref_squeeze %dma_start3A_185 : memref<1x125x128xf32, #tpu.memory_space<vmem>> -> memref<125x128xf32, #tpu.memory_space<vmem>>
    %dma_start3A_187 = arith.constant 0 : i32
    %dma_start3A_188 = tpu.memref_slice %arg7[%dma_start3A_181, %dma_start3A_187] : memref<4x125xi32, #tpu.memory_space<vmem>> -> memref<1x125xi32, #tpu.memory_space<vmem>>
    %dma_start3A_189 = tpu.memref_squeeze %dma_start3A_188 : memref<1x125xi32, #tpu.memory_space<vmem>> -> memref<125xi32, #tpu.memory_space<vmem>>
    %dma_start3A_190 = arith.constant 0 : i32
    %dma_start3A_191 = arith.constant 0 : i32
    %dma_start3A_192 = tpu.memref_slice %arg2[%dma_start3A_190, %dma_start3A_191] : memref<10000x128xf32, #tpu.memory_space<hbm>> -> memref<10000x128xf32, #tpu.memory_space<hbm>>
    tpu.enqueue_indirect_dma source(%dma_start3A_192 : memref<10000x128xf32, #tpu.memory_space<hbm>>) target(%dma_start3A_186 : memref<125x128xf32, #tpu.memory_space<vmem>>) offsets(%dma_start3A_189 : memref<125xi32, #tpu.memory_space<vmem>>) semaphore(%arg11 : memref<!tpu.dma_semaphore, #tpu.memory_space<semaphore_mem>>)
    %barrier3A = arith.constant 0 : index
    tpu.barrier barrier_id(%barrier3A)
    %scan3A = arith.constant 0 : i32
    %scan3A_193 = arith.constant 0 : i32
    %scan3A_194 = arith.constant 80 : i32
    %scan3A_195 = arith.addi %scan3A_193, %scan3A_194 : i32
    %scan3A_196 = arith.constant 1 : i32
    scf.for %scan3A_215 = %scan3A_193 to %scan3A_195 step %scan3A_196  : i32 {
      %jit3A = arith.constant 3 : i32
      %eq3A = arith.constant 0 : i32
      %eq3A_216 = arith.cmpi eq, %jit3A, %eq3A : i32
      %jit3A_217 = arith.constant 1 : i32
      %select_n3A = arith.select %eq3A_216, %jit3A_217, %jit3A : i32
      %rem3A = arith.remsi %scan3A_215, %select_n3A : i32
      %ne3A = arith.constant 0 : i32
      %ne3A_218 = arith.cmpi ne, %rem3A, %ne3A : i32
      %lt3A = arith.constant 0 : i32
      %lt3A_219 = arith.cmpi slt, %rem3A, %lt3A : i32
      %lt3A_220 = arith.constant 0 : i32
      %lt3A_221 = arith.cmpi slt, %select_n3A, %lt3A_220 : i32
      %ne3A_222 = arith.xori %lt3A_219, %lt3A_221 : i1
      %and3A = arith.andi %ne3A_222, %ne3A_218 : i1
      %add3A = arith.addi %rem3A, %select_n3A : i32
      %select_n3A_223 = arith.select %and3A, %add3A, %rem3A : i32
      %jit3A_224 = arith.constant 4 : i32
      %eq3A_225 = arith.constant 0 : i32
      %eq3A_226 = arith.cmpi eq, %jit3A_224, %eq3A_225 : i32
      %jit3A_227 = arith.constant 1 : i32
      %select_n3A_228 = arith.select %eq3A_226, %jit3A_227, %jit3A_224 : i32
      %rem3A_229 = arith.remsi %scan3A_215, %select_n3A_228 : i32
      %ne3A_230 = arith.constant 0 : i32
      %ne3A_231 = arith.cmpi ne, %rem3A_229, %ne3A_230 : i32
      %lt3A_232 = arith.constant 0 : i32
      %lt3A_233 = arith.cmpi slt, %rem3A_229, %lt3A_232 : i32
      %lt3A_234 = arith.constant 0 : i32
      %lt3A_235 = arith.cmpi slt, %select_n3A_228, %lt3A_234 : i32
      %ne3A_236 = arith.xori %lt3A_233, %lt3A_235 : i1
      %and3A_237 = arith.andi %ne3A_236, %ne3A_231 : i1
      %add3A_238 = arith.addi %rem3A_229, %select_n3A_228 : i32
      %select_n3A_239 = arith.select %and3A_237, %add3A_238, %rem3A_229 : i32
      %dma_wait3A_240 = arith.constant 0 : i32
      %dma_wait3A_241 = arith.constant 0 : i32
      %dma_wait3A_242 = arith.constant 0 : i32
      %dma_wait3A_243 = tpu.memref_slice %arg9[%select_n3A_223, %dma_wait3A_241, %dma_wait3A_242] : memref<3x125x128xf32, #tpu.memory_space<vmem>> -> memref<1x125x128xf32, #tpu.memory_space<vmem>>
      %dma_wait3A_244 = tpu.memref_squeeze %dma_wait3A_243 : memref<1x125x128xf32, #tpu.memory_space<vmem>> -> memref<125x128xf32, #tpu.memory_space<vmem>>
      %dma_wait3A_245 = arith.constant 0 : i32
      %dma_wait3A_246 = tpu.memref_slice %arg7[%dma_wait3A_240, %dma_wait3A_245] : memref<4x125xi32, #tpu.memory_space<vmem>> -> memref<1x125xi32, #tpu.memory_space<vmem>>
      %dma_wait3A_247 = tpu.memref_squeeze %dma_wait3A_246 : memref<1x125xi32, #tpu.memory_space<vmem>> -> memref<125xi32, #tpu.memory_space<vmem>>
      %dma_wait3A_248 = arith.constant 0 : i32
      %dma_wait3A_249 = arith.constant 0 : i32
      %dma_wait3A_250 = tpu.memref_slice %arg2[%dma_wait3A_248, %dma_wait3A_249] : memref<10000x128xf32, #tpu.memory_space<hbm>> -> memref<10000x128xf32, #tpu.memory_space<hbm>>
      tpu.wait_indirect_dma semaphore(%arg11 : memref<!tpu.dma_semaphore, #tpu.memory_space<semaphore_mem>>) src(%dma_wait3A_250 : memref<10000x128xf32, #tpu.memory_space<hbm>>) dst(%dma_wait3A_244 : memref<125x128xf32, #tpu.memory_space<vmem>>)
      %dma_start3A_251 = arith.constant 0 : i32
      %dma_start3A_252 = arith.constant 0 : i32
      %dma_start3A_253 = tpu.memref_slice %arg9[%select_n3A_223, %dma_start3A_251, %dma_start3A_252] : memref<3x125x128xf32, #tpu.memory_space<vmem>> -> memref<1x125x128xf32, #tpu.memory_space<vmem>>
      %dma_start3A_254 = tpu.memref_squeeze %dma_start3A_253 : memref<1x125x128xf32, #tpu.memory_space<vmem>> -> memref<125x128xf32, #tpu.memory_space<vmem>>
      %dma_start3A_255 = arith.constant 0 : i32
      %dma_start3A_256 = tpu.memref_slice %arg8[%select_n3A_239, %dma_start3A_255] : memref<4x125xi32, #tpu.memory_space<vmem>> -> memref<1x125xi32, #tpu.memory_space<vmem>>
      %dma_start3A_257 = tpu.memref_squeeze %dma_start3A_256 : memref<1x125xi32, #tpu.memory_space<vmem>> -> memref<125xi32, #tpu.memory_space<vmem>>
      %dma_start3A_258 = arith.constant 0 : i32
      %dma_start3A_259 = arith.constant 0 : i32
      %dma_start3A_260 = tpu.memref_slice %arg10[%dma_start3A_258, %dma_start3A_259] : memref<10112x128xf32, #tpu.memory_space<vmem_shared>> -> memref<10112x128xf32, #tpu.memory_space<vmem_shared>>
      tpu.enqueue_indirect_dma source(%dma_start3A_254 : memref<125x128xf32, #tpu.memory_space<vmem>>) target(%dma_start3A_260 : memref<10112x128xf32, #tpu.memory_space<vmem_shared>>) offsets(%dma_start3A_257 : memref<125xi32, #tpu.memory_space<vmem>>) semaphore(%arg13 : memref<!tpu.dma_semaphore, #tpu.memory_space<semaphore_mem>>) {add = true}
      %ge3A = arith.constant 1 : i32
      %ge3A_261 = arith.cmpi sge, %scan3A_215, %ge3A : i32
      %convert_element_type3A = arith.extui %ge3A_261 : i1 to i32
      %cond3A = arith.constant 0 : i32
      %cond3A_262 = arith.cmpi ne, %convert_element_type3A, %cond3A : i32
      scf.if %cond3A_262 {
        %sub3A = arith.constant 1 : i32
        %sub3A_270 = arith.subi %scan3A_215, %sub3A : i32
        %jit3A_271 = arith.constant 3 : i32
        %eq3A_272 = arith.constant 0 : i32
        %eq3A_273 = arith.cmpi eq, %jit3A_271, %eq3A_272 : i32
        %jit3A_274 = arith.constant 1 : i32
        %select_n3A_275 = arith.select %eq3A_273, %jit3A_274, %jit3A_271 : i32
        %rem3A_276 = arith.remsi %sub3A_270, %select_n3A_275 : i32
        %ne3A_277 = arith.constant 0 : i32
        %ne3A_278 = arith.cmpi ne, %rem3A_276, %ne3A_277 : i32
        %lt3A_279 = arith.constant 0 : i32
        %lt3A_280 = arith.cmpi slt, %rem3A_276, %lt3A_279 : i32
        %lt3A_281 = arith.constant 0 : i32
        %lt3A_282 = arith.cmpi slt, %select_n3A_275, %lt3A_281 : i32
        %ne3A_283 = arith.xori %lt3A_280, %lt3A_282 : i1
        %and3A_284 = arith.andi %ne3A_283, %ne3A_278 : i1
        %add3A_285 = arith.addi %rem3A_276, %select_n3A_275 : i32
        %select_n3A_286 = arith.select %and3A_284, %add3A_285, %rem3A_276 : i32
        %dma_wait3A_287 = arith.constant 0 : i32
        %dma_wait3A_288 = arith.constant 0 : i32
        %dma_wait3A_289 = arith.constant 0 : i32
        %dma_wait3A_290 = tpu.memref_slice %arg9[%select_n3A_286, %dma_wait3A_288, %dma_wait3A_289] : memref<3x125x128xf32, #tpu.memory_space<vmem>> -> memref<1x125x128xf32, #tpu.memory_space<vmem>>
        %dma_wait3A_291 = tpu.memref_squeeze %dma_wait3A_290 : memref<1x125x128xf32, #tpu.memory_space<vmem>> -> memref<125x128xf32, #tpu.memory_space<vmem>>
        %dma_wait3A_292 = arith.constant 0 : i32
        %dma_wait3A_293 = tpu.memref_slice %arg8[%dma_wait3A_287, %dma_wait3A_292] : memref<4x125xi32, #tpu.memory_space<vmem>> -> memref<1x125xi32, #tpu.memory_space<vmem>>
        %dma_wait3A_294 = tpu.memref_squeeze %dma_wait3A_293 : memref<1x125xi32, #tpu.memory_space<vmem>> -> memref<125xi32, #tpu.memory_space<vmem>>
        %dma_wait3A_295 = arith.constant 0 : i32
        %dma_wait3A_296 = arith.constant 0 : i32
        %dma_wait3A_297 = tpu.memref_slice %arg10[%dma_wait3A_295, %dma_wait3A_296] : memref<10112x128xf32, #tpu.memory_space<vmem_shared>> -> memref<10112x128xf32, #tpu.memory_space<vmem_shared>>
        tpu.wait_indirect_dma semaphore(%arg13 : memref<!tpu.dma_semaphore, #tpu.memory_space<semaphore_mem>>) src(%dma_wait3A_291 : memref<125x128xf32, #tpu.memory_space<vmem>>) dst(%dma_wait3A_297 : memref<10112x128xf32, #tpu.memory_space<vmem_shared>>)
        %add3A_298 = arith.constant 3 : i32
        %add3A_299 = arith.addi %scan3A_215, %add3A_298 : i32
        %lt3A_300 = arith.constant 80 : i32
        %lt3A_301 = arith.cmpi slt, %add3A_299, %lt3A_300 : i32
        %convert_element_type3A_302 = arith.extui %lt3A_301 : i1 to i32
        %cond3A_303 = arith.constant 0 : i32
        %cond3A_304 = arith.cmpi ne, %convert_element_type3A_302, %cond3A_303 : i32
        scf.if %cond3A_304 {
          %add3A_305 = arith.constant 3 : i32
          %add3A_306 = arith.addi %scan3A_215, %add3A_305 : i32
          %sub3A_307 = arith.constant 1 : i32
          %sub3A_308 = arith.subi %scan3A_215, %sub3A_307 : i32
          %jit3A_309 = arith.constant 4 : i32
          %eq3A_310 = arith.constant 0 : i32
          %eq3A_311 = arith.cmpi eq, %jit3A_309, %eq3A_310 : i32
          %jit3A_312 = arith.constant 1 : i32
          %select_n3A_313 = arith.select %eq3A_311, %jit3A_312, %jit3A_309 : i32
          %rem3A_314 = arith.remsi %sub3A_308, %select_n3A_313 : i32
          %ne3A_315 = arith.constant 0 : i32
          %ne3A_316 = arith.cmpi ne, %rem3A_314, %ne3A_315 : i32
          %lt3A_317 = arith.constant 0 : i32
          %lt3A_318 = arith.cmpi slt, %rem3A_314, %lt3A_317 : i32
          %lt3A_319 = arith.constant 0 : i32
          %lt3A_320 = arith.cmpi slt, %select_n3A_313, %lt3A_319 : i32
          %ne3A_321 = arith.xori %lt3A_318, %lt3A_320 : i1
          %and3A_322 = arith.andi %ne3A_321, %ne3A_316 : i1
          %add3A_323 = arith.addi %rem3A_314, %select_n3A_313 : i32
          %select_n3A_324 = arith.select %and3A_322, %add3A_323, %rem3A_314 : i32
          %dma_start3A_325 = arith.constant 0 : i32
          %dma_start3A_326 = tpu.memref_slice %arg7[%select_n3A_324, %dma_start3A_325] : memref<4x125xi32, #tpu.memory_space<vmem>> -> memref<1x125xi32, #tpu.memory_space<vmem>>
          %dma_start3A_327 = tpu.memref_squeeze %dma_start3A_326 : memref<1x125xi32, #tpu.memory_space<vmem>> -> memref<125xi32, #tpu.memory_space<vmem>>
          %dma_start3A_328 = arith.constant 0 : i32
          %dma_start3A_329 = tpu.memref_slice %arg3[%arg0, %arg1, %add3A_306, %dma_start3A_328] : memref<2x16x80x125xi32, #tpu.memory_space<hbm>> -> memref<1x1x1x125xi32, #tpu.memory_space<hbm>>
          %dma_start3A_330 = tpu.memref_squeeze %dma_start3A_329 : memref<1x1x1x125xi32, #tpu.memory_space<hbm>> -> memref<125xi32, #tpu.memory_space<hbm>>
          %dma_start3A_331 = arith.constant 0 : i32
          %dma_start3A_332 = tpu.memref_slice %arg7[%select_n3A_324, %dma_start3A_331] : memref<4x125xi32, #tpu.memory_space<vmem>> -> memref<1x125xi32, #tpu.memory_space<vmem>>
          %dma_start3A_333 = tpu.memref_squeeze %dma_start3A_332 : memref<1x125xi32, #tpu.memory_space<vmem>> -> memref<125xi32, #tpu.memory_space<vmem>>
          %dma_start3A_334 = arith.constant 0 : i32
          %dma_start3A_335 = tpu.memref_slice %arg3[%arg0, %arg1, %add3A_306, %dma_start3A_334] : memref<2x16x80x125xi32, #tpu.memory_space<hbm>> -> memref<1x1x1x125xi32, #tpu.memory_space<hbm>>
          %dma_start3A_336 = tpu.memref_squeeze %dma_start3A_335 : memref<1x1x1x125xi32, #tpu.memory_space<hbm>> -> memref<125xi32, #tpu.memory_space<hbm>>
          tpu.enqueue_dma source(%dma_start3A_336 : memref<125xi32, #tpu.memory_space<hbm>>) target(%dma_start3A_333 : memref<125xi32, #tpu.memory_space<vmem>>) target_semaphore(%arg12 : memref<!tpu.dma_semaphore, #tpu.memory_space<semaphore_mem>>)
          %dma_start3A_337 = arith.constant 0 : i32
          %dma_start3A_338 = tpu.memref_slice %arg8[%select_n3A_324, %dma_start3A_337] : memref<4x125xi32, #tpu.memory_space<vmem>> -> memref<1x125xi32, #tpu.memory_space<vmem>>
          %dma_start3A_339 = tpu.memref_squeeze %dma_start3A_338 : memref<1x125xi32, #tpu.memory_space<vmem>> -> memref<125xi32, #tpu.memory_space<vmem>>
          %dma_start3A_340 = arith.constant 0 : i32
          %dma_start3A_341 = tpu.memref_slice %arg4[%arg0, %arg1, %add3A_306, %dma_start3A_340] : memref<2x16x80x125xi32, #tpu.memory_space<hbm>> -> memref<1x1x1x125xi32, #tpu.memory_space<hbm>>
          %dma_start3A_342 = tpu.memref_squeeze %dma_start3A_341 : memref<1x1x1x125xi32, #tpu.memory_space<hbm>> -> memref<125xi32, #tpu.memory_space<hbm>>
          %dma_start3A_343 = arith.constant 0 : i32
          %dma_start3A_344 = tpu.memref_slice %arg8[%select_n3A_324, %dma_start3A_343] : memref<4x125xi32, #tpu.memory_space<vmem>> -> memref<1x125xi32, #tpu.memory_space<vmem>>
          %dma_start3A_345 = tpu.memref_squeeze %dma_start3A_344 : memref<1x125xi32, #tpu.memory_space<vmem>> -> memref<125xi32, #tpu.memory_space<vmem>>
          %dma_start3A_346 = arith.constant 0 : i32
          %dma_start3A_347 = tpu.memref_slice %arg4[%arg0, %arg1, %add3A_306, %dma_start3A_346] : memref<2x16x80x125xi32, #tpu.memory_space<hbm>> -> memref<1x1x1x125xi32, #tpu.memory_space<hbm>>
          %dma_start3A_348 = tpu.memref_squeeze %dma_start3A_347 : memref<1x1x1x125xi32, #tpu.memory_space<hbm>> -> memref<125xi32, #tpu.memory_space<hbm>>
          tpu.enqueue_dma source(%dma_start3A_348 : memref<125xi32, #tpu.memory_space<hbm>>) target(%dma_start3A_345 : memref<125xi32, #tpu.memory_space<vmem>>) target_semaphore(%arg12 : memref<!tpu.dma_semaphore, #tpu.memory_space<semaphore_mem>>)
        } else {
        }
      } else {
      }
      %add3A_263 = arith.constant 2 : i32
      %add3A_264 = arith.addi %scan3A_215, %add3A_263 : i32
      %lt3A_265 = arith.constant 80 : i32
      %lt3A_266 = arith.cmpi slt, %add3A_264, %lt3A_265 : i32
      %convert_element_type3A_267 = arith.extui %lt3A_266 : i1 to i32
      %cond3A_268 = arith.constant 0 : i32
      %cond3A_269 = arith.cmpi ne, %convert_element_type3A_267, %cond3A_268 : i32
      scf.if %cond3A_269 {
        %add3A_270 = arith.constant 2 : i32
        %add3A_271 = arith.addi %scan3A_215, %add3A_270 : i32
        %add3A_272 = arith.constant 2 : i32
        %add3A_273 = arith.addi %scan3A_215, %add3A_272 : i32
        %jit3A_274 = arith.constant 4 : i32
        %eq3A_275 = arith.constant 0 : i32
        %eq3A_276 = arith.cmpi eq, %jit3A_274, %eq3A_275 : i32
        %jit3A_277 = arith.constant 1 : i32
        %select_n3A_278 = arith.select %eq3A_276, %jit3A_277, %jit3A_274 : i32
        %rem3A_279 = arith.remsi %add3A_273, %select_n3A_278 : i32
        %ne3A_280 = arith.constant 0 : i32
        %ne3A_281 = arith.cmpi ne, %rem3A_279, %ne3A_280 : i32
        %lt3A_282 = arith.constant 0 : i32
        %lt3A_283 = arith.cmpi slt, %rem3A_279, %lt3A_282 : i32
        %lt3A_284 = arith.constant 0 : i32
        %lt3A_285 = arith.cmpi slt, %select_n3A_278, %lt3A_284 : i32
        %ne3A_286 = arith.xori %lt3A_283, %lt3A_285 : i1
        %and3A_287 = arith.andi %ne3A_286, %ne3A_281 : i1
        %add3A_288 = arith.addi %rem3A_279, %select_n3A_278 : i32
        %select_n3A_289 = arith.select %and3A_287, %add3A_288, %rem3A_279 : i32
        %dma_wait3A_290 = arith.constant 0 : i32
        %dma_wait3A_291 = tpu.memref_slice %arg7[%select_n3A_289, %dma_wait3A_290] : memref<4x125xi32, #tpu.memory_space<vmem>> -> memref<1x125xi32, #tpu.memory_space<vmem>>
        %dma_wait3A_292 = tpu.memref_squeeze %dma_wait3A_291 : memref<1x125xi32, #tpu.memory_space<vmem>> -> memref<125xi32, #tpu.memory_space<vmem>>
        %dma_wait3A_293 = arith.constant 0 : i32
        %dma_wait3A_294 = tpu.memref_slice %arg3[%arg0, %arg1, %add3A_271, %dma_wait3A_293] : memref<2x16x80x125xi32, #tpu.memory_space<hbm>> -> memref<1x1x1x125xi32, #tpu.memory_space<hbm>>
        %dma_wait3A_295 = tpu.memref_squeeze %dma_wait3A_294 : memref<1x1x1x125xi32, #tpu.memory_space<hbm>> -> memref<125xi32, #tpu.memory_space<hbm>>
        %dma_wait3A_296 = arith.constant 0 : i32
        %dma_wait3A_297 = tpu.memref_slice %arg7[%select_n3A_289, %dma_wait3A_296] : memref<4x125xi32, #tpu.memory_space<vmem>> -> memref<1x125xi32, #tpu.memory_space<vmem>>
        %dma_wait3A_298 = tpu.memref_squeeze %dma_wait3A_297 : memref<1x125xi32, #tpu.memory_space<vmem>> -> memref<125xi32, #tpu.memory_space<vmem>>
        %dma_wait3A_299 = arith.constant 0 : i32
        %dma_wait3A_300 = tpu.memref_slice %arg3[%arg0, %arg1, %add3A_271, %dma_wait3A_299] : memref<2x16x80x125xi32, #tpu.memory_space<hbm>> -> memref<1x1x1x125xi32, #tpu.memory_space<hbm>>
        %dma_wait3A_301 = tpu.memref_squeeze %dma_wait3A_300 : memref<1x1x1x125xi32, #tpu.memory_space<hbm>> -> memref<125xi32, #tpu.memory_space<hbm>>
        tpu.wait_dma2 semaphore(%arg12 : memref<!tpu.dma_semaphore, #tpu.memory_space<semaphore_mem>>) src(%dma_wait3A_301 : memref<125xi32, #tpu.memory_space<hbm>>) dst(%dma_wait3A_298 : memref<125xi32, #tpu.memory_space<vmem>>)
        %dma_wait3A_302 = arith.constant 0 : i32
        %dma_wait3A_303 = tpu.memref_slice %arg8[%select_n3A_289, %dma_wait3A_302] : memref<4x125xi32, #tpu.memory_space<vmem>> -> memref<1x125xi32, #tpu.memory_space<vmem>>
        %dma_wait3A_304 = tpu.memref_squeeze %dma_wait3A_303 : memref<1x125xi32, #tpu.memory_space<vmem>> -> memref<125xi32, #tpu.memory_space<vmem>>
        %dma_wait3A_305 = arith.constant 0 : i32
        %dma_wait3A_306 = tpu.memref_slice %arg4[%arg0, %arg1, %add3A_271, %dma_wait3A_305] : memref<2x16x80x125xi32, #tpu.memory_space<hbm>> -> memref<1x1x1x125xi32, #tpu.memory_space<hbm>>
        %dma_wait3A_307 = tpu.memref_squeeze %dma_wait3A_306 : memref<1x1x1x125xi32, #tpu.memory_space<hbm>> -> memref<125xi32, #tpu.memory_space<hbm>>
        %dma_wait3A_308 = arith.constant 0 : i32
        %dma_wait3A_309 = tpu.memref_slice %arg8[%select_n3A_289, %dma_wait3A_308] : memref<4x125xi32, #tpu.memory_space<vmem>> -> memref<1x125xi32, #tpu.memory_space<vmem>>
        %dma_wait3A_310 = tpu.memref_squeeze %dma_wait3A_309 : memref<1x125xi32, #tpu.memory_space<vmem>> -> memref<125xi32, #tpu.memory_space<vmem>>
        %dma_wait3A_311 = arith.constant 0 : i32
        %dma_wait3A_312 = tpu.memref_slice %arg4[%arg0, %arg1, %add3A_271, %dma_wait3A_311] : memref<2x16x80x125xi32, #tpu.memory_space<hbm>> -> memref<1x1x1x125xi32, #tpu.memory_space<hbm>>
        %dma_wait3A_313 = tpu.memref_squeeze %dma_wait3A_312 : memref<1x1x1x125xi32, #tpu.memory_space<hbm>> -> memref<125xi32, #tpu.memory_space<hbm>>
        tpu.wait_dma2 semaphore(%arg12 : memref<!tpu.dma_semaphore, #tpu.memory_space<semaphore_mem>>) src(%dma_wait3A_313 : memref<125xi32, #tpu.memory_space<hbm>>) dst(%dma_wait3A_310 : memref<125xi32, #tpu.memory_space<vmem>>)
        %add3A_314 = arith.constant 2 : i32
        %add3A_315 = arith.addi %scan3A_215, %add3A_314 : i32
        %jit3A_316 = arith.constant 4 : i32
        %eq3A_317 = arith.constant 0 : i32
        %eq3A_318 = arith.cmpi eq, %jit3A_316, %eq3A_317 : i32
        %jit3A_319 = arith.constant 1 : i32
        %select_n3A_320 = arith.select %eq3A_318, %jit3A_319, %jit3A_316 : i32
        %rem3A_321 = arith.remsi %add3A_315, %select_n3A_320 : i32
        %ne3A_322 = arith.constant 0 : i32
        %ne3A_323 = arith.cmpi ne, %rem3A_321, %ne3A_322 : i32
        %lt3A_324 = arith.constant 0 : i32
        %lt3A_325 = arith.cmpi slt, %rem3A_321, %lt3A_324 : i32
        %lt3A_326 = arith.constant 0 : i32
        %lt3A_327 = arith.cmpi slt, %select_n3A_320, %lt3A_326 : i32
        %ne3A_328 = arith.xori %lt3A_325, %lt3A_327 : i1
        %and3A_329 = arith.andi %ne3A_328, %ne3A_323 : i1
        %add3A_330 = arith.addi %rem3A_321, %select_n3A_320 : i32
        %select_n3A_331 = arith.select %and3A_329, %add3A_330, %rem3A_321 : i32
        %add3A_332 = arith.constant 2 : i32
        %add3A_333 = arith.addi %scan3A_215, %add3A_332 : i32
        %jit3A_334 = arith.constant 3 : i32
        %eq3A_335 = arith.constant 0 : i32
        %eq3A_336 = arith.cmpi eq, %jit3A_334, %eq3A_335 : i32
        %jit3A_337 = arith.constant 1 : i32
        %select_n3A_338 = arith.select %eq3A_336, %jit3A_337, %jit3A_334 : i32
        %rem3A_339 = arith.remsi %add3A_333, %select_n3A_338 : i32
        %ne3A_340 = arith.constant 0 : i32
        %ne3A_341 = arith.cmpi ne, %rem3A_339, %ne3A_340 : i32
        %lt3A_342 = arith.constant 0 : i32
        %lt3A_343 = arith.cmpi slt, %rem3A_339, %lt3A_342 : i32
        %lt3A_344 = arith.constant 0 : i32
        %lt3A_345 = arith.cmpi slt, %select_n3A_338, %lt3A_344 : i32
        %ne3A_346 = arith.xori %lt3A_343, %lt3A_345 : i1
        %and3A_347 = arith.andi %ne3A_346, %ne3A_341 : i1
        %add3A_348 = arith.addi %rem3A_339, %select_n3A_338 : i32
        %select_n3A_349 = arith.select %and3A_347, %add3A_348, %rem3A_339 : i32
        %dma_start3A_350 = arith.constant 0 : i32
        %dma_start3A_351 = arith.constant 0 : i32
        %dma_start3A_352 = tpu.memref_slice %arg9[%select_n3A_349, %dma_start3A_350, %dma_start3A_351] : memref<3x125x128xf32, #tpu.memory_space<vmem>> -> memref<1x125x128xf32, #tpu.memory_space<vmem>>
        %dma_start3A_353 = tpu.memref_squeeze %dma_start3A_352 : memref<1x125x128xf32, #tpu.memory_space<vmem>> -> memref<125x128xf32, #tpu.memory_space<vmem>>
        %dma_start3A_354 = arith.constant 0 : i32
        %dma_start3A_355 = tpu.memref_slice %arg7[%select_n3A_331, %dma_start3A_354] : memref<4x125xi32, #tpu.memory_space<vmem>> -> memref<1x125xi32, #tpu.memory_space<vmem>>
        %dma_start3A_356 = tpu.memref_squeeze %dma_start3A_355 : memref<1x125xi32, #tpu.memory_space<vmem>> -> memref<125xi32, #tpu.memory_space<vmem>>
        %dma_start3A_357 = arith.constant 0 : i32
        %dma_start3A_358 = arith.constant 0 : i32
        %dma_start3A_359 = tpu.memref_slice %arg2[%dma_start3A_357, %dma_start3A_358] : memref<10000x128xf32, #tpu.memory_space<hbm>> -> memref<10000x128xf32, #tpu.memory_space<hbm>>
        tpu.enqueue_indirect_dma source(%dma_start3A_359 : memref<10000x128xf32, #tpu.memory_space<hbm>>) target(%dma_start3A_353 : memref<125x128xf32, #tpu.memory_space<vmem>>) offsets(%dma_start3A_356 : memref<125xi32, #tpu.memory_space<vmem>>) semaphore(%arg11 : memref<!tpu.dma_semaphore, #tpu.memory_space<semaphore_mem>>)
      } else {
      }
    }
    %scan3A_197 = arith.constant 80 : i32
    %dma_wait3A_198 = arith.constant 1 : i32
    %dma_wait3A_199 = arith.constant 0 : i32
    %dma_wait3A_200 = arith.constant 0 : i32
    %dma_wait3A_201 = arith.constant 0 : i32
    %dma_wait3A_202 = tpu.memref_slice %arg9[%dma_wait3A_198, %dma_wait3A_200, %dma_wait3A_201] : memref<3x125x128xf32, #tpu.memory_space<vmem>> -> memref<1x125x128xf32, #tpu.memory_space<vmem>>
    %dma_wait3A_203 = tpu.memref_squeeze %dma_wait3A_202 : memref<1x125x128xf32, #tpu.memory_space<vmem>> -> memref<125x128xf32, #tpu.memory_space<vmem>>
    %dma_wait3A_204 = arith.constant 0 : i32
    %dma_wait3A_205 = tpu.memref_slice %arg8[%dma_wait3A_199, %dma_wait3A_204] : memref<4x125xi32, #tpu.memory_space<vmem>> -> memref<1x125xi32, #tpu.memory_space<vmem>>
    %dma_wait3A_206 = tpu.memref_squeeze %dma_wait3A_205 : memref<1x125xi32, #tpu.memory_space<vmem>> -> memref<125xi32, #tpu.memory_space<vmem>>
    %dma_wait3A_207 = arith.constant 0 : i32
    %dma_wait3A_208 = arith.constant 0 : i32
    %dma_wait3A_209 = tpu.memref_slice %arg10[%dma_wait3A_207, %dma_wait3A_208] : memref<10112x128xf32, #tpu.memory_space<vmem_shared>> -> memref<10112x128xf32, #tpu.memory_space<vmem_shared>>
    tpu.wait_indirect_dma semaphore(%arg13 : memref<!tpu.dma_semaphore, #tpu.memory_space<semaphore_mem>>) src(%dma_wait3A_203 : memref<125x128xf32, #tpu.memory_space<vmem>>) dst(%dma_wait3A_209 : memref<10112x128xf32, #tpu.memory_space<vmem_shared>>)
    %barrier3A_210 = arith.constant 0 : index
    tpu.barrier barrier_id(%barrier3A_210)
    %mul3A_211 = arith.constant 632 : i32
    %mul3A_212 = arith.muli %arg1, %mul3A_211 : i32
    %mul3A_213 = arith.constant 632 : i32
    %mul3A_214 = arith.muli %arg1, %mul3A_213 : i32
    "tpu.region"() ({
      %run_scoped3A = tpu.sem_alloc : memref<!tpu.dma_semaphore, #tpu.memory_space<semaphore_mem>>
      %dma_start3A_215 = arith.constant 0 : i32
      %dma_start3A_216 = tpu.memref_slice %arg6[%arg0, %mul3A_214, %dma_start3A_215] : memref<2x10112x128xf32, #tpu.memory_space<hbm>> -> memref<1x632x128xf32, #tpu.memory_space<hbm>>
      %dma_start3A_217 = tpu.memref_squeeze %dma_start3A_216 : memref<1x632x128xf32, #tpu.memory_space<hbm>> -> memref<632x128xf32, #tpu.memory_space<hbm>>
      %dma_start3A_218 = arith.constant 0 : i32
      %dma_start3A_219 = tpu.memref_slice %arg10[%mul3A_212, %dma_start3A_218] : memref<10112x128xf32, #tpu.memory_space<vmem_shared>> -> memref<632x128xf32, #tpu.memory_space<vmem_shared>>
      tpu.enqueue_dma source(%dma_start3A_219 : memref<632x128xf32, #tpu.memory_space<vmem_shared>>) target(%dma_start3A_217 : memref<632x128xf32, #tpu.memory_space<hbm>>) target_semaphore(%run_scoped3A : memref<!tpu.dma_semaphore, #tpu.memory_space<semaphore_mem>>)
      %dma_wait3A_220 = arith.constant 0 : i32
      %dma_wait3A_221 = tpu.memref_slice %arg6[%arg0, %mul3A_214, %dma_wait3A_220] : memref<2x10112x128xf32, #tpu.memory_space<hbm>> -> memref<1x632x128xf32, #tpu.memory_space<hbm>>
      %dma_wait3A_222 = tpu.memref_squeeze %dma_wait3A_221 : memref<1x632x128xf32, #tpu.memory_space<hbm>> -> memref<632x128xf32, #tpu.memory_space<hbm>>
      %dma_wait3A_223 = arith.constant 0 : i32
      %dma_wait3A_224 = tpu.memref_slice %arg10[%mul3A_212, %dma_wait3A_223] : memref<10112x128xf32, #tpu.memory_space<vmem_shared>> -> memref<632x128xf32, #tpu.memory_space<vmem_shared>>
      tpu.wait_dma2 semaphore(%run_scoped3A : memref<!tpu.dma_semaphore, #tpu.memory_space<semaphore_mem>>) src(%dma_wait3A_224 : memref<632x128xf32, #tpu.memory_space<vmem_shared>>) dst(%dma_wait3A_222 : memref<632x128xf32, #tpu.memory_space<hbm>>)
      tpu.yield
    }) : () -> ()
    return
  }
}

#map = affine_map<(d0, d1) -> (0, 0)>
#map1 = affine_map<(d0, d1) -> (0, 0, 0, 0)>
#map2 = affine_map<(d0, d1) -> (0, 0, 0)>
module attributes {stable_mosaic.version = 14 : i64} {
  func.func @k(%arg0: i32, %arg1: i32, %arg2: memref<10000x128xf32, #tpu.memory_space<hbm>>, %arg3: memref<2x16x80x125xi32, #tpu.memory_space<hbm>>, %arg4: memref<2x16x80x125xi32, #tpu.memory_space<hbm>>, %arg5: memref<10112x128xf32, #tpu.memory_space<hbm>>, %arg6: memref<2x10112x128xf32, #tpu.memory_space<hbm>>, %arg7: memref<4x125xi32, #tpu.memory_space<vmem>>, %arg8: memref<4x125xi32, #tpu.memory_space<vmem>>, %arg9: memref<3x125x128xf32, #tpu.memory_space<vmem>>, %arg10: memref<10112x128xf32, #tpu.memory_space<vmem_shared>>, %arg11: memref<!tpu.dma_semaphore, #tpu.memory_space<semaphore_mem>>, %arg12: memref<!tpu.dma_semaphore, #tpu.memory_space<semaphore_mem>>, %arg13: memref<!tpu.dma_semaphore, #tpu.memory_space<semaphore_mem>>) attributes {dimension_semantics = [#tpu.dimension_semantics<core_parallel>, #tpu.dimension_semantics<subcore_parallel>], iteration_bounds = array<i64: 2, 16>, scalar_prefetch = 0 : i64, scratch_operands = 7 : i64, tpu.core_type = #tpu.core_type<sc_vector_subcore>, window_params = [{transform_indices = #map}, {transform_indices = #map1}, {transform_indices = #map1}, {transform_indices = #map}, {transform_indices = #map2}]} {
    %dma_start3A = arith.constant 0 : i32
    %dma_start3A_0 = arith.constant 0 : i32
    %dma_start3A_1 = arith.constant 0 : i32
    %dma_start3A_2 = tpu.memref_slice %arg7[%dma_start3A_0, %dma_start3A_1] : memref<4x125xi32, #tpu.memory_space<vmem>> -> memref<1x125xi32, #tpu.memory_space<vmem>>
    %dma_start3A_3 = tpu.memref_squeeze %dma_start3A_2 : memref<1x125xi32, #tpu.memory_space<vmem>> -> memref<125xi32, #tpu.memory_space<vmem>>
    %dma_start3A_4 = arith.constant 0 : i32
    %dma_start3A_5 = tpu.memref_slice %arg3[%arg0, %arg1, %dma_start3A, %dma_start3A_4] : memref<2x16x80x125xi32, #tpu.memory_space<hbm>> -> memref<1x1x1x125xi32, #tpu.memory_space<hbm>>
    %dma_start3A_6 = tpu.memref_squeeze %dma_start3A_5 : memref<1x1x1x125xi32, #tpu.memory_space<hbm>> -> memref<125xi32, #tpu.memory_space<hbm>>
    %dma_start3A_7 = arith.constant 0 : i32
    %dma_start3A_8 = tpu.memref_slice %arg7[%dma_start3A_0, %dma_start3A_7] : memref<4x125xi32, #tpu.memory_space<vmem>> -> memref<1x125xi32, #tpu.memory_space<vmem>>
    %dma_start3A_9 = tpu.memref_squeeze %dma_start3A_8 : memref<1x125xi32, #tpu.memory_space<vmem>> -> memref<125xi32, #tpu.memory_space<vmem>>
    %dma_start3A_10 = arith.constant 0 : i32
    %dma_start3A_11 = tpu.memref_slice %arg3[%arg0, %arg1, %dma_start3A, %dma_start3A_10] : memref<2x16x80x125xi32, #tpu.memory_space<hbm>> -> memref<1x1x1x125xi32, #tpu.memory_space<hbm>>
    %dma_start3A_12 = tpu.memref_squeeze %dma_start3A_11 : memref<1x1x1x125xi32, #tpu.memory_space<hbm>> -> memref<125xi32, #tpu.memory_space<hbm>>
    tpu.enqueue_dma source(%dma_start3A_12 : memref<125xi32, #tpu.memory_space<hbm>>) target(%dma_start3A_9 : memref<125xi32, #tpu.memory_space<vmem>>) target_semaphore(%arg12 : memref<!tpu.dma_semaphore, #tpu.memory_space<semaphore_mem>>)
    %dma_start3A_13 = arith.constant 0 : i32
    %dma_start3A_14 = arith.constant 0 : i32
    %dma_start3A_15 = arith.constant 0 : i32
    %dma_start3A_16 = tpu.memref_slice %arg8[%dma_start3A_14, %dma_start3A_15] : memref<4x125xi32, #tpu.memory_space<vmem>> -> memref<1x125xi32, #tpu.memory_space<vmem>>
    %dma_start3A_17 = tpu.memref_squeeze %dma_start3A_16 : memref<1x125xi32, #tpu.memory_space<vmem>> -> memref<125xi32, #tpu.memory_space<vmem>>
    %dma_start3A_18 = arith.constant 0 : i32
    %dma_start3A_19 = tpu.memref_slice %arg4[%arg0, %arg1, %dma_start3A_13, %dma_start3A_18] : memref<2x16x80x125xi32, #tpu.memory_space<hbm>> -> memref<1x1x1x125xi32, #tpu.memory_space<hbm>>
    %dma_start3A_20 = tpu.memref_squeeze %dma_start3A_19 : memref<1x1x1x125xi32, #tpu.memory_space<hbm>> -> memref<125xi32, #tpu.memory_space<hbm>>
    %dma_start3A_21 = arith.constant 0 : i32
    %dma_start3A_22 = tpu.memref_slice %arg8[%dma_start3A_14, %dma_start3A_21] : memref<4x125xi32, #tpu.memory_space<vmem>> -> memref<1x125xi32, #tpu.memory_space<vmem>>
    %dma_start3A_23 = tpu.memref_squeeze %dma_start3A_22 : memref<1x125xi32, #tpu.memory_space<vmem>> -> memref<125xi32, #tpu.memory_space<vmem>>
    %dma_start3A_24 = arith.constant 0 : i32
    %dma_start3A_25 = tpu.memref_slice %arg4[%arg0, %arg1, %dma_start3A_13, %dma_start3A_24] : memref<2x16x80x125xi32, #tpu.memory_space<hbm>> -> memref<1x1x1x125xi32, #tpu.memory_space<hbm>>
    %dma_start3A_26 = tpu.memref_squeeze %dma_start3A_25 : memref<1x1x1x125xi32, #tpu.memory_space<hbm>> -> memref<125xi32, #tpu.memory_space<hbm>>
    tpu.enqueue_dma source(%dma_start3A_26 : memref<125xi32, #tpu.memory_space<hbm>>) target(%dma_start3A_23 : memref<125xi32, #tpu.memory_space<vmem>>) target_semaphore(%arg12 : memref<!tpu.dma_semaphore, #tpu.memory_space<semaphore_mem>>)
    %dma_start3A_27 = arith.constant 1 : i32
    %dma_start3A_28 = arith.constant 1 : i32
    %dma_start3A_29 = arith.constant 0 : i32
    %dma_start3A_30 = tpu.memref_slice %arg7[%dma_start3A_28, %dma_start3A_29] : memref<4x125xi32, #tpu.memory_space<vmem>> -> memref<1x125xi32, #tpu.memory_space<vmem>>
    %dma_start3A_31 = tpu.memref_squeeze %dma_start3A_30 : memref<1x125xi32, #tpu.memory_space<vmem>> -> memref<125xi32, #tpu.memory_space<vmem>>
    %dma_start3A_32 = arith.constant 0 : i32
    %dma_start3A_33 = tpu.memref_slice %arg3[%arg0, %arg1, %dma_start3A_27, %dma_start3A_32] : memref<2x16x80x125xi32, #tpu.memory_space<hbm>> -> memref<1x1x1x125xi32, #tpu.memory_space<hbm>>
    %dma_start3A_34 = tpu.memref_squeeze %dma_start3A_33 : memref<1x1x1x125xi32, #tpu.memory_space<hbm>> -> memref<125xi32, #tpu.memory_space<hbm>>
    %dma_start3A_35 = arith.constant 0 : i32
    %dma_start3A_36 = tpu.memref_slice %arg7[%dma_start3A_28, %dma_start3A_35] : memref<4x125xi32, #tpu.memory_space<vmem>> -> memref<1x125xi32, #tpu.memory_space<vmem>>
    %dma_start3A_37 = tpu.memref_squeeze %dma_start3A_36 : memref<1x125xi32, #tpu.memory_space<vmem>> -> memref<125xi32, #tpu.memory_space<vmem>>
    %dma_start3A_38 = arith.constant 0 : i32
    %dma_start3A_39 = tpu.memref_slice %arg3[%arg0, %arg1, %dma_start3A_27, %dma_start3A_38] : memref<2x16x80x125xi32, #tpu.memory_space<hbm>> -> memref<1x1x1x125xi32, #tpu.memory_space<hbm>>
    %dma_start3A_40 = tpu.memref_squeeze %dma_start3A_39 : memref<1x1x1x125xi32, #tpu.memory_space<hbm>> -> memref<125xi32, #tpu.memory_space<hbm>>
    tpu.enqueue_dma source(%dma_start3A_40 : memref<125xi32, #tpu.memory_space<hbm>>) target(%dma_start3A_37 : memref<125xi32, #tpu.memory_space<vmem>>) target_semaphore(%arg12 : memref<!tpu.dma_semaphore, #tpu.memory_space<semaphore_mem>>)
    %dma_start3A_41 = arith.constant 1 : i32
    %dma_start3A_42 = arith.constant 1 : i32
    %dma_start3A_43 = arith.constant 0 : i32
    %dma_start3A_44 = tpu.memref_slice %arg8[%dma_start3A_42, %dma_start3A_43] : memref<4x125xi32, #tpu.memory_space<vmem>> -> memref<1x125xi32, #tpu.memory_space<vmem>>
    %dma_start3A_45 = tpu.memref_squeeze %dma_start3A_44 : memref<1x125xi32, #tpu.memory_space<vmem>> -> memref<125xi32, #tpu.memory_space<vmem>>
    %dma_start3A_46 = arith.constant 0 : i32
    %dma_start3A_47 = tpu.memref_slice %arg4[%arg0, %arg1, %dma_start3A_41, %dma_start3A_46] : memref<2x16x80x125xi32, #tpu.memory_space<hbm>> -> memref<1x1x1x125xi32, #tpu.memory_space<hbm>>
    %dma_start3A_48 = tpu.memref_squeeze %dma_start3A_47 : memref<1x1x1x125xi32, #tpu.memory_space<hbm>> -> memref<125xi32, #tpu.memory_space<hbm>>
    %dma_start3A_49 = arith.constant 0 : i32
    %dma_start3A_50 = tpu.memref_slice %arg8[%dma_start3A_42, %dma_start3A_49] : memref<4x125xi32, #tpu.memory_space<vmem>> -> memref<1x125xi32, #tpu.memory_space<vmem>>
    %dma_start3A_51 = tpu.memref_squeeze %dma_start3A_50 : memref<1x125xi32, #tpu.memory_space<vmem>> -> memref<125xi32, #tpu.memory_space<vmem>>
    %dma_start3A_52 = arith.constant 0 : i32
    %dma_start3A_53 = tpu.memref_slice %arg4[%arg0, %arg1, %dma_start3A_41, %dma_start3A_52] : memref<2x16x80x125xi32, #tpu.memory_space<hbm>> -> memref<1x1x1x125xi32, #tpu.memory_space<hbm>>
    %dma_start3A_54 = tpu.memref_squeeze %dma_start3A_53 : memref<1x1x1x125xi32, #tpu.memory_space<hbm>> -> memref<125xi32, #tpu.memory_space<hbm>>
    tpu.enqueue_dma source(%dma_start3A_54 : memref<125xi32, #tpu.memory_space<hbm>>) target(%dma_start3A_51 : memref<125xi32, #tpu.memory_space<vmem>>) target_semaphore(%arg12 : memref<!tpu.dma_semaphore, #tpu.memory_space<semaphore_mem>>)
    %dma_start3A_55 = arith.constant 2 : i32
    %dma_start3A_56 = arith.constant 2 : i32
    %dma_start3A_57 = arith.constant 0 : i32
    %dma_start3A_58 = tpu.memref_slice %arg7[%dma_start3A_56, %dma_start3A_57] : memref<4x125xi32, #tpu.memory_space<vmem>> -> memref<1x125xi32, #tpu.memory_space<vmem>>
    %dma_start3A_59 = tpu.memref_squeeze %dma_start3A_58 : memref<1x125xi32, #tpu.memory_space<vmem>> -> memref<125xi32, #tpu.memory_space<vmem>>
    %dma_start3A_60 = arith.constant 0 : i32
    %dma_start3A_61 = tpu.memref_slice %arg3[%arg0, %arg1, %dma_start3A_55, %dma_start3A_60] : memref<2x16x80x125xi32, #tpu.memory_space<hbm>> -> memref<1x1x1x125xi32, #tpu.memory_space<hbm>>
    %dma_start3A_62 = tpu.memref_squeeze %dma_start3A_61 : memref<1x1x1x125xi32, #tpu.memory_space<hbm>> -> memref<125xi32, #tpu.memory_space<hbm>>
    %dma_start3A_63 = arith.constant 0 : i32
    %dma_start3A_64 = tpu.memref_slice %arg7[%dma_start3A_56, %dma_start3A_63] : memref<4x125xi32, #tpu.memory_space<vmem>> -> memref<1x125xi32, #tpu.memory_space<vmem>>
    %dma_start3A_65 = tpu.memref_squeeze %dma_start3A_64 : memref<1x125xi32, #tpu.memory_space<vmem>> -> memref<125xi32, #tpu.memory_space<vmem>>
    %dma_start3A_66 = arith.constant 0 : i32
    %dma_start3A_67 = tpu.memref_slice %arg3[%arg0, %arg1, %dma_start3A_55, %dma_start3A_66] : memref<2x16x80x125xi32, #tpu.memory_space<hbm>> -> memref<1x1x1x125xi32, #tpu.memory_space<hbm>>
    %dma_start3A_68 = tpu.memref_squeeze %dma_start3A_67 : memref<1x1x1x125xi32, #tpu.memory_space<hbm>> -> memref<125xi32, #tpu.memory_space<hbm>>
    tpu.enqueue_dma source(%dma_start3A_68 : memref<125xi32, #tpu.memory_space<hbm>>) target(%dma_start3A_65 : memref<125xi32, #tpu.memory_space<vmem>>) target_semaphore(%arg12 : memref<!tpu.dma_semaphore, #tpu.memory_space<semaphore_mem>>)
    %dma_start3A_69 = arith.constant 2 : i32
    %dma_start3A_70 = arith.constant 2 : i32
    %dma_start3A_71 = arith.constant 0 : i32
    %dma_start3A_72 = tpu.memref_slice %arg8[%dma_start3A_70, %dma_start3A_71] : memref<4x125xi32, #tpu.memory_space<vmem>> -> memref<1x125xi32, #tpu.memory_space<vmem>>
    %dma_start3A_73 = tpu.memref_squeeze %dma_start3A_72 : memref<1x125xi32, #tpu.memory_space<vmem>> -> memref<125xi32, #tpu.memory_space<vmem>>
    %dma_start3A_74 = arith.constant 0 : i32
    %dma_start3A_75 = tpu.memref_slice %arg4[%arg0, %arg1, %dma_start3A_69, %dma_start3A_74] : memref<2x16x80x125xi32, #tpu.memory_space<hbm>> -> memref<1x1x1x125xi32, #tpu.memory_space<hbm>>
    %dma_start3A_76 = tpu.memref_squeeze %dma_start3A_75 : memref<1x1x1x125xi32, #tpu.memory_space<hbm>> -> memref<125xi32, #tpu.memory_space<hbm>>
    %dma_start3A_77 = arith.constant 0 : i32
    %dma_start3A_78 = tpu.memref_slice %arg8[%dma_start3A_70, %dma_start3A_77] : memref<4x125xi32, #tpu.memory_space<vmem>> -> memref<1x125xi32, #tpu.memory_space<vmem>>
    %dma_start3A_79 = tpu.memref_squeeze %dma_start3A_78 : memref<1x125xi32, #tpu.memory_space<vmem>> -> memref<125xi32, #tpu.memory_space<vmem>>
    %dma_start3A_80 = arith.constant 0 : i32
    %dma_start3A_81 = tpu.memref_slice %arg4[%arg0, %arg1, %dma_start3A_69, %dma_start3A_80] : memref<2x16x80x125xi32, #tpu.memory_space<hbm>> -> memref<1x1x1x125xi32, #tpu.memory_space<hbm>>
    %dma_start3A_82 = tpu.memref_squeeze %dma_start3A_81 : memref<1x1x1x125xi32, #tpu.memory_space<hbm>> -> memref<125xi32, #tpu.memory_space<hbm>>
    tpu.enqueue_dma source(%dma_start3A_82 : memref<125xi32, #tpu.memory_space<hbm>>) target(%dma_start3A_79 : memref<125xi32, #tpu.memory_space<vmem>>) target_semaphore(%arg12 : memref<!tpu.dma_semaphore, #tpu.memory_space<semaphore_mem>>)
    %dma_start3A_83 = arith.constant 3 : i32
    %dma_start3A_84 = arith.constant 3 : i32
    %dma_start3A_85 = arith.constant 0 : i32
    %dma_start3A_86 = tpu.memref_slice %arg7[%dma_start3A_84, %dma_start3A_85] : memref<4x125xi32, #tpu.memory_space<vmem>> -> memref<1x125xi32, #tpu.memory_space<vmem>>
    %dma_start3A_87 = tpu.memref_squeeze %dma_start3A_86 : memref<1x125xi32, #tpu.memory_space<vmem>> -> memref<125xi32, #tpu.memory_space<vmem>>
    %dma_start3A_88 = arith.constant 0 : i32
    %dma_start3A_89 = tpu.memref_slice %arg3[%arg0, %arg1, %dma_start3A_83, %dma_start3A_88] : memref<2x16x80x125xi32, #tpu.memory_space<hbm>> -> memref<1x1x1x125xi32, #tpu.memory_space<hbm>>
    %dma_start3A_90 = tpu.memref_squeeze %dma_start3A_89 : memref<1x1x1x125xi32, #tpu.memory_space<hbm>> -> memref<125xi32, #tpu.memory_space<hbm>>
    %dma_start3A_91 = arith.constant 0 : i32
    %dma_start3A_92 = tpu.memref_slice %arg7[%dma_start3A_84, %dma_start3A_91] : memref<4x125xi32, #tpu.memory_space<vmem>> -> memref<1x125xi32, #tpu.memory_space<vmem>>
    %dma_start3A_93 = tpu.memref_squeeze %dma_start3A_92 : memref<1x125xi32, #tpu.memory_space<vmem>> -> memref<125xi32, #tpu.memory_space<vmem>>
    %dma_start3A_94 = arith.constant 0 : i32
    %dma_start3A_95 = tpu.memref_slice %arg3[%arg0, %arg1, %dma_start3A_83, %dma_start3A_94] : memref<2x16x80x125xi32, #tpu.memory_space<hbm>> -> memref<1x1x1x125xi32, #tpu.memory_space<hbm>>
    %dma_start3A_96 = tpu.memref_squeeze %dma_start3A_95 : memref<1x1x1x125xi32, #tpu.memory_space<hbm>> -> memref<125xi32, #tpu.memory_space<hbm>>
    tpu.enqueue_dma source(%dma_start3A_96 : memref<125xi32, #tpu.memory_space<hbm>>) target(%dma_start3A_93 : memref<125xi32, #tpu.memory_space<vmem>>) target_semaphore(%arg12 : memref<!tpu.dma_semaphore, #tpu.memory_space<semaphore_mem>>)
    %dma_start3A_97 = arith.constant 3 : i32
    %dma_start3A_98 = arith.constant 3 : i32
    %dma_start3A_99 = arith.constant 0 : i32
    %dma_start3A_100 = tpu.memref_slice %arg8[%dma_start3A_98, %dma_start3A_99] : memref<4x125xi32, #tpu.memory_space<vmem>> -> memref<1x125xi32, #tpu.memory_space<vmem>>
    %dma_start3A_101 = tpu.memref_squeeze %dma_start3A_100 : memref<1x125xi32, #tpu.memory_space<vmem>> -> memref<125xi32, #tpu.memory_space<vmem>>
    %dma_start3A_102 = arith.constant 0 : i32
    %dma_start3A_103 = tpu.memref_slice %arg4[%arg0, %arg1, %dma_start3A_97, %dma_start3A_102] : memref<2x16x80x125xi32, #tpu.memory_space<hbm>> -> memref<1x1x1x125xi32, #tpu.memory_space<hbm>>
    %dma_start3A_104 = tpu.memref_squeeze %dma_start3A_103 : memref<1x1x1x125xi32, #tpu.memory_space<hbm>> -> memref<125xi32, #tpu.memory_space<hbm>>
    %dma_start3A_105 = arith.constant 0 : i32
    %dma_start3A_106 = tpu.memref_slice %arg8[%dma_start3A_98, %dma_start3A_105] : memref<4x125xi32, #tpu.memory_space<vmem>> -> memref<1x125xi32, #tpu.memory_space<vmem>>
    %dma_start3A_107 = tpu.memref_squeeze %dma_start3A_106 : memref<1x125xi32, #tpu.memory_space<vmem>> -> memref<125xi32, #tpu.memory_space<vmem>>
    %dma_start3A_108 = arith.constant 0 : i32
    %dma_start3A_109 = tpu.memref_slice %arg4[%arg0, %arg1, %dma_start3A_97, %dma_start3A_108] : memref<2x16x80x125xi32, #tpu.memory_space<hbm>> -> memref<1x1x1x125xi32, #tpu.memory_space<hbm>>
    %dma_start3A_110 = tpu.memref_squeeze %dma_start3A_109 : memref<1x1x1x125xi32, #tpu.memory_space<hbm>> -> memref<125xi32, #tpu.memory_space<hbm>>
    tpu.enqueue_dma source(%dma_start3A_110 : memref<125xi32, #tpu.memory_space<hbm>>) target(%dma_start3A_107 : memref<125xi32, #tpu.memory_space<vmem>>) target_semaphore(%arg12 : memref<!tpu.dma_semaphore, #tpu.memory_space<semaphore_mem>>)
    %mul3A = arith.constant 632 : i32
    %mul3A_111 = arith.muli %arg1, %mul3A : i32
    %mul3A_112 = arith.constant 632 : i32
    %mul3A_113 = arith.muli %arg1, %mul3A_112 : i32
    "tpu.region"() ({
      %run_scoped3A = tpu.sem_alloc : memref<!tpu.dma_semaphore, #tpu.memory_space<semaphore_mem>>
      %dma_start3A_215 = arith.constant 0 : i32
      %dma_start3A_216 = tpu.memref_slice %arg10[%mul3A_113, %dma_start3A_215] : memref<10112x128xf32, #tpu.memory_space<vmem_shared>> -> memref<632x128xf32, #tpu.memory_space<vmem_shared>>
      %dma_start3A_217 = arith.constant 0 : i32
      %dma_start3A_218 = tpu.memref_slice %arg5[%mul3A_111, %dma_start3A_217] : memref<10112x128xf32, #tpu.memory_space<hbm>> -> memref<632x128xf32, #tpu.memory_space<hbm>>
      tpu.enqueue_dma source(%dma_start3A_218 : memref<632x128xf32, #tpu.memory_space<hbm>>) target(%dma_start3A_216 : memref<632x128xf32, #tpu.memory_space<vmem_shared>>) target_semaphore(%run_scoped3A : memref<!tpu.dma_semaphore, #tpu.memory_space<semaphore_mem>>)
      %dma_wait3A_219 = arith.constant 0 : i32
      %dma_wait3A_220 = tpu.memref_slice %arg10[%mul3A_113, %dma_wait3A_219] : memref<10112x128xf32, #tpu.memory_space<vmem_shared>> -> memref<632x128xf32, #tpu.memory_space<vmem_shared>>
      %dma_wait3A_221 = arith.constant 0 : i32
      %dma_wait3A_222 = tpu.memref_slice %arg5[%mul3A_111, %dma_wait3A_221] : memref<10112x128xf32, #tpu.memory_space<hbm>> -> memref<632x128xf32, #tpu.memory_space<hbm>>
      tpu.wait_dma2 semaphore(%run_scoped3A : memref<!tpu.dma_semaphore, #tpu.memory_space<semaphore_mem>>) src(%dma_wait3A_222 : memref<632x128xf32, #tpu.memory_space<hbm>>) dst(%dma_wait3A_220 : memref<632x128xf32, #tpu.memory_space<vmem_shared>>)
      tpu.yield
    }) : () -> ()
    %dma_wait3A = arith.constant 0 : i32
    %dma_wait3A_114 = arith.constant 0 : i32
    %dma_wait3A_115 = arith.constant 0 : i32
    %dma_wait3A_116 = tpu.memref_slice %arg7[%dma_wait3A_114, %dma_wait3A_115] : memref<4x125xi32, #tpu.memory_space<vmem>> -> memref<1x125xi32, #tpu.memory_space<vmem>>
    %dma_wait3A_117 = tpu.memref_squeeze %dma_wait3A_116 : memref<1x125xi32, #tpu.memory_space<vmem>> -> memref<125xi32, #tpu.memory_space<vmem>>
    %dma_wait3A_118 = arith.constant 0 : i32
    %dma_wait3A_119 = tpu.memref_slice %arg3[%arg0, %arg1, %dma_wait3A, %dma_wait3A_118] : memref<2x16x80x125xi32, #tpu.memory_space<hbm>> -> memref<1x1x1x125xi32, #tpu.memory_space<hbm>>
    %dma_wait3A_120 = tpu.memref_squeeze %dma_wait3A_119 : memref<1x1x1x125xi32, #tpu.memory_space<hbm>> -> memref<125xi32, #tpu.memory_space<hbm>>
    %dma_wait3A_121 = arith.constant 0 : i32
    %dma_wait3A_122 = tpu.memref_slice %arg7[%dma_wait3A_114, %dma_wait3A_121] : memref<4x125xi32, #tpu.memory_space<vmem>> -> memref<1x125xi32, #tpu.memory_space<vmem>>
    %dma_wait3A_123 = tpu.memref_squeeze %dma_wait3A_122 : memref<1x125xi32, #tpu.memory_space<vmem>> -> memref<125xi32, #tpu.memory_space<vmem>>
    %dma_wait3A_124 = arith.constant 0 : i32
    %dma_wait3A_125 = tpu.memref_slice %arg3[%arg0, %arg1, %dma_wait3A, %dma_wait3A_124] : memref<2x16x80x125xi32, #tpu.memory_space<hbm>> -> memref<1x1x1x125xi32, #tpu.memory_space<hbm>>
    %dma_wait3A_126 = tpu.memref_squeeze %dma_wait3A_125 : memref<1x1x1x125xi32, #tpu.memory_space<hbm>> -> memref<125xi32, #tpu.memory_space<hbm>>
    tpu.wait_dma2 semaphore(%arg12 : memref<!tpu.dma_semaphore, #tpu.memory_space<semaphore_mem>>) src(%dma_wait3A_126 : memref<125xi32, #tpu.memory_space<hbm>>) dst(%dma_wait3A_123 : memref<125xi32, #tpu.memory_space<vmem>>)
    %dma_wait3A_127 = arith.constant 0 : i32
    %dma_wait3A_128 = arith.constant 0 : i32
    %dma_wait3A_129 = arith.constant 0 : i32
    %dma_wait3A_130 = tpu.memref_slice %arg8[%dma_wait3A_128, %dma_wait3A_129] : memref<4x125xi32, #tpu.memory_space<vmem>> -> memref<1x125xi32, #tpu.memory_space<vmem>>
    %dma_wait3A_131 = tpu.memref_squeeze %dma_wait3A_130 : memref<1x125xi32, #tpu.memory_space<vmem>> -> memref<125xi32, #tpu.memory_space<vmem>>
    %dma_wait3A_132 = arith.constant 0 : i32
    %dma_wait3A_133 = tpu.memref_slice %arg4[%arg0, %arg1, %dma_wait3A_127, %dma_wait3A_132] : memref<2x16x80x125xi32, #tpu.memory_space<hbm>> -> memref<1x1x1x125xi32, #tpu.memory_space<hbm>>
    %dma_wait3A_134 = tpu.memref_squeeze %dma_wait3A_133 : memref<1x1x1x125xi32, #tpu.memory_space<hbm>> -> memref<125xi32, #tpu.memory_space<hbm>>
    %dma_wait3A_135 = arith.constant 0 : i32
    %dma_wait3A_136 = tpu.memref_slice %arg8[%dma_wait3A_128, %dma_wait3A_135] : memref<4x125xi32, #tpu.memory_space<vmem>> -> memref<1x125xi32, #tpu.memory_space<vmem>>
    %dma_wait3A_137 = tpu.memref_squeeze %dma_wait3A_136 : memref<1x125xi32, #tpu.memory_space<vmem>> -> memref<125xi32, #tpu.memory_space<vmem>>
    %dma_wait3A_138 = arith.constant 0 : i32
    %dma_wait3A_139 = tpu.memref_slice %arg4[%arg0, %arg1, %dma_wait3A_127, %dma_wait3A_138] : memref<2x16x80x125xi32, #tpu.memory_space<hbm>> -> memref<1x1x1x125xi32, #tpu.memory_space<hbm>>
    %dma_wait3A_140 = tpu.memref_squeeze %dma_wait3A_139 : memref<1x1x1x125xi32, #tpu.memory_space<hbm>> -> memref<125xi32, #tpu.memory_space<hbm>>
    tpu.wait_dma2 semaphore(%arg12 : memref<!tpu.dma_semaphore, #tpu.memory_space<semaphore_mem>>) src(%dma_wait3A_140 : memref<125xi32, #tpu.memory_space<hbm>>) dst(%dma_wait3A_137 : memref<125xi32, #tpu.memory_space<vmem>>)
    %dma_start3A_141 = arith.constant 0 : i32
    %dma_start3A_142 = arith.constant 0 : i32
    %dma_start3A_143 = arith.constant 0 : i32
    %dma_start3A_144 = arith.constant 0 : i32
    %dma_start3A_145 = tpu.memref_slice %arg9[%dma_start3A_142, %dma_start3A_143, %dma_start3A_144] : memref<3x125x128xf32, #tpu.memory_space<vmem>> -> memref<1x125x128xf32, #tpu.memory_space<vmem>>
    %dma_start3A_146 = tpu.memref_squeeze %dma_start3A_145 : memref<1x125x128xf32, #tpu.memory_space<vmem>> -> memref<125x128xf32, #tpu.memory_space<vmem>>
    %dma_start3A_147 = arith.constant 0 : i32
    %dma_start3A_148 = tpu.memref_slice %arg7[%dma_start3A_141, %dma_start3A_147] : memref<4x125xi32, #tpu.memory_space<vmem>> -> memref<1x125xi32, #tpu.memory_space<vmem>>
    %dma_start3A_149 = tpu.memref_squeeze %dma_start3A_148 : memref<1x125xi32, #tpu.memory_space<vmem>> -> memref<125xi32, #tpu.memory_space<vmem>>
    %dma_start3A_150 = arith.constant 0 : i32
    %dma_start3A_151 = arith.constant 0 : i32
    %dma_start3A_152 = tpu.memref_slice %arg2[%dma_start3A_150, %dma_start3A_151] : memref<10000x128xf32, #tpu.memory_space<hbm>> -> memref<10000x128xf32, #tpu.memory_space<hbm>>
    tpu.enqueue_indirect_dma source(%dma_start3A_152 : memref<10000x128xf32, #tpu.memory_space<hbm>>) target(%dma_start3A_146 : memref<125x128xf32, #tpu.memory_space<vmem>>) offsets(%dma_start3A_149 : memref<125xi32, #tpu.memory_space<vmem>>) semaphore(%arg11 : memref<!tpu.dma_semaphore, #tpu.memory_space<semaphore_mem>>)
    %dma_wait3A_153 = arith.constant 1 : i32
    %dma_wait3A_154 = arith.constant 1 : i32
    %dma_wait3A_155 = arith.constant 0 : i32
    %dma_wait3A_156 = tpu.memref_slice %arg7[%dma_wait3A_154, %dma_wait3A_155] : memref<4x125xi32, #tpu.memory_space<vmem>> -> memref<1x125xi32, #tpu.memory_space<vmem>>
    %dma_wait3A_157 = tpu.memref_squeeze %dma_wait3A_156 : memref<1x125xi32, #tpu.memory_space<vmem>> -> memref<125xi32, #tpu.memory_space<vmem>>
    %dma_wait3A_158 = arith.constant 0 : i32
    %dma_wait3A_159 = tpu.memref_slice %arg3[%arg0, %arg1, %dma_wait3A_153, %dma_wait3A_158] : memref<2x16x80x125xi32, #tpu.memory_space<hbm>> -> memref<1x1x1x125xi32, #tpu.memory_space<hbm>>
    %dma_wait3A_160 = tpu.memref_squeeze %dma_wait3A_159 : memref<1x1x1x125xi32, #tpu.memory_space<hbm>> -> memref<125xi32, #tpu.memory_space<hbm>>
    %dma_wait3A_161 = arith.constant 0 : i32
    %dma_wait3A_162 = tpu.memref_slice %arg7[%dma_wait3A_154, %dma_wait3A_161] : memref<4x125xi32, #tpu.memory_space<vmem>> -> memref<1x125xi32, #tpu.memory_space<vmem>>
    %dma_wait3A_163 = tpu.memref_squeeze %dma_wait3A_162 : memref<1x125xi32, #tpu.memory_space<vmem>> -> memref<125xi32, #tpu.memory_space<vmem>>
    %dma_wait3A_164 = arith.constant 0 : i32
    %dma_wait3A_165 = tpu.memref_slice %arg3[%arg0, %arg1, %dma_wait3A_153, %dma_wait3A_164] : memref<2x16x80x125xi32, #tpu.memory_space<hbm>> -> memref<1x1x1x125xi32, #tpu.memory_space<hbm>>
    %dma_wait3A_166 = tpu.memref_squeeze %dma_wait3A_165 : memref<1x1x1x125xi32, #tpu.memory_space<hbm>> -> memref<125xi32, #tpu.memory_space<hbm>>
    tpu.wait_dma2 semaphore(%arg12 : memref<!tpu.dma_semaphore, #tpu.memory_space<semaphore_mem>>) src(%dma_wait3A_166 : memref<125xi32, #tpu.memory_space<hbm>>) dst(%dma_wait3A_163 : memref<125xi32, #tpu.memory_space<vmem>>)
    %dma_wait3A_167 = arith.constant 1 : i32
    %dma_wait3A_168 = arith.constant 1 : i32
    %dma_wait3A_169 = arith.constant 0 : i32
    %dma_wait3A_170 = tpu.memref_slice %arg8[%dma_wait3A_168, %dma_wait3A_169] : memref<4x125xi32, #tpu.memory_space<vmem>> -> memref<1x125xi32, #tpu.memory_space<vmem>>
    %dma_wait3A_171 = tpu.memref_squeeze %dma_wait3A_170 : memref<1x125xi32, #tpu.memory_space<vmem>> -> memref<125xi32, #tpu.memory_space<vmem>>
    %dma_wait3A_172 = arith.constant 0 : i32
    %dma_wait3A_173 = tpu.memref_slice %arg4[%arg0, %arg1, %dma_wait3A_167, %dma_wait3A_172] : memref<2x16x80x125xi32, #tpu.memory_space<hbm>> -> memref<1x1x1x125xi32, #tpu.memory_space<hbm>>
    %dma_wait3A_174 = tpu.memref_squeeze %dma_wait3A_173 : memref<1x1x1x125xi32, #tpu.memory_space<hbm>> -> memref<125xi32, #tpu.memory_space<hbm>>
    %dma_wait3A_175 = arith.constant 0 : i32
    %dma_wait3A_176 = tpu.memref_slice %arg8[%dma_wait3A_168, %dma_wait3A_175] : memref<4x125xi32, #tpu.memory_space<vmem>> -> memref<1x125xi32, #tpu.memory_space<vmem>>
    %dma_wait3A_177 = tpu.memref_squeeze %dma_wait3A_176 : memref<1x125xi32, #tpu.memory_space<vmem>> -> memref<125xi32, #tpu.memory_space<vmem>>
    %dma_wait3A_178 = arith.constant 0 : i32
    %dma_wait3A_179 = tpu.memref_slice %arg4[%arg0, %arg1, %dma_wait3A_167, %dma_wait3A_178] : memref<2x16x80x125xi32, #tpu.memory_space<hbm>> -> memref<1x1x1x125xi32, #tpu.memory_space<hbm>>
    %dma_wait3A_180 = tpu.memref_squeeze %dma_wait3A_179 : memref<1x1x1x125xi32, #tpu.memory_space<hbm>> -> memref<125xi32, #tpu.memory_space<hbm>>
    tpu.wait_dma2 semaphore(%arg12 : memref<!tpu.dma_semaphore, #tpu.memory_space<semaphore_mem>>) src(%dma_wait3A_180 : memref<125xi32, #tpu.memory_space<hbm>>) dst(%dma_wait3A_177 : memref<125xi32, #tpu.memory_space<vmem>>)
    %dma_start3A_181 = arith.constant 1 : i32
    %dma_start3A_182 = arith.constant 1 : i32
    %dma_start3A_183 = arith.constant 0 : i32
    %dma_start3A_184 = arith.constant 0 : i32
    %dma_start3A_185 = tpu.memref_slice %arg9[%dma_start3A_182, %dma_start3A_183, %dma_start3A_184] : memref<3x125x128xf32, #tpu.memory_space<vmem>> -> memref<1x125x128xf32, #tpu.memory_space<vmem>>
    %dma_start3A_186 = tpu.memref_squeeze %dma_start3A_185 : memref<1x125x128xf32, #tpu.memory_space<vmem>> -> memref<125x128xf32, #tpu.memory_space<vmem>>
    %dma_start3A_187 = arith.constant 0 : i32
    %dma_start3A_188 = tpu.memref_slice %arg7[%dma_start3A_181, %dma_start3A_187] : memref<4x125xi32, #tpu.memory_space<vmem>> -> memref<1x125xi32, #tpu.memory_space<vmem>>
    %dma_start3A_189 = tpu.memref_squeeze %dma_start3A_188 : memref<1x125xi32, #tpu.memory_space<vmem>> -> memref<125xi32, #tpu.memory_space<vmem>>
    %dma_start3A_190 = arith.constant 0 : i32
    %dma_start3A_191 = arith.constant 0 : i32
    %dma_start3A_192 = tpu.memref_slice %arg2[%dma_start3A_190, %dma_start3A_191] : memref<10000x128xf32, #tpu.memory_space<hbm>> -> memref<10000x128xf32, #tpu.memory_space<hbm>>
    tpu.enqueue_indirect_dma source(%dma_start3A_192 : memref<10000x128xf32, #tpu.memory_space<hbm>>) target(%dma_start3A_186 : memref<125x128xf32, #tpu.memory_space<vmem>>) offsets(%dma_start3A_189 : memref<125xi32, #tpu.memory_space<vmem>>) semaphore(%arg11 : memref<!tpu.dma_semaphore, #tpu.memory_space<semaphore_mem>>)
    %barrier3A = arith.constant 0 : index
    tpu.barrier barrier_id(%barrier3A)
    %scan3A = arith.constant 0 : i32
    %scan3A_193 = arith.constant 0 : i32
    %scan3A_194 = arith.constant 80 : i32
    %scan3A_195 = arith.addi %scan3A_193, %scan3A_194 : i32
    %scan3A_196 = arith.constant 1 : i32
    scf.for %scan3A_215 = %scan3A_193 to %scan3A_195 step %scan3A_196  : i32 {
      %jit3A = arith.constant 3 : i32
      %eq3A = arith.constant 0 : i32
      %eq3A_216 = arith.cmpi eq, %jit3A, %eq3A : i32
      %jit3A_217 = arith.constant 1 : i32
      %select_n3A = arith.select %eq3A_216, %jit3A_217, %jit3A : i32
      %rem3A = arith.remsi %scan3A_215, %select_n3A : i32
      %ne3A = arith.constant 0 : i32
      %ne3A_218 = arith.cmpi ne, %rem3A, %ne3A : i32
      %lt3A = arith.constant 0 : i32
      %lt3A_219 = arith.cmpi slt, %rem3A, %lt3A : i32
      %lt3A_220 = arith.constant 0 : i32
      %lt3A_221 = arith.cmpi slt, %select_n3A, %lt3A_220 : i32
      %ne3A_222 = arith.xori %lt3A_219, %lt3A_221 : i1
      %and3A = arith.andi %ne3A_222, %ne3A_218 : i1
      %add3A = arith.addi %rem3A, %select_n3A : i32
      %select_n3A_223 = arith.select %and3A, %add3A, %rem3A : i32
      %jit3A_224 = arith.constant 4 : i32
      %eq3A_225 = arith.constant 0 : i32
      %eq3A_226 = arith.cmpi eq, %jit3A_224, %eq3A_225 : i32
      %jit3A_227 = arith.constant 1 : i32
      %select_n3A_228 = arith.select %eq3A_226, %jit3A_227, %jit3A_224 : i32
      %rem3A_229 = arith.remsi %scan3A_215, %select_n3A_228 : i32
      %ne3A_230 = arith.constant 0 : i32
      %ne3A_231 = arith.cmpi ne, %rem3A_229, %ne3A_230 : i32
      %lt3A_232 = arith.constant 0 : i32
      %lt3A_233 = arith.cmpi slt, %rem3A_229, %lt3A_232 : i32
      %lt3A_234 = arith.constant 0 : i32
      %lt3A_235 = arith.cmpi slt, %select_n3A_228, %lt3A_234 : i32
      %ne3A_236 = arith.xori %lt3A_233, %lt3A_235 : i1
      %and3A_237 = arith.andi %ne3A_236, %ne3A_231 : i1
      %add3A_238 = arith.addi %rem3A_229, %select_n3A_228 : i32
      %select_n3A_239 = arith.select %and3A_237, %add3A_238, %rem3A_229 : i32
      %dma_wait3A_240 = arith.constant 0 : i32
      %dma_wait3A_241 = arith.constant 0 : i32
      %dma_wait3A_242 = arith.constant 0 : i32
      %dma_wait3A_243 = tpu.memref_slice %arg9[%select_n3A_223, %dma_wait3A_241, %dma_wait3A_242] : memref<3x125x128xf32, #tpu.memory_space<vmem>> -> memref<1x125x128xf32, #tpu.memory_space<vmem>>
      %dma_wait3A_244 = tpu.memref_squeeze %dma_wait3A_243 : memref<1x125x128xf32, #tpu.memory_space<vmem>> -> memref<125x128xf32, #tpu.memory_space<vmem>>
      %dma_wait3A_245 = arith.constant 0 : i32
      %dma_wait3A_246 = tpu.memref_slice %arg7[%dma_wait3A_240, %dma_wait3A_245] : memref<4x125xi32, #tpu.memory_space<vmem>> -> memref<1x125xi32, #tpu.memory_space<vmem>>
      %dma_wait3A_247 = tpu.memref_squeeze %dma_wait3A_246 : memref<1x125xi32, #tpu.memory_space<vmem>> -> memref<125xi32, #tpu.memory_space<vmem>>
      %dma_wait3A_248 = arith.constant 0 : i32
      %dma_wait3A_249 = arith.constant 0 : i32
      %dma_wait3A_250 = tpu.memref_slice %arg2[%dma_wait3A_248, %dma_wait3A_249] : memref<10000x128xf32, #tpu.memory_space<hbm>> -> memref<10000x128xf32, #tpu.memory_space<hbm>>
      tpu.wait_indirect_dma semaphore(%arg11 : memref<!tpu.dma_semaphore, #tpu.memory_space<semaphore_mem>>) src(%dma_wait3A_250 : memref<10000x128xf32, #tpu.memory_space<hbm>>) dst(%dma_wait3A_244 : memref<125x128xf32, #tpu.memory_space<vmem>>)
      %dma_start3A_251 = arith.constant 0 : i32
      %dma_start3A_252 = arith.constant 0 : i32
      %dma_start3A_253 = tpu.memref_slice %arg9[%select_n3A_223, %dma_start3A_251, %dma_start3A_252] : memref<3x125x128xf32, #tpu.memory_space<vmem>> -> memref<1x125x128xf32, #tpu.memory_space<vmem>>
      %dma_start3A_254 = tpu.memref_squeeze %dma_start3A_253 : memref<1x125x128xf32, #tpu.memory_space<vmem>> -> memref<125x128xf32, #tpu.memory_space<vmem>>
      %dma_start3A_255 = arith.constant 0 : i32
      %dma_start3A_256 = tpu.memref_slice %arg8[%select_n3A_239, %dma_start3A_255] : memref<4x125xi32, #tpu.memory_space<vmem>> -> memref<1x125xi32, #tpu.memory_space<vmem>>
      %dma_start3A_257 = tpu.memref_squeeze %dma_start3A_256 : memref<1x125xi32, #tpu.memory_space<vmem>> -> memref<125xi32, #tpu.memory_space<vmem>>
      %dma_start3A_258 = arith.constant 0 : i32
      %dma_start3A_259 = arith.constant 0 : i32
      %dma_start3A_260 = tpu.memref_slice %arg10[%dma_start3A_258, %dma_start3A_259] : memref<10112x128xf32, #tpu.memory_space<vmem_shared>> -> memref<10112x128xf32, #tpu.memory_space<vmem_shared>>
      tpu.enqueue_indirect_dma source(%dma_start3A_254 : memref<125x128xf32, #tpu.memory_space<vmem>>) target(%dma_start3A_260 : memref<10112x128xf32, #tpu.memory_space<vmem_shared>>) offsets(%dma_start3A_257 : memref<125xi32, #tpu.memory_space<vmem>>) semaphore(%arg13 : memref<!tpu.dma_semaphore, #tpu.memory_space<semaphore_mem>>) {add = true}
      %ge3A = arith.constant 1 : i32
      %ge3A_261 = arith.cmpi sge, %scan3A_215, %ge3A : i32
      %convert_element_type3A = arith.extui %ge3A_261 : i1 to i32
      %cond3A = arith.constant 0 : i32
      %cond3A_262 = arith.cmpi ne, %convert_element_type3A, %cond3A : i32
      scf.if %cond3A_262 {
        %sub3A = arith.constant 1 : i32
        %sub3A_270 = arith.subi %scan3A_215, %sub3A : i32
        %jit3A_271 = arith.constant 3 : i32
        %eq3A_272 = arith.constant 0 : i32
        %eq3A_273 = arith.cmpi eq, %jit3A_271, %eq3A_272 : i32
        %jit3A_274 = arith.constant 1 : i32
        %select_n3A_275 = arith.select %eq3A_273, %jit3A_274, %jit3A_271 : i32
        %rem3A_276 = arith.remsi %sub3A_270, %select_n3A_275 : i32
        %ne3A_277 = arith.constant 0 : i32
        %ne3A_278 = arith.cmpi ne, %rem3A_276, %ne3A_277 : i32
        %lt3A_279 = arith.constant 0 : i32
        %lt3A_280 = arith.cmpi slt, %rem3A_276, %lt3A_279 : i32
        %lt3A_281 = arith.constant 0 : i32
        %lt3A_282 = arith.cmpi slt, %select_n3A_275, %lt3A_281 : i32
        %ne3A_283 = arith.xori %lt3A_280, %lt3A_282 : i1
        %and3A_284 = arith.andi %ne3A_283, %ne3A_278 : i1
        %add3A_285 = arith.addi %rem3A_276, %select_n3A_275 : i32
        %select_n3A_286 = arith.select %and3A_284, %add3A_285, %rem3A_276 : i32
        %dma_wait3A_287 = arith.constant 0 : i32
        %dma_wait3A_288 = arith.constant 0 : i32
        %dma_wait3A_289 = arith.constant 0 : i32
        %dma_wait3A_290 = tpu.memref_slice %arg9[%select_n3A_286, %dma_wait3A_288, %dma_wait3A_289] : memref<3x125x128xf32, #tpu.memory_space<vmem>> -> memref<1x125x128xf32, #tpu.memory_space<vmem>>
        %dma_wait3A_291 = tpu.memref_squeeze %dma_wait3A_290 : memref<1x125x128xf32, #tpu.memory_space<vmem>> -> memref<125x128xf32, #tpu.memory_space<vmem>>
        %dma_wait3A_292 = arith.constant 0 : i32
        %dma_wait3A_293 = tpu.memref_slice %arg8[%dma_wait3A_287, %dma_wait3A_292] : memref<4x125xi32, #tpu.memory_space<vmem>> -> memref<1x125xi32, #tpu.memory_space<vmem>>
        %dma_wait3A_294 = tpu.memref_squeeze %dma_wait3A_293 : memref<1x125xi32, #tpu.memory_space<vmem>> -> memref<125xi32, #tpu.memory_space<vmem>>
        %dma_wait3A_295 = arith.constant 0 : i32
        %dma_wait3A_296 = arith.constant 0 : i32
        %dma_wait3A_297 = tpu.memref_slice %arg10[%dma_wait3A_295, %dma_wait3A_296] : memref<10112x128xf32, #tpu.memory_space<vmem_shared>> -> memref<10112x128xf32, #tpu.memory_space<vmem_shared>>
        tpu.wait_indirect_dma semaphore(%arg13 : memref<!tpu.dma_semaphore, #tpu.memory_space<semaphore_mem>>) src(%dma_wait3A_291 : memref<125x128xf32, #tpu.memory_space<vmem>>) dst(%dma_wait3A_297 : memref<10112x128xf32, #tpu.memory_space<vmem_shared>>)
        %add3A_298 = arith.constant 3 : i32
        %add3A_299 = arith.addi %scan3A_215, %add3A_298 : i32
        %lt3A_300 = arith.constant 80 : i32
        %lt3A_301 = arith.cmpi slt, %add3A_299, %lt3A_300 : i32
        %convert_element_type3A_302 = arith.extui %lt3A_301 : i1 to i32
        %cond3A_303 = arith.constant 0 : i32
        %cond3A_304 = arith.cmpi ne, %convert_element_type3A_302, %cond3A_303 : i32
        scf.if %cond3A_304 {
          %add3A_305 = arith.constant 3 : i32
          %add3A_306 = arith.addi %scan3A_215, %add3A_305 : i32
          %sub3A_307 = arith.constant 1 : i32
          %sub3A_308 = arith.subi %scan3A_215, %sub3A_307 : i32
          %jit3A_309 = arith.constant 4 : i32
          %eq3A_310 = arith.constant 0 : i32
          %eq3A_311 = arith.cmpi eq, %jit3A_309, %eq3A_310 : i32
          %jit3A_312 = arith.constant 1 : i32
          %select_n3A_313 = arith.select %eq3A_311, %jit3A_312, %jit3A_309 : i32
          %rem3A_314 = arith.remsi %sub3A_308, %select_n3A_313 : i32
          %ne3A_315 = arith.constant 0 : i32
          %ne3A_316 = arith.cmpi ne, %rem3A_314, %ne3A_315 : i32
          %lt3A_317 = arith.constant 0 : i32
          %lt3A_318 = arith.cmpi slt, %rem3A_314, %lt3A_317 : i32
          %lt3A_319 = arith.constant 0 : i32
          %lt3A_320 = arith.cmpi slt, %select_n3A_313, %lt3A_319 : i32
          %ne3A_321 = arith.xori %lt3A_318, %lt3A_320 : i1
          %and3A_322 = arith.andi %ne3A_321, %ne3A_316 : i1
          %add3A_323 = arith.addi %rem3A_314, %select_n3A_313 : i32
          %select_n3A_324 = arith.select %and3A_322, %add3A_323, %rem3A_314 : i32
          %dma_start3A_325 = arith.constant 0 : i32
          %dma_start3A_326 = tpu.memref_slice %arg7[%select_n3A_324, %dma_start3A_325] : memref<4x125xi32, #tpu.memory_space<vmem>> -> memref<1x125xi32, #tpu.memory_space<vmem>>
          %dma_start3A_327 = tpu.memref_squeeze %dma_start3A_326 : memref<1x125xi32, #tpu.memory_space<vmem>> -> memref<125xi32, #tpu.memory_space<vmem>>
          %dma_start3A_328 = arith.constant 0 : i32
          %dma_start3A_329 = tpu.memref_slice %arg3[%arg0, %arg1, %add3A_306, %dma_start3A_328] : memref<2x16x80x125xi32, #tpu.memory_space<hbm>> -> memref<1x1x1x125xi32, #tpu.memory_space<hbm>>
          %dma_start3A_330 = tpu.memref_squeeze %dma_start3A_329 : memref<1x1x1x125xi32, #tpu.memory_space<hbm>> -> memref<125xi32, #tpu.memory_space<hbm>>
          %dma_start3A_331 = arith.constant 0 : i32
          %dma_start3A_332 = tpu.memref_slice %arg7[%select_n3A_324, %dma_start3A_331] : memref<4x125xi32, #tpu.memory_space<vmem>> -> memref<1x125xi32, #tpu.memory_space<vmem>>
          %dma_start3A_333 = tpu.memref_squeeze %dma_start3A_332 : memref<1x125xi32, #tpu.memory_space<vmem>> -> memref<125xi32, #tpu.memory_space<vmem>>
          %dma_start3A_334 = arith.constant 0 : i32
          %dma_start3A_335 = tpu.memref_slice %arg3[%arg0, %arg1, %add3A_306, %dma_start3A_334] : memref<2x16x80x125xi32, #tpu.memory_space<hbm>> -> memref<1x1x1x125xi32, #tpu.memory_space<hbm>>
          %dma_start3A_336 = tpu.memref_squeeze %dma_start3A_335 : memref<1x1x1x125xi32, #tpu.memory_space<hbm>> -> memref<125xi32, #tpu.memory_space<hbm>>
          tpu.enqueue_dma source(%dma_start3A_336 : memref<125xi32, #tpu.memory_space<hbm>>) target(%dma_start3A_333 : memref<125xi32, #tpu.memory_space<vmem>>) target_semaphore(%arg12 : memref<!tpu.dma_semaphore, #tpu.memory_space<semaphore_mem>>)
          %dma_start3A_337 = arith.constant 0 : i32
          %dma_start3A_338 = tpu.memref_slice %arg8[%select_n3A_324, %dma_start3A_337] : memref<4x125xi32, #tpu.memory_space<vmem>> -> memref<1x125xi32, #tpu.memory_space<vmem>>
          %dma_start3A_339 = tpu.memref_squeeze %dma_start3A_338 : memref<1x125xi32, #tpu.memory_space<vmem>> -> memref<125xi32, #tpu.memory_space<vmem>>
          %dma_start3A_340 = arith.constant 0 : i32
          %dma_start3A_341 = tpu.memref_slice %arg4[%arg0, %arg1, %add3A_306, %dma_start3A_340] : memref<2x16x80x125xi32, #tpu.memory_space<hbm>> -> memref<1x1x1x125xi32, #tpu.memory_space<hbm>>
          %dma_start3A_342 = tpu.memref_squeeze %dma_start3A_341 : memref<1x1x1x125xi32, #tpu.memory_space<hbm>> -> memref<125xi32, #tpu.memory_space<hbm>>
          %dma_start3A_343 = arith.constant 0 : i32
          %dma_start3A_344 = tpu.memref_slice %arg8[%select_n3A_324, %dma_start3A_343] : memref<4x125xi32, #tpu.memory_space<vmem>> -> memref<1x125xi32, #tpu.memory_space<vmem>>
          %dma_start3A_345 = tpu.memref_squeeze %dma_start3A_344 : memref<1x125xi32, #tpu.memory_space<vmem>> -> memref<125xi32, #tpu.memory_space<vmem>>
          %dma_start3A_346 = arith.constant 0 : i32
          %dma_start3A_347 = tpu.memref_slice %arg4[%arg0, %arg1, %add3A_306, %dma_start3A_346] : memref<2x16x80x125xi32, #tpu.memory_space<hbm>> -> memref<1x1x1x125xi32, #tpu.memory_space<hbm>>
          %dma_start3A_348 = tpu.memref_squeeze %dma_start3A_347 : memref<1x1x1x125xi32, #tpu.memory_space<hbm>> -> memref<125xi32, #tpu.memory_space<hbm>>
          tpu.enqueue_dma source(%dma_start3A_348 : memref<125xi32, #tpu.memory_space<hbm>>) target(%dma_start3A_345 : memref<125xi32, #tpu.memory_space<vmem>>) target_semaphore(%arg12 : memref<!tpu.dma_semaphore, #tpu.memory_space<semaphore_mem>>)
        } else {
        }
      } else {
      }
      %add3A_263 = arith.constant 2 : i32
      %add3A_264 = arith.addi %scan3A_215, %add3A_263 : i32
      %lt3A_265 = arith.constant 80 : i32
      %lt3A_266 = arith.cmpi slt, %add3A_264, %lt3A_265 : i32
      %convert_element_type3A_267 = arith.extui %lt3A_266 : i1 to i32
      %cond3A_268 = arith.constant 0 : i32
      %cond3A_269 = arith.cmpi ne, %convert_element_type3A_267, %cond3A_268 : i32
      scf.if %cond3A_269 {
        %add3A_270 = arith.constant 2 : i32
        %add3A_271 = arith.addi %scan3A_215, %add3A_270 : i32
        %add3A_272 = arith.constant 2 : i32
        %add3A_273 = arith.addi %scan3A_215, %add3A_272 : i32
        %jit3A_274 = arith.constant 4 : i32
        %eq3A_275 = arith.constant 0 : i32
        %eq3A_276 = arith.cmpi eq, %jit3A_274, %eq3A_275 : i32
        %jit3A_277 = arith.constant 1 : i32
        %select_n3A_278 = arith.select %eq3A_276, %jit3A_277, %jit3A_274 : i32
        %rem3A_279 = arith.remsi %add3A_273, %select_n3A_278 : i32
        %ne3A_280 = arith.constant 0 : i32
        %ne3A_281 = arith.cmpi ne, %rem3A_279, %ne3A_280 : i32
        %lt3A_282 = arith.constant 0 : i32
        %lt3A_283 = arith.cmpi slt, %rem3A_279, %lt3A_282 : i32
        %lt3A_284 = arith.constant 0 : i32
        %lt3A_285 = arith.cmpi slt, %select_n3A_278, %lt3A_284 : i32
        %ne3A_286 = arith.xori %lt3A_283, %lt3A_285 : i1
        %and3A_287 = arith.andi %ne3A_286, %ne3A_281 : i1
        %add3A_288 = arith.addi %rem3A_279, %select_n3A_278 : i32
        %select_n3A_289 = arith.select %and3A_287, %add3A_288, %rem3A_279 : i32
        %dma_wait3A_290 = arith.constant 0 : i32
        %dma_wait3A_291 = tpu.memref_slice %arg7[%select_n3A_289, %dma_wait3A_290] : memref<4x125xi32, #tpu.memory_space<vmem>> -> memref<1x125xi32, #tpu.memory_space<vmem>>
        %dma_wait3A_292 = tpu.memref_squeeze %dma_wait3A_291 : memref<1x125xi32, #tpu.memory_space<vmem>> -> memref<125xi32, #tpu.memory_space<vmem>>
        %dma_wait3A_293 = arith.constant 0 : i32
        %dma_wait3A_294 = tpu.memref_slice %arg3[%arg0, %arg1, %add3A_271, %dma_wait3A_293] : memref<2x16x80x125xi32, #tpu.memory_space<hbm>> -> memref<1x1x1x125xi32, #tpu.memory_space<hbm>>
        %dma_wait3A_295 = tpu.memref_squeeze %dma_wait3A_294 : memref<1x1x1x125xi32, #tpu.memory_space<hbm>> -> memref<125xi32, #tpu.memory_space<hbm>>
        %dma_wait3A_296 = arith.constant 0 : i32
        %dma_wait3A_297 = tpu.memref_slice %arg7[%select_n3A_289, %dma_wait3A_296] : memref<4x125xi32, #tpu.memory_space<vmem>> -> memref<1x125xi32, #tpu.memory_space<vmem>>
        %dma_wait3A_298 = tpu.memref_squeeze %dma_wait3A_297 : memref<1x125xi32, #tpu.memory_space<vmem>> -> memref<125xi32, #tpu.memory_space<vmem>>
        %dma_wait3A_299 = arith.constant 0 : i32
        %dma_wait3A_300 = tpu.memref_slice %arg3[%arg0, %arg1, %add3A_271, %dma_wait3A_299] : memref<2x16x80x125xi32, #tpu.memory_space<hbm>> -> memref<1x1x1x125xi32, #tpu.memory_space<hbm>>
        %dma_wait3A_301 = tpu.memref_squeeze %dma_wait3A_300 : memref<1x1x1x125xi32, #tpu.memory_space<hbm>> -> memref<125xi32, #tpu.memory_space<hbm>>
        tpu.wait_dma2 semaphore(%arg12 : memref<!tpu.dma_semaphore, #tpu.memory_space<semaphore_mem>>) src(%dma_wait3A_301 : memref<125xi32, #tpu.memory_space<hbm>>) dst(%dma_wait3A_298 : memref<125xi32, #tpu.memory_space<vmem>>)
        %dma_wait3A_302 = arith.constant 0 : i32
        %dma_wait3A_303 = tpu.memref_slice %arg8[%select_n3A_289, %dma_wait3A_302] : memref<4x125xi32, #tpu.memory_space<vmem>> -> memref<1x125xi32, #tpu.memory_space<vmem>>
        %dma_wait3A_304 = tpu.memref_squeeze %dma_wait3A_303 : memref<1x125xi32, #tpu.memory_space<vmem>> -> memref<125xi32, #tpu.memory_space<vmem>>
        %dma_wait3A_305 = arith.constant 0 : i32
        %dma_wait3A_306 = tpu.memref_slice %arg4[%arg0, %arg1, %add3A_271, %dma_wait3A_305] : memref<2x16x80x125xi32, #tpu.memory_space<hbm>> -> memref<1x1x1x125xi32, #tpu.memory_space<hbm>>
        %dma_wait3A_307 = tpu.memref_squeeze %dma_wait3A_306 : memref<1x1x1x125xi32, #tpu.memory_space<hbm>> -> memref<125xi32, #tpu.memory_space<hbm>>
        %dma_wait3A_308 = arith.constant 0 : i32
        %dma_wait3A_309 = tpu.memref_slice %arg8[%select_n3A_289, %dma_wait3A_308] : memref<4x125xi32, #tpu.memory_space<vmem>> -> memref<1x125xi32, #tpu.memory_space<vmem>>
        %dma_wait3A_310 = tpu.memref_squeeze %dma_wait3A_309 : memref<1x125xi32, #tpu.memory_space<vmem>> -> memref<125xi32, #tpu.memory_space<vmem>>
        %dma_wait3A_311 = arith.constant 0 : i32
        %dma_wait3A_312 = tpu.memref_slice %arg4[%arg0, %arg1, %add3A_271, %dma_wait3A_311] : memref<2x16x80x125xi32, #tpu.memory_space<hbm>> -> memref<1x1x1x125xi32, #tpu.memory_space<hbm>>
        %dma_wait3A_313 = tpu.memref_squeeze %dma_wait3A_312 : memref<1x1x1x125xi32, #tpu.memory_space<hbm>> -> memref<125xi32, #tpu.memory_space<hbm>>
        tpu.wait_dma2 semaphore(%arg12 : memref<!tpu.dma_semaphore, #tpu.memory_space<semaphore_mem>>) src(%dma_wait3A_313 : memref<125xi32, #tpu.memory_space<hbm>>) dst(%dma_wait3A_310 : memref<125xi32, #tpu.memory_space<vmem>>)
        %add3A_314 = arith.constant 2 : i32
        %add3A_315 = arith.addi %scan3A_215, %add3A_314 : i32
        %jit3A_316 = arith.constant 4 : i32
        %eq3A_317 = arith.constant 0 : i32
        %eq3A_318 = arith.cmpi eq, %jit3A_316, %eq3A_317 : i32
        %jit3A_319 = arith.constant 1 : i32
        %select_n3A_320 = arith.select %eq3A_318, %jit3A_319, %jit3A_316 : i32
        %rem3A_321 = arith.remsi %add3A_315, %select_n3A_320 : i32
        %ne3A_322 = arith.constant 0 : i32
        %ne3A_323 = arith.cmpi ne, %rem3A_321, %ne3A_322 : i32
        %lt3A_324 = arith.constant 0 : i32
        %lt3A_325 = arith.cmpi slt, %rem3A_321, %lt3A_324 : i32
        %lt3A_326 = arith.constant 0 : i32
        %lt3A_327 = arith.cmpi slt, %select_n3A_320, %lt3A_326 : i32
        %ne3A_328 = arith.xori %lt3A_325, %lt3A_327 : i1
        %and3A_329 = arith.andi %ne3A_328, %ne3A_323 : i1
        %add3A_330 = arith.addi %rem3A_321, %select_n3A_320 : i32
        %select_n3A_331 = arith.select %and3A_329, %add3A_330, %rem3A_321 : i32
        %add3A_332 = arith.constant 2 : i32
        %add3A_333 = arith.addi %scan3A_215, %add3A_332 : i32
        %jit3A_334 = arith.constant 3 : i32
        %eq3A_335 = arith.constant 0 : i32
        %eq3A_336 = arith.cmpi eq, %jit3A_334, %eq3A_335 : i32
        %jit3A_337 = arith.constant 1 : i32
        %select_n3A_338 = arith.select %eq3A_336, %jit3A_337, %jit3A_334 : i32
        %rem3A_339 = arith.remsi %add3A_333, %select_n3A_338 : i32
        %ne3A_340 = arith.constant 0 : i32
        %ne3A_341 = arith.cmpi ne, %rem3A_339, %ne3A_340 : i32
        %lt3A_342 = arith.constant 0 : i32
        %lt3A_343 = arith.cmpi slt, %rem3A_339, %lt3A_342 : i32
        %lt3A_344 = arith.constant 0 : i32
        %lt3A_345 = arith.cmpi slt, %select_n3A_338, %lt3A_344 : i32
        %ne3A_346 = arith.xori %lt3A_343, %lt3A_345 : i1
        %and3A_347 = arith.andi %ne3A_346, %ne3A_341 : i1
        %add3A_348 = arith.addi %rem3A_339, %select_n3A_338 : i32
        %select_n3A_349 = arith.select %and3A_347, %add3A_348, %rem3A_339 : i32
        %dma_start3A_350 = arith.constant 0 : i32
        %dma_start3A_351 = arith.constant 0 : i32
        %dma_start3A_352 = tpu.memref_slice %arg9[%select_n3A_349, %dma_start3A_350, %dma_start3A_351] : memref<3x125x128xf32, #tpu.memory_space<vmem>> -> memref<1x125x128xf32, #tpu.memory_space<vmem>>
        %dma_start3A_353 = tpu.memref_squeeze %dma_start3A_352 : memref<1x125x128xf32, #tpu.memory_space<vmem>> -> memref<125x128xf32, #tpu.memory_space<vmem>>
        %dma_start3A_354 = arith.constant 0 : i32
        %dma_start3A_355 = tpu.memref_slice %arg7[%select_n3A_331, %dma_start3A_354] : memref<4x125xi32, #tpu.memory_space<vmem>> -> memref<1x125xi32, #tpu.memory_space<vmem>>
        %dma_start3A_356 = tpu.memref_squeeze %dma_start3A_355 : memref<1x125xi32, #tpu.memory_space<vmem>> -> memref<125xi32, #tpu.memory_space<vmem>>
        %dma_start3A_357 = arith.constant 0 : i32
        %dma_start3A_358 = arith.constant 0 : i32
        %dma_start3A_359 = tpu.memref_slice %arg2[%dma_start3A_357, %dma_start3A_358] : memref<10000x128xf32, #tpu.memory_space<hbm>> -> memref<10000x128xf32, #tpu.memory_space<hbm>>
        tpu.enqueue_indirect_dma source(%dma_start3A_359 : memref<10000x128xf32, #tpu.memory_space<hbm>>) target(%dma_start3A_353 : memref<125x128xf32, #tpu.memory_space<vmem>>) offsets(%dma_start3A_356 : memref<125xi32, #tpu.memory_space<vmem>>) semaphore(%arg11 : memref<!tpu.dma_semaphore, #tpu.memory_space<semaphore_mem>>)
      } else {
      }
    }
    %scan3A_197 = arith.constant 80 : i32
    %dma_wait3A_198 = arith.constant 1 : i32
    %dma_wait3A_199 = arith.constant 0 : i32
    %dma_wait3A_200 = arith.constant 0 : i32
    %dma_wait3A_201 = arith.constant 0 : i32
    %dma_wait3A_202 = tpu.memref_slice %arg9[%dma_wait3A_198, %dma_wait3A_200, %dma_wait3A_201] : memref<3x125x128xf32, #tpu.memory_space<vmem>> -> memref<1x125x128xf32, #tpu.memory_space<vmem>>
    %dma_wait3A_203 = tpu.memref_squeeze %dma_wait3A_202 : memref<1x125x128xf32, #tpu.memory_space<vmem>> -> memref<125x128xf32, #tpu.memory_space<vmem>>
    %dma_wait3A_204 = arith.constant 0 : i32
    %dma_wait3A_205 = tpu.memref_slice %arg8[%dma_wait3A_199, %dma_wait3A_204] : memref<4x125xi32, #tpu.memory_space<vmem>> -> memref<1x125xi32, #tpu.memory_space<vmem>>
    %dma_wait3A_206 = tpu.memref_squeeze %dma_wait3A_205 : memref<1x125xi32, #tpu.memory_space<vmem>> -> memref<125xi32, #tpu.memory_space<vmem>>
    %dma_wait3A_207 = arith.constant 0 : i32
    %dma_wait3A_208 = arith.constant 0 : i32
    %dma_wait3A_209 = tpu.memref_slice %arg10[%dma_wait3A_207, %dma_wait3A_208] : memref<10112x128xf32, #tpu.memory_space<vmem_shared>> -> memref<10112x128xf32, #tpu.memory_space<vmem_shared>>
    tpu.wait_indirect_dma semaphore(%arg13 : memref<!tpu.dma_semaphore, #tpu.memory_space<semaphore_mem>>) src(%dma_wait3A_203 : memref<125x128xf32, #tpu.memory_space<vmem>>) dst(%dma_wait3A_209 : memref<10112x128xf32, #tpu.memory_space<vmem_shared>>)
    %barrier3A_210 = arith.constant 0 : index
    tpu.barrier barrier_id(%barrier3A_210)
    %mul3A_211 = arith.constant 632 : i32
    %mul3A_212 = arith.muli %arg1, %mul3A_211 : i32
    %mul3A_213 = arith.constant 632 : i32
    %mul3A_214 = arith.muli %arg1, %mul3A_213 : i32
    "tpu.region"() ({
      %run_scoped3A = tpu.sem_alloc : memref<!tpu.dma_semaphore, #tpu.memory_space<semaphore_mem>>
      %dma_start3A_215 = arith.constant 0 : i32
      %dma_start3A_216 = tpu.memref_slice %arg6[%arg0, %mul3A_214, %dma_start3A_215] : memref<2x10112x128xf32, #tpu.memory_space<hbm>> -> memref<1x632x128xf32, #tpu.memory_space<hbm>>
      %dma_start3A_217 = tpu.memref_squeeze %dma_start3A_216 : memref<1x632x128xf32, #tpu.memory_space<hbm>> -> memref<632x128xf32, #tpu.memory_space<hbm>>
      %dma_start3A_218 = arith.constant 0 : i32
      %dma_start3A_219 = tpu.memref_slice %arg10[%mul3A_212, %dma_start3A_218] : memref<10112x128xf32, #tpu.memory_space<vmem_shared>> -> memref<632x128xf32, #tpu.memory_space<vmem_shared>>
      tpu.enqueue_dma source(%dma_start3A_219 : memref<632x128xf32, #tpu.memory_space<vmem_shared>>) target(%dma_start3A_217 : memref<632x128xf32, #tpu.memory_space<hbm>>) target_semaphore(%run_scoped3A : memref<!tpu.dma_semaphore, #tpu.memory_space<semaphore_mem>>)
      %dma_wait3A_220 = arith.constant 0 : i32
      %dma_wait3A_221 = tpu.memref_slice %arg6[%arg0, %mul3A_214, %dma_wait3A_220] : memref<2x10112x128xf32, #tpu.memory_space<hbm>> -> memref<1x632x128xf32, #tpu.memory_space<hbm>>
      %dma_wait3A_222 = tpu.memref_squeeze %dma_wait3A_221 : memref<1x632x128xf32, #tpu.memory_space<hbm>> -> memref<632x128xf32, #tpu.memory_space<hbm>>
      %dma_wait3A_223 = arith.constant 0 : i32
      %dma_wait3A_224 = tpu.memref_slice %arg10[%mul3A_212, %dma_wait3A_223] : memref<10112x128xf32, #tpu.memory_space<vmem_shared>> -> memref<632x128xf32, #tpu.memory_space<vmem_shared>>
      tpu.wait_dma2 semaphore(%run_scoped3A : memref<!tpu.dma_semaphore, #tpu.memory_space<semaphore_mem>>) src(%dma_wait3A_224 : memref<632x128xf32, #tpu.memory_space<vmem_shared>>) dst(%dma_wait3A_222 : memref<632x128xf32, #tpu.memory_space<hbm>>)
      tpu.yield
    }) : () -> ()
    return
  }
}

#map = affine_map<(d0, d1) -> (0, 0)>
#map1 = affine_map<(d0, d1) -> (0, 0, 0, 0)>
#map2 = affine_map<(d0, d1) -> (0, 0, 0)>
module attributes {stable_mosaic.version = 14 : i64} {
  func.func @k(%arg0: i32, %arg1: i32, %arg2: memref<10000x128xf32, #tpu.memory_space<hbm>>, %arg3: memref<2x16x80x125xi32, #tpu.memory_space<hbm>>, %arg4: memref<2x16x80x125xi32, #tpu.memory_space<hbm>>, %arg5: memref<10112x128xf32, #tpu.memory_space<hbm>>, %arg6: memref<2x10112x128xf32, #tpu.memory_space<hbm>>, %arg7: memref<4x125xi32, #tpu.memory_space<vmem>>, %arg8: memref<4x125xi32, #tpu.memory_space<vmem>>, %arg9: memref<3x125x128xf32, #tpu.memory_space<vmem>>, %arg10: memref<10112x128xf32, #tpu.memory_space<vmem_shared>>, %arg11: memref<!tpu.dma_semaphore, #tpu.memory_space<semaphore_mem>>, %arg12: memref<!tpu.dma_semaphore, #tpu.memory_space<semaphore_mem>>, %arg13: memref<!tpu.dma_semaphore, #tpu.memory_space<semaphore_mem>>) attributes {dimension_semantics = [#tpu.dimension_semantics<core_parallel>, #tpu.dimension_semantics<subcore_parallel>], iteration_bounds = array<i64: 2, 16>, scalar_prefetch = 0 : i64, scratch_operands = 7 : i64, tpu.core_type = #tpu.core_type<sc_vector_subcore>, window_params = [{transform_indices = #map}, {transform_indices = #map1}, {transform_indices = #map1}, {transform_indices = #map}, {transform_indices = #map2}]} {
    %dma_start3A = arith.constant 0 : i32
    %dma_start3A_0 = arith.constant 0 : i32
    %dma_start3A_1 = arith.constant 0 : i32
    %dma_start3A_2 = tpu.memref_slice %arg7[%dma_start3A_0, %dma_start3A_1] : memref<4x125xi32, #tpu.memory_space<vmem>> -> memref<1x125xi32, #tpu.memory_space<vmem>>
    %dma_start3A_3 = tpu.memref_squeeze %dma_start3A_2 : memref<1x125xi32, #tpu.memory_space<vmem>> -> memref<125xi32, #tpu.memory_space<vmem>>
    %dma_start3A_4 = arith.constant 0 : i32
    %dma_start3A_5 = tpu.memref_slice %arg3[%arg0, %arg1, %dma_start3A, %dma_start3A_4] : memref<2x16x80x125xi32, #tpu.memory_space<hbm>> -> memref<1x1x1x125xi32, #tpu.memory_space<hbm>>
    %dma_start3A_6 = tpu.memref_squeeze %dma_start3A_5 : memref<1x1x1x125xi32, #tpu.memory_space<hbm>> -> memref<125xi32, #tpu.memory_space<hbm>>
    %dma_start3A_7 = arith.constant 0 : i32
    %dma_start3A_8 = tpu.memref_slice %arg7[%dma_start3A_0, %dma_start3A_7] : memref<4x125xi32, #tpu.memory_space<vmem>> -> memref<1x125xi32, #tpu.memory_space<vmem>>
    %dma_start3A_9 = tpu.memref_squeeze %dma_start3A_8 : memref<1x125xi32, #tpu.memory_space<vmem>> -> memref<125xi32, #tpu.memory_space<vmem>>
    %dma_start3A_10 = arith.constant 0 : i32
    %dma_start3A_11 = tpu.memref_slice %arg3[%arg0, %arg1, %dma_start3A, %dma_start3A_10] : memref<2x16x80x125xi32, #tpu.memory_space<hbm>> -> memref<1x1x1x125xi32, #tpu.memory_space<hbm>>
    %dma_start3A_12 = tpu.memref_squeeze %dma_start3A_11 : memref<1x1x1x125xi32, #tpu.memory_space<hbm>> -> memref<125xi32, #tpu.memory_space<hbm>>
    tpu.enqueue_dma source(%dma_start3A_12 : memref<125xi32, #tpu.memory_space<hbm>>) target(%dma_start3A_9 : memref<125xi32, #tpu.memory_space<vmem>>) target_semaphore(%arg12 : memref<!tpu.dma_semaphore, #tpu.memory_space<semaphore_mem>>)
    %dma_start3A_13 = arith.constant 0 : i32
    %dma_start3A_14 = arith.constant 0 : i32
    %dma_start3A_15 = arith.constant 0 : i32
    %dma_start3A_16 = tpu.memref_slice %arg8[%dma_start3A_14, %dma_start3A_15] : memref<4x125xi32, #tpu.memory_space<vmem>> -> memref<1x125xi32, #tpu.memory_space<vmem>>
    %dma_start3A_17 = tpu.memref_squeeze %dma_start3A_16 : memref<1x125xi32, #tpu.memory_space<vmem>> -> memref<125xi32, #tpu.memory_space<vmem>>
    %dma_start3A_18 = arith.constant 0 : i32
    %dma_start3A_19 = tpu.memref_slice %arg4[%arg0, %arg1, %dma_start3A_13, %dma_start3A_18] : memref<2x16x80x125xi32, #tpu.memory_space<hbm>> -> memref<1x1x1x125xi32, #tpu.memory_space<hbm>>
    %dma_start3A_20 = tpu.memref_squeeze %dma_start3A_19 : memref<1x1x1x125xi32, #tpu.memory_space<hbm>> -> memref<125xi32, #tpu.memory_space<hbm>>
    %dma_start3A_21 = arith.constant 0 : i32
    %dma_start3A_22 = tpu.memref_slice %arg8[%dma_start3A_14, %dma_start3A_21] : memref<4x125xi32, #tpu.memory_space<vmem>> -> memref<1x125xi32, #tpu.memory_space<vmem>>
    %dma_start3A_23 = tpu.memref_squeeze %dma_start3A_22 : memref<1x125xi32, #tpu.memory_space<vmem>> -> memref<125xi32, #tpu.memory_space<vmem>>
    %dma_start3A_24 = arith.constant 0 : i32
    %dma_start3A_25 = tpu.memref_slice %arg4[%arg0, %arg1, %dma_start3A_13, %dma_start3A_24] : memref<2x16x80x125xi32, #tpu.memory_space<hbm>> -> memref<1x1x1x125xi32, #tpu.memory_space<hbm>>
    %dma_start3A_26 = tpu.memref_squeeze %dma_start3A_25 : memref<1x1x1x125xi32, #tpu.memory_space<hbm>> -> memref<125xi32, #tpu.memory_space<hbm>>
    tpu.enqueue_dma source(%dma_start3A_26 : memref<125xi32, #tpu.memory_space<hbm>>) target(%dma_start3A_23 : memref<125xi32, #tpu.memory_space<vmem>>) target_semaphore(%arg12 : memref<!tpu.dma_semaphore, #tpu.memory_space<semaphore_mem>>)
    %dma_start3A_27 = arith.constant 1 : i32
    %dma_start3A_28 = arith.constant 1 : i32
    %dma_start3A_29 = arith.constant 0 : i32
    %dma_start3A_30 = tpu.memref_slice %arg7[%dma_start3A_28, %dma_start3A_29] : memref<4x125xi32, #tpu.memory_space<vmem>> -> memref<1x125xi32, #tpu.memory_space<vmem>>
    %dma_start3A_31 = tpu.memref_squeeze %dma_start3A_30 : memref<1x125xi32, #tpu.memory_space<vmem>> -> memref<125xi32, #tpu.memory_space<vmem>>
    %dma_start3A_32 = arith.constant 0 : i32
    %dma_start3A_33 = tpu.memref_slice %arg3[%arg0, %arg1, %dma_start3A_27, %dma_start3A_32] : memref<2x16x80x125xi32, #tpu.memory_space<hbm>> -> memref<1x1x1x125xi32, #tpu.memory_space<hbm>>
    %dma_start3A_34 = tpu.memref_squeeze %dma_start3A_33 : memref<1x1x1x125xi32, #tpu.memory_space<hbm>> -> memref<125xi32, #tpu.memory_space<hbm>>
    %dma_start3A_35 = arith.constant 0 : i32
    %dma_start3A_36 = tpu.memref_slice %arg7[%dma_start3A_28, %dma_start3A_35] : memref<4x125xi32, #tpu.memory_space<vmem>> -> memref<1x125xi32, #tpu.memory_space<vmem>>
    %dma_start3A_37 = tpu.memref_squeeze %dma_start3A_36 : memref<1x125xi32, #tpu.memory_space<vmem>> -> memref<125xi32, #tpu.memory_space<vmem>>
    %dma_start3A_38 = arith.constant 0 : i32
    %dma_start3A_39 = tpu.memref_slice %arg3[%arg0, %arg1, %dma_start3A_27, %dma_start3A_38] : memref<2x16x80x125xi32, #tpu.memory_space<hbm>> -> memref<1x1x1x125xi32, #tpu.memory_space<hbm>>
    %dma_start3A_40 = tpu.memref_squeeze %dma_start3A_39 : memref<1x1x1x125xi32, #tpu.memory_space<hbm>> -> memref<125xi32, #tpu.memory_space<hbm>>
    tpu.enqueue_dma source(%dma_start3A_40 : memref<125xi32, #tpu.memory_space<hbm>>) target(%dma_start3A_37 : memref<125xi32, #tpu.memory_space<vmem>>) target_semaphore(%arg12 : memref<!tpu.dma_semaphore, #tpu.memory_space<semaphore_mem>>)
    %dma_start3A_41 = arith.constant 1 : i32
    %dma_start3A_42 = arith.constant 1 : i32
    %dma_start3A_43 = arith.constant 0 : i32
    %dma_start3A_44 = tpu.memref_slice %arg8[%dma_start3A_42, %dma_start3A_43] : memref<4x125xi32, #tpu.memory_space<vmem>> -> memref<1x125xi32, #tpu.memory_space<vmem>>
    %dma_start3A_45 = tpu.memref_squeeze %dma_start3A_44 : memref<1x125xi32, #tpu.memory_space<vmem>> -> memref<125xi32, #tpu.memory_space<vmem>>
    %dma_start3A_46 = arith.constant 0 : i32
    %dma_start3A_47 = tpu.memref_slice %arg4[%arg0, %arg1, %dma_start3A_41, %dma_start3A_46] : memref<2x16x80x125xi32, #tpu.memory_space<hbm>> -> memref<1x1x1x125xi32, #tpu.memory_space<hbm>>
    %dma_start3A_48 = tpu.memref_squeeze %dma_start3A_47 : memref<1x1x1x125xi32, #tpu.memory_space<hbm>> -> memref<125xi32, #tpu.memory_space<hbm>>
    %dma_start3A_49 = arith.constant 0 : i32
    %dma_start3A_50 = tpu.memref_slice %arg8[%dma_start3A_42, %dma_start3A_49] : memref<4x125xi32, #tpu.memory_space<vmem>> -> memref<1x125xi32, #tpu.memory_space<vmem>>
    %dma_start3A_51 = tpu.memref_squeeze %dma_start3A_50 : memref<1x125xi32, #tpu.memory_space<vmem>> -> memref<125xi32, #tpu.memory_space<vmem>>
    %dma_start3A_52 = arith.constant 0 : i32
    %dma_start3A_53 = tpu.memref_slice %arg4[%arg0, %arg1, %dma_start3A_41, %dma_start3A_52] : memref<2x16x80x125xi32, #tpu.memory_space<hbm>> -> memref<1x1x1x125xi32, #tpu.memory_space<hbm>>
    %dma_start3A_54 = tpu.memref_squeeze %dma_start3A_53 : memref<1x1x1x125xi32, #tpu.memory_space<hbm>> -> memref<125xi32, #tpu.memory_space<hbm>>
    tpu.enqueue_dma source(%dma_start3A_54 : memref<125xi32, #tpu.memory_space<hbm>>) target(%dma_start3A_51 : memref<125xi32, #tpu.memory_space<vmem>>) target_semaphore(%arg12 : memref<!tpu.dma_semaphore, #tpu.memory_space<semaphore_mem>>)
    %dma_start3A_55 = arith.constant 2 : i32
    %dma_start3A_56 = arith.constant 2 : i32
    %dma_start3A_57 = arith.constant 0 : i32
    %dma_start3A_58 = tpu.memref_slice %arg7[%dma_start3A_56, %dma_start3A_57] : memref<4x125xi32, #tpu.memory_space<vmem>> -> memref<1x125xi32, #tpu.memory_space<vmem>>
    %dma_start3A_59 = tpu.memref_squeeze %dma_start3A_58 : memref<1x125xi32, #tpu.memory_space<vmem>> -> memref<125xi32, #tpu.memory_space<vmem>>
    %dma_start3A_60 = arith.constant 0 : i32
    %dma_start3A_61 = tpu.memref_slice %arg3[%arg0, %arg1, %dma_start3A_55, %dma_start3A_60] : memref<2x16x80x125xi32, #tpu.memory_space<hbm>> -> memref<1x1x1x125xi32, #tpu.memory_space<hbm>>
    %dma_start3A_62 = tpu.memref_squeeze %dma_start3A_61 : memref<1x1x1x125xi32, #tpu.memory_space<hbm>> -> memref<125xi32, #tpu.memory_space<hbm>>
    %dma_start3A_63 = arith.constant 0 : i32
    %dma_start3A_64 = tpu.memref_slice %arg7[%dma_start3A_56, %dma_start3A_63] : memref<4x125xi32, #tpu.memory_space<vmem>> -> memref<1x125xi32, #tpu.memory_space<vmem>>
    %dma_start3A_65 = tpu.memref_squeeze %dma_start3A_64 : memref<1x125xi32, #tpu.memory_space<vmem>> -> memref<125xi32, #tpu.memory_space<vmem>>
    %dma_start3A_66 = arith.constant 0 : i32
    %dma_start3A_67 = tpu.memref_slice %arg3[%arg0, %arg1, %dma_start3A_55, %dma_start3A_66] : memref<2x16x80x125xi32, #tpu.memory_space<hbm>> -> memref<1x1x1x125xi32, #tpu.memory_space<hbm>>
    %dma_start3A_68 = tpu.memref_squeeze %dma_start3A_67 : memref<1x1x1x125xi32, #tpu.memory_space<hbm>> -> memref<125xi32, #tpu.memory_space<hbm>>
    tpu.enqueue_dma source(%dma_start3A_68 : memref<125xi32, #tpu.memory_space<hbm>>) target(%dma_start3A_65 : memref<125xi32, #tpu.memory_space<vmem>>) target_semaphore(%arg12 : memref<!tpu.dma_semaphore, #tpu.memory_space<semaphore_mem>>)
    %dma_start3A_69 = arith.constant 2 : i32
    %dma_start3A_70 = arith.constant 2 : i32
    %dma_start3A_71 = arith.constant 0 : i32
    %dma_start3A_72 = tpu.memref_slice %arg8[%dma_start3A_70, %dma_start3A_71] : memref<4x125xi32, #tpu.memory_space<vmem>> -> memref<1x125xi32, #tpu.memory_space<vmem>>
    %dma_start3A_73 = tpu.memref_squeeze %dma_start3A_72 : memref<1x125xi32, #tpu.memory_space<vmem>> -> memref<125xi32, #tpu.memory_space<vmem>>
    %dma_start3A_74 = arith.constant 0 : i32
    %dma_start3A_75 = tpu.memref_slice %arg4[%arg0, %arg1, %dma_start3A_69, %dma_start3A_74] : memref<2x16x80x125xi32, #tpu.memory_space<hbm>> -> memref<1x1x1x125xi32, #tpu.memory_space<hbm>>
    %dma_start3A_76 = tpu.memref_squeeze %dma_start3A_75 : memref<1x1x1x125xi32, #tpu.memory_space<hbm>> -> memref<125xi32, #tpu.memory_space<hbm>>
    %dma_start3A_77 = arith.constant 0 : i32
    %dma_start3A_78 = tpu.memref_slice %arg8[%dma_start3A_70, %dma_start3A_77] : memref<4x125xi32, #tpu.memory_space<vmem>> -> memref<1x125xi32, #tpu.memory_space<vmem>>
    %dma_start3A_79 = tpu.memref_squeeze %dma_start3A_78 : memref<1x125xi32, #tpu.memory_space<vmem>> -> memref<125xi32, #tpu.memory_space<vmem>>
    %dma_start3A_80 = arith.constant 0 : i32
    %dma_start3A_81 = tpu.memref_slice %arg4[%arg0, %arg1, %dma_start3A_69, %dma_start3A_80] : memref<2x16x80x125xi32, #tpu.memory_space<hbm>> -> memref<1x1x1x125xi32, #tpu.memory_space<hbm>>
    %dma_start3A_82 = tpu.memref_squeeze %dma_start3A_81 : memref<1x1x1x125xi32, #tpu.memory_space<hbm>> -> memref<125xi32, #tpu.memory_space<hbm>>
    tpu.enqueue_dma source(%dma_start3A_82 : memref<125xi32, #tpu.memory_space<hbm>>) target(%dma_start3A_79 : memref<125xi32, #tpu.memory_space<vmem>>) target_semaphore(%arg12 : memref<!tpu.dma_semaphore, #tpu.memory_space<semaphore_mem>>)
    %dma_start3A_83 = arith.constant 3 : i32
    %dma_start3A_84 = arith.constant 3 : i32
    %dma_start3A_85 = arith.constant 0 : i32
    %dma_start3A_86 = tpu.memref_slice %arg7[%dma_start3A_84, %dma_start3A_85] : memref<4x125xi32, #tpu.memory_space<vmem>> -> memref<1x125xi32, #tpu.memory_space<vmem>>
    %dma_start3A_87 = tpu.memref_squeeze %dma_start3A_86 : memref<1x125xi32, #tpu.memory_space<vmem>> -> memref<125xi32, #tpu.memory_space<vmem>>
    %dma_start3A_88 = arith.constant 0 : i32
    %dma_start3A_89 = tpu.memref_slice %arg3[%arg0, %arg1, %dma_start3A_83, %dma_start3A_88] : memref<2x16x80x125xi32, #tpu.memory_space<hbm>> -> memref<1x1x1x125xi32, #tpu.memory_space<hbm>>
    %dma_start3A_90 = tpu.memref_squeeze %dma_start3A_89 : memref<1x1x1x125xi32, #tpu.memory_space<hbm>> -> memref<125xi32, #tpu.memory_space<hbm>>
    %dma_start3A_91 = arith.constant 0 : i32
    %dma_start3A_92 = tpu.memref_slice %arg7[%dma_start3A_84, %dma_start3A_91] : memref<4x125xi32, #tpu.memory_space<vmem>> -> memref<1x125xi32, #tpu.memory_space<vmem>>
    %dma_start3A_93 = tpu.memref_squeeze %dma_start3A_92 : memref<1x125xi32, #tpu.memory_space<vmem>> -> memref<125xi32, #tpu.memory_space<vmem>>
    %dma_start3A_94 = arith.constant 0 : i32
    %dma_start3A_95 = tpu.memref_slice %arg3[%arg0, %arg1, %dma_start3A_83, %dma_start3A_94] : memref<2x16x80x125xi32, #tpu.memory_space<hbm>> -> memref<1x1x1x125xi32, #tpu.memory_space<hbm>>
    %dma_start3A_96 = tpu.memref_squeeze %dma_start3A_95 : memref<1x1x1x125xi32, #tpu.memory_space<hbm>> -> memref<125xi32, #tpu.memory_space<hbm>>
    tpu.enqueue_dma source(%dma_start3A_96 : memref<125xi32, #tpu.memory_space<hbm>>) target(%dma_start3A_93 : memref<125xi32, #tpu.memory_space<vmem>>) target_semaphore(%arg12 : memref<!tpu.dma_semaphore, #tpu.memory_space<semaphore_mem>>)
    %dma_start3A_97 = arith.constant 3 : i32
    %dma_start3A_98 = arith.constant 3 : i32
    %dma_start3A_99 = arith.constant 0 : i32
    %dma_start3A_100 = tpu.memref_slice %arg8[%dma_start3A_98, %dma_start3A_99] : memref<4x125xi32, #tpu.memory_space<vmem>> -> memref<1x125xi32, #tpu.memory_space<vmem>>
    %dma_start3A_101 = tpu.memref_squeeze %dma_start3A_100 : memref<1x125xi32, #tpu.memory_space<vmem>> -> memref<125xi32, #tpu.memory_space<vmem>>
    %dma_start3A_102 = arith.constant 0 : i32
    %dma_start3A_103 = tpu.memref_slice %arg4[%arg0, %arg1, %dma_start3A_97, %dma_start3A_102] : memref<2x16x80x125xi32, #tpu.memory_space<hbm>> -> memref<1x1x1x125xi32, #tpu.memory_space<hbm>>
    %dma_start3A_104 = tpu.memref_squeeze %dma_start3A_103 : memref<1x1x1x125xi32, #tpu.memory_space<hbm>> -> memref<125xi32, #tpu.memory_space<hbm>>
    %dma_start3A_105 = arith.constant 0 : i32
    %dma_start3A_106 = tpu.memref_slice %arg8[%dma_start3A_98, %dma_start3A_105] : memref<4x125xi32, #tpu.memory_space<vmem>> -> memref<1x125xi32, #tpu.memory_space<vmem>>
    %dma_start3A_107 = tpu.memref_squeeze %dma_start3A_106 : memref<1x125xi32, #tpu.memory_space<vmem>> -> memref<125xi32, #tpu.memory_space<vmem>>
    %dma_start3A_108 = arith.constant 0 : i32
    %dma_start3A_109 = tpu.memref_slice %arg4[%arg0, %arg1, %dma_start3A_97, %dma_start3A_108] : memref<2x16x80x125xi32, #tpu.memory_space<hbm>> -> memref<1x1x1x125xi32, #tpu.memory_space<hbm>>
    %dma_start3A_110 = tpu.memref_squeeze %dma_start3A_109 : memref<1x1x1x125xi32, #tpu.memory_space<hbm>> -> memref<125xi32, #tpu.memory_space<hbm>>
    tpu.enqueue_dma source(%dma_start3A_110 : memref<125xi32, #tpu.memory_space<hbm>>) target(%dma_start3A_107 : memref<125xi32, #tpu.memory_space<vmem>>) target_semaphore(%arg12 : memref<!tpu.dma_semaphore, #tpu.memory_space<semaphore_mem>>)
    %mul3A = arith.constant 632 : i32
    %mul3A_111 = arith.muli %arg1, %mul3A : i32
    %mul3A_112 = arith.constant 632 : i32
    %mul3A_113 = arith.muli %arg1, %mul3A_112 : i32
    "tpu.region"() ({
      %run_scoped3A = tpu.sem_alloc : memref<!tpu.dma_semaphore, #tpu.memory_space<semaphore_mem>>
      %dma_start3A_215 = arith.constant 0 : i32
      %dma_start3A_216 = tpu.memref_slice %arg10[%mul3A_113, %dma_start3A_215] : memref<10112x128xf32, #tpu.memory_space<vmem_shared>> -> memref<632x128xf32, #tpu.memory_space<vmem_shared>>
      %dma_start3A_217 = arith.constant 0 : i32
      %dma_start3A_218 = tpu.memref_slice %arg5[%mul3A_111, %dma_start3A_217] : memref<10112x128xf32, #tpu.memory_space<hbm>> -> memref<632x128xf32, #tpu.memory_space<hbm>>
      tpu.enqueue_dma source(%dma_start3A_218 : memref<632x128xf32, #tpu.memory_space<hbm>>) target(%dma_start3A_216 : memref<632x128xf32, #tpu.memory_space<vmem_shared>>) target_semaphore(%run_scoped3A : memref<!tpu.dma_semaphore, #tpu.memory_space<semaphore_mem>>)
      %dma_wait3A_219 = arith.constant 0 : i32
      %dma_wait3A_220 = tpu.memref_slice %arg10[%mul3A_113, %dma_wait3A_219] : memref<10112x128xf32, #tpu.memory_space<vmem_shared>> -> memref<632x128xf32, #tpu.memory_space<vmem_shared>>
      %dma_wait3A_221 = arith.constant 0 : i32
      %dma_wait3A_222 = tpu.memref_slice %arg5[%mul3A_111, %dma_wait3A_221] : memref<10112x128xf32, #tpu.memory_space<hbm>> -> memref<632x128xf32, #tpu.memory_space<hbm>>
      tpu.wait_dma2 semaphore(%run_scoped3A : memref<!tpu.dma_semaphore, #tpu.memory_space<semaphore_mem>>) src(%dma_wait3A_222 : memref<632x128xf32, #tpu.memory_space<hbm>>) dst(%dma_wait3A_220 : memref<632x128xf32, #tpu.memory_space<vmem_shared>>)
      tpu.yield
    }) : () -> ()
    %dma_wait3A = arith.constant 0 : i32
    %dma_wait3A_114 = arith.constant 0 : i32
    %dma_wait3A_115 = arith.constant 0 : i32
    %dma_wait3A_116 = tpu.memref_slice %arg7[%dma_wait3A_114, %dma_wait3A_115] : memref<4x125xi32, #tpu.memory_space<vmem>> -> memref<1x125xi32, #tpu.memory_space<vmem>>
    %dma_wait3A_117 = tpu.memref_squeeze %dma_wait3A_116 : memref<1x125xi32, #tpu.memory_space<vmem>> -> memref<125xi32, #tpu.memory_space<vmem>>
    %dma_wait3A_118 = arith.constant 0 : i32
    %dma_wait3A_119 = tpu.memref_slice %arg3[%arg0, %arg1, %dma_wait3A, %dma_wait3A_118] : memref<2x16x80x125xi32, #tpu.memory_space<hbm>> -> memref<1x1x1x125xi32, #tpu.memory_space<hbm>>
    %dma_wait3A_120 = tpu.memref_squeeze %dma_wait3A_119 : memref<1x1x1x125xi32, #tpu.memory_space<hbm>> -> memref<125xi32, #tpu.memory_space<hbm>>
    %dma_wait3A_121 = arith.constant 0 : i32
    %dma_wait3A_122 = tpu.memref_slice %arg7[%dma_wait3A_114, %dma_wait3A_121] : memref<4x125xi32, #tpu.memory_space<vmem>> -> memref<1x125xi32, #tpu.memory_space<vmem>>
    %dma_wait3A_123 = tpu.memref_squeeze %dma_wait3A_122 : memref<1x125xi32, #tpu.memory_space<vmem>> -> memref<125xi32, #tpu.memory_space<vmem>>
    %dma_wait3A_124 = arith.constant 0 : i32
    %dma_wait3A_125 = tpu.memref_slice %arg3[%arg0, %arg1, %dma_wait3A, %dma_wait3A_124] : memref<2x16x80x125xi32, #tpu.memory_space<hbm>> -> memref<1x1x1x125xi32, #tpu.memory_space<hbm>>
    %dma_wait3A_126 = tpu.memref_squeeze %dma_wait3A_125 : memref<1x1x1x125xi32, #tpu.memory_space<hbm>> -> memref<125xi32, #tpu.memory_space<hbm>>
    tpu.wait_dma2 semaphore(%arg12 : memref<!tpu.dma_semaphore, #tpu.memory_space<semaphore_mem>>) src(%dma_wait3A_126 : memref<125xi32, #tpu.memory_space<hbm>>) dst(%dma_wait3A_123 : memref<125xi32, #tpu.memory_space<vmem>>)
    %dma_wait3A_127 = arith.constant 0 : i32
    %dma_wait3A_128 = arith.constant 0 : i32
    %dma_wait3A_129 = arith.constant 0 : i32
    %dma_wait3A_130 = tpu.memref_slice %arg8[%dma_wait3A_128, %dma_wait3A_129] : memref<4x125xi32, #tpu.memory_space<vmem>> -> memref<1x125xi32, #tpu.memory_space<vmem>>
    %dma_wait3A_131 = tpu.memref_squeeze %dma_wait3A_130 : memref<1x125xi32, #tpu.memory_space<vmem>> -> memref<125xi32, #tpu.memory_space<vmem>>
    %dma_wait3A_132 = arith.constant 0 : i32
    %dma_wait3A_133 = tpu.memref_slice %arg4[%arg0, %arg1, %dma_wait3A_127, %dma_wait3A_132] : memref<2x16x80x125xi32, #tpu.memory_space<hbm>> -> memref<1x1x1x125xi32, #tpu.memory_space<hbm>>
    %dma_wait3A_134 = tpu.memref_squeeze %dma_wait3A_133 : memref<1x1x1x125xi32, #tpu.memory_space<hbm>> -> memref<125xi32, #tpu.memory_space<hbm>>
    %dma_wait3A_135 = arith.constant 0 : i32
    %dma_wait3A_136 = tpu.memref_slice %arg8[%dma_wait3A_128, %dma_wait3A_135] : memref<4x125xi32, #tpu.memory_space<vmem>> -> memref<1x125xi32, #tpu.memory_space<vmem>>
    %dma_wait3A_137 = tpu.memref_squeeze %dma_wait3A_136 : memref<1x125xi32, #tpu.memory_space<vmem>> -> memref<125xi32, #tpu.memory_space<vmem>>
    %dma_wait3A_138 = arith.constant 0 : i32
    %dma_wait3A_139 = tpu.memref_slice %arg4[%arg0, %arg1, %dma_wait3A_127, %dma_wait3A_138] : memref<2x16x80x125xi32, #tpu.memory_space<hbm>> -> memref<1x1x1x125xi32, #tpu.memory_space<hbm>>
    %dma_wait3A_140 = tpu.memref_squeeze %dma_wait3A_139 : memref<1x1x1x125xi32, #tpu.memory_space<hbm>> -> memref<125xi32, #tpu.memory_space<hbm>>
    tpu.wait_dma2 semaphore(%arg12 : memref<!tpu.dma_semaphore, #tpu.memory_space<semaphore_mem>>) src(%dma_wait3A_140 : memref<125xi32, #tpu.memory_space<hbm>>) dst(%dma_wait3A_137 : memref<125xi32, #tpu.memory_space<vmem>>)
    %dma_start3A_141 = arith.constant 0 : i32
    %dma_start3A_142 = arith.constant 0 : i32
    %dma_start3A_143 = arith.constant 0 : i32
    %dma_start3A_144 = arith.constant 0 : i32
    %dma_start3A_145 = tpu.memref_slice %arg9[%dma_start3A_142, %dma_start3A_143, %dma_start3A_144] : memref<3x125x128xf32, #tpu.memory_space<vmem>> -> memref<1x125x128xf32, #tpu.memory_space<vmem>>
    %dma_start3A_146 = tpu.memref_squeeze %dma_start3A_145 : memref<1x125x128xf32, #tpu.memory_space<vmem>> -> memref<125x128xf32, #tpu.memory_space<vmem>>
    %dma_start3A_147 = arith.constant 0 : i32
    %dma_start3A_148 = tpu.memref_slice %arg7[%dma_start3A_141, %dma_start3A_147] : memref<4x125xi32, #tpu.memory_space<vmem>> -> memref<1x125xi32, #tpu.memory_space<vmem>>
    %dma_start3A_149 = tpu.memref_squeeze %dma_start3A_148 : memref<1x125xi32, #tpu.memory_space<vmem>> -> memref<125xi32, #tpu.memory_space<vmem>>
    %dma_start3A_150 = arith.constant 0 : i32
    %dma_start3A_151 = arith.constant 0 : i32
    %dma_start3A_152 = tpu.memref_slice %arg2[%dma_start3A_150, %dma_start3A_151] : memref<10000x128xf32, #tpu.memory_space<hbm>> -> memref<10000x128xf32, #tpu.memory_space<hbm>>
    tpu.enqueue_indirect_dma source(%dma_start3A_152 : memref<10000x128xf32, #tpu.memory_space<hbm>>) target(%dma_start3A_146 : memref<125x128xf32, #tpu.memory_space<vmem>>) offsets(%dma_start3A_149 : memref<125xi32, #tpu.memory_space<vmem>>) semaphore(%arg11 : memref<!tpu.dma_semaphore, #tpu.memory_space<semaphore_mem>>)
    %dma_wait3A_153 = arith.constant 1 : i32
    %dma_wait3A_154 = arith.constant 1 : i32
    %dma_wait3A_155 = arith.constant 0 : i32
    %dma_wait3A_156 = tpu.memref_slice %arg7[%dma_wait3A_154, %dma_wait3A_155] : memref<4x125xi32, #tpu.memory_space<vmem>> -> memref<1x125xi32, #tpu.memory_space<vmem>>
    %dma_wait3A_157 = tpu.memref_squeeze %dma_wait3A_156 : memref<1x125xi32, #tpu.memory_space<vmem>> -> memref<125xi32, #tpu.memory_space<vmem>>
    %dma_wait3A_158 = arith.constant 0 : i32
    %dma_wait3A_159 = tpu.memref_slice %arg3[%arg0, %arg1, %dma_wait3A_153, %dma_wait3A_158] : memref<2x16x80x125xi32, #tpu.memory_space<hbm>> -> memref<1x1x1x125xi32, #tpu.memory_space<hbm>>
    %dma_wait3A_160 = tpu.memref_squeeze %dma_wait3A_159 : memref<1x1x1x125xi32, #tpu.memory_space<hbm>> -> memref<125xi32, #tpu.memory_space<hbm>>
    %dma_wait3A_161 = arith.constant 0 : i32
    %dma_wait3A_162 = tpu.memref_slice %arg7[%dma_wait3A_154, %dma_wait3A_161] : memref<4x125xi32, #tpu.memory_space<vmem>> -> memref<1x125xi32, #tpu.memory_space<vmem>>
    %dma_wait3A_163 = tpu.memref_squeeze %dma_wait3A_162 : memref<1x125xi32, #tpu.memory_space<vmem>> -> memref<125xi32, #tpu.memory_space<vmem>>
    %dma_wait3A_164 = arith.constant 0 : i32
    %dma_wait3A_165 = tpu.memref_slice %arg3[%arg0, %arg1, %dma_wait3A_153, %dma_wait3A_164] : memref<2x16x80x125xi32, #tpu.memory_space<hbm>> -> memref<1x1x1x125xi32, #tpu.memory_space<hbm>>
    %dma_wait3A_166 = tpu.memref_squeeze %dma_wait3A_165 : memref<1x1x1x125xi32, #tpu.memory_space<hbm>> -> memref<125xi32, #tpu.memory_space<hbm>>
    tpu.wait_dma2 semaphore(%arg12 : memref<!tpu.dma_semaphore, #tpu.memory_space<semaphore_mem>>) src(%dma_wait3A_166 : memref<125xi32, #tpu.memory_space<hbm>>) dst(%dma_wait3A_163 : memref<125xi32, #tpu.memory_space<vmem>>)
    %dma_wait3A_167 = arith.constant 1 : i32
    %dma_wait3A_168 = arith.constant 1 : i32
    %dma_wait3A_169 = arith.constant 0 : i32
    %dma_wait3A_170 = tpu.memref_slice %arg8[%dma_wait3A_168, %dma_wait3A_169] : memref<4x125xi32, #tpu.memory_space<vmem>> -> memref<1x125xi32, #tpu.memory_space<vmem>>
    %dma_wait3A_171 = tpu.memref_squeeze %dma_wait3A_170 : memref<1x125xi32, #tpu.memory_space<vmem>> -> memref<125xi32, #tpu.memory_space<vmem>>
    %dma_wait3A_172 = arith.constant 0 : i32
    %dma_wait3A_173 = tpu.memref_slice %arg4[%arg0, %arg1, %dma_wait3A_167, %dma_wait3A_172] : memref<2x16x80x125xi32, #tpu.memory_space<hbm>> -> memref<1x1x1x125xi32, #tpu.memory_space<hbm>>
    %dma_wait3A_174 = tpu.memref_squeeze %dma_wait3A_173 : memref<1x1x1x125xi32, #tpu.memory_space<hbm>> -> memref<125xi32, #tpu.memory_space<hbm>>
    %dma_wait3A_175 = arith.constant 0 : i32
    %dma_wait3A_176 = tpu.memref_slice %arg8[%dma_wait3A_168, %dma_wait3A_175] : memref<4x125xi32, #tpu.memory_space<vmem>> -> memref<1x125xi32, #tpu.memory_space<vmem>>
    %dma_wait3A_177 = tpu.memref_squeeze %dma_wait3A_176 : memref<1x125xi32, #tpu.memory_space<vmem>> -> memref<125xi32, #tpu.memory_space<vmem>>
    %dma_wait3A_178 = arith.constant 0 : i32
    %dma_wait3A_179 = tpu.memref_slice %arg4[%arg0, %arg1, %dma_wait3A_167, %dma_wait3A_178] : memref<2x16x80x125xi32, #tpu.memory_space<hbm>> -> memref<1x1x1x125xi32, #tpu.memory_space<hbm>>
    %dma_wait3A_180 = tpu.memref_squeeze %dma_wait3A_179 : memref<1x1x1x125xi32, #tpu.memory_space<hbm>> -> memref<125xi32, #tpu.memory_space<hbm>>
    tpu.wait_dma2 semaphore(%arg12 : memref<!tpu.dma_semaphore, #tpu.memory_space<semaphore_mem>>) src(%dma_wait3A_180 : memref<125xi32, #tpu.memory_space<hbm>>) dst(%dma_wait3A_177 : memref<125xi32, #tpu.memory_space<vmem>>)
    %dma_start3A_181 = arith.constant 1 : i32
    %dma_start3A_182 = arith.constant 1 : i32
    %dma_start3A_183 = arith.constant 0 : i32
    %dma_start3A_184 = arith.constant 0 : i32
    %dma_start3A_185 = tpu.memref_slice %arg9[%dma_start3A_182, %dma_start3A_183, %dma_start3A_184] : memref<3x125x128xf32, #tpu.memory_space<vmem>> -> memref<1x125x128xf32, #tpu.memory_space<vmem>>
    %dma_start3A_186 = tpu.memref_squeeze %dma_start3A_185 : memref<1x125x128xf32, #tpu.memory_space<vmem>> -> memref<125x128xf32, #tpu.memory_space<vmem>>
    %dma_start3A_187 = arith.constant 0 : i32
    %dma_start3A_188 = tpu.memref_slice %arg7[%dma_start3A_181, %dma_start3A_187] : memref<4x125xi32, #tpu.memory_space<vmem>> -> memref<1x125xi32, #tpu.memory_space<vmem>>
    %dma_start3A_189 = tpu.memref_squeeze %dma_start3A_188 : memref<1x125xi32, #tpu.memory_space<vmem>> -> memref<125xi32, #tpu.memory_space<vmem>>
    %dma_start3A_190 = arith.constant 0 : i32
    %dma_start3A_191 = arith.constant 0 : i32
    %dma_start3A_192 = tpu.memref_slice %arg2[%dma_start3A_190, %dma_start3A_191] : memref<10000x128xf32, #tpu.memory_space<hbm>> -> memref<10000x128xf32, #tpu.memory_space<hbm>>
    tpu.enqueue_indirect_dma source(%dma_start3A_192 : memref<10000x128xf32, #tpu.memory_space<hbm>>) target(%dma_start3A_186 : memref<125x128xf32, #tpu.memory_space<vmem>>) offsets(%dma_start3A_189 : memref<125xi32, #tpu.memory_space<vmem>>) semaphore(%arg11 : memref<!tpu.dma_semaphore, #tpu.memory_space<semaphore_mem>>)
    %barrier3A = arith.constant 0 : index
    tpu.barrier barrier_id(%barrier3A)
    %scan3A = arith.constant 0 : i32
    %scan3A_193 = arith.constant 0 : i32
    %scan3A_194 = arith.constant 80 : i32
    %scan3A_195 = arith.addi %scan3A_193, %scan3A_194 : i32
    %scan3A_196 = arith.constant 1 : i32
    scf.for %scan3A_215 = %scan3A_193 to %scan3A_195 step %scan3A_196  : i32 {
      %jit3A = arith.constant 3 : i32
      %eq3A = arith.constant 0 : i32
      %eq3A_216 = arith.cmpi eq, %jit3A, %eq3A : i32
      %jit3A_217 = arith.constant 1 : i32
      %select_n3A = arith.select %eq3A_216, %jit3A_217, %jit3A : i32
      %rem3A = arith.remsi %scan3A_215, %select_n3A : i32
      %ne3A = arith.constant 0 : i32
      %ne3A_218 = arith.cmpi ne, %rem3A, %ne3A : i32
      %lt3A = arith.constant 0 : i32
      %lt3A_219 = arith.cmpi slt, %rem3A, %lt3A : i32
      %lt3A_220 = arith.constant 0 : i32
      %lt3A_221 = arith.cmpi slt, %select_n3A, %lt3A_220 : i32
      %ne3A_222 = arith.xori %lt3A_219, %lt3A_221 : i1
      %and3A = arith.andi %ne3A_222, %ne3A_218 : i1
      %add3A = arith.addi %rem3A, %select_n3A : i32
      %select_n3A_223 = arith.select %and3A, %add3A, %rem3A : i32
      %jit3A_224 = arith.constant 4 : i32
      %eq3A_225 = arith.constant 0 : i32
      %eq3A_226 = arith.cmpi eq, %jit3A_224, %eq3A_225 : i32
      %jit3A_227 = arith.constant 1 : i32
      %select_n3A_228 = arith.select %eq3A_226, %jit3A_227, %jit3A_224 : i32
      %rem3A_229 = arith.remsi %scan3A_215, %select_n3A_228 : i32
      %ne3A_230 = arith.constant 0 : i32
      %ne3A_231 = arith.cmpi ne, %rem3A_229, %ne3A_230 : i32
      %lt3A_232 = arith.constant 0 : i32
      %lt3A_233 = arith.cmpi slt, %rem3A_229, %lt3A_232 : i32
      %lt3A_234 = arith.constant 0 : i32
      %lt3A_235 = arith.cmpi slt, %select_n3A_228, %lt3A_234 : i32
      %ne3A_236 = arith.xori %lt3A_233, %lt3A_235 : i1
      %and3A_237 = arith.andi %ne3A_236, %ne3A_231 : i1
      %add3A_238 = arith.addi %rem3A_229, %select_n3A_228 : i32
      %select_n3A_239 = arith.select %and3A_237, %add3A_238, %rem3A_229 : i32
      %dma_wait3A_240 = arith.constant 0 : i32
      %dma_wait3A_241 = arith.constant 0 : i32
      %dma_wait3A_242 = arith.constant 0 : i32
      %dma_wait3A_243 = tpu.memref_slice %arg9[%select_n3A_223, %dma_wait3A_241, %dma_wait3A_242] : memref<3x125x128xf32, #tpu.memory_space<vmem>> -> memref<1x125x128xf32, #tpu.memory_space<vmem>>
      %dma_wait3A_244 = tpu.memref_squeeze %dma_wait3A_243 : memref<1x125x128xf32, #tpu.memory_space<vmem>> -> memref<125x128xf32, #tpu.memory_space<vmem>>
      %dma_wait3A_245 = arith.constant 0 : i32
      %dma_wait3A_246 = tpu.memref_slice %arg7[%dma_wait3A_240, %dma_wait3A_245] : memref<4x125xi32, #tpu.memory_space<vmem>> -> memref<1x125xi32, #tpu.memory_space<vmem>>
      %dma_wait3A_247 = tpu.memref_squeeze %dma_wait3A_246 : memref<1x125xi32, #tpu.memory_space<vmem>> -> memref<125xi32, #tpu.memory_space<vmem>>
      %dma_wait3A_248 = arith.constant 0 : i32
      %dma_wait3A_249 = arith.constant 0 : i32
      %dma_wait3A_250 = tpu.memref_slice %arg2[%dma_wait3A_248, %dma_wait3A_249] : memref<10000x128xf32, #tpu.memory_space<hbm>> -> memref<10000x128xf32, #tpu.memory_space<hbm>>
      tpu.wait_indirect_dma semaphore(%arg11 : memref<!tpu.dma_semaphore, #tpu.memory_space<semaphore_mem>>) src(%dma_wait3A_250 : memref<10000x128xf32, #tpu.memory_space<hbm>>) dst(%dma_wait3A_244 : memref<125x128xf32, #tpu.memory_space<vmem>>)
      %dma_start3A_251 = arith.constant 0 : i32
      %dma_start3A_252 = arith.constant 0 : i32
      %dma_start3A_253 = tpu.memref_slice %arg9[%select_n3A_223, %dma_start3A_251, %dma_start3A_252] : memref<3x125x128xf32, #tpu.memory_space<vmem>> -> memref<1x125x128xf32, #tpu.memory_space<vmem>>
      %dma_start3A_254 = tpu.memref_squeeze %dma_start3A_253 : memref<1x125x128xf32, #tpu.memory_space<vmem>> -> memref<125x128xf32, #tpu.memory_space<vmem>>
      %dma_start3A_255 = arith.constant 0 : i32
      %dma_start3A_256 = tpu.memref_slice %arg8[%select_n3A_239, %dma_start3A_255] : memref<4x125xi32, #tpu.memory_space<vmem>> -> memref<1x125xi32, #tpu.memory_space<vmem>>
      %dma_start3A_257 = tpu.memref_squeeze %dma_start3A_256 : memref<1x125xi32, #tpu.memory_space<vmem>> -> memref<125xi32, #tpu.memory_space<vmem>>
      %dma_start3A_258 = arith.constant 0 : i32
      %dma_start3A_259 = arith.constant 0 : i32
      %dma_start3A_260 = tpu.memref_slice %arg10[%dma_start3A_258, %dma_start3A_259] : memref<10112x128xf32, #tpu.memory_space<vmem_shared>> -> memref<10112x128xf32, #tpu.memory_space<vmem_shared>>
      tpu.enqueue_indirect_dma source(%dma_start3A_254 : memref<125x128xf32, #tpu.memory_space<vmem>>) target(%dma_start3A_260 : memref<10112x128xf32, #tpu.memory_space<vmem_shared>>) offsets(%dma_start3A_257 : memref<125xi32, #tpu.memory_space<vmem>>) semaphore(%arg13 : memref<!tpu.dma_semaphore, #tpu.memory_space<semaphore_mem>>) {add = true}
      %ge3A = arith.constant 1 : i32
      %ge3A_261 = arith.cmpi sge, %scan3A_215, %ge3A : i32
      %convert_element_type3A = arith.extui %ge3A_261 : i1 to i32
      %cond3A = arith.constant 0 : i32
      %cond3A_262 = arith.cmpi ne, %convert_element_type3A, %cond3A : i32
      scf.if %cond3A_262 {
        %sub3A = arith.constant 1 : i32
        %sub3A_270 = arith.subi %scan3A_215, %sub3A : i32
        %jit3A_271 = arith.constant 3 : i32
        %eq3A_272 = arith.constant 0 : i32
        %eq3A_273 = arith.cmpi eq, %jit3A_271, %eq3A_272 : i32
        %jit3A_274 = arith.constant 1 : i32
        %select_n3A_275 = arith.select %eq3A_273, %jit3A_274, %jit3A_271 : i32
        %rem3A_276 = arith.remsi %sub3A_270, %select_n3A_275 : i32
        %ne3A_277 = arith.constant 0 : i32
        %ne3A_278 = arith.cmpi ne, %rem3A_276, %ne3A_277 : i32
        %lt3A_279 = arith.constant 0 : i32
        %lt3A_280 = arith.cmpi slt, %rem3A_276, %lt3A_279 : i32
        %lt3A_281 = arith.constant 0 : i32
        %lt3A_282 = arith.cmpi slt, %select_n3A_275, %lt3A_281 : i32
        %ne3A_283 = arith.xori %lt3A_280, %lt3A_282 : i1
        %and3A_284 = arith.andi %ne3A_283, %ne3A_278 : i1
        %add3A_285 = arith.addi %rem3A_276, %select_n3A_275 : i32
        %select_n3A_286 = arith.select %and3A_284, %add3A_285, %rem3A_276 : i32
        %dma_wait3A_287 = arith.constant 0 : i32
        %dma_wait3A_288 = arith.constant 0 : i32
        %dma_wait3A_289 = arith.constant 0 : i32
        %dma_wait3A_290 = tpu.memref_slice %arg9[%select_n3A_286, %dma_wait3A_288, %dma_wait3A_289] : memref<3x125x128xf32, #tpu.memory_space<vmem>> -> memref<1x125x128xf32, #tpu.memory_space<vmem>>
        %dma_wait3A_291 = tpu.memref_squeeze %dma_wait3A_290 : memref<1x125x128xf32, #tpu.memory_space<vmem>> -> memref<125x128xf32, #tpu.memory_space<vmem>>
        %dma_wait3A_292 = arith.constant 0 : i32
        %dma_wait3A_293 = tpu.memref_slice %arg8[%dma_wait3A_287, %dma_wait3A_292] : memref<4x125xi32, #tpu.memory_space<vmem>> -> memref<1x125xi32, #tpu.memory_space<vmem>>
        %dma_wait3A_294 = tpu.memref_squeeze %dma_wait3A_293 : memref<1x125xi32, #tpu.memory_space<vmem>> -> memref<125xi32, #tpu.memory_space<vmem>>
        %dma_wait3A_295 = arith.constant 0 : i32
        %dma_wait3A_296 = arith.constant 0 : i32
        %dma_wait3A_297 = tpu.memref_slice %arg10[%dma_wait3A_295, %dma_wait3A_296] : memref<10112x128xf32, #tpu.memory_space<vmem_shared>> -> memref<10112x128xf32, #tpu.memory_space<vmem_shared>>
        tpu.wait_indirect_dma semaphore(%arg13 : memref<!tpu.dma_semaphore, #tpu.memory_space<semaphore_mem>>) src(%dma_wait3A_291 : memref<125x128xf32, #tpu.memory_space<vmem>>) dst(%dma_wait3A_297 : memref<10112x128xf32, #tpu.memory_space<vmem_shared>>)
        %add3A_298 = arith.constant 3 : i32
        %add3A_299 = arith.addi %scan3A_215, %add3A_298 : i32
        %lt3A_300 = arith.constant 80 : i32
        %lt3A_301 = arith.cmpi slt, %add3A_299, %lt3A_300 : i32
        %convert_element_type3A_302 = arith.extui %lt3A_301 : i1 to i32
        %cond3A_303 = arith.constant 0 : i32
        %cond3A_304 = arith.cmpi ne, %convert_element_type3A_302, %cond3A_303 : i32
        scf.if %cond3A_304 {
          %add3A_305 = arith.constant 3 : i32
          %add3A_306 = arith.addi %scan3A_215, %add3A_305 : i32
          %sub3A_307 = arith.constant 1 : i32
          %sub3A_308 = arith.subi %scan3A_215, %sub3A_307 : i32
          %jit3A_309 = arith.constant 4 : i32
          %eq3A_310 = arith.constant 0 : i32
          %eq3A_311 = arith.cmpi eq, %jit3A_309, %eq3A_310 : i32
          %jit3A_312 = arith.constant 1 : i32
          %select_n3A_313 = arith.select %eq3A_311, %jit3A_312, %jit3A_309 : i32
          %rem3A_314 = arith.remsi %sub3A_308, %select_n3A_313 : i32
          %ne3A_315 = arith.constant 0 : i32
          %ne3A_316 = arith.cmpi ne, %rem3A_314, %ne3A_315 : i32
          %lt3A_317 = arith.constant 0 : i32
          %lt3A_318 = arith.cmpi slt, %rem3A_314, %lt3A_317 : i32
          %lt3A_319 = arith.constant 0 : i32
          %lt3A_320 = arith.cmpi slt, %select_n3A_313, %lt3A_319 : i32
          %ne3A_321 = arith.xori %lt3A_318, %lt3A_320 : i1
          %and3A_322 = arith.andi %ne3A_321, %ne3A_316 : i1
          %add3A_323 = arith.addi %rem3A_314, %select_n3A_313 : i32
          %select_n3A_324 = arith.select %and3A_322, %add3A_323, %rem3A_314 : i32
          %dma_start3A_325 = arith.constant 0 : i32
          %dma_start3A_326 = tpu.memref_slice %arg7[%select_n3A_324, %dma_start3A_325] : memref<4x125xi32, #tpu.memory_space<vmem>> -> memref<1x125xi32, #tpu.memory_space<vmem>>
          %dma_start3A_327 = tpu.memref_squeeze %dma_start3A_326 : memref<1x125xi32, #tpu.memory_space<vmem>> -> memref<125xi32, #tpu.memory_space<vmem>>
          %dma_start3A_328 = arith.constant 0 : i32
          %dma_start3A_329 = tpu.memref_slice %arg3[%arg0, %arg1, %add3A_306, %dma_start3A_328] : memref<2x16x80x125xi32, #tpu.memory_space<hbm>> -> memref<1x1x1x125xi32, #tpu.memory_space<hbm>>
          %dma_start3A_330 = tpu.memref_squeeze %dma_start3A_329 : memref<1x1x1x125xi32, #tpu.memory_space<hbm>> -> memref<125xi32, #tpu.memory_space<hbm>>
          %dma_start3A_331 = arith.constant 0 : i32
          %dma_start3A_332 = tpu.memref_slice %arg7[%select_n3A_324, %dma_start3A_331] : memref<4x125xi32, #tpu.memory_space<vmem>> -> memref<1x125xi32, #tpu.memory_space<vmem>>
          %dma_start3A_333 = tpu.memref_squeeze %dma_start3A_332 : memref<1x125xi32, #tpu.memory_space<vmem>> -> memref<125xi32, #tpu.memory_space<vmem>>
          %dma_start3A_334 = arith.constant 0 : i32
          %dma_start3A_335 = tpu.memref_slice %arg3[%arg0, %arg1, %add3A_306, %dma_start3A_334] : memref<2x16x80x125xi32, #tpu.memory_space<hbm>> -> memref<1x1x1x125xi32, #tpu.memory_space<hbm>>
          %dma_start3A_336 = tpu.memref_squeeze %dma_start3A_335 : memref<1x1x1x125xi32, #tpu.memory_space<hbm>> -> memref<125xi32, #tpu.memory_space<hbm>>
          tpu.enqueue_dma source(%dma_start3A_336 : memref<125xi32, #tpu.memory_space<hbm>>) target(%dma_start3A_333 : memref<125xi32, #tpu.memory_space<vmem>>) target_semaphore(%arg12 : memref<!tpu.dma_semaphore, #tpu.memory_space<semaphore_mem>>)
          %dma_start3A_337 = arith.constant 0 : i32
          %dma_start3A_338 = tpu.memref_slice %arg8[%select_n3A_324, %dma_start3A_337] : memref<4x125xi32, #tpu.memory_space<vmem>> -> memref<1x125xi32, #tpu.memory_space<vmem>>
          %dma_start3A_339 = tpu.memref_squeeze %dma_start3A_338 : memref<1x125xi32, #tpu.memory_space<vmem>> -> memref<125xi32, #tpu.memory_space<vmem>>
          %dma_start3A_340 = arith.constant 0 : i32
          %dma_start3A_341 = tpu.memref_slice %arg4[%arg0, %arg1, %add3A_306, %dma_start3A_340] : memref<2x16x80x125xi32, #tpu.memory_space<hbm>> -> memref<1x1x1x125xi32, #tpu.memory_space<hbm>>
          %dma_start3A_342 = tpu.memref_squeeze %dma_start3A_341 : memref<1x1x1x125xi32, #tpu.memory_space<hbm>> -> memref<125xi32, #tpu.memory_space<hbm>>
          %dma_start3A_343 = arith.constant 0 : i32
          %dma_start3A_344 = tpu.memref_slice %arg8[%select_n3A_324, %dma_start3A_343] : memref<4x125xi32, #tpu.memory_space<vmem>> -> memref<1x125xi32, #tpu.memory_space<vmem>>
          %dma_start3A_345 = tpu.memref_squeeze %dma_start3A_344 : memref<1x125xi32, #tpu.memory_space<vmem>> -> memref<125xi32, #tpu.memory_space<vmem>>
          %dma_start3A_346 = arith.constant 0 : i32
          %dma_start3A_347 = tpu.memref_slice %arg4[%arg0, %arg1, %add3A_306, %dma_start3A_346] : memref<2x16x80x125xi32, #tpu.memory_space<hbm>> -> memref<1x1x1x125xi32, #tpu.memory_space<hbm>>
          %dma_start3A_348 = tpu.memref_squeeze %dma_start3A_347 : memref<1x1x1x125xi32, #tpu.memory_space<hbm>> -> memref<125xi32, #tpu.memory_space<hbm>>
          tpu.enqueue_dma source(%dma_start3A_348 : memref<125xi32, #tpu.memory_space<hbm>>) target(%dma_start3A_345 : memref<125xi32, #tpu.memory_space<vmem>>) target_semaphore(%arg12 : memref<!tpu.dma_semaphore, #tpu.memory_space<semaphore_mem>>)
        } else {
        }
      } else {
      }
      %add3A_263 = arith.constant 2 : i32
      %add3A_264 = arith.addi %scan3A_215, %add3A_263 : i32
      %lt3A_265 = arith.constant 80 : i32
      %lt3A_266 = arith.cmpi slt, %add3A_264, %lt3A_265 : i32
      %convert_element_type3A_267 = arith.extui %lt3A_266 : i1 to i32
      %cond3A_268 = arith.constant 0 : i32
      %cond3A_269 = arith.cmpi ne, %convert_element_type3A_267, %cond3A_268 : i32
      scf.if %cond3A_269 {
        %add3A_270 = arith.constant 2 : i32
        %add3A_271 = arith.addi %scan3A_215, %add3A_270 : i32
        %add3A_272 = arith.constant 2 : i32
        %add3A_273 = arith.addi %scan3A_215, %add3A_272 : i32
        %jit3A_274 = arith.constant 4 : i32
        %eq3A_275 = arith.constant 0 : i32
        %eq3A_276 = arith.cmpi eq, %jit3A_274, %eq3A_275 : i32
        %jit3A_277 = arith.constant 1 : i32
        %select_n3A_278 = arith.select %eq3A_276, %jit3A_277, %jit3A_274 : i32
        %rem3A_279 = arith.remsi %add3A_273, %select_n3A_278 : i32
        %ne3A_280 = arith.constant 0 : i32
        %ne3A_281 = arith.cmpi ne, %rem3A_279, %ne3A_280 : i32
        %lt3A_282 = arith.constant 0 : i32
        %lt3A_283 = arith.cmpi slt, %rem3A_279, %lt3A_282 : i32
        %lt3A_284 = arith.constant 0 : i32
        %lt3A_285 = arith.cmpi slt, %select_n3A_278, %lt3A_284 : i32
        %ne3A_286 = arith.xori %lt3A_283, %lt3A_285 : i1
        %and3A_287 = arith.andi %ne3A_286, %ne3A_281 : i1
        %add3A_288 = arith.addi %rem3A_279, %select_n3A_278 : i32
        %select_n3A_289 = arith.select %and3A_287, %add3A_288, %rem3A_279 : i32
        %dma_wait3A_290 = arith.constant 0 : i32
        %dma_wait3A_291 = tpu.memref_slice %arg7[%select_n3A_289, %dma_wait3A_290] : memref<4x125xi32, #tpu.memory_space<vmem>> -> memref<1x125xi32, #tpu.memory_space<vmem>>
        %dma_wait3A_292 = tpu.memref_squeeze %dma_wait3A_291 : memref<1x125xi32, #tpu.memory_space<vmem>> -> memref<125xi32, #tpu.memory_space<vmem>>
        %dma_wait3A_293 = arith.constant 0 : i32
        %dma_wait3A_294 = tpu.memref_slice %arg3[%arg0, %arg1, %add3A_271, %dma_wait3A_293] : memref<2x16x80x125xi32, #tpu.memory_space<hbm>> -> memref<1x1x1x125xi32, #tpu.memory_space<hbm>>
        %dma_wait3A_295 = tpu.memref_squeeze %dma_wait3A_294 : memref<1x1x1x125xi32, #tpu.memory_space<hbm>> -> memref<125xi32, #tpu.memory_space<hbm>>
        %dma_wait3A_296 = arith.constant 0 : i32
        %dma_wait3A_297 = tpu.memref_slice %arg7[%select_n3A_289, %dma_wait3A_296] : memref<4x125xi32, #tpu.memory_space<vmem>> -> memref<1x125xi32, #tpu.memory_space<vmem>>
        %dma_wait3A_298 = tpu.memref_squeeze %dma_wait3A_297 : memref<1x125xi32, #tpu.memory_space<vmem>> -> memref<125xi32, #tpu.memory_space<vmem>>
        %dma_wait3A_299 = arith.constant 0 : i32
        %dma_wait3A_300 = tpu.memref_slice %arg3[%arg0, %arg1, %add3A_271, %dma_wait3A_299] : memref<2x16x80x125xi32, #tpu.memory_space<hbm>> -> memref<1x1x1x125xi32, #tpu.memory_space<hbm>>
        %dma_wait3A_301 = tpu.memref_squeeze %dma_wait3A_300 : memref<1x1x1x125xi32, #tpu.memory_space<hbm>> -> memref<125xi32, #tpu.memory_space<hbm>>
        tpu.wait_dma2 semaphore(%arg12 : memref<!tpu.dma_semaphore, #tpu.memory_space<semaphore_mem>>) src(%dma_wait3A_301 : memref<125xi32, #tpu.memory_space<hbm>>) dst(%dma_wait3A_298 : memref<125xi32, #tpu.memory_space<vmem>>)
        %dma_wait3A_302 = arith.constant 0 : i32
        %dma_wait3A_303 = tpu.memref_slice %arg8[%select_n3A_289, %dma_wait3A_302] : memref<4x125xi32, #tpu.memory_space<vmem>> -> memref<1x125xi32, #tpu.memory_space<vmem>>
        %dma_wait3A_304 = tpu.memref_squeeze %dma_wait3A_303 : memref<1x125xi32, #tpu.memory_space<vmem>> -> memref<125xi32, #tpu.memory_space<vmem>>
        %dma_wait3A_305 = arith.constant 0 : i32
        %dma_wait3A_306 = tpu.memref_slice %arg4[%arg0, %arg1, %add3A_271, %dma_wait3A_305] : memref<2x16x80x125xi32, #tpu.memory_space<hbm>> -> memref<1x1x1x125xi32, #tpu.memory_space<hbm>>
        %dma_wait3A_307 = tpu.memref_squeeze %dma_wait3A_306 : memref<1x1x1x125xi32, #tpu.memory_space<hbm>> -> memref<125xi32, #tpu.memory_space<hbm>>
        %dma_wait3A_308 = arith.constant 0 : i32
        %dma_wait3A_309 = tpu.memref_slice %arg8[%select_n3A_289, %dma_wait3A_308] : memref<4x125xi32, #tpu.memory_space<vmem>> -> memref<1x125xi32, #tpu.memory_space<vmem>>
        %dma_wait3A_310 = tpu.memref_squeeze %dma_wait3A_309 : memref<1x125xi32, #tpu.memory_space<vmem>> -> memref<125xi32, #tpu.memory_space<vmem>>
        %dma_wait3A_311 = arith.constant 0 : i32
        %dma_wait3A_312 = tpu.memref_slice %arg4[%arg0, %arg1, %add3A_271, %dma_wait3A_311] : memref<2x16x80x125xi32, #tpu.memory_space<hbm>> -> memref<1x1x1x125xi32, #tpu.memory_space<hbm>>
        %dma_wait3A_313 = tpu.memref_squeeze %dma_wait3A_312 : memref<1x1x1x125xi32, #tpu.memory_space<hbm>> -> memref<125xi32, #tpu.memory_space<hbm>>
        tpu.wait_dma2 semaphore(%arg12 : memref<!tpu.dma_semaphore, #tpu.memory_space<semaphore_mem>>) src(%dma_wait3A_313 : memref<125xi32, #tpu.memory_space<hbm>>) dst(%dma_wait3A_310 : memref<125xi32, #tpu.memory_space<vmem>>)
        %add3A_314 = arith.constant 2 : i32
        %add3A_315 = arith.addi %scan3A_215, %add3A_314 : i32
        %jit3A_316 = arith.constant 4 : i32
        %eq3A_317 = arith.constant 0 : i32
        %eq3A_318 = arith.cmpi eq, %jit3A_316, %eq3A_317 : i32
        %jit3A_319 = arith.constant 1 : i32
        %select_n3A_320 = arith.select %eq3A_318, %jit3A_319, %jit3A_316 : i32
        %rem3A_321 = arith.remsi %add3A_315, %select_n3A_320 : i32
        %ne3A_322 = arith.constant 0 : i32
        %ne3A_323 = arith.cmpi ne, %rem3A_321, %ne3A_322 : i32
        %lt3A_324 = arith.constant 0 : i32
        %lt3A_325 = arith.cmpi slt, %rem3A_321, %lt3A_324 : i32
        %lt3A_326 = arith.constant 0 : i32
        %lt3A_327 = arith.cmpi slt, %select_n3A_320, %lt3A_326 : i32
        %ne3A_328 = arith.xori %lt3A_325, %lt3A_327 : i1
        %and3A_329 = arith.andi %ne3A_328, %ne3A_323 : i1
        %add3A_330 = arith.addi %rem3A_321, %select_n3A_320 : i32
        %select_n3A_331 = arith.select %and3A_329, %add3A_330, %rem3A_321 : i32
        %add3A_332 = arith.constant 2 : i32
        %add3A_333 = arith.addi %scan3A_215, %add3A_332 : i32
        %jit3A_334 = arith.constant 3 : i32
        %eq3A_335 = arith.constant 0 : i32
        %eq3A_336 = arith.cmpi eq, %jit3A_334, %eq3A_335 : i32
        %jit3A_337 = arith.constant 1 : i32
        %select_n3A_338 = arith.select %eq3A_336, %jit3A_337, %jit3A_334 : i32
        %rem3A_339 = arith.remsi %add3A_333, %select_n3A_338 : i32
        %ne3A_340 = arith.constant 0 : i32
        %ne3A_341 = arith.cmpi ne, %rem3A_339, %ne3A_340 : i32
        %lt3A_342 = arith.constant 0 : i32
        %lt3A_343 = arith.cmpi slt, %rem3A_339, %lt3A_342 : i32
        %lt3A_344 = arith.constant 0 : i32
        %lt3A_345 = arith.cmpi slt, %select_n3A_338, %lt3A_344 : i32
        %ne3A_346 = arith.xori %lt3A_343, %lt3A_345 : i1
        %and3A_347 = arith.andi %ne3A_346, %ne3A_341 : i1
        %add3A_348 = arith.addi %rem3A_339, %select_n3A_338 : i32
        %select_n3A_349 = arith.select %and3A_347, %add3A_348, %rem3A_339 : i32
        %dma_start3A_350 = arith.constant 0 : i32
        %dma_start3A_351 = arith.constant 0 : i32
        %dma_start3A_352 = tpu.memref_slice %arg9[%select_n3A_349, %dma_start3A_350, %dma_start3A_351] : memref<3x125x128xf32, #tpu.memory_space<vmem>> -> memref<1x125x128xf32, #tpu.memory_space<vmem>>
        %dma_start3A_353 = tpu.memref_squeeze %dma_start3A_352 : memref<1x125x128xf32, #tpu.memory_space<vmem>> -> memref<125x128xf32, #tpu.memory_space<vmem>>
        %dma_start3A_354 = arith.constant 0 : i32
        %dma_start3A_355 = tpu.memref_slice %arg7[%select_n3A_331, %dma_start3A_354] : memref<4x125xi32, #tpu.memory_space<vmem>> -> memref<1x125xi32, #tpu.memory_space<vmem>>
        %dma_start3A_356 = tpu.memref_squeeze %dma_start3A_355 : memref<1x125xi32, #tpu.memory_space<vmem>> -> memref<125xi32, #tpu.memory_space<vmem>>
        %dma_start3A_357 = arith.constant 0 : i32
        %dma_start3A_358 = arith.constant 0 : i32
        %dma_start3A_359 = tpu.memref_slice %arg2[%dma_start3A_357, %dma_start3A_358] : memref<10000x128xf32, #tpu.memory_space<hbm>> -> memref<10000x128xf32, #tpu.memory_space<hbm>>
        tpu.enqueue_indirect_dma source(%dma_start3A_359 : memref<10000x128xf32, #tpu.memory_space<hbm>>) target(%dma_start3A_353 : memref<125x128xf32, #tpu.memory_space<vmem>>) offsets(%dma_start3A_356 : memref<125xi32, #tpu.memory_space<vmem>>) semaphore(%arg11 : memref<!tpu.dma_semaphore, #tpu.memory_space<semaphore_mem>>)
      } else {
      }
    }
    %scan3A_197 = arith.constant 80 : i32
    %dma_wait3A_198 = arith.constant 1 : i32
    %dma_wait3A_199 = arith.constant 0 : i32
    %dma_wait3A_200 = arith.constant 0 : i32
    %dma_wait3A_201 = arith.constant 0 : i32
    %dma_wait3A_202 = tpu.memref_slice %arg9[%dma_wait3A_198, %dma_wait3A_200, %dma_wait3A_201] : memref<3x125x128xf32, #tpu.memory_space<vmem>> -> memref<1x125x128xf32, #tpu.memory_space<vmem>>
    %dma_wait3A_203 = tpu.memref_squeeze %dma_wait3A_202 : memref<1x125x128xf32, #tpu.memory_space<vmem>> -> memref<125x128xf32, #tpu.memory_space<vmem>>
    %dma_wait3A_204 = arith.constant 0 : i32
    %dma_wait3A_205 = tpu.memref_slice %arg8[%dma_wait3A_199, %dma_wait3A_204] : memref<4x125xi32, #tpu.memory_space<vmem>> -> memref<1x125xi32, #tpu.memory_space<vmem>>
    %dma_wait3A_206 = tpu.memref_squeeze %dma_wait3A_205 : memref<1x125xi32, #tpu.memory_space<vmem>> -> memref<125xi32, #tpu.memory_space<vmem>>
    %dma_wait3A_207 = arith.constant 0 : i32
    %dma_wait3A_208 = arith.constant 0 : i32
    %dma_wait3A_209 = tpu.memref_slice %arg10[%dma_wait3A_207, %dma_wait3A_208] : memref<10112x128xf32, #tpu.memory_space<vmem_shared>> -> memref<10112x128xf32, #tpu.memory_space<vmem_shared>>
    tpu.wait_indirect_dma semaphore(%arg13 : memref<!tpu.dma_semaphore, #tpu.memory_space<semaphore_mem>>) src(%dma_wait3A_203 : memref<125x128xf32, #tpu.memory_space<vmem>>) dst(%dma_wait3A_209 : memref<10112x128xf32, #tpu.memory_space<vmem_shared>>)
    %barrier3A_210 = arith.constant 0 : index
    tpu.barrier barrier_id(%barrier3A_210)
    %mul3A_211 = arith.constant 632 : i32
    %mul3A_212 = arith.muli %arg1, %mul3A_211 : i32
    %mul3A_213 = arith.constant 632 : i32
    %mul3A_214 = arith.muli %arg1, %mul3A_213 : i32
    "tpu.region"() ({
      %run_scoped3A = tpu.sem_alloc : memref<!tpu.dma_semaphore, #tpu.memory_space<semaphore_mem>>
      %dma_start3A_215 = arith.constant 0 : i32
      %dma_start3A_216 = tpu.memref_slice %arg6[%arg0, %mul3A_214, %dma_start3A_215] : memref<2x10112x128xf32, #tpu.memory_space<hbm>> -> memref<1x632x128xf32, #tpu.memory_space<hbm>>
      %dma_start3A_217 = tpu.memref_squeeze %dma_start3A_216 : memref<1x632x128xf32, #tpu.memory_space<hbm>> -> memref<632x128xf32, #tpu.memory_space<hbm>>
      %dma_start3A_218 = arith.constant 0 : i32
      %dma_start3A_219 = tpu.memref_slice %arg10[%mul3A_212, %dma_start3A_218] : memref<10112x128xf32, #tpu.memory_space<vmem_shared>> -> memref<632x128xf32, #tpu.memory_space<vmem_shared>>
      tpu.enqueue_dma source(%dma_start3A_219 : memref<632x128xf32, #tpu.memory_space<vmem_shared>>) target(%dma_start3A_217 : memref<632x128xf32, #tpu.memory_space<hbm>>) target_semaphore(%run_scoped3A : memref<!tpu.dma_semaphore, #tpu.memory_space<semaphore_mem>>)
      %dma_wait3A_220 = arith.constant 0 : i32
      %dma_wait3A_221 = tpu.memref_slice %arg6[%arg0, %mul3A_214, %dma_wait3A_220] : memref<2x10112x128xf32, #tpu.memory_space<hbm>> -> memref<1x632x128xf32, #tpu.memory_space<hbm>>
      %dma_wait3A_222 = tpu.memref_squeeze %dma_wait3A_221 : memref<1x632x128xf32, #tpu.memory_space<hbm>> -> memref<632x128xf32, #tpu.memory_space<hbm>>
      %dma_wait3A_223 = arith.constant 0 : i32
      %dma_wait3A_224 = tpu.memref_slice %arg10[%mul3A_212, %dma_wait3A_223] : memref<10112x128xf32, #tpu.memory_space<vmem_shared>> -> memref<632x128xf32, #tpu.memory_space<vmem_shared>>
      tpu.wait_dma2 semaphore(%run_scoped3A : memref<!tpu.dma_semaphore, #tpu.memory_space<semaphore_mem>>) src(%dma_wait3A_224 : memref<632x128xf32, #tpu.memory_space<vmem_shared>>) dst(%dma_wait3A_222 : memref<632x128xf32, #tpu.memory_space<hbm>>)
      tpu.yield
    }) : () -> ()
    return
  }
}

#map = affine_map<(d0, d1) -> (0, 0)>
#map1 = affine_map<(d0, d1) -> (0, 0, 0, 0)>
#map2 = affine_map<(d0, d1) -> (0, 0, 0)>
module attributes {stable_mosaic.version = 14 : i64} {
  func.func @k(%arg0: i32, %arg1: i32, %arg2: memref<10000x128xf32, #tpu.memory_space<hbm>>, %arg3: memref<2x16x80x125xi32, #tpu.memory_space<hbm>>, %arg4: memref<2x16x80x125xi32, #tpu.memory_space<hbm>>, %arg5: memref<10112x128xf32, #tpu.memory_space<hbm>>, %arg6: memref<2x10112x128xf32, #tpu.memory_space<hbm>>, %arg7: memref<4x125xi32, #tpu.memory_space<vmem>>, %arg8: memref<4x125xi32, #tpu.memory_space<vmem>>, %arg9: memref<3x125x128xf32, #tpu.memory_space<vmem>>, %arg10: memref<10112x128xf32, #tpu.memory_space<vmem_shared>>, %arg11: memref<!tpu.dma_semaphore, #tpu.memory_space<semaphore_mem>>, %arg12: memref<!tpu.dma_semaphore, #tpu.memory_space<semaphore_mem>>, %arg13: memref<!tpu.dma_semaphore, #tpu.memory_space<semaphore_mem>>) attributes {dimension_semantics = [#tpu.dimension_semantics<core_parallel>, #tpu.dimension_semantics<subcore_parallel>], iteration_bounds = array<i64: 2, 16>, scalar_prefetch = 0 : i64, scratch_operands = 7 : i64, tpu.core_type = #tpu.core_type<sc_vector_subcore>, window_params = [{transform_indices = #map}, {transform_indices = #map1}, {transform_indices = #map1}, {transform_indices = #map}, {transform_indices = #map2}]} {
    %dma_start3A = arith.constant 0 : i32
    %dma_start3A_0 = arith.constant 0 : i32
    %dma_start3A_1 = arith.constant 0 : i32
    %dma_start3A_2 = tpu.memref_slice %arg7[%dma_start3A_0, %dma_start3A_1] : memref<4x125xi32, #tpu.memory_space<vmem>> -> memref<1x125xi32, #tpu.memory_space<vmem>>
    %dma_start3A_3 = tpu.memref_squeeze %dma_start3A_2 : memref<1x125xi32, #tpu.memory_space<vmem>> -> memref<125xi32, #tpu.memory_space<vmem>>
    %dma_start3A_4 = arith.constant 0 : i32
    %dma_start3A_5 = tpu.memref_slice %arg3[%arg0, %arg1, %dma_start3A, %dma_start3A_4] : memref<2x16x80x125xi32, #tpu.memory_space<hbm>> -> memref<1x1x1x125xi32, #tpu.memory_space<hbm>>
    %dma_start3A_6 = tpu.memref_squeeze %dma_start3A_5 : memref<1x1x1x125xi32, #tpu.memory_space<hbm>> -> memref<125xi32, #tpu.memory_space<hbm>>
    %dma_start3A_7 = arith.constant 0 : i32
    %dma_start3A_8 = tpu.memref_slice %arg7[%dma_start3A_0, %dma_start3A_7] : memref<4x125xi32, #tpu.memory_space<vmem>> -> memref<1x125xi32, #tpu.memory_space<vmem>>
    %dma_start3A_9 = tpu.memref_squeeze %dma_start3A_8 : memref<1x125xi32, #tpu.memory_space<vmem>> -> memref<125xi32, #tpu.memory_space<vmem>>
    %dma_start3A_10 = arith.constant 0 : i32
    %dma_start3A_11 = tpu.memref_slice %arg3[%arg0, %arg1, %dma_start3A, %dma_start3A_10] : memref<2x16x80x125xi32, #tpu.memory_space<hbm>> -> memref<1x1x1x125xi32, #tpu.memory_space<hbm>>
    %dma_start3A_12 = tpu.memref_squeeze %dma_start3A_11 : memref<1x1x1x125xi32, #tpu.memory_space<hbm>> -> memref<125xi32, #tpu.memory_space<hbm>>
    tpu.enqueue_dma source(%dma_start3A_12 : memref<125xi32, #tpu.memory_space<hbm>>) target(%dma_start3A_9 : memref<125xi32, #tpu.memory_space<vmem>>) target_semaphore(%arg12 : memref<!tpu.dma_semaphore, #tpu.memory_space<semaphore_mem>>)
    %dma_start3A_13 = arith.constant 0 : i32
    %dma_start3A_14 = arith.constant 0 : i32
    %dma_start3A_15 = arith.constant 0 : i32
    %dma_start3A_16 = tpu.memref_slice %arg8[%dma_start3A_14, %dma_start3A_15] : memref<4x125xi32, #tpu.memory_space<vmem>> -> memref<1x125xi32, #tpu.memory_space<vmem>>
    %dma_start3A_17 = tpu.memref_squeeze %dma_start3A_16 : memref<1x125xi32, #tpu.memory_space<vmem>> -> memref<125xi32, #tpu.memory_space<vmem>>
    %dma_start3A_18 = arith.constant 0 : i32
    %dma_start3A_19 = tpu.memref_slice %arg4[%arg0, %arg1, %dma_start3A_13, %dma_start3A_18] : memref<2x16x80x125xi32, #tpu.memory_space<hbm>> -> memref<1x1x1x125xi32, #tpu.memory_space<hbm>>
    %dma_start3A_20 = tpu.memref_squeeze %dma_start3A_19 : memref<1x1x1x125xi32, #tpu.memory_space<hbm>> -> memref<125xi32, #tpu.memory_space<hbm>>
    %dma_start3A_21 = arith.constant 0 : i32
    %dma_start3A_22 = tpu.memref_slice %arg8[%dma_start3A_14, %dma_start3A_21] : memref<4x125xi32, #tpu.memory_space<vmem>> -> memref<1x125xi32, #tpu.memory_space<vmem>>
    %dma_start3A_23 = tpu.memref_squeeze %dma_start3A_22 : memref<1x125xi32, #tpu.memory_space<vmem>> -> memref<125xi32, #tpu.memory_space<vmem>>
    %dma_start3A_24 = arith.constant 0 : i32
    %dma_start3A_25 = tpu.memref_slice %arg4[%arg0, %arg1, %dma_start3A_13, %dma_start3A_24] : memref<2x16x80x125xi32, #tpu.memory_space<hbm>> -> memref<1x1x1x125xi32, #tpu.memory_space<hbm>>
    %dma_start3A_26 = tpu.memref_squeeze %dma_start3A_25 : memref<1x1x1x125xi32, #tpu.memory_space<hbm>> -> memref<125xi32, #tpu.memory_space<hbm>>
    tpu.enqueue_dma source(%dma_start3A_26 : memref<125xi32, #tpu.memory_space<hbm>>) target(%dma_start3A_23 : memref<125xi32, #tpu.memory_space<vmem>>) target_semaphore(%arg12 : memref<!tpu.dma_semaphore, #tpu.memory_space<semaphore_mem>>)
    %dma_start3A_27 = arith.constant 1 : i32
    %dma_start3A_28 = arith.constant 1 : i32
    %dma_start3A_29 = arith.constant 0 : i32
    %dma_start3A_30 = tpu.memref_slice %arg7[%dma_start3A_28, %dma_start3A_29] : memref<4x125xi32, #tpu.memory_space<vmem>> -> memref<1x125xi32, #tpu.memory_space<vmem>>
    %dma_start3A_31 = tpu.memref_squeeze %dma_start3A_30 : memref<1x125xi32, #tpu.memory_space<vmem>> -> memref<125xi32, #tpu.memory_space<vmem>>
    %dma_start3A_32 = arith.constant 0 : i32
    %dma_start3A_33 = tpu.memref_slice %arg3[%arg0, %arg1, %dma_start3A_27, %dma_start3A_32] : memref<2x16x80x125xi32, #tpu.memory_space<hbm>> -> memref<1x1x1x125xi32, #tpu.memory_space<hbm>>
    %dma_start3A_34 = tpu.memref_squeeze %dma_start3A_33 : memref<1x1x1x125xi32, #tpu.memory_space<hbm>> -> memref<125xi32, #tpu.memory_space<hbm>>
    %dma_start3A_35 = arith.constant 0 : i32
    %dma_start3A_36 = tpu.memref_slice %arg7[%dma_start3A_28, %dma_start3A_35] : memref<4x125xi32, #tpu.memory_space<vmem>> -> memref<1x125xi32, #tpu.memory_space<vmem>>
    %dma_start3A_37 = tpu.memref_squeeze %dma_start3A_36 : memref<1x125xi32, #tpu.memory_space<vmem>> -> memref<125xi32, #tpu.memory_space<vmem>>
    %dma_start3A_38 = arith.constant 0 : i32
    %dma_start3A_39 = tpu.memref_slice %arg3[%arg0, %arg1, %dma_start3A_27, %dma_start3A_38] : memref<2x16x80x125xi32, #tpu.memory_space<hbm>> -> memref<1x1x1x125xi32, #tpu.memory_space<hbm>>
    %dma_start3A_40 = tpu.memref_squeeze %dma_start3A_39 : memref<1x1x1x125xi32, #tpu.memory_space<hbm>> -> memref<125xi32, #tpu.memory_space<hbm>>
    tpu.enqueue_dma source(%dma_start3A_40 : memref<125xi32, #tpu.memory_space<hbm>>) target(%dma_start3A_37 : memref<125xi32, #tpu.memory_space<vmem>>) target_semaphore(%arg12 : memref<!tpu.dma_semaphore, #tpu.memory_space<semaphore_mem>>)
    %dma_start3A_41 = arith.constant 1 : i32
    %dma_start3A_42 = arith.constant 1 : i32
    %dma_start3A_43 = arith.constant 0 : i32
    %dma_start3A_44 = tpu.memref_slice %arg8[%dma_start3A_42, %dma_start3A_43] : memref<4x125xi32, #tpu.memory_space<vmem>> -> memref<1x125xi32, #tpu.memory_space<vmem>>
    %dma_start3A_45 = tpu.memref_squeeze %dma_start3A_44 : memref<1x125xi32, #tpu.memory_space<vmem>> -> memref<125xi32, #tpu.memory_space<vmem>>
    %dma_start3A_46 = arith.constant 0 : i32
    %dma_start3A_47 = tpu.memref_slice %arg4[%arg0, %arg1, %dma_start3A_41, %dma_start3A_46] : memref<2x16x80x125xi32, #tpu.memory_space<hbm>> -> memref<1x1x1x125xi32, #tpu.memory_space<hbm>>
    %dma_start3A_48 = tpu.memref_squeeze %dma_start3A_47 : memref<1x1x1x125xi32, #tpu.memory_space<hbm>> -> memref<125xi32, #tpu.memory_space<hbm>>
    %dma_start3A_49 = arith.constant 0 : i32
    %dma_start3A_50 = tpu.memref_slice %arg8[%dma_start3A_42, %dma_start3A_49] : memref<4x125xi32, #tpu.memory_space<vmem>> -> memref<1x125xi32, #tpu.memory_space<vmem>>
    %dma_start3A_51 = tpu.memref_squeeze %dma_start3A_50 : memref<1x125xi32, #tpu.memory_space<vmem>> -> memref<125xi32, #tpu.memory_space<vmem>>
    %dma_start3A_52 = arith.constant 0 : i32
    %dma_start3A_53 = tpu.memref_slice %arg4[%arg0, %arg1, %dma_start3A_41, %dma_start3A_52] : memref<2x16x80x125xi32, #tpu.memory_space<hbm>> -> memref<1x1x1x125xi32, #tpu.memory_space<hbm>>
    %dma_start3A_54 = tpu.memref_squeeze %dma_start3A_53 : memref<1x1x1x125xi32, #tpu.memory_space<hbm>> -> memref<125xi32, #tpu.memory_space<hbm>>
    tpu.enqueue_dma source(%dma_start3A_54 : memref<125xi32, #tpu.memory_space<hbm>>) target(%dma_start3A_51 : memref<125xi32, #tpu.memory_space<vmem>>) target_semaphore(%arg12 : memref<!tpu.dma_semaphore, #tpu.memory_space<semaphore_mem>>)
    %dma_start3A_55 = arith.constant 2 : i32
    %dma_start3A_56 = arith.constant 2 : i32
    %dma_start3A_57 = arith.constant 0 : i32
    %dma_start3A_58 = tpu.memref_slice %arg7[%dma_start3A_56, %dma_start3A_57] : memref<4x125xi32, #tpu.memory_space<vmem>> -> memref<1x125xi32, #tpu.memory_space<vmem>>
    %dma_start3A_59 = tpu.memref_squeeze %dma_start3A_58 : memref<1x125xi32, #tpu.memory_space<vmem>> -> memref<125xi32, #tpu.memory_space<vmem>>
    %dma_start3A_60 = arith.constant 0 : i32
    %dma_start3A_61 = tpu.memref_slice %arg3[%arg0, %arg1, %dma_start3A_55, %dma_start3A_60] : memref<2x16x80x125xi32, #tpu.memory_space<hbm>> -> memref<1x1x1x125xi32, #tpu.memory_space<hbm>>
    %dma_start3A_62 = tpu.memref_squeeze %dma_start3A_61 : memref<1x1x1x125xi32, #tpu.memory_space<hbm>> -> memref<125xi32, #tpu.memory_space<hbm>>
    %dma_start3A_63 = arith.constant 0 : i32
    %dma_start3A_64 = tpu.memref_slice %arg7[%dma_start3A_56, %dma_start3A_63] : memref<4x125xi32, #tpu.memory_space<vmem>> -> memref<1x125xi32, #tpu.memory_space<vmem>>
    %dma_start3A_65 = tpu.memref_squeeze %dma_start3A_64 : memref<1x125xi32, #tpu.memory_space<vmem>> -> memref<125xi32, #tpu.memory_space<vmem>>
    %dma_start3A_66 = arith.constant 0 : i32
    %dma_start3A_67 = tpu.memref_slice %arg3[%arg0, %arg1, %dma_start3A_55, %dma_start3A_66] : memref<2x16x80x125xi32, #tpu.memory_space<hbm>> -> memref<1x1x1x125xi32, #tpu.memory_space<hbm>>
    %dma_start3A_68 = tpu.memref_squeeze %dma_start3A_67 : memref<1x1x1x125xi32, #tpu.memory_space<hbm>> -> memref<125xi32, #tpu.memory_space<hbm>>
    tpu.enqueue_dma source(%dma_start3A_68 : memref<125xi32, #tpu.memory_space<hbm>>) target(%dma_start3A_65 : memref<125xi32, #tpu.memory_space<vmem>>) target_semaphore(%arg12 : memref<!tpu.dma_semaphore, #tpu.memory_space<semaphore_mem>>)
    %dma_start3A_69 = arith.constant 2 : i32
    %dma_start3A_70 = arith.constant 2 : i32
    %dma_start3A_71 = arith.constant 0 : i32
    %dma_start3A_72 = tpu.memref_slice %arg8[%dma_start3A_70, %dma_start3A_71] : memref<4x125xi32, #tpu.memory_space<vmem>> -> memref<1x125xi32, #tpu.memory_space<vmem>>
    %dma_start3A_73 = tpu.memref_squeeze %dma_start3A_72 : memref<1x125xi32, #tpu.memory_space<vmem>> -> memref<125xi32, #tpu.memory_space<vmem>>
    %dma_start3A_74 = arith.constant 0 : i32
    %dma_start3A_75 = tpu.memref_slice %arg4[%arg0, %arg1, %dma_start3A_69, %dma_start3A_74] : memref<2x16x80x125xi32, #tpu.memory_space<hbm>> -> memref<1x1x1x125xi32, #tpu.memory_space<hbm>>
    %dma_start3A_76 = tpu.memref_squeeze %dma_start3A_75 : memref<1x1x1x125xi32, #tpu.memory_space<hbm>> -> memref<125xi32, #tpu.memory_space<hbm>>
    %dma_start3A_77 = arith.constant 0 : i32
    %dma_start3A_78 = tpu.memref_slice %arg8[%dma_start3A_70, %dma_start3A_77] : memref<4x125xi32, #tpu.memory_space<vmem>> -> memref<1x125xi32, #tpu.memory_space<vmem>>
    %dma_start3A_79 = tpu.memref_squeeze %dma_start3A_78 : memref<1x125xi32, #tpu.memory_space<vmem>> -> memref<125xi32, #tpu.memory_space<vmem>>
    %dma_start3A_80 = arith.constant 0 : i32
    %dma_start3A_81 = tpu.memref_slice %arg4[%arg0, %arg1, %dma_start3A_69, %dma_start3A_80] : memref<2x16x80x125xi32, #tpu.memory_space<hbm>> -> memref<1x1x1x125xi32, #tpu.memory_space<hbm>>
    %dma_start3A_82 = tpu.memref_squeeze %dma_start3A_81 : memref<1x1x1x125xi32, #tpu.memory_space<hbm>> -> memref<125xi32, #tpu.memory_space<hbm>>
    tpu.enqueue_dma source(%dma_start3A_82 : memref<125xi32, #tpu.memory_space<hbm>>) target(%dma_start3A_79 : memref<125xi32, #tpu.memory_space<vmem>>) target_semaphore(%arg12 : memref<!tpu.dma_semaphore, #tpu.memory_space<semaphore_mem>>)
    %dma_start3A_83 = arith.constant 3 : i32
    %dma_start3A_84 = arith.constant 3 : i32
    %dma_start3A_85 = arith.constant 0 : i32
    %dma_start3A_86 = tpu.memref_slice %arg7[%dma_start3A_84, %dma_start3A_85] : memref<4x125xi32, #tpu.memory_space<vmem>> -> memref<1x125xi32, #tpu.memory_space<vmem>>
    %dma_start3A_87 = tpu.memref_squeeze %dma_start3A_86 : memref<1x125xi32, #tpu.memory_space<vmem>> -> memref<125xi32, #tpu.memory_space<vmem>>
    %dma_start3A_88 = arith.constant 0 : i32
    %dma_start3A_89 = tpu.memref_slice %arg3[%arg0, %arg1, %dma_start3A_83, %dma_start3A_88] : memref<2x16x80x125xi32, #tpu.memory_space<hbm>> -> memref<1x1x1x125xi32, #tpu.memory_space<hbm>>
    %dma_start3A_90 = tpu.memref_squeeze %dma_start3A_89 : memref<1x1x1x125xi32, #tpu.memory_space<hbm>> -> memref<125xi32, #tpu.memory_space<hbm>>
    %dma_start3A_91 = arith.constant 0 : i32
    %dma_start3A_92 = tpu.memref_slice %arg7[%dma_start3A_84, %dma_start3A_91] : memref<4x125xi32, #tpu.memory_space<vmem>> -> memref<1x125xi32, #tpu.memory_space<vmem>>
    %dma_start3A_93 = tpu.memref_squeeze %dma_start3A_92 : memref<1x125xi32, #tpu.memory_space<vmem>> -> memref<125xi32, #tpu.memory_space<vmem>>
    %dma_start3A_94 = arith.constant 0 : i32
    %dma_start3A_95 = tpu.memref_slice %arg3[%arg0, %arg1, %dma_start3A_83, %dma_start3A_94] : memref<2x16x80x125xi32, #tpu.memory_space<hbm>> -> memref<1x1x1x125xi32, #tpu.memory_space<hbm>>
    %dma_start3A_96 = tpu.memref_squeeze %dma_start3A_95 : memref<1x1x1x125xi32, #tpu.memory_space<hbm>> -> memref<125xi32, #tpu.memory_space<hbm>>
    tpu.enqueue_dma source(%dma_start3A_96 : memref<125xi32, #tpu.memory_space<hbm>>) target(%dma_start3A_93 : memref<125xi32, #tpu.memory_space<vmem>>) target_semaphore(%arg12 : memref<!tpu.dma_semaphore, #tpu.memory_space<semaphore_mem>>)
    %dma_start3A_97 = arith.constant 3 : i32
    %dma_start3A_98 = arith.constant 3 : i32
    %dma_start3A_99 = arith.constant 0 : i32
    %dma_start3A_100 = tpu.memref_slice %arg8[%dma_start3A_98, %dma_start3A_99] : memref<4x125xi32, #tpu.memory_space<vmem>> -> memref<1x125xi32, #tpu.memory_space<vmem>>
    %dma_start3A_101 = tpu.memref_squeeze %dma_start3A_100 : memref<1x125xi32, #tpu.memory_space<vmem>> -> memref<125xi32, #tpu.memory_space<vmem>>
    %dma_start3A_102 = arith.constant 0 : i32
    %dma_start3A_103 = tpu.memref_slice %arg4[%arg0, %arg1, %dma_start3A_97, %dma_start3A_102] : memref<2x16x80x125xi32, #tpu.memory_space<hbm>> -> memref<1x1x1x125xi32, #tpu.memory_space<hbm>>
    %dma_start3A_104 = tpu.memref_squeeze %dma_start3A_103 : memref<1x1x1x125xi32, #tpu.memory_space<hbm>> -> memref<125xi32, #tpu.memory_space<hbm>>
    %dma_start3A_105 = arith.constant 0 : i32
    %dma_start3A_106 = tpu.memref_slice %arg8[%dma_start3A_98, %dma_start3A_105] : memref<4x125xi32, #tpu.memory_space<vmem>> -> memref<1x125xi32, #tpu.memory_space<vmem>>
    %dma_start3A_107 = tpu.memref_squeeze %dma_start3A_106 : memref<1x125xi32, #tpu.memory_space<vmem>> -> memref<125xi32, #tpu.memory_space<vmem>>
    %dma_start3A_108 = arith.constant 0 : i32
    %dma_start3A_109 = tpu.memref_slice %arg4[%arg0, %arg1, %dma_start3A_97, %dma_start3A_108] : memref<2x16x80x125xi32, #tpu.memory_space<hbm>> -> memref<1x1x1x125xi32, #tpu.memory_space<hbm>>
    %dma_start3A_110 = tpu.memref_squeeze %dma_start3A_109 : memref<1x1x1x125xi32, #tpu.memory_space<hbm>> -> memref<125xi32, #tpu.memory_space<hbm>>
    tpu.enqueue_dma source(%dma_start3A_110 : memref<125xi32, #tpu.memory_space<hbm>>) target(%dma_start3A_107 : memref<125xi32, #tpu.memory_space<vmem>>) target_semaphore(%arg12 : memref<!tpu.dma_semaphore, #tpu.memory_space<semaphore_mem>>)
    %mul3A = arith.constant 632 : i32
    %mul3A_111 = arith.muli %arg1, %mul3A : i32
    %mul3A_112 = arith.constant 632 : i32
    %mul3A_113 = arith.muli %arg1, %mul3A_112 : i32
    "tpu.region"() ({
      %run_scoped3A = tpu.sem_alloc : memref<!tpu.dma_semaphore, #tpu.memory_space<semaphore_mem>>
      %dma_start3A_215 = arith.constant 0 : i32
      %dma_start3A_216 = tpu.memref_slice %arg10[%mul3A_113, %dma_start3A_215] : memref<10112x128xf32, #tpu.memory_space<vmem_shared>> -> memref<632x128xf32, #tpu.memory_space<vmem_shared>>
      %dma_start3A_217 = arith.constant 0 : i32
      %dma_start3A_218 = tpu.memref_slice %arg5[%mul3A_111, %dma_start3A_217] : memref<10112x128xf32, #tpu.memory_space<hbm>> -> memref<632x128xf32, #tpu.memory_space<hbm>>
      tpu.enqueue_dma source(%dma_start3A_218 : memref<632x128xf32, #tpu.memory_space<hbm>>) target(%dma_start3A_216 : memref<632x128xf32, #tpu.memory_space<vmem_shared>>) target_semaphore(%run_scoped3A : memref<!tpu.dma_semaphore, #tpu.memory_space<semaphore_mem>>)
      %dma_wait3A_219 = arith.constant 0 : i32
      %dma_wait3A_220 = tpu.memref_slice %arg10[%mul3A_113, %dma_wait3A_219] : memref<10112x128xf32, #tpu.memory_space<vmem_shared>> -> memref<632x128xf32, #tpu.memory_space<vmem_shared>>
      %dma_wait3A_221 = arith.constant 0 : i32
      %dma_wait3A_222 = tpu.memref_slice %arg5[%mul3A_111, %dma_wait3A_221] : memref<10112x128xf32, #tpu.memory_space<hbm>> -> memref<632x128xf32, #tpu.memory_space<hbm>>
      tpu.wait_dma2 semaphore(%run_scoped3A : memref<!tpu.dma_semaphore, #tpu.memory_space<semaphore_mem>>) src(%dma_wait3A_222 : memref<632x128xf32, #tpu.memory_space<hbm>>) dst(%dma_wait3A_220 : memref<632x128xf32, #tpu.memory_space<vmem_shared>>)
      tpu.yield
    }) : () -> ()
    %dma_wait3A = arith.constant 0 : i32
    %dma_wait3A_114 = arith.constant 0 : i32
    %dma_wait3A_115 = arith.constant 0 : i32
    %dma_wait3A_116 = tpu.memref_slice %arg7[%dma_wait3A_114, %dma_wait3A_115] : memref<4x125xi32, #tpu.memory_space<vmem>> -> memref<1x125xi32, #tpu.memory_space<vmem>>
    %dma_wait3A_117 = tpu.memref_squeeze %dma_wait3A_116 : memref<1x125xi32, #tpu.memory_space<vmem>> -> memref<125xi32, #tpu.memory_space<vmem>>
    %dma_wait3A_118 = arith.constant 0 : i32
    %dma_wait3A_119 = tpu.memref_slice %arg3[%arg0, %arg1, %dma_wait3A, %dma_wait3A_118] : memref<2x16x80x125xi32, #tpu.memory_space<hbm>> -> memref<1x1x1x125xi32, #tpu.memory_space<hbm>>
    %dma_wait3A_120 = tpu.memref_squeeze %dma_wait3A_119 : memref<1x1x1x125xi32, #tpu.memory_space<hbm>> -> memref<125xi32, #tpu.memory_space<hbm>>
    %dma_wait3A_121 = arith.constant 0 : i32
    %dma_wait3A_122 = tpu.memref_slice %arg7[%dma_wait3A_114, %dma_wait3A_121] : memref<4x125xi32, #tpu.memory_space<vmem>> -> memref<1x125xi32, #tpu.memory_space<vmem>>
    %dma_wait3A_123 = tpu.memref_squeeze %dma_wait3A_122 : memref<1x125xi32, #tpu.memory_space<vmem>> -> memref<125xi32, #tpu.memory_space<vmem>>
    %dma_wait3A_124 = arith.constant 0 : i32
    %dma_wait3A_125 = tpu.memref_slice %arg3[%arg0, %arg1, %dma_wait3A, %dma_wait3A_124] : memref<2x16x80x125xi32, #tpu.memory_space<hbm>> -> memref<1x1x1x125xi32, #tpu.memory_space<hbm>>
    %dma_wait3A_126 = tpu.memref_squeeze %dma_wait3A_125 : memref<1x1x1x125xi32, #tpu.memory_space<hbm>> -> memref<125xi32, #tpu.memory_space<hbm>>
    tpu.wait_dma2 semaphore(%arg12 : memref<!tpu.dma_semaphore, #tpu.memory_space<semaphore_mem>>) src(%dma_wait3A_126 : memref<125xi32, #tpu.memory_space<hbm>>) dst(%dma_wait3A_123 : memref<125xi32, #tpu.memory_space<vmem>>)
    %dma_wait3A_127 = arith.constant 0 : i32
    %dma_wait3A_128 = arith.constant 0 : i32
    %dma_wait3A_129 = arith.constant 0 : i32
    %dma_wait3A_130 = tpu.memref_slice %arg8[%dma_wait3A_128, %dma_wait3A_129] : memref<4x125xi32, #tpu.memory_space<vmem>> -> memref<1x125xi32, #tpu.memory_space<vmem>>
    %dma_wait3A_131 = tpu.memref_squeeze %dma_wait3A_130 : memref<1x125xi32, #tpu.memory_space<vmem>> -> memref<125xi32, #tpu.memory_space<vmem>>
    %dma_wait3A_132 = arith.constant 0 : i32
    %dma_wait3A_133 = tpu.memref_slice %arg4[%arg0, %arg1, %dma_wait3A_127, %dma_wait3A_132] : memref<2x16x80x125xi32, #tpu.memory_space<hbm>> -> memref<1x1x1x125xi32, #tpu.memory_space<hbm>>
    %dma_wait3A_134 = tpu.memref_squeeze %dma_wait3A_133 : memref<1x1x1x125xi32, #tpu.memory_space<hbm>> -> memref<125xi32, #tpu.memory_space<hbm>>
    %dma_wait3A_135 = arith.constant 0 : i32
    %dma_wait3A_136 = tpu.memref_slice %arg8[%dma_wait3A_128, %dma_wait3A_135] : memref<4x125xi32, #tpu.memory_space<vmem>> -> memref<1x125xi32, #tpu.memory_space<vmem>>
    %dma_wait3A_137 = tpu.memref_squeeze %dma_wait3A_136 : memref<1x125xi32, #tpu.memory_space<vmem>> -> memref<125xi32, #tpu.memory_space<vmem>>
    %dma_wait3A_138 = arith.constant 0 : i32
    %dma_wait3A_139 = tpu.memref_slice %arg4[%arg0, %arg1, %dma_wait3A_127, %dma_wait3A_138] : memref<2x16x80x125xi32, #tpu.memory_space<hbm>> -> memref<1x1x1x125xi32, #tpu.memory_space<hbm>>
    %dma_wait3A_140 = tpu.memref_squeeze %dma_wait3A_139 : memref<1x1x1x125xi32, #tpu.memory_space<hbm>> -> memref<125xi32, #tpu.memory_space<hbm>>
    tpu.wait_dma2 semaphore(%arg12 : memref<!tpu.dma_semaphore, #tpu.memory_space<semaphore_mem>>) src(%dma_wait3A_140 : memref<125xi32, #tpu.memory_space<hbm>>) dst(%dma_wait3A_137 : memref<125xi32, #tpu.memory_space<vmem>>)
    %dma_start3A_141 = arith.constant 0 : i32
    %dma_start3A_142 = arith.constant 0 : i32
    %dma_start3A_143 = arith.constant 0 : i32
    %dma_start3A_144 = arith.constant 0 : i32
    %dma_start3A_145 = tpu.memref_slice %arg9[%dma_start3A_142, %dma_start3A_143, %dma_start3A_144] : memref<3x125x128xf32, #tpu.memory_space<vmem>> -> memref<1x125x128xf32, #tpu.memory_space<vmem>>
    %dma_start3A_146 = tpu.memref_squeeze %dma_start3A_145 : memref<1x125x128xf32, #tpu.memory_space<vmem>> -> memref<125x128xf32, #tpu.memory_space<vmem>>
    %dma_start3A_147 = arith.constant 0 : i32
    %dma_start3A_148 = tpu.memref_slice %arg7[%dma_start3A_141, %dma_start3A_147] : memref<4x125xi32, #tpu.memory_space<vmem>> -> memref<1x125xi32, #tpu.memory_space<vmem>>
    %dma_start3A_149 = tpu.memref_squeeze %dma_start3A_148 : memref<1x125xi32, #tpu.memory_space<vmem>> -> memref<125xi32, #tpu.memory_space<vmem>>
    %dma_start3A_150 = arith.constant 0 : i32
    %dma_start3A_151 = arith.constant 0 : i32
    %dma_start3A_152 = tpu.memref_slice %arg2[%dma_start3A_150, %dma_start3A_151] : memref<10000x128xf32, #tpu.memory_space<hbm>> -> memref<10000x128xf32, #tpu.memory_space<hbm>>
    tpu.enqueue_indirect_dma source(%dma_start3A_152 : memref<10000x128xf32, #tpu.memory_space<hbm>>) target(%dma_start3A_146 : memref<125x128xf32, #tpu.memory_space<vmem>>) offsets(%dma_start3A_149 : memref<125xi32, #tpu.memory_space<vmem>>) semaphore(%arg11 : memref<!tpu.dma_semaphore, #tpu.memory_space<semaphore_mem>>)
    %dma_wait3A_153 = arith.constant 1 : i32
    %dma_wait3A_154 = arith.constant 1 : i32
    %dma_wait3A_155 = arith.constant 0 : i32
    %dma_wait3A_156 = tpu.memref_slice %arg7[%dma_wait3A_154, %dma_wait3A_155] : memref<4x125xi32, #tpu.memory_space<vmem>> -> memref<1x125xi32, #tpu.memory_space<vmem>>
    %dma_wait3A_157 = tpu.memref_squeeze %dma_wait3A_156 : memref<1x125xi32, #tpu.memory_space<vmem>> -> memref<125xi32, #tpu.memory_space<vmem>>
    %dma_wait3A_158 = arith.constant 0 : i32
    %dma_wait3A_159 = tpu.memref_slice %arg3[%arg0, %arg1, %dma_wait3A_153, %dma_wait3A_158] : memref<2x16x80x125xi32, #tpu.memory_space<hbm>> -> memref<1x1x1x125xi32, #tpu.memory_space<hbm>>
    %dma_wait3A_160 = tpu.memref_squeeze %dma_wait3A_159 : memref<1x1x1x125xi32, #tpu.memory_space<hbm>> -> memref<125xi32, #tpu.memory_space<hbm>>
    %dma_wait3A_161 = arith.constant 0 : i32
    %dma_wait3A_162 = tpu.memref_slice %arg7[%dma_wait3A_154, %dma_wait3A_161] : memref<4x125xi32, #tpu.memory_space<vmem>> -> memref<1x125xi32, #tpu.memory_space<vmem>>
    %dma_wait3A_163 = tpu.memref_squeeze %dma_wait3A_162 : memref<1x125xi32, #tpu.memory_space<vmem>> -> memref<125xi32, #tpu.memory_space<vmem>>
    %dma_wait3A_164 = arith.constant 0 : i32
    %dma_wait3A_165 = tpu.memref_slice %arg3[%arg0, %arg1, %dma_wait3A_153, %dma_wait3A_164] : memref<2x16x80x125xi32, #tpu.memory_space<hbm>> -> memref<1x1x1x125xi32, #tpu.memory_space<hbm>>
    %dma_wait3A_166 = tpu.memref_squeeze %dma_wait3A_165 : memref<1x1x1x125xi32, #tpu.memory_space<hbm>> -> memref<125xi32, #tpu.memory_space<hbm>>
    tpu.wait_dma2 semaphore(%arg12 : memref<!tpu.dma_semaphore, #tpu.memory_space<semaphore_mem>>) src(%dma_wait3A_166 : memref<125xi32, #tpu.memory_space<hbm>>) dst(%dma_wait3A_163 : memref<125xi32, #tpu.memory_space<vmem>>)
    %dma_wait3A_167 = arith.constant 1 : i32
    %dma_wait3A_168 = arith.constant 1 : i32
    %dma_wait3A_169 = arith.constant 0 : i32
    %dma_wait3A_170 = tpu.memref_slice %arg8[%dma_wait3A_168, %dma_wait3A_169] : memref<4x125xi32, #tpu.memory_space<vmem>> -> memref<1x125xi32, #tpu.memory_space<vmem>>
    %dma_wait3A_171 = tpu.memref_squeeze %dma_wait3A_170 : memref<1x125xi32, #tpu.memory_space<vmem>> -> memref<125xi32, #tpu.memory_space<vmem>>
    %dma_wait3A_172 = arith.constant 0 : i32
    %dma_wait3A_173 = tpu.memref_slice %arg4[%arg0, %arg1, %dma_wait3A_167, %dma_wait3A_172] : memref<2x16x80x125xi32, #tpu.memory_space<hbm>> -> memref<1x1x1x125xi32, #tpu.memory_space<hbm>>
    %dma_wait3A_174 = tpu.memref_squeeze %dma_wait3A_173 : memref<1x1x1x125xi32, #tpu.memory_space<hbm>> -> memref<125xi32, #tpu.memory_space<hbm>>
    %dma_wait3A_175 = arith.constant 0 : i32
    %dma_wait3A_176 = tpu.memref_slice %arg8[%dma_wait3A_168, %dma_wait3A_175] : memref<4x125xi32, #tpu.memory_space<vmem>> -> memref<1x125xi32, #tpu.memory_space<vmem>>
    %dma_wait3A_177 = tpu.memref_squeeze %dma_wait3A_176 : memref<1x125xi32, #tpu.memory_space<vmem>> -> memref<125xi32, #tpu.memory_space<vmem>>
    %dma_wait3A_178 = arith.constant 0 : i32
    %dma_wait3A_179 = tpu.memref_slice %arg4[%arg0, %arg1, %dma_wait3A_167, %dma_wait3A_178] : memref<2x16x80x125xi32, #tpu.memory_space<hbm>> -> memref<1x1x1x125xi32, #tpu.memory_space<hbm>>
    %dma_wait3A_180 = tpu.memref_squeeze %dma_wait3A_179 : memref<1x1x1x125xi32, #tpu.memory_space<hbm>> -> memref<125xi32, #tpu.memory_space<hbm>>
    tpu.wait_dma2 semaphore(%arg12 : memref<!tpu.dma_semaphore, #tpu.memory_space<semaphore_mem>>) src(%dma_wait3A_180 : memref<125xi32, #tpu.memory_space<hbm>>) dst(%dma_wait3A_177 : memref<125xi32, #tpu.memory_space<vmem>>)
    %dma_start3A_181 = arith.constant 1 : i32
    %dma_start3A_182 = arith.constant 1 : i32
    %dma_start3A_183 = arith.constant 0 : i32
    %dma_start3A_184 = arith.constant 0 : i32
    %dma_start3A_185 = tpu.memref_slice %arg9[%dma_start3A_182, %dma_start3A_183, %dma_start3A_184] : memref<3x125x128xf32, #tpu.memory_space<vmem>> -> memref<1x125x128xf32, #tpu.memory_space<vmem>>
    %dma_start3A_186 = tpu.memref_squeeze %dma_start3A_185 : memref<1x125x128xf32, #tpu.memory_space<vmem>> -> memref<125x128xf32, #tpu.memory_space<vmem>>
    %dma_start3A_187 = arith.constant 0 : i32
    %dma_start3A_188 = tpu.memref_slice %arg7[%dma_start3A_181, %dma_start3A_187] : memref<4x125xi32, #tpu.memory_space<vmem>> -> memref<1x125xi32, #tpu.memory_space<vmem>>
    %dma_start3A_189 = tpu.memref_squeeze %dma_start3A_188 : memref<1x125xi32, #tpu.memory_space<vmem>> -> memref<125xi32, #tpu.memory_space<vmem>>
    %dma_start3A_190 = arith.constant 0 : i32
    %dma_start3A_191 = arith.constant 0 : i32
    %dma_start3A_192 = tpu.memref_slice %arg2[%dma_start3A_190, %dma_start3A_191] : memref<10000x128xf32, #tpu.memory_space<hbm>> -> memref<10000x128xf32, #tpu.memory_space<hbm>>
    tpu.enqueue_indirect_dma source(%dma_start3A_192 : memref<10000x128xf32, #tpu.memory_space<hbm>>) target(%dma_start3A_186 : memref<125x128xf32, #tpu.memory_space<vmem>>) offsets(%dma_start3A_189 : memref<125xi32, #tpu.memory_space<vmem>>) semaphore(%arg11 : memref<!tpu.dma_semaphore, #tpu.memory_space<semaphore_mem>>)
    %barrier3A = arith.constant 0 : index
    tpu.barrier barrier_id(%barrier3A)
    %scan3A = arith.constant 0 : i32
    %scan3A_193 = arith.constant 0 : i32
    %scan3A_194 = arith.constant 80 : i32
    %scan3A_195 = arith.addi %scan3A_193, %scan3A_194 : i32
    %scan3A_196 = arith.constant 1 : i32
    scf.for %scan3A_215 = %scan3A_193 to %scan3A_195 step %scan3A_196  : i32 {
      %jit3A = arith.constant 3 : i32
      %eq3A = arith.constant 0 : i32
      %eq3A_216 = arith.cmpi eq, %jit3A, %eq3A : i32
      %jit3A_217 = arith.constant 1 : i32
      %select_n3A = arith.select %eq3A_216, %jit3A_217, %jit3A : i32
      %rem3A = arith.remsi %scan3A_215, %select_n3A : i32
      %ne3A = arith.constant 0 : i32
      %ne3A_218 = arith.cmpi ne, %rem3A, %ne3A : i32
      %lt3A = arith.constant 0 : i32
      %lt3A_219 = arith.cmpi slt, %rem3A, %lt3A : i32
      %lt3A_220 = arith.constant 0 : i32
      %lt3A_221 = arith.cmpi slt, %select_n3A, %lt3A_220 : i32
      %ne3A_222 = arith.xori %lt3A_219, %lt3A_221 : i1
      %and3A = arith.andi %ne3A_222, %ne3A_218 : i1
      %add3A = arith.addi %rem3A, %select_n3A : i32
      %select_n3A_223 = arith.select %and3A, %add3A, %rem3A : i32
      %jit3A_224 = arith.constant 4 : i32
      %eq3A_225 = arith.constant 0 : i32
      %eq3A_226 = arith.cmpi eq, %jit3A_224, %eq3A_225 : i32
      %jit3A_227 = arith.constant 1 : i32
      %select_n3A_228 = arith.select %eq3A_226, %jit3A_227, %jit3A_224 : i32
      %rem3A_229 = arith.remsi %scan3A_215, %select_n3A_228 : i32
      %ne3A_230 = arith.constant 0 : i32
      %ne3A_231 = arith.cmpi ne, %rem3A_229, %ne3A_230 : i32
      %lt3A_232 = arith.constant 0 : i32
      %lt3A_233 = arith.cmpi slt, %rem3A_229, %lt3A_232 : i32
      %lt3A_234 = arith.constant 0 : i32
      %lt3A_235 = arith.cmpi slt, %select_n3A_228, %lt3A_234 : i32
      %ne3A_236 = arith.xori %lt3A_233, %lt3A_235 : i1
      %and3A_237 = arith.andi %ne3A_236, %ne3A_231 : i1
      %add3A_238 = arith.addi %rem3A_229, %select_n3A_228 : i32
      %select_n3A_239 = arith.select %and3A_237, %add3A_238, %rem3A_229 : i32
      %dma_wait3A_240 = arith.constant 0 : i32
      %dma_wait3A_241 = arith.constant 0 : i32
      %dma_wait3A_242 = arith.constant 0 : i32
      %dma_wait3A_243 = tpu.memref_slice %arg9[%select_n3A_223, %dma_wait3A_241, %dma_wait3A_242] : memref<3x125x128xf32, #tpu.memory_space<vmem>> -> memref<1x125x128xf32, #tpu.memory_space<vmem>>
      %dma_wait3A_244 = tpu.memref_squeeze %dma_wait3A_243 : memref<1x125x128xf32, #tpu.memory_space<vmem>> -> memref<125x128xf32, #tpu.memory_space<vmem>>
      %dma_wait3A_245 = arith.constant 0 : i32
      %dma_wait3A_246 = tpu.memref_slice %arg7[%dma_wait3A_240, %dma_wait3A_245] : memref<4x125xi32, #tpu.memory_space<vmem>> -> memref<1x125xi32, #tpu.memory_space<vmem>>
      %dma_wait3A_247 = tpu.memref_squeeze %dma_wait3A_246 : memref<1x125xi32, #tpu.memory_space<vmem>> -> memref<125xi32, #tpu.memory_space<vmem>>
      %dma_wait3A_248 = arith.constant 0 : i32
      %dma_wait3A_249 = arith.constant 0 : i32
      %dma_wait3A_250 = tpu.memref_slice %arg2[%dma_wait3A_248, %dma_wait3A_249] : memref<10000x128xf32, #tpu.memory_space<hbm>> -> memref<10000x128xf32, #tpu.memory_space<hbm>>
      tpu.wait_indirect_dma semaphore(%arg11 : memref<!tpu.dma_semaphore, #tpu.memory_space<semaphore_mem>>) src(%dma_wait3A_250 : memref<10000x128xf32, #tpu.memory_space<hbm>>) dst(%dma_wait3A_244 : memref<125x128xf32, #tpu.memory_space<vmem>>)
      %dma_start3A_251 = arith.constant 0 : i32
      %dma_start3A_252 = arith.constant 0 : i32
      %dma_start3A_253 = tpu.memref_slice %arg9[%select_n3A_223, %dma_start3A_251, %dma_start3A_252] : memref<3x125x128xf32, #tpu.memory_space<vmem>> -> memref<1x125x128xf32, #tpu.memory_space<vmem>>
      %dma_start3A_254 = tpu.memref_squeeze %dma_start3A_253 : memref<1x125x128xf32, #tpu.memory_space<vmem>> -> memref<125x128xf32, #tpu.memory_space<vmem>>
      %dma_start3A_255 = arith.constant 0 : i32
      %dma_start3A_256 = tpu.memref_slice %arg8[%select_n3A_239, %dma_start3A_255] : memref<4x125xi32, #tpu.memory_space<vmem>> -> memref<1x125xi32, #tpu.memory_space<vmem>>
      %dma_start3A_257 = tpu.memref_squeeze %dma_start3A_256 : memref<1x125xi32, #tpu.memory_space<vmem>> -> memref<125xi32, #tpu.memory_space<vmem>>
      %dma_start3A_258 = arith.constant 0 : i32
      %dma_start3A_259 = arith.constant 0 : i32
      %dma_start3A_260 = tpu.memref_slice %arg10[%dma_start3A_258, %dma_start3A_259] : memref<10112x128xf32, #tpu.memory_space<vmem_shared>> -> memref<10112x128xf32, #tpu.memory_space<vmem_shared>>
      tpu.enqueue_indirect_dma source(%dma_start3A_254 : memref<125x128xf32, #tpu.memory_space<vmem>>) target(%dma_start3A_260 : memref<10112x128xf32, #tpu.memory_space<vmem_shared>>) offsets(%dma_start3A_257 : memref<125xi32, #tpu.memory_space<vmem>>) semaphore(%arg13 : memref<!tpu.dma_semaphore, #tpu.memory_space<semaphore_mem>>) {add = true}
      %ge3A = arith.constant 1 : i32
      %ge3A_261 = arith.cmpi sge, %scan3A_215, %ge3A : i32
      %convert_element_type3A = arith.extui %ge3A_261 : i1 to i32
      %cond3A = arith.constant 0 : i32
      %cond3A_262 = arith.cmpi ne, %convert_element_type3A, %cond3A : i32
      scf.if %cond3A_262 {
        %sub3A = arith.constant 1 : i32
        %sub3A_270 = arith.subi %scan3A_215, %sub3A : i32
        %jit3A_271 = arith.constant 3 : i32
        %eq3A_272 = arith.constant 0 : i32
        %eq3A_273 = arith.cmpi eq, %jit3A_271, %eq3A_272 : i32
        %jit3A_274 = arith.constant 1 : i32
        %select_n3A_275 = arith.select %eq3A_273, %jit3A_274, %jit3A_271 : i32
        %rem3A_276 = arith.remsi %sub3A_270, %select_n3A_275 : i32
        %ne3A_277 = arith.constant 0 : i32
        %ne3A_278 = arith.cmpi ne, %rem3A_276, %ne3A_277 : i32
        %lt3A_279 = arith.constant 0 : i32
        %lt3A_280 = arith.cmpi slt, %rem3A_276, %lt3A_279 : i32
        %lt3A_281 = arith.constant 0 : i32
        %lt3A_282 = arith.cmpi slt, %select_n3A_275, %lt3A_281 : i32
        %ne3A_283 = arith.xori %lt3A_280, %lt3A_282 : i1
        %and3A_284 = arith.andi %ne3A_283, %ne3A_278 : i1
        %add3A_285 = arith.addi %rem3A_276, %select_n3A_275 : i32
        %select_n3A_286 = arith.select %and3A_284, %add3A_285, %rem3A_276 : i32
        %dma_wait3A_287 = arith.constant 0 : i32
        %dma_wait3A_288 = arith.constant 0 : i32
        %dma_wait3A_289 = arith.constant 0 : i32
        %dma_wait3A_290 = tpu.memref_slice %arg9[%select_n3A_286, %dma_wait3A_288, %dma_wait3A_289] : memref<3x125x128xf32, #tpu.memory_space<vmem>> -> memref<1x125x128xf32, #tpu.memory_space<vmem>>
        %dma_wait3A_291 = tpu.memref_squeeze %dma_wait3A_290 : memref<1x125x128xf32, #tpu.memory_space<vmem>> -> memref<125x128xf32, #tpu.memory_space<vmem>>
        %dma_wait3A_292 = arith.constant 0 : i32
        %dma_wait3A_293 = tpu.memref_slice %arg8[%dma_wait3A_287, %dma_wait3A_292] : memref<4x125xi32, #tpu.memory_space<vmem>> -> memref<1x125xi32, #tpu.memory_space<vmem>>
        %dma_wait3A_294 = tpu.memref_squeeze %dma_wait3A_293 : memref<1x125xi32, #tpu.memory_space<vmem>> -> memref<125xi32, #tpu.memory_space<vmem>>
        %dma_wait3A_295 = arith.constant 0 : i32
        %dma_wait3A_296 = arith.constant 0 : i32
        %dma_wait3A_297 = tpu.memref_slice %arg10[%dma_wait3A_295, %dma_wait3A_296] : memref<10112x128xf32, #tpu.memory_space<vmem_shared>> -> memref<10112x128xf32, #tpu.memory_space<vmem_shared>>
        tpu.wait_indirect_dma semaphore(%arg13 : memref<!tpu.dma_semaphore, #tpu.memory_space<semaphore_mem>>) src(%dma_wait3A_291 : memref<125x128xf32, #tpu.memory_space<vmem>>) dst(%dma_wait3A_297 : memref<10112x128xf32, #tpu.memory_space<vmem_shared>>)
        %add3A_298 = arith.constant 3 : i32
        %add3A_299 = arith.addi %scan3A_215, %add3A_298 : i32
        %lt3A_300 = arith.constant 80 : i32
        %lt3A_301 = arith.cmpi slt, %add3A_299, %lt3A_300 : i32
        %convert_element_type3A_302 = arith.extui %lt3A_301 : i1 to i32
        %cond3A_303 = arith.constant 0 : i32
        %cond3A_304 = arith.cmpi ne, %convert_element_type3A_302, %cond3A_303 : i32
        scf.if %cond3A_304 {
          %add3A_305 = arith.constant 3 : i32
          %add3A_306 = arith.addi %scan3A_215, %add3A_305 : i32
          %sub3A_307 = arith.constant 1 : i32
          %sub3A_308 = arith.subi %scan3A_215, %sub3A_307 : i32
          %jit3A_309 = arith.constant 4 : i32
          %eq3A_310 = arith.constant 0 : i32
          %eq3A_311 = arith.cmpi eq, %jit3A_309, %eq3A_310 : i32
          %jit3A_312 = arith.constant 1 : i32
          %select_n3A_313 = arith.select %eq3A_311, %jit3A_312, %jit3A_309 : i32
          %rem3A_314 = arith.remsi %sub3A_308, %select_n3A_313 : i32
          %ne3A_315 = arith.constant 0 : i32
          %ne3A_316 = arith.cmpi ne, %rem3A_314, %ne3A_315 : i32
          %lt3A_317 = arith.constant 0 : i32
          %lt3A_318 = arith.cmpi slt, %rem3A_314, %lt3A_317 : i32
          %lt3A_319 = arith.constant 0 : i32
          %lt3A_320 = arith.cmpi slt, %select_n3A_313, %lt3A_319 : i32
          %ne3A_321 = arith.xori %lt3A_318, %lt3A_320 : i1
          %and3A_322 = arith.andi %ne3A_321, %ne3A_316 : i1
          %add3A_323 = arith.addi %rem3A_314, %select_n3A_313 : i32
          %select_n3A_324 = arith.select %and3A_322, %add3A_323, %rem3A_314 : i32
          %dma_start3A_325 = arith.constant 0 : i32
          %dma_start3A_326 = tpu.memref_slice %arg7[%select_n3A_324, %dma_start3A_325] : memref<4x125xi32, #tpu.memory_space<vmem>> -> memref<1x125xi32, #tpu.memory_space<vmem>>
          %dma_start3A_327 = tpu.memref_squeeze %dma_start3A_326 : memref<1x125xi32, #tpu.memory_space<vmem>> -> memref<125xi32, #tpu.memory_space<vmem>>
          %dma_start3A_328 = arith.constant 0 : i32
          %dma_start3A_329 = tpu.memref_slice %arg3[%arg0, %arg1, %add3A_306, %dma_start3A_328] : memref<2x16x80x125xi32, #tpu.memory_space<hbm>> -> memref<1x1x1x125xi32, #tpu.memory_space<hbm>>
          %dma_start3A_330 = tpu.memref_squeeze %dma_start3A_329 : memref<1x1x1x125xi32, #tpu.memory_space<hbm>> -> memref<125xi32, #tpu.memory_space<hbm>>
          %dma_start3A_331 = arith.constant 0 : i32
          %dma_start3A_332 = tpu.memref_slice %arg7[%select_n3A_324, %dma_start3A_331] : memref<4x125xi32, #tpu.memory_space<vmem>> -> memref<1x125xi32, #tpu.memory_space<vmem>>
          %dma_start3A_333 = tpu.memref_squeeze %dma_start3A_332 : memref<1x125xi32, #tpu.memory_space<vmem>> -> memref<125xi32, #tpu.memory_space<vmem>>
          %dma_start3A_334 = arith.constant 0 : i32
          %dma_start3A_335 = tpu.memref_slice %arg3[%arg0, %arg1, %add3A_306, %dma_start3A_334] : memref<2x16x80x125xi32, #tpu.memory_space<hbm>> -> memref<1x1x1x125xi32, #tpu.memory_space<hbm>>
          %dma_start3A_336 = tpu.memref_squeeze %dma_start3A_335 : memref<1x1x1x125xi32, #tpu.memory_space<hbm>> -> memref<125xi32, #tpu.memory_space<hbm>>
          tpu.enqueue_dma source(%dma_start3A_336 : memref<125xi32, #tpu.memory_space<hbm>>) target(%dma_start3A_333 : memref<125xi32, #tpu.memory_space<vmem>>) target_semaphore(%arg12 : memref<!tpu.dma_semaphore, #tpu.memory_space<semaphore_mem>>)
          %dma_start3A_337 = arith.constant 0 : i32
          %dma_start3A_338 = tpu.memref_slice %arg8[%select_n3A_324, %dma_start3A_337] : memref<4x125xi32, #tpu.memory_space<vmem>> -> memref<1x125xi32, #tpu.memory_space<vmem>>
          %dma_start3A_339 = tpu.memref_squeeze %dma_start3A_338 : memref<1x125xi32, #tpu.memory_space<vmem>> -> memref<125xi32, #tpu.memory_space<vmem>>
          %dma_start3A_340 = arith.constant 0 : i32
          %dma_start3A_341 = tpu.memref_slice %arg4[%arg0, %arg1, %add3A_306, %dma_start3A_340] : memref<2x16x80x125xi32, #tpu.memory_space<hbm>> -> memref<1x1x1x125xi32, #tpu.memory_space<hbm>>
          %dma_start3A_342 = tpu.memref_squeeze %dma_start3A_341 : memref<1x1x1x125xi32, #tpu.memory_space<hbm>> -> memref<125xi32, #tpu.memory_space<hbm>>
          %dma_start3A_343 = arith.constant 0 : i32
          %dma_start3A_344 = tpu.memref_slice %arg8[%select_n3A_324, %dma_start3A_343] : memref<4x125xi32, #tpu.memory_space<vmem>> -> memref<1x125xi32, #tpu.memory_space<vmem>>
          %dma_start3A_345 = tpu.memref_squeeze %dma_start3A_344 : memref<1x125xi32, #tpu.memory_space<vmem>> -> memref<125xi32, #tpu.memory_space<vmem>>
          %dma_start3A_346 = arith.constant 0 : i32
          %dma_start3A_347 = tpu.memref_slice %arg4[%arg0, %arg1, %add3A_306, %dma_start3A_346] : memref<2x16x80x125xi32, #tpu.memory_space<hbm>> -> memref<1x1x1x125xi32, #tpu.memory_space<hbm>>
          %dma_start3A_348 = tpu.memref_squeeze %dma_start3A_347 : memref<1x1x1x125xi32, #tpu.memory_space<hbm>> -> memref<125xi32, #tpu.memory_space<hbm>>
          tpu.enqueue_dma source(%dma_start3A_348 : memref<125xi32, #tpu.memory_space<hbm>>) target(%dma_start3A_345 : memref<125xi32, #tpu.memory_space<vmem>>) target_semaphore(%arg12 : memref<!tpu.dma_semaphore, #tpu.memory_space<semaphore_mem>>)
        } else {
        }
      } else {
      }
      %add3A_263 = arith.constant 2 : i32
      %add3A_264 = arith.addi %scan3A_215, %add3A_263 : i32
      %lt3A_265 = arith.constant 80 : i32
      %lt3A_266 = arith.cmpi slt, %add3A_264, %lt3A_265 : i32
      %convert_element_type3A_267 = arith.extui %lt3A_266 : i1 to i32
      %cond3A_268 = arith.constant 0 : i32
      %cond3A_269 = arith.cmpi ne, %convert_element_type3A_267, %cond3A_268 : i32
      scf.if %cond3A_269 {
        %add3A_270 = arith.constant 2 : i32
        %add3A_271 = arith.addi %scan3A_215, %add3A_270 : i32
        %add3A_272 = arith.constant 2 : i32
        %add3A_273 = arith.addi %scan3A_215, %add3A_272 : i32
        %jit3A_274 = arith.constant 4 : i32
        %eq3A_275 = arith.constant 0 : i32
        %eq3A_276 = arith.cmpi eq, %jit3A_274, %eq3A_275 : i32
        %jit3A_277 = arith.constant 1 : i32
        %select_n3A_278 = arith.select %eq3A_276, %jit3A_277, %jit3A_274 : i32
        %rem3A_279 = arith.remsi %add3A_273, %select_n3A_278 : i32
        %ne3A_280 = arith.constant 0 : i32
        %ne3A_281 = arith.cmpi ne, %rem3A_279, %ne3A_280 : i32
        %lt3A_282 = arith.constant 0 : i32
        %lt3A_283 = arith.cmpi slt, %rem3A_279, %lt3A_282 : i32
        %lt3A_284 = arith.constant 0 : i32
        %lt3A_285 = arith.cmpi slt, %select_n3A_278, %lt3A_284 : i32
        %ne3A_286 = arith.xori %lt3A_283, %lt3A_285 : i1
        %and3A_287 = arith.andi %ne3A_286, %ne3A_281 : i1
        %add3A_288 = arith.addi %rem3A_279, %select_n3A_278 : i32
        %select_n3A_289 = arith.select %and3A_287, %add3A_288, %rem3A_279 : i32
        %dma_wait3A_290 = arith.constant 0 : i32
        %dma_wait3A_291 = tpu.memref_slice %arg7[%select_n3A_289, %dma_wait3A_290] : memref<4x125xi32, #tpu.memory_space<vmem>> -> memref<1x125xi32, #tpu.memory_space<vmem>>
        %dma_wait3A_292 = tpu.memref_squeeze %dma_wait3A_291 : memref<1x125xi32, #tpu.memory_space<vmem>> -> memref<125xi32, #tpu.memory_space<vmem>>
        %dma_wait3A_293 = arith.constant 0 : i32
        %dma_wait3A_294 = tpu.memref_slice %arg3[%arg0, %arg1, %add3A_271, %dma_wait3A_293] : memref<2x16x80x125xi32, #tpu.memory_space<hbm>> -> memref<1x1x1x125xi32, #tpu.memory_space<hbm>>
        %dma_wait3A_295 = tpu.memref_squeeze %dma_wait3A_294 : memref<1x1x1x125xi32, #tpu.memory_space<hbm>> -> memref<125xi32, #tpu.memory_space<hbm>>
        %dma_wait3A_296 = arith.constant 0 : i32
        %dma_wait3A_297 = tpu.memref_slice %arg7[%select_n3A_289, %dma_wait3A_296] : memref<4x125xi32, #tpu.memory_space<vmem>> -> memref<1x125xi32, #tpu.memory_space<vmem>>
        %dma_wait3A_298 = tpu.memref_squeeze %dma_wait3A_297 : memref<1x125xi32, #tpu.memory_space<vmem>> -> memref<125xi32, #tpu.memory_space<vmem>>
        %dma_wait3A_299 = arith.constant 0 : i32
        %dma_wait3A_300 = tpu.memref_slice %arg3[%arg0, %arg1, %add3A_271, %dma_wait3A_299] : memref<2x16x80x125xi32, #tpu.memory_space<hbm>> -> memref<1x1x1x125xi32, #tpu.memory_space<hbm>>
        %dma_wait3A_301 = tpu.memref_squeeze %dma_wait3A_300 : memref<1x1x1x125xi32, #tpu.memory_space<hbm>> -> memref<125xi32, #tpu.memory_space<hbm>>
        tpu.wait_dma2 semaphore(%arg12 : memref<!tpu.dma_semaphore, #tpu.memory_space<semaphore_mem>>) src(%dma_wait3A_301 : memref<125xi32, #tpu.memory_space<hbm>>) dst(%dma_wait3A_298 : memref<125xi32, #tpu.memory_space<vmem>>)
        %dma_wait3A_302 = arith.constant 0 : i32
        %dma_wait3A_303 = tpu.memref_slice %arg8[%select_n3A_289, %dma_wait3A_302] : memref<4x125xi32, #tpu.memory_space<vmem>> -> memref<1x125xi32, #tpu.memory_space<vmem>>
        %dma_wait3A_304 = tpu.memref_squeeze %dma_wait3A_303 : memref<1x125xi32, #tpu.memory_space<vmem>> -> memref<125xi32, #tpu.memory_space<vmem>>
        %dma_wait3A_305 = arith.constant 0 : i32
        %dma_wait3A_306 = tpu.memref_slice %arg4[%arg0, %arg1, %add3A_271, %dma_wait3A_305] : memref<2x16x80x125xi32, #tpu.memory_space<hbm>> -> memref<1x1x1x125xi32, #tpu.memory_space<hbm>>
        %dma_wait3A_307 = tpu.memref_squeeze %dma_wait3A_306 : memref<1x1x1x125xi32, #tpu.memory_space<hbm>> -> memref<125xi32, #tpu.memory_space<hbm>>
        %dma_wait3A_308 = arith.constant 0 : i32
        %dma_wait3A_309 = tpu.memref_slice %arg8[%select_n3A_289, %dma_wait3A_308] : memref<4x125xi32, #tpu.memory_space<vmem>> -> memref<1x125xi32, #tpu.memory_space<vmem>>
        %dma_wait3A_310 = tpu.memref_squeeze %dma_wait3A_309 : memref<1x125xi32, #tpu.memory_space<vmem>> -> memref<125xi32, #tpu.memory_space<vmem>>
        %dma_wait3A_311 = arith.constant 0 : i32
        %dma_wait3A_312 = tpu.memref_slice %arg4[%arg0, %arg1, %add3A_271, %dma_wait3A_311] : memref<2x16x80x125xi32, #tpu.memory_space<hbm>> -> memref<1x1x1x125xi32, #tpu.memory_space<hbm>>
        %dma_wait3A_313 = tpu.memref_squeeze %dma_wait3A_312 : memref<1x1x1x125xi32, #tpu.memory_space<hbm>> -> memref<125xi32, #tpu.memory_space<hbm>>
        tpu.wait_dma2 semaphore(%arg12 : memref<!tpu.dma_semaphore, #tpu.memory_space<semaphore_mem>>) src(%dma_wait3A_313 : memref<125xi32, #tpu.memory_space<hbm>>) dst(%dma_wait3A_310 : memref<125xi32, #tpu.memory_space<vmem>>)
        %add3A_314 = arith.constant 2 : i32
        %add3A_315 = arith.addi %scan3A_215, %add3A_314 : i32
        %jit3A_316 = arith.constant 4 : i32
        %eq3A_317 = arith.constant 0 : i32
        %eq3A_318 = arith.cmpi eq, %jit3A_316, %eq3A_317 : i32
        %jit3A_319 = arith.constant 1 : i32
        %select_n3A_320 = arith.select %eq3A_318, %jit3A_319, %jit3A_316 : i32
        %rem3A_321 = arith.remsi %add3A_315, %select_n3A_320 : i32
        %ne3A_322 = arith.constant 0 : i32
        %ne3A_323 = arith.cmpi ne, %rem3A_321, %ne3A_322 : i32
        %lt3A_324 = arith.constant 0 : i32
        %lt3A_325 = arith.cmpi slt, %rem3A_321, %lt3A_324 : i32
        %lt3A_326 = arith.constant 0 : i32
        %lt3A_327 = arith.cmpi slt, %select_n3A_320, %lt3A_326 : i32
        %ne3A_328 = arith.xori %lt3A_325, %lt3A_327 : i1
        %and3A_329 = arith.andi %ne3A_328, %ne3A_323 : i1
        %add3A_330 = arith.addi %rem3A_321, %select_n3A_320 : i32
        %select_n3A_331 = arith.select %and3A_329, %add3A_330, %rem3A_321 : i32
        %add3A_332 = arith.constant 2 : i32
        %add3A_333 = arith.addi %scan3A_215, %add3A_332 : i32
        %jit3A_334 = arith.constant 3 : i32
        %eq3A_335 = arith.constant 0 : i32
        %eq3A_336 = arith.cmpi eq, %jit3A_334, %eq3A_335 : i32
        %jit3A_337 = arith.constant 1 : i32
        %select_n3A_338 = arith.select %eq3A_336, %jit3A_337, %jit3A_334 : i32
        %rem3A_339 = arith.remsi %add3A_333, %select_n3A_338 : i32
        %ne3A_340 = arith.constant 0 : i32
        %ne3A_341 = arith.cmpi ne, %rem3A_339, %ne3A_340 : i32
        %lt3A_342 = arith.constant 0 : i32
        %lt3A_343 = arith.cmpi slt, %rem3A_339, %lt3A_342 : i32
        %lt3A_344 = arith.constant 0 : i32
        %lt3A_345 = arith.cmpi slt, %select_n3A_338, %lt3A_344 : i32
        %ne3A_346 = arith.xori %lt3A_343, %lt3A_345 : i1
        %and3A_347 = arith.andi %ne3A_346, %ne3A_341 : i1
        %add3A_348 = arith.addi %rem3A_339, %select_n3A_338 : i32
        %select_n3A_349 = arith.select %and3A_347, %add3A_348, %rem3A_339 : i32
        %dma_start3A_350 = arith.constant 0 : i32
        %dma_start3A_351 = arith.constant 0 : i32
        %dma_start3A_352 = tpu.memref_slice %arg9[%select_n3A_349, %dma_start3A_350, %dma_start3A_351] : memref<3x125x128xf32, #tpu.memory_space<vmem>> -> memref<1x125x128xf32, #tpu.memory_space<vmem>>
        %dma_start3A_353 = tpu.memref_squeeze %dma_start3A_352 : memref<1x125x128xf32, #tpu.memory_space<vmem>> -> memref<125x128xf32, #tpu.memory_space<vmem>>
        %dma_start3A_354 = arith.constant 0 : i32
        %dma_start3A_355 = tpu.memref_slice %arg7[%select_n3A_331, %dma_start3A_354] : memref<4x125xi32, #tpu.memory_space<vmem>> -> memref<1x125xi32, #tpu.memory_space<vmem>>
        %dma_start3A_356 = tpu.memref_squeeze %dma_start3A_355 : memref<1x125xi32, #tpu.memory_space<vmem>> -> memref<125xi32, #tpu.memory_space<vmem>>
        %dma_start3A_357 = arith.constant 0 : i32
        %dma_start3A_358 = arith.constant 0 : i32
        %dma_start3A_359 = tpu.memref_slice %arg2[%dma_start3A_357, %dma_start3A_358] : memref<10000x128xf32, #tpu.memory_space<hbm>> -> memref<10000x128xf32, #tpu.memory_space<hbm>>
        tpu.enqueue_indirect_dma source(%dma_start3A_359 : memref<10000x128xf32, #tpu.memory_space<hbm>>) target(%dma_start3A_353 : memref<125x128xf32, #tpu.memory_space<vmem>>) offsets(%dma_start3A_356 : memref<125xi32, #tpu.memory_space<vmem>>) semaphore(%arg11 : memref<!tpu.dma_semaphore, #tpu.memory_space<semaphore_mem>>)
      } else {
      }
    }
    %scan3A_197 = arith.constant 80 : i32
    %dma_wait3A_198 = arith.constant 1 : i32
    %dma_wait3A_199 = arith.constant 0 : i32
    %dma_wait3A_200 = arith.constant 0 : i32
    %dma_wait3A_201 = arith.constant 0 : i32
    %dma_wait3A_202 = tpu.memref_slice %arg9[%dma_wait3A_198, %dma_wait3A_200, %dma_wait3A_201] : memref<3x125x128xf32, #tpu.memory_space<vmem>> -> memref<1x125x128xf32, #tpu.memory_space<vmem>>
    %dma_wait3A_203 = tpu.memref_squeeze %dma_wait3A_202 : memref<1x125x128xf32, #tpu.memory_space<vmem>> -> memref<125x128xf32, #tpu.memory_space<vmem>>
    %dma_wait3A_204 = arith.constant 0 : i32
    %dma_wait3A_205 = tpu.memref_slice %arg8[%dma_wait3A_199, %dma_wait3A_204] : memref<4x125xi32, #tpu.memory_space<vmem>> -> memref<1x125xi32, #tpu.memory_space<vmem>>
    %dma_wait3A_206 = tpu.memref_squeeze %dma_wait3A_205 : memref<1x125xi32, #tpu.memory_space<vmem>> -> memref<125xi32, #tpu.memory_space<vmem>>
    %dma_wait3A_207 = arith.constant 0 : i32
    %dma_wait3A_208 = arith.constant 0 : i32
    %dma_wait3A_209 = tpu.memref_slice %arg10[%dma_wait3A_207, %dma_wait3A_208] : memref<10112x128xf32, #tpu.memory_space<vmem_shared>> -> memref<10112x128xf32, #tpu.memory_space<vmem_shared>>
    tpu.wait_indirect_dma semaphore(%arg13 : memref<!tpu.dma_semaphore, #tpu.memory_space<semaphore_mem>>) src(%dma_wait3A_203 : memref<125x128xf32, #tpu.memory_space<vmem>>) dst(%dma_wait3A_209 : memref<10112x128xf32, #tpu.memory_space<vmem_shared>>)
    %barrier3A_210 = arith.constant 0 : index
    tpu.barrier barrier_id(%barrier3A_210)
    %mul3A_211 = arith.constant 632 : i32
    %mul3A_212 = arith.muli %arg1, %mul3A_211 : i32
    %mul3A_213 = arith.constant 632 : i32
    %mul3A_214 = arith.muli %arg1, %mul3A_213 : i32
    "tpu.region"() ({
      %run_scoped3A = tpu.sem_alloc : memref<!tpu.dma_semaphore, #tpu.memory_space<semaphore_mem>>
      %dma_start3A_215 = arith.constant 0 : i32
      %dma_start3A_216 = tpu.memref_slice %arg6[%arg0, %mul3A_214, %dma_start3A_215] : memref<2x10112x128xf32, #tpu.memory_space<hbm>> -> memref<1x632x128xf32, #tpu.memory_space<hbm>>
      %dma_start3A_217 = tpu.memref_squeeze %dma_start3A_216 : memref<1x632x128xf32, #tpu.memory_space<hbm>> -> memref<632x128xf32, #tpu.memory_space<hbm>>
      %dma_start3A_218 = arith.constant 0 : i32
      %dma_start3A_219 = tpu.memref_slice %arg10[%mul3A_212, %dma_start3A_218] : memref<10112x128xf32, #tpu.memory_space<vmem_shared>> -> memref<632x128xf32, #tpu.memory_space<vmem_shared>>
      tpu.enqueue_dma source(%dma_start3A_219 : memref<632x128xf32, #tpu.memory_space<vmem_shared>>) target(%dma_start3A_217 : memref<632x128xf32, #tpu.memory_space<hbm>>) target_semaphore(%run_scoped3A : memref<!tpu.dma_semaphore, #tpu.memory_space<semaphore_mem>>)
      %dma_wait3A_220 = arith.constant 0 : i32
      %dma_wait3A_221 = tpu.memref_slice %arg6[%arg0, %mul3A_214, %dma_wait3A_220] : memref<2x10112x128xf32, #tpu.memory_space<hbm>> -> memref<1x632x128xf32, #tpu.memory_space<hbm>>
      %dma_wait3A_222 = tpu.memref_squeeze %dma_wait3A_221 : memref<1x632x128xf32, #tpu.memory_space<hbm>> -> memref<632x128xf32, #tpu.memory_space<hbm>>
      %dma_wait3A_223 = arith.constant 0 : i32
      %dma_wait3A_224 = tpu.memref_slice %arg10[%mul3A_212, %dma_wait3A_223] : memref<10112x128xf32, #tpu.memory_space<vmem_shared>> -> memref<632x128xf32, #tpu.memory_space<vmem_shared>>
      tpu.wait_dma2 semaphore(%run_scoped3A : memref<!tpu.dma_semaphore, #tpu.memory_space<semaphore_mem>>) src(%dma_wait3A_224 : memref<632x128xf32, #tpu.memory_space<vmem_shared>>) dst(%dma_wait3A_222 : memref<632x128xf32, #tpu.memory_space<hbm>>)
      tpu.yield
    }) : () -> ()
    return
  }
}

module attributes {stable_mosaic.version = 14 : i64} {
  func.func @body(%arg0: i32, %arg1: memref<2000x128xf32, #tpu.memory_space<vmem>>, %arg2: memref<128x128xf32, #tpu.memory_space<vmem>>, %arg3: memref<2000x128xf32, #tpu.memory_space<vmem>>) attributes {dimension_semantics = [#tpu.dimension_semantics<arbitrary>], iteration_bounds = array<i64: 5>, scalar_prefetch = 0 : i64, scratch_operands = 0 : i64, tpu.core_type = #tpu.core_type<tc>, window_params = [{transform_indices = @transform_0, window_bounds = array<i64: 2000, 128>}, {pipeline_mode = #tpu.pipeline_mode<synchronous>, transform_indices = @transform_1, window_bounds = array<i64: 128, 128>}, {transform_indices = @transform_2, window_bounds = array<i64: 2000, 128>}]} {
    %get3A = arith.constant 0 : index
    %get3A_0 = arith.constant 0 : index
    %get3A_1 = vector.load %arg1[%get3A, %get3A_0] : memref<2000x128xf32, #tpu.memory_space<vmem>>, vector<2000x128xf32>
    %get3A_2 = arith.constant 0 : index
    %get3A_3 = arith.constant 0 : index
    %get3A_4 = vector.load %arg2[%get3A_2, %get3A_3] : memref<128x128xf32, #tpu.memory_space<vmem>>, vector<128x128xf32>
    %dot_general3A = arith.constant dense<0.000000e+00> : vector<2000x128xf32>
    %dot_general3A_5 = tpu.matmul %get3A_1, %get3A_4, %dot_general3A {dimension_numbers = #tpu.dot_dimension_numbers<[1], [0], [0], [1], [0, 0, 1, 1], [], []>, transpose_lhs_hint = false} : vector<2000x128xf32>, vector<128x128xf32>, vector<2000x128xf32> -> vector<2000x128xf32>
    %swap3A = arith.constant 0 : index
    %swap3A_6 = arith.constant 0 : index
    %swap3A_7 = vector.load %arg3[%swap3A, %swap3A_6] : memref<2000x128xf32, #tpu.memory_space<vmem>>, vector<2000x128xf32>
    tpu.vector_store %arg3[%swap3A, %swap3A_6], %dot_general3A_5 {strides = array<i32>} : memref<2000x128xf32, #tpu.memory_space<vmem>>, vector<2000x128xf32>,
    return
  }
  func.func @transform_0(%arg0: i32) -> (i32, i32) {
    %c0_i32 = arith.constant 0 : i32
    %c0_i32_0 = arith.constant 0 : i32
    return %arg0, %c0_i32 : i32, i32
  }
  func.func @transform_1(%arg0: i32) -> (i32, i32) {
    %c0_i32 = arith.constant 0 : i32
    %c0_i32_0 = arith.constant 0 : i32
    %c0_i32_1 = arith.constant 0 : i32
    return %c0_i32, %c0_i32_0 : i32, i32
  }
  func.func @transform_2(%arg0: i32) -> (i32, i32) {
    %c0_i32 = arith.constant 0 : i32
    %c0_i32_0 = arith.constant 0 : i32
    return %arg0, %c0_i32 : i32, i32
  }
}

module attributes {stable_mosaic.version = 14 : i64} {
  func.func @body(%arg0: i32, %arg1: memref<2x2000x128xf32, #tpu.memory_space<vmem>>, %arg2: memref<2000x128xf32, #tpu.memory_space<vmem>>, %arg3: memref<128x384xf32, #tpu.memory_space<vmem>>, %arg4: memref<128x384xf32, #tpu.memory_space<vmem>>, %arg5: memref<1x384xf32, #tpu.memory_space<vmem>>, %arg6: memref<1x384xf32, #tpu.memory_space<vmem>>, %arg7: memref<128x128xf32, #tpu.memory_space<vmem>>, %arg8: memref<2000x128xf32, #tpu.memory_space<vmem>>, %arg9: memref<2000x128xf32, #tpu.memory_space<vmem>>) attributes {dimension_semantics = [#tpu.dimension_semantics<arbitrary>], iteration_bounds = array<i64: 5>, scalar_prefetch = 0 : i64, scratch_operands = 0 : i64, tpu.core_type = #tpu.core_type<tc>, window_params = [{transform_indices = @transform_0, window_bounds = array<i64: 2, 2000, 128>}, {transform_indices = @transform_1, window_bounds = array<i64: 2000, 128>}, {pipeline_mode = #tpu.pipeline_mode<synchronous>, transform_indices = @transform_2, window_bounds = array<i64: 128, 384>}, {pipeline_mode = #tpu.pipeline_mode<synchronous>, transform_indices = @transform_3, window_bounds = array<i64: 128, 384>}, {pipeline_mode = #tpu.pipeline_mode<synchronous>, transform_indices = @transform_4, window_bounds = array<i64: 1, 384>}, {pipeline_mode = #tpu.pipeline_mode<synchronous>, transform_indices = @transform_5, window_bounds = array<i64: 1, 384>}, {pipeline_mode = #tpu.pipeline_mode<synchronous>, transform_indices = @transform_6, window_bounds = array<i64: 128, 128>}, {transform_indices = @transform_7, window_bounds = array<i64: 2000, 128>}, {transform_indices = @transform_8, window_bounds = array<i64: 2000, 128>}]} {
    %get3A = arith.constant 0 : index
    %get3A_0 = arith.constant 0 : index
    %get3A_1 = arith.constant 0 : index
    %get3A_2 = vector.load %arg1[%get3A, %get3A_0, %get3A_1] : memref<2x2000x128xf32, #tpu.memory_space<vmem>>, vector<1x2000x128xf32>
    %get3A_3 = vector.shape_cast %get3A_2 : vector<1x2000x128xf32> to vector<2000x128xf32>
    %get3A_4 = arith.constant 1 : index
    %get3A_5 = arith.constant 0 : index
    %get3A_6 = arith.constant 0 : index
    %get3A_7 = vector.load %arg1[%get3A_4, %get3A_5, %get3A_6] : memref<2x2000x128xf32, #tpu.memory_space<vmem>>, vector<1x2000x128xf32>
    %get3A_8 = vector.shape_cast %get3A_7 : vector<1x2000x128xf32> to vector<2000x128xf32>
    %add3A = arith.addf %get3A_3, %get3A_8 : vector<2000x128xf32>
    %get3A_9 = arith.constant 0 : index
    %get3A_10 = arith.constant 0 : index
    %get3A_11 = vector.load %arg2[%get3A_9, %get3A_10] : memref<2000x128xf32, #tpu.memory_space<vmem>>, vector<2000x128xf32>
    %get3A_12 = arith.constant 0 : index
    %get3A_13 = arith.constant 0 : index
    %get3A_14 = vector.load %arg3[%get3A_12, %get3A_13] : memref<128x384xf32, #tpu.memory_space<vmem>>, vector<128x384xf32>
    %dot_general3A = arith.constant dense<0.000000e+00> : vector<2000x384xf32>
    %dot_general3A_15 = tpu.matmul %add3A, %get3A_14, %dot_general3A {dimension_numbers = #tpu.dot_dimension_numbers<[1], [0], [0], [1], [0, 0, 1, 1], [], []>, transpose_lhs_hint = false} : vector<2000x128xf32>, vector<128x384xf32>, vector<2000x384xf32> -> vector<2000x384xf32>
    %get3A_16 = arith.constant 0 : index
    %get3A_17 = arith.constant 0 : index
    %get3A_18 = vector.load %arg5[%get3A_16, %get3A_17] : memref<1x384xf32, #tpu.memory_space<vmem>>, vector<1x384xf32>
    %add3A_19 = vector.broadcast %get3A_18 : vector<1x384xf32> to vector<2000x384xf32>
    %add3A_20 = arith.addf %dot_general3A_15, %add3A_19 : vector<2000x384xf32>
    %get3A_21 = arith.constant 0 : index
    %get3A_22 = arith.constant 0 : index
    %get3A_23 = vector.load %arg4[%get3A_21, %get3A_22] : memref<128x384xf32, #tpu.memory_space<vmem>>, vector<128x384xf32>
    %dot_general3A_24 = arith.constant dense<0.000000e+00> : vector<2000x384xf32>
    %dot_general3A_25 = tpu.matmul %get3A_11, %get3A_23, %dot_general3A_24 {dimension_numbers = #tpu.dot_dimension_numbers<[1], [0], [0], [1], [0, 0, 1, 1], [], []>, transpose_lhs_hint = false} : vector<2000x128xf32>, vector<128x384xf32>, vector<2000x384xf32> -> vector<2000x384xf32>
    %get3A_26 = arith.constant 0 : index
    %get3A_27 = arith.constant 0 : index
    %get3A_28 = vector.load %arg6[%get3A_26, %get3A_27] : memref<1x384xf32, #tpu.memory_space<vmem>>, vector<1x384xf32>
    %add3A_29 = vector.broadcast %get3A_28 : vector<1x384xf32> to vector<2000x384xf32>
    %add3A_30 = arith.addf %dot_general3A_25, %add3A_29 : vector<2000x384xf32>
    %slice3A = vector.extract_strided_slice %add3A_20 {offsets = [0, 0], sizes = [2000, 128], strides = [1, 1]} : vector<2000x384xf32> to vector<2000x128xf32>
    %slice3A_31 = vector.extract_strided_slice %add3A_30 {offsets = [0, 0], sizes = [2000, 128], strides = [1, 1]} : vector<2000x384xf32> to vector<2000x128xf32>
    %add3A_32 = arith.addf %slice3A, %slice3A_31 : vector<2000x128xf32>
    %logistic3A = arith.negf %add3A_32 : vector<2000x128xf32>
    %logistic3A_33 = math.exp %logistic3A : vector<2000x128xf32>
    %logistic3A_34 = arith.constant 1.000000e+00 : f32
    %logistic3A_35 = vector.broadcast %logistic3A_34 : f32 to vector<2000x128xf32>
    %logistic3A_36 = arith.addf %logistic3A_35, %logistic3A_33 : vector<2000x128xf32>
    %logistic3A_37 = arith.divf %logistic3A_35, %logistic3A_36 : vector<2000x128xf32>
    %slice3A_38 = vector.extract_strided_slice %add3A_20 {offsets = [0, 128], sizes = [2000, 128], strides = [1, 1]} : vector<2000x384xf32> to vector<2000x128xf32>
    %slice3A_39 = vector.extract_strided_slice %add3A_30 {offsets = [0, 128], sizes = [2000, 128], strides = [1, 1]} : vector<2000x384xf32> to vector<2000x128xf32>
    %add3A_40 = arith.addf %slice3A_38, %slice3A_39 : vector<2000x128xf32>
    %logistic3A_41 = arith.negf %add3A_40 : vector<2000x128xf32>
    %logistic3A_42 = math.exp %logistic3A_41 : vector<2000x128xf32>
    %logistic3A_43 = arith.constant 1.000000e+00 : f32
    %logistic3A_44 = vector.broadcast %logistic3A_43 : f32 to vector<2000x128xf32>
    %logistic3A_45 = arith.addf %logistic3A_44, %logistic3A_42 : vector<2000x128xf32>
    %logistic3A_46 = arith.divf %logistic3A_44, %logistic3A_45 : vector<2000x128xf32>
    %slice3A_47 = vector.extract_strided_slice %add3A_20 {offsets = [0, 256], sizes = [2000, 128], strides = [1, 1]} : vector<2000x384xf32> to vector<2000x128xf32>
    %slice3A_48 = vector.extract_strided_slice %add3A_30 {offsets = [0, 256], sizes = [2000, 128], strides = [1, 1]} : vector<2000x384xf32> to vector<2000x128xf32>
    %mul3A = arith.mulf %logistic3A_37, %slice3A_48 : vector<2000x128xf32>
    %add3A_49 = arith.addf %slice3A_47, %mul3A : vector<2000x128xf32>
    %tanh3A = math.tanh %add3A_49 : vector<2000x128xf32>
    %sub3A = arith.constant 1.000000e+00 : f32
    %sub3A_50 = vector.broadcast %sub3A : f32 to vector<2000x128xf32>
    %sub3A_51 = arith.subf %sub3A_50, %logistic3A_46 : vector<2000x128xf32>
    %mul3A_52 = arith.mulf %sub3A_51, %tanh3A : vector<2000x128xf32>
    %mul3A_53 = arith.mulf %logistic3A_46, %get3A_11 : vector<2000x128xf32>
    %add3A_54 = arith.addf %mul3A_52, %mul3A_53 : vector<2000x128xf32>
    %swap3A = arith.constant 0 : index
    %swap3A_55 = arith.constant 0 : index
    %swap3A_56 = vector.load %arg8[%swap3A, %swap3A_55] : memref<2000x128xf32, #tpu.memory_space<vmem>>, vector<2000x128xf32>
    tpu.vector_store %arg8[%swap3A, %swap3A_55], %add3A_54 {strides = array<i32>} : memref<2000x128xf32, #tpu.memory_space<vmem>>, vector<2000x128xf32>,
    %get3A_57 = arith.constant 0 : index
    %get3A_58 = arith.constant 0 : index
    %get3A_59 = vector.load %arg7[%get3A_57, %get3A_58] : memref<128x128xf32, #tpu.memory_space<vmem>>, vector<128x128xf32>
    %dot_general3A_60 = arith.constant dense<0.000000e+00> : vector<2000x128xf32>
    %dot_general3A_61 = tpu.matmul %add3A_54, %get3A_59, %dot_general3A_60 {dimension_numbers = #tpu.dot_dimension_numbers<[1], [0], [0], [1], [0, 0, 1, 1], [], []>, transpose_lhs_hint = false} : vector<2000x128xf32>, vector<128x128xf32>, vector<2000x128xf32> -> vector<2000x128xf32>
    %swap3A_62 = arith.constant 0 : index
    %swap3A_63 = arith.constant 0 : index
    %swap3A_64 = vector.load %arg9[%swap3A_62, %swap3A_63] : memref<2000x128xf32, #tpu.memory_space<vmem>>, vector<2000x128xf32>
    tpu.vector_store %arg9[%swap3A_62, %swap3A_63], %dot_general3A_61 {strides = array<i32>} : memref<2000x128xf32, #tpu.memory_space<vmem>>, vector<2000x128xf32>,
    return
  }
  func.func @transform_0(%arg0: i32) -> (i32, i32, i32) {
    %c0_i32 = arith.constant 0 : i32
    %c0_i32_0 = arith.constant 0 : i32
    %c0_i32_1 = arith.constant 0 : i32
    return %c0_i32, %arg0, %c0_i32_0 : i32, i32, i32
  }
  func.func @transform_1(%arg0: i32) -> (i32, i32) {
    %c0_i32 = arith.constant 0 : i32
    %c0_i32_0 = arith.constant 0 : i32
    return %arg0, %c0_i32 : i32, i32
  }
  func.func @transform_2(%arg0: i32) -> (i32, i32) {
    %c0_i32 = arith.constant 0 : i32
    %c0_i32_0 = arith.constant 0 : i32
    %c0_i32_1 = arith.constant 0 : i32
    return %c0_i32, %c0_i32_0 : i32, i32
  }
  func.func @transform_3(%arg0: i32) -> (i32, i32) {
    %c0_i32 = arith.constant 0 : i32
    %c0_i32_0 = arith.constant 0 : i32
    %c0_i32_1 = arith.constant 0 : i32
    return %c0_i32, %c0_i32_0 : i32, i32
  }
  func.func @transform_4(%arg0: i32) -> (i32, i32) {
    %c0_i32 = arith.constant 0 : i32
    %c0_i32_0 = arith.constant 0 : i32
    %c0_i32_1 = arith.constant 0 : i32
    return %c0_i32, %c0_i32_0 : i32, i32
  }
  func.func @transform_5(%arg0: i32) -> (i32, i32) {
    %c0_i32 = arith.constant 0 : i32
    %c0_i32_0 = arith.constant 0 : i32
    %c0_i32_1 = arith.constant 0 : i32
    return %c0_i32, %c0_i32_0 : i32, i32
  }
  func.func @transform_6(%arg0: i32) -> (i32, i32) {
    %c0_i32 = arith.constant 0 : i32
    %c0_i32_0 = arith.constant 0 : i32
    %c0_i32_1 = arith.constant 0 : i32
    return %c0_i32, %c0_i32_0 : i32, i32
  }
  func.func @transform_7(%arg0: i32) -> (i32, i32) {
    %c0_i32 = arith.constant 0 : i32
    %c0_i32_0 = arith.constant 0 : i32
    return %arg0, %c0_i32 : i32, i32
  }
  func.func @transform_8(%arg0: i32) -> (i32, i32) {
    %c0_i32 = arith.constant 0 : i32
    %c0_i32_0 = arith.constant 0 : i32
    return %arg0, %c0_i32 : i32, i32
  }
}

module attributes {stable_mosaic.version = 14 : i64} {
  func.func @body(%arg0: i32, %arg1: memref<2x2000x128xf32, #tpu.memory_space<vmem>>, %arg2: memref<2000x128xf32, #tpu.memory_space<vmem>>, %arg3: memref<128x384xf32, #tpu.memory_space<vmem>>, %arg4: memref<128x384xf32, #tpu.memory_space<vmem>>, %arg5: memref<1x384xf32, #tpu.memory_space<vmem>>, %arg6: memref<1x384xf32, #tpu.memory_space<vmem>>, %arg7: memref<2000x128xf32, #tpu.memory_space<vmem>>) attributes {dimension_semantics = [#tpu.dimension_semantics<arbitrary>], iteration_bounds = array<i64: 5>, scalar_prefetch = 0 : i64, scratch_operands = 0 : i64, tpu.core_type = #tpu.core_type<tc>, window_params = [{transform_indices = @transform_0, window_bounds = array<i64: 2, 2000, 128>}, {transform_indices = @transform_1, window_bounds = array<i64: 2000, 128>}, {pipeline_mode = #tpu.pipeline_mode<synchronous>, transform_indices = @transform_2, window_bounds = array<i64: 128, 384>}, {pipeline_mode = #tpu.pipeline_mode<synchronous>, transform_indices = @transform_3, window_bounds = array<i64: 128, 384>}, {pipeline_mode = #tpu.pipeline_mode<synchronous>, transform_indices = @transform_4, window_bounds = array<i64: 1, 384>}, {pipeline_mode = #tpu.pipeline_mode<synchronous>, transform_indices = @transform_5, window_bounds = array<i64: 1, 384>}, {transform_indices = @transform_6, window_bounds = array<i64: 2000, 128>}]} {
    %get3A = arith.constant 0 : index
    %get3A_0 = arith.constant 0 : index
    %get3A_1 = arith.constant 0 : index
    %get3A_2 = vector.load %arg1[%get3A, %get3A_0, %get3A_1] : memref<2x2000x128xf32, #tpu.memory_space<vmem>>, vector<1x2000x128xf32>
    %get3A_3 = vector.shape_cast %get3A_2 : vector<1x2000x128xf32> to vector<2000x128xf32>
    %get3A_4 = arith.constant 1 : index
    %get3A_5 = arith.constant 0 : index
    %get3A_6 = arith.constant 0 : index
    %get3A_7 = vector.load %arg1[%get3A_4, %get3A_5, %get3A_6] : memref<2x2000x128xf32, #tpu.memory_space<vmem>>, vector<1x2000x128xf32>
    %get3A_8 = vector.shape_cast %get3A_7 : vector<1x2000x128xf32> to vector<2000x128xf32>
    %add3A = arith.addf %get3A_3, %get3A_8 : vector<2000x128xf32>
    %get3A_9 = arith.constant 0 : index
    %get3A_10 = arith.constant 0 : index
    %get3A_11 = vector.load %arg2[%get3A_9, %get3A_10] : memref<2000x128xf32, #tpu.memory_space<vmem>>, vector<2000x128xf32>
    %get3A_12 = arith.constant 0 : index
    %get3A_13 = arith.constant 0 : index
    %get3A_14 = vector.load %arg3[%get3A_12, %get3A_13] : memref<128x384xf32, #tpu.memory_space<vmem>>, vector<128x384xf32>
    %dot_general3A = arith.constant dense<0.000000e+00> : vector<2000x384xf32>
    %dot_general3A_15 = tpu.matmul %add3A, %get3A_14, %dot_general3A {dimension_numbers = #tpu.dot_dimension_numbers<[1], [0], [0], [1], [0, 0, 1, 1], [], []>, transpose_lhs_hint = false} : vector<2000x128xf32>, vector<128x384xf32>, vector<2000x384xf32> -> vector<2000x384xf32>
    %get3A_16 = arith.constant 0 : index
    %get3A_17 = arith.constant 0 : index
    %get3A_18 = vector.load %arg5[%get3A_16, %get3A_17] : memref<1x384xf32, #tpu.memory_space<vmem>>, vector<1x384xf32>
    %add3A_19 = vector.broadcast %get3A_18 : vector<1x384xf32> to vector<2000x384xf32>
    %add3A_20 = arith.addf %dot_general3A_15, %add3A_19 : vector<2000x384xf32>
    %get3A_21 = arith.constant 0 : index
    %get3A_22 = arith.constant 0 : index
    %get3A_23 = vector.load %arg4[%get3A_21, %get3A_22] : memref<128x384xf32, #tpu.memory_space<vmem>>, vector<128x384xf32>
    %dot_general3A_24 = arith.constant dense<0.000000e+00> : vector<2000x384xf32>
    %dot_general3A_25 = tpu.matmul %get3A_11, %get3A_23, %dot_general3A_24 {dimension_numbers = #tpu.dot_dimension_numbers<[1], [0], [0], [1], [0, 0, 1, 1], [], []>, transpose_lhs_hint = false} : vector<2000x128xf32>, vector<128x384xf32>, vector<2000x384xf32> -> vector<2000x384xf32>
    %get3A_26 = arith.constant 0 : index
    %get3A_27 = arith.constant 0 : index
    %get3A_28 = vector.load %arg6[%get3A_26, %get3A_27] : memref<1x384xf32, #tpu.memory_space<vmem>>, vector<1x384xf32>
    %add3A_29 = vector.broadcast %get3A_28 : vector<1x384xf32> to vector<2000x384xf32>
    %add3A_30 = arith.addf %dot_general3A_25, %add3A_29 : vector<2000x384xf32>
    %slice3A = vector.extract_strided_slice %add3A_20 {offsets = [0, 0], sizes = [2000, 128], strides = [1, 1]} : vector<2000x384xf32> to vector<2000x128xf32>
    %slice3A_31 = vector.extract_strided_slice %add3A_30 {offsets = [0, 0], sizes = [2000, 128], strides = [1, 1]} : vector<2000x384xf32> to vector<2000x128xf32>
    %add3A_32 = arith.addf %slice3A, %slice3A_31 : vector<2000x128xf32>
    %logistic3A = arith.negf %add3A_32 : vector<2000x128xf32>
    %logistic3A_33 = math.exp %logistic3A : vector<2000x128xf32>
    %logistic3A_34 = arith.constant 1.000000e+00 : f32
    %logistic3A_35 = vector.broadcast %logistic3A_34 : f32 to vector<2000x128xf32>
    %logistic3A_36 = arith.addf %logistic3A_35, %logistic3A_33 : vector<2000x128xf32>
    %logistic3A_37 = arith.divf %logistic3A_35, %logistic3A_36 : vector<2000x128xf32>
    %slice3A_38 = vector.extract_strided_slice %add3A_20 {offsets = [0, 128], sizes = [2000, 128], strides = [1, 1]} : vector<2000x384xf32> to vector<2000x128xf32>
    %slice3A_39 = vector.extract_strided_slice %add3A_30 {offsets = [0, 128], sizes = [2000, 128], strides = [1, 1]} : vector<2000x384xf32> to vector<2000x128xf32>
    %add3A_40 = arith.addf %slice3A_38, %slice3A_39 : vector<2000x128xf32>
    %logistic3A_41 = arith.negf %add3A_40 : vector<2000x128xf32>
    %logistic3A_42 = math.exp %logistic3A_41 : vector<2000x128xf32>
    %logistic3A_43 = arith.constant 1.000000e+00 : f32
    %logistic3A_44 = vector.broadcast %logistic3A_43 : f32 to vector<2000x128xf32>
    %logistic3A_45 = arith.addf %logistic3A_44, %logistic3A_42 : vector<2000x128xf32>
    %logistic3A_46 = arith.divf %logistic3A_44, %logistic3A_45 : vector<2000x128xf32>
    %slice3A_47 = vector.extract_strided_slice %add3A_20 {offsets = [0, 256], sizes = [2000, 128], strides = [1, 1]} : vector<2000x384xf32> to vector<2000x128xf32>
    %slice3A_48 = vector.extract_strided_slice %add3A_30 {offsets = [0, 256], sizes = [2000, 128], strides = [1, 1]} : vector<2000x384xf32> to vector<2000x128xf32>
    %mul3A = arith.mulf %logistic3A_37, %slice3A_48 : vector<2000x128xf32>
    %add3A_49 = arith.addf %slice3A_47, %mul3A : vector<2000x128xf32>
    %tanh3A = math.tanh %add3A_49 : vector<2000x128xf32>
    %sub3A = arith.constant 1.000000e+00 : f32
    %sub3A_50 = vector.broadcast %sub3A : f32 to vector<2000x128xf32>
    %sub3A_51 = arith.subf %sub3A_50, %logistic3A_46 : vector<2000x128xf32>
    %mul3A_52 = arith.mulf %sub3A_51, %tanh3A : vector<2000x128xf32>
    %mul3A_53 = arith.mulf %logistic3A_46, %get3A_11 : vector<2000x128xf32>
    %add3A_54 = arith.addf %mul3A_52, %mul3A_53 : vector<2000x128xf32>
    %swap3A = arith.constant 0 : index
    %swap3A_55 = arith.constant 0 : index
    %swap3A_56 = vector.load %arg7[%swap3A, %swap3A_55] : memref<2000x128xf32, #tpu.memory_space<vmem>>, vector<2000x128xf32>
    tpu.vector_store %arg7[%swap3A, %swap3A_55], %add3A_54 {strides = array<i32>} : memref<2000x128xf32, #tpu.memory_space<vmem>>, vector<2000x128xf32>,
    return
  }
  func.func @transform_0(%arg0: i32) -> (i32, i32, i32) {
    %c0_i32 = arith.constant 0 : i32
    %c0_i32_0 = arith.constant 0 : i32
    %c0_i32_1 = arith.constant 0 : i32
    return %c0_i32, %arg0, %c0_i32_0 : i32, i32, i32
  }
  func.func @transform_1(%arg0: i32) -> (i32, i32) {
    %c0_i32 = arith.constant 0 : i32
    %c0_i32_0 = arith.constant 0 : i32
    return %arg0, %c0_i32 : i32, i32
  }
  func.func @transform_2(%arg0: i32) -> (i32, i32) {
    %c0_i32 = arith.constant 0 : i32
    %c0_i32_0 = arith.constant 0 : i32
    %c0_i32_1 = arith.constant 0 : i32
    return %c0_i32, %c0_i32_0 : i32, i32
  }
  func.func @transform_3(%arg0: i32) -> (i32, i32) {
    %c0_i32 = arith.constant 0 : i32
    %c0_i32_0 = arith.constant 0 : i32
    %c0_i32_1 = arith.constant 0 : i32
    return %c0_i32, %c0_i32_0 : i32, i32
  }
  func.func @transform_4(%arg0: i32) -> (i32, i32) {
    %c0_i32 = arith.constant 0 : i32
    %c0_i32_0 = arith.constant 0 : i32
    %c0_i32_1 = arith.constant 0 : i32
    return %c0_i32, %c0_i32_0 : i32, i32
  }
  func.func @transform_5(%arg0: i32) -> (i32, i32) {
    %c0_i32 = arith.constant 0 : i32
    %c0_i32_0 = arith.constant 0 : i32
    %c0_i32_1 = arith.constant 0 : i32
    return %c0_i32, %c0_i32_0 : i32, i32
  }
  func.func @transform_6(%arg0: i32) -> (i32, i32) {
    %c0_i32 = arith.constant 0 : i32
    %c0_i32_0 = arith.constant 0 : i32
    return %arg0, %c0_i32 : i32, i32
  }
}

</mosaic_0001>

<sc_bundles>
// kernel: kernel.13.cloned.1.call-start
scs
__scs_entry_jumppad:
0x0: {  	(pc) =	sbr.rel $0x88, $3  }
0x1: {  	(tag) =	ssettag $0x0;
	lr =	simm.s32 $0x1  }
0x2: {  	[smem:$0x3F9A] =	sst lr;
	_ =	strace $0xD0000000  }
0x3: {  	_ = 	snop  }
0x4: {  	_ = 	snop  }
0x5: {  	_ = 	snop  }
0x6: {  	_ = 	snop  }
0x7: {  	_ = 	snop  }
__scs_overlays_trampoline_lowered:
0x8: {  	[smem:$0x3FA9] =	sst s0  }
0x9: {  	[smem:$0x3FAA] =	sst s1  }
0xa: {  	[smem:$0x3FAB] =	sst s2  }
0xb: {  	[smem:$0x3FAC] =	sst s3  }
0xc: {  	[smem:$0x3FAD] =	sst s4  }
0xd: {  	[smem:$0x3FAE] =	sst s5  }
0xe: {  	[smem:$0x3FAF] =	sst s6  }
0xf: {  	[smem:$0x3FB0] =	sst s7  }
0x10: {  	[smem:$0x3FB1] =	sst s8  }
0x11: {  	[smem:$0x3FB2] =	sst s9;
	s0 =	simm.s32 @!p0 $0x0  }
0x12: {  	s1 =	sld [smem:$0x3F98];
	s0 =	simm.s32 @p0 $0x1  }
0x13: {  	[smem:$0x3FB3] =	sst s0;
	s0 =	simm.s32 @!p1 $0x0  }
0x14: {  	s2 =	sld [smem:$0x3F97];
	s0 =	simm.s32 @p1 $0x1  }
0x15: {  	[smem:$0x3FB4] =	sst s0;
	s0 =	simm.s32 @!p2 $0x0  }
0x16: {  	s3 =	sld [smem:$0x3FDB];
	s0 =	simm.s32 @p2 $0x1  }
0x17: {  	s4 =	simm.s32 $0x1BF5;
	[smem:$0x3FB6] =	sst s0  }
0x18: {  	s0 =	sld [smem:$0x3F99];
	_ =	swait.ge [sflag:s4], $0x0  }
0x19: {  	s7 =	sld [smem:$0x3F9A]  }
0x1a: {  	s8 =	sadd.s32 $0xFFFFE003, lr  }
0x1b: {  	s9 =	sadd.s32 $0xFFFFFEF7, lr;
	s5 =	simm.s32 $0xFFFFFFFF;
	p2 =	slt.u32 s8, $0xFFFFF086  }
0x1c: {  	p1 =	slt.u32 s9, $0xF7A;
	s5 =	simm.s32 @!p2 $0x0  }
0x1d: {  	s5 =	simm.s32 @p1 $0x1;
	p0 =	seq.s32 s7, s2  }
0x1e: {  	s7 =	smul.u32 @!p0 $0xF7A, s2;
	p2 =	seq.s32 @!p0 s5, $0x0  }
0x1f: {  	s9 =	smul.u32 $0xF7A, s1;
	s8 =	simm.s32 @!p0 $0x1BF5;
	p2 =	por !p2, p0  }
0x20: {  	[sflag:s8] =	ssyncset.s32 @!p0 $0xFFFFF086;
	s6 =	sadd.s32 @!p0 s3, s7;
	s7 =	simm.s32 @!p0 $0x108  }
0x21: {  	s3 =	sadd.s32 s3, s9;
	s6 =	sadd.s32 @!p0 $0x88, s6;
	s7 =	simm.s32 @p2 $0x1082  }
0x22: {  	[simem:s7], [sflag:s8] =	dma.local @!p0 [hbm:s6], $0xF7A  }
0x23: {  	s9 =	sor.u32 $0xD0000000, s2;
	s6 =	simm.s32 $0x108;
	_ =	swait.ge @!p0 [sflag:s8], $0x0  }
0x24: {  	s3 =	sadd.s32 $0x88, s3;
	s6 =	simm.s32 @!p1 $0x1082;
	[sflag:s4] =	ssyncset.s32 $0xFFFFF086  }
0x25: {  	[simem:s6], [sflag:s4] =	dma.local [hbm:s3], $0xF7A  }
0x26: {  	[smem:$0x3F9A] =	sst s1;
	(tag) =	ssettag s2;
	_ =	strace s9  }
0x27: {  	s1 =	sld [smem:$0x3FAA]  }
0x28: {  	s2 =	sld [smem:$0x3FAB]  }
0x29: {  	s4 =	sld [smem:$0x3FAD]  }
0x2a: {  	p0 =	seq.s32 s5, $0x0;
	s5 =	sld [smem:$0x3FAE]  }
0x2b: {  	s6 =	sld [smem:$0x3FAF]  }
0x2c: {  	s7 =	sld [smem:$0x3FB0]  }
0x2d: {  	s3 =	simm.s32 $0x108;
	s8 =	sld [smem:$0x3FB1]  }
0x2e: {  	s3 =	simm.s32 @!p0 $0x1082;
	s9 =	sld [smem:$0x3FB2]  }
0x2f: {  	lr =	sadd.s32 s0, s3;
	s0 =	sld [smem:$0x3FA9]  }
0x30: {  	s3 =	sld [smem:$0x3FAC]  }
0x31: {  	[smem:$0x3FB5] =	sst s10  }
0x32: {  	s10 =	sld [smem:$0x3FB3];
	_ =	sdelay $0x3  }
0x33: {  	p0 =	seq.s32 s10, $0x1;
	s10 =	sld [smem:$0x3FB5];
	_ =	sdelay $0x3  }
0x34: {  	[smem:$0x3FB5] =	sst s10  }
0x35: {  	s10 =	sld [smem:$0x3FB4];
	_ =	sdelay $0x3  }
0x36: {  	p1 =	seq.s32 s10, $0x1;
	s10 =	sld [smem:$0x3FB5];
	_ =	sdelay $0x3  }
0x37: {  	[smem:$0x3FB5] =	sst s10  }
0x38: {  	s10 =	sld [smem:$0x3FB6]  }
0x39: {  	_ = 	snop;
	(pc) =	sbr.ind lr, $3  }
0x3a: {  	_ = 	snop  }
0x3b: {  	_ = 	snop  }
0x3c: {  	p2 =	seq.s32 s10, $0x1;
	s10 =	sld [smem:$0x3FB5]  }
0x3d: {  	_ =	shalt  }
0x3e: {  	_ =	shalt  }
0x3f: {  	_ =	shalt  }
0x40: {  	_ =	shalt  }
0x41: {  	_ =	shalt  }
0x42: {  	_ =	shalt  }
0x43: {  	_ =	shalt  }
0x44: {  	_ =	shalt  }
0x45: {  	_ =	shalt  }
0x46: {  	_ =	shalt  }
0x47: {  	_ =	shalt  }
0x48: {  	_ =	shalt  }
0x49: {  	_ =	shalt  }
0x4a: {  	_ =	shalt  }
0x4b: {  	_ =	shalt  }
0x4c: {  	_ =	shalt  }
0x4d: {  	_ =	shalt  }
0x4e: {  	_ =	shalt  }
0x4f: {  	_ =	shalt  }
0x50: {  	_ =	shalt  }
0x51: {  	_ =	shalt  }
0x52: {  	_ =	shalt  }
0x53: {  	_ =	shalt  }
0x54: {  	_ =	shalt  }
0x55: {  	_ =	shalt  }
0x56: {  	_ =	shalt  }
0x57: {  	_ =	shalt  }
0x58: {  	_ =	shalt  }
0x59: {  	_ =	shalt  }
0x5a: {  	_ =	shalt  }
0x5b: {  	_ =	shalt  }
0x5c: {  	_ =	shalt  }
0x5d: {  	_ =	shalt  }
0x5e: {  	_ =	shalt  }
0x5f: {  	_ =	shalt  }
0x60: {  	_ =	shalt  }
0x61: {  	_ =	shalt  }
0x62: {  	_ =	shalt  }
0x63: {  	_ =	shalt  }
0x64: {  	_ =	shalt  }
0x65: {  	_ =	shalt  }
0x66: {  	_ =	shalt  }
0x67: {  	_ =	shalt  }
0x68: {  	_ =	shalt  }
0x69: {  	_ =	shalt  }
0x6a: {  	_ =	shalt  }
0x6b: {  	_ =	shalt  }
0x6c: {  	_ =	shalt  }
0x6d: {  	_ =	shalt  }
0x6e: {  	_ =	shalt  }
0x6f: {  	_ =	shalt  }
0x70: {  	_ =	shalt  }
0x71: {  	_ =	shalt  }
0x72: {  	_ =	shalt  }
0x73: {  	_ =	shalt  }
0x74: {  	_ =	shalt  }
0x75: {  	_ =	shalt  }
0x76: {  	_ =	shalt  }
0x77: {  	_ =	shalt  }
0x78: {  	_ =	shalt  }
0x79: {  	_ =	shalt  }
0x7a: {  	_ =	shalt  }
0x7b: {  	_ =	shalt  }
0x7c: {  	_ =	shalt  }
0x7d: {  	_ =	shalt  }
0x7e: {  	_ =	shalt  }
0x7f: {  	_ =	shalt  }
0x80: {  	_ =	shalt  }
0x81: {  	_ =	shalt  }
0x82: {  	_ =	shalt  }
0x83: {  	_ =	shalt  }
0x84: {  	_ =	shalt  }
0x85: {  	_ =	shalt  }
0x86: {  	_ =	shalt  }
0x87: {  	_ =	shalt  }
.Lfunc_end0:
.L_simem_size_0:
called_computation_lowered:
.L_overlay_start_0:
0x88: {  	s2 =	sld [smem:$0x3FD9]  }
0x89: {  	s3 =	sld [smem:$0x3FFE];
	_ =	sdelay $0x1  }
0x8a: {  	s1 =	srdreg.scid  }
0x8b: {  	s0 =	sand.u32 $0x1, s1  }
0x8c: {  	s17 =	sshll.u32 s0, $0xA;
	s2 =	sadd.s32 s3, s2  }
0x8d: {  	s2 =	sadd.s32 s2, s17  }
0x8e: {  	[smem:$0x3FC1] =	sst s2  }
0x8f: {  	_ = 	snop  }
0x90: {  	s2 =	sld [smem:$0x3FD0];
	(tm) =	ssettm $0x1  }
0x91: {  	s18 =	sld [smem:$0x3FFB];
	_ =	sdelay $0x3  }
0x92: {  	_ =	strace s18  }
0x93: {  	s3 =	sld [smem:$0x3FFC];
	_ =	sdelay $0x3  }
0x94: {  	_ =	strace s3  }
0x95: {  	s3 =	sld [smem:$0x3FFD];
	_ =	sdelay $0x3  }
0x96: {  	_ =	strace s3  }
0x97: {  	_ =	strace $0x8FFFFFFF  }
0x98: {  	s19 =	sld [smem:$0x3FDB];
	_ =	sdelay $0x1  }
0x99: {  	s4 =	simm.s32 $_scs_section_size  }
0x9a: {  	s5 =	simm.s32 $_size__tile_overlayer_lowered;
	s6 =	simm.s32 $_tile_overlayer_lowered  }
0x9b: {  	s22 =	simm.s32 $0x1BFF;
	s21 =	sshll.u32 s6, $0x1;
	s3 =	sadd.s32 s4, s19  }
0x9c: {  	s7 =	simm.s32 $0x0;
	s20 =	sshll.u32 s5, $0x1;
	s5 =	sadd.s32 s21, s3  }
0x9d: {  	[timem:s7], [sflag:s22] =	dma.local [hbm:s5], s20  }
0x9e: {  	_ =	swait.ge [sflag:s22], s20  }
0x9f: {  	s4 =	ssub.s32 $0x0, s20;
	[sflag:s22] =	ssyncset.done $0x0  }
0xa0: {  	[sflag:s22] =	ssyncadd.s32 s4;
	_ =	sdelay $0x1  }
0xa1: {  	s23 =	simm.s32 $0x1B8B  }
0xa2: {  	_ =	swait.ge [sflag:s23], $0x1  }
0xa3: {  	[sflag:s23] =	ssyncset.done $0x0  }
0xa4: {  	s25 =	simm.s32 $0x1B8E;
	s24 =	sld [smem:$0x3FFE];
	[sflag:s23] =	ssyncadd.s32 $0xFFFFFFFF  }
0xa5: {  	s26 =	simm.s32 $execute0_lowered;
	[smem:$0x3FD2] =	sst s25  }
0xa6: {  	s5 =	sshll.u32 s26, $0x1;
	_ =	strace $0x80000046;
	[dreg:$0x1] =	wrdreg $0xFFFFFFFF  }
0xa7: {  	s28 =	simm.s32 $_size_execute0_lowered;
	s3 =	sadd.s32 s3, s5;
	[dreg:$0x0] =	wrdreg $0x0  }
0xa8: {  	s5 =	sshll.u32 s28, $0x1;
	[dreg:$0x2] =	wrdreg s3  }
0xa9: {  	[dreg:$0x3] =	wrdreg s5  }
0xaa: {  	[dreg:$0x4] =	wrdreg $0xC0  }
0xab: {  	_ =	task [dreg:s7], $0x5FFFF  }
0xac: {  	[dreg:$0x1] =	wrdreg $0xFFFFFFFF  }
0xad: {  	[dreg:$0x0] =	wrdreg $0x60  }
0xae: {  	[dreg:$0x2] =	wrdreg s2  }
0xaf: {  	[dreg:$0x3] =	wrdreg s24  }
0xb0: {  	[dreg:$0x4] =	wrdreg $0xC4000  }
0xb1: {  	[dreg:$0x5] =	wrdreg $0x9  }
0xb2: {  	_ =	task.clear_ibuf [dreg:s7], $0x6FFFF;
	_ =	strace $0x90000046  }
0xb3: {  	s29 =	simm.s32 $0x9;
	_ =	strace $0x80000048  }
0xb4: {  	_ =	swait.ge [sflag:s29], $0x1  }
0xb5: {  	[sflag:s29] =	ssyncadd.s32 $0xFFFFFFFF  }
0xb6: {  	_ =	strace $0x90000048  }
0xb7: {  	_ =	sfence  }
0xb8: {  	s30 =	sld [smem:$0x0];
	_ =	sdelay $0x2  }
0xb9: {  	s31 =	sshll.u32 s1, $0xD;
	s1 =	sshrl.u32 s1, $0x2  }
0xba: {  	s3 =	sand.u32 $0x4000, s31;
	s1 =	sadd.s32 s1, s30  }
0xbb: {  	s0 =	sor.u32 s3, s0;
	s1 =	sshll.u32 s1, $0x11  }
0xbc: {  	s0 =	sor.u32 s1, s0  }
0xbd: {  	s0 =	sadd.s32 $0x8F2B, s0  }
0xbe: {  	[sflag:s0] =	ssyncadd.remote.s32 $0x1  }
0xbf: {  	_ =	sfence.sel $0xFFFF  }
0xc0: {  	[dreg:$0x0] =	wrdreg $0xFFFFFFFF;
	(pc) =	sbr.abs _section_cstart, $3  }
0xc1: {  	[dreg:$0x1] =	wrdreg $0xFFFFFFFF  }
0xc2: {  	_ =	task.clear_ibuf [dreg:s7], $0x2FFFF;
	_ =	strace $0x9FFFFFFF  }
0xc3: {  	(tm) =	ssettm $0x7FFFFFFF  }
tec
execute0_lowered:
.L_overlay_start_1:
0x0: {  	(tag) =	ssettag $0x1  }
0x1: {  	s2 =	rddreg [dreg:$0x0]  }
0x2: {  	s0 =	rddreg [dreg:$0x1]  }
0x3: {  	s3 =	rddreg [dreg:$0x2]  }
0x4: {  	s19 =	stileid.u32;
	s1 =	srdreg.scid  }
0x5: {  	s4 =	simm.s32 $0x0;
	s22 =	simm.s32 $0x80;
	s28 =	simm.s32 $0x4  }
0x6: {  	s29 =	simm.s32 $0x2;
	s30 =	simm.s32 $0x7D;
	s7 =	smul.u32 $0x13C00, s19  }
0x7: {  	s21 =	simm.s32 $0x3;
	s23 =	simm.s32 $0x0;
	s11 =	smul.u32 $0x2800, s19  }
0x8: {  	s1 =	sand.u32 $0x1, s1;
	[smem:$0x7FF] =	sst s4;
	s15 =	smul.u32 $0x4F000, s19  }
0x9: {  	s5 =	sadd.s32 $0xD200, s0;
	s6 =	sadd.s32 $0x3200, s0;
	s8 =	smul.u32 $0x13C000, s1  }
0xa: {  	s31 =	sshll.u32 s19, $0x6;
	s9 =	smul.u32 $0x28000, s1;
	s1 =	ssub.s32 $0x2, s1  }
0xb: {  	_ =	strace $0x80000047;
	s10 =	sshrl.u32 s7, $0x3;
	s24 =	sshrl.u32 s1, $0x1  }
0xc: {  	s18 =	sshrl.u32 s15, $0x2;
	s17 =	sadd.s32 s10, s0;
	s7 =	sadd.s32 s7, s8  }
0xd: {  	s1 =	ssub.s32 s1, s24;
	s8 =	sshrl.u32 s7, $0x3;
	s7 =	sadd.s32 s11, s9  }
0xe: {  	s17 =	sadd.s32 $0x17200, s17;
	s20 =	smax.u32 s1, $0x1;
	s13 =	sshrl.u32 s7, $0x3  }
0xf: {  	s1 =	simm.s32 $0x1;
	s0 =	sadd.s32 s8, s0;
	s25 =	sadd.s32 s5, s13  }
.Ltmp0:
0x10: {  	s9 =	sadd.s32 s6, s13;
	s26 =	sor.u32 $0x10, s13;
	(pc) =	sbr.rel .LBB2_1-.Ltmp0, $4  }
0x11: {  	s14 =	sor.u32 $0x20, s13;
	s16 =	sor.u32 $0x30, s13;
	s19 =	sadd.s32 $0x3EA00, s0  }
0x12: {  	[dreg:$0x4] =	wrdreg s25;
	s10 =	sadd.s32 s5, s26;
	s11 =	sadd.s32 s6, s26  }
0x13: {  	s12 =	sadd.s32 s5, s14;
	s13 =	sadd.s32 s6, s14;
	s14 =	sadd.s32 s5, s16  }
0x14: {  	s15 =	sadd.s32 s6, s16;
	s16 =	sadd.s32 s18, s3;
	s18 =	sor.u32 $0x1C04, s31  }
.LBB2_8:
0x15: {  	_ =	swait.ge [sflag:s21], $0x3E80  }
0x16: {  	s23 =	sadd.s32 $0x1, s23;
	[sflag:s21] =	ssyncset.done $0x0  }
0x17: {  	p0 =	sne.s32 s23, s20;
	[sflag:s21] =	ssyncadd.s32 $0xFFFFC180  }
.Ltmp1:
0x18: {  	[bflag:$0x0] =	sbarrier.arrive $0xFFFF;
	(pc) =	sbr.rel @!p0 .LBB2_9-.Ltmp1, $4  }
0x19: {  	[hbm:s19], [sflag:s18] =	dma.local [spmem:s24], $0x2780  }
0x1a: {  	_ =	swait.ge [sflag:s28], $0x2780  }
0x1b: {  	[sflag:s28] =	ssyncset.done $0x0  }
0x1c: {  	[sflag:s28] =	ssyncadd.s32 $0xFFFFD880  }
.LBB2_1:
0x1d: {  	s0 =	rddreg [dreg:$0x4]  }
0x1e: {  	[tilespmem:s4], [sflag:$0x2] =	stream.linear.gather [hbm4b:s0+s4], $0x80, $0x38;
	v63 =	vld [tilespmem:$0x0]  }
0x1f: {  	s25 =	simm.s32 $0x200  }
0x20: {  	[tilespmem:s25], [sflag:$0x2] =	stream.linear.gather [hbm4b:s9+s4], $0x80, $0x38;
	v63 =	vld [tilespmem:$0x0]  }
0x21: {  	_ = 	snop  }
0x22: {  	[tilespmem:s22], [sflag:$0x2] =	stream.linear.gather [hbm4b:s10+s4], $0x80, $0x38;
	v63 =	vld [tilespmem:$0x0]  }
0x23: {  	s26 =	simm.s32 $0x280  }
0x24: {  	[tilespmem:s26], [sflag:$0x2] =	stream.linear.gather [hbm4b:s11+s4], $0x80, $0x38;
	v63 =	vld [tilespmem:$0x0]  }
0x25: {  	s31 =	simm.s32 $0x100  }
0x26: {  	[tilespmem:s31], [sflag:$0x2] =	stream.linear.gather [hbm4b:s12+s4], $0x80, $0x38;
	v63 =	vld [tilespmem:$0x0]  }
0x27: {  	s8 =	simm.s32 $0x300  }
0x28: {  	[tilespmem:s8], [sflag:$0x2] =	stream.linear.gather [hbm4b:s13+s4], $0x80, $0x38;
	v63 =	vld [tilespmem:$0x0]  }
0x29: {  	s25 =	simm.s32 $0x180  }
0x2a: {  	[tilespmem:s25], [sflag:$0x2] =	stream.linear.gather [hbm4b:s14+s4], $0x80, $0x38;
	v63 =	vld [tilespmem:$0x0]  }
0x2b: {  	s24 =	simm.s32 $0x380  }
0x2c: {  	[tilespmem:s24], [sflag:$0x2] =	stream.linear.gather [hbm4b:s15+s4], $0x80, $0x38;
	v63 =	vld [tilespmem:$0x0]  }
0x2d: {  	s24 =	sshrl.u32 s16, $0x3  }
0x2e: {  	[spmem:s24], [sflag:s18] =	dma.local [hbm:s17], $0x2780  }
0x2f: {  	_ =	swait.ge [sflag:s28], $0x2780  }
0x30: {  	[sflag:s28] =	ssyncset.done $0x0  }
0x31: {  	[sflag:s28] =	ssyncadd.s32 $0xFFFFD880  }
0x32: {  	_ =	swait.ge [sflag:s29], $0x80  }
0x33: {  	[sflag:s29] =	ssyncset.done $0x0  }
0x34: {  	[sflag:s29] =	ssyncadd.s32 $0xFFFFFF80  }
0x35: {  	_ =	swait.ge [sflag:s29], $0x80  }
0x36: {  	[sflag:s29] =	ssyncset.done $0x0  }
0x37: {  	s26 =	simm.s32 $0x400;
	[sflag:s29] =	ssyncadd.s32 $0xFFFFFF80  }
0x38: {  	[tilespmem:s26], [sflag:$0x1] =	stream.indirect.gather [hbm4b:s2+s30], $0x80, s4, s30, $0xb8;
	v63 =	vld [tilespmem:$0x0]  }
0x39: {  	_ =	swait.ge [sflag:s29], $0x80  }
0x3a: {  	[sflag:s29] =	ssyncset.done $0x0  }
0x3b: {  	[sflag:s29] =	ssyncadd.s32 $0xFFFFFF80  }
0x3c: {  	_ =	swait.ge [sflag:s29], $0x80  }
.Ltmp2:
0x3d: {  	[sflag:s29] =	ssyncset.done $0x0;
	(pc) =	sbr.rel .LBB2_2-.Ltmp2, $4  }
0x3e: {  	s31 =	simm.s32 $0x4400;
	[sflag:s29] =	ssyncadd.s32 $0xFFFFFF80  }
0x3f: {  	[tilespmem:s31], [sflag:$0x1] =	stream.indirect.gather [hbm4b:s2+s30], $0x80, s22, s30, $0xb8;
	v63 =	vld [tilespmem:$0x0]  }
0x40: {  	[bflag:$0x0] =	sbarrier.arrive $0xFFFF  }
0x41: {  	s26 =	simm.s32 $0x0  }
.LBB2_4:
0x42: {  	s0 =	sand.u32 $0x7C00, s25  }
0x43: {  	s31 =	sand.u32 $0x380, s25;
	s0 =	sadd.s32 s7, s0  }
0x44: {  	s0 =	sor.u32 s31, s0  }
0x45: {  	s0 =	sshrl.u32 s0, $0x3  }
0x46: {  	s31 =	sand.u32 $0x180, s25;
	s8 =	sadd.s32 s5, s0  }
0x47: {  	[tilespmem:s31], [sflag:$0x2] =	stream.linear.gather [hbm4b:s8+s4], $0x80, $0x38;
	v63 =	vld [tilespmem:$0x0]  }
0x48: {  	s0 =	sadd.s32 s6, s0;
	s31 =	sor.u32 $0x200, s31  }
0x49: {  	[tilespmem:s31], [sflag:$0x2] =	stream.linear.gather [hbm4b:s0+s4], $0x80, $0x38;
	v63 =	vld [tilespmem:$0x0]  }
.LBB2_6:
0x4a: {  	s0 =	sadd.s32 $0x2, s26  }
0x4b: {  	s8 =	smul.u32 $0xAB, s0;
	_ =	sdelay $0x1  }
0x4c: {  	s8 =	sshrl.u32 s8, $0x9  }
0x4d: {  	s8 =	sand.u32 $0x7F, s8  }
0x4e: {  	_ =	swait.ge [sflag:s29], $0x80;
	s8 =	smul.u32 $0x3, s8  }
0x4f: {  	[sflag:s29] =	ssyncset.done $0x0  }
0x50: {  	[sflag:s29] =	ssyncadd.s32 $0xFFFFFF80;
	s0 =	ssub.s32 s0, s8  }
0x51: {  	_ =	swait.ge [sflag:s29], $0x80;
	s0 =	sand.u32 $0xFF, s0  }
0x52: {  	s31 =	sadd.s32 $0xFFFFFF80, s25;
	[sflag:s29] =	ssyncset.done $0x0;
	s0 =	sshll.u32 s0, $0xE  }
0x53: {  	[sflag:s29] =	ssyncadd.s32 $0xFFFFFF80;
	s8 =	sand.u32 $0x180, s31;
	s0 =	sor.u32 $0x400, s0  }
0x54: {  	[tilespmem:s0], [sflag:$0x1] =	stream.indirect.gather [hbm4b:s2+s30], $0x80, s8, s30, $0xb8;
	v63 =	vld [tilespmem:$0x0]  }
.LBB2_7:
0x55: {  	s25 =	sadd.s32 $0x80, s25  }
0x56: {  	p0 =	sne.s32 s25, $0x2980  }
.Ltmp3:
0x57: {  	_ = 	snop;
	(pc) =	sbr.rel @!p0 .LBB2_8-.Ltmp3, $2  }
0x58: {  	_ =	sdelay $0x2  }
0x59: {  	s26 =	sadd.s32 $0x1, s26  }
.LBB2_2:
0x5a: {  	s31 =	smul.u32 $0xAB, s26;
	_ =	sdelay $0x1  }
0x5b: {  	s31 =	sshrl.u32 s31, $0x9  }
0x5c: {  	s31 =	sand.u32 $0x7F, s31  }
0x5d: {  	s31 =	smul.u32 $0x3, s31  }
0x5e: {  	p0 =	seq.s32 s25, $0x180  }
.Ltmp4:
0x5f: {  	s31 =	ssub.s32 s26, s31;
	(pc) =	sbr.rel @p0 .LBB2_6-.Ltmp4, $4  }
0x60: {  	_ =	swait.ge [sflag:s1], $0x3E80;
	s0 =	sadd.s32 $0xFFFFFE80, s25;
	s31 =	sand.u32 $0xFF, s31  }
0x61: {  	[sflag:s1] =	ssyncset.done $0x0;
	s0 =	sand.u32 $0x180, s0;
	s31 =	sshll.u32 s31, $0xE  }
0x62: {  	[sflag:s1] =	ssyncadd.s32 $0xFFFFC180;
	s0 =	sor.u32 $0x200, s0;
	s31 =	sor.u32 $0x400, s31  }
0x63: {  	[spmem:s3] =	stream.indirect.scatter.add.f32 [tilespmem:s31], [sflag:$0x3], $0x80, s0, s30, $0xb8;
	v63 =	vld [tilespmem:$0x0]  }
0x64: {  	p0 =	sgt.u32 s26, $0x4C  }
.Ltmp5:
0x65: {  	_ = 	snop;
	(pc) =	sbr.rel @!p0 .LBB2_4-.Ltmp5, $4  }
0x66: {  	_ = 	snop  }
0x67: {  	_ =	swait.ge [sflag:s21], $0x3E80  }
0x68: {  	[sflag:s21] =	ssyncset.done $0x0  }
0x69: {  	[sflag:s21] =	ssyncadd.s32 $0xFFFFC180  }
0x6a: {  	p0 =	sne.s32 s25, $0x2800  }
.Ltmp6:
0x6b: {  	_ = 	snop;
	(pc) =	sbr.rel @p0 .LBB2_7-.Ltmp6, $4  }
.Ltmp7:
0x6c: {  	_ = 	snop;
	(pc) =	sbr.rel @!p0 .LBB2_6-.Ltmp7, $4  }
0x6d: {  	_ = 	snop  }
0x6e: {  	_ = 	snop  }
0x6f: {  	_ = 	snop  }
0x70: {  	_ = 	snop  }
.LBB2_9:
0x71: {  	_ =	sfence.sel $0x180000  }
0x72: {  	[bflag:$0x0] =	sbarrier.arrive $0xFFFF  }
0x73: {  	_ =	strace $0x90000047  }
0x74: {  	s0 =	stileid.u32;
	[bflag:$0x2] =	sbarrier.arrive $0xFFFF  }
0x75: {  	p0 =	sne.s32 s0, $0x0;
	s0 =	rddreg [dreg:$0x3]  }
0x76: {  	s0 =	sadd.s32 @!p0 $0x100000, s0  }
0x77: {  	[sflag:s0] =	ssyncadd.tile.s32 @!p0 $0x1;
	_ =	shalt  }
.Lfunc_end2:
_tile_overlayer_lowered:
.L_overlay_start_2:
0x78: {  	(tag) =	ssettag $0x2  }
0x79: {  	s0 =	rddreg [dreg:$0x0];
	s2 =	stileid.u32  }
0x7a: {  	s1 =	rddreg [dreg:$0x1];
	p0 =	sne.s32 s2, $0x0  }
0x7b: {  	s3 =	rddreg [dreg:$0x2];
	[bflag:$0x3] =	sbarrier.arrive $0xFFFF;
	s2 =	simm.s32 @!p0 $0x1C04  }
0x7c: {  	[timem:s3], [sflag:s2] =	dma.local @!p0 [hbm:s0], s1  }
0x7d: {  	s0 =	simm.s32 @!p0 $0x4  }
0x7e: {  	_ =	swait.ge @!p0 [sflag:s0], s1  }
0x7f: {  	s1 =	ssub.s32 @!p0 $0x0, s1;
	[sflag:s0] =	ssyncset.done @!p0 $0x0  }
0x80: {  	[sflag:s0] =	ssyncadd.s32 @!p0 s1  }
0x81: {  	[bflag:$0x3] =	sbarrier.arrive $0xFFFF  }
0x82: {  	_ =	shalt  }

// kernel: kernel.16.cloned.1.call-start
scs
__scs_entry_jumppad:
0x0: {  	(pc) =	sbr.rel $0x88, $3  }
0x1: {  	(tag) =	ssettag $0x0;
	lr =	simm.s32 $0x1  }
0x2: {  	[smem:$0x3F9A] =	sst lr;
	_ =	strace $0xD0000000  }
0x3: {  	_ = 	snop  }
0x4: {  	_ = 	snop  }
0x5: {  	_ = 	snop  }
0x6: {  	_ = 	snop  }
0x7: {  	_ = 	snop  }
__scs_overlays_trampoline_lowered:
0x8: {  	[smem:$0x3FA9] =	sst s0  }
0x9: {  	[smem:$0x3FAA] =	sst s1  }
0xa: {  	[smem:$0x3FAB] =	sst s2  }
0xb: {  	[smem:$0x3FAC] =	sst s3  }
0xc: {  	[smem:$0x3FAD] =	sst s4  }
0xd: {  	[smem:$0x3FAE] =	sst s5  }
0xe: {  	[smem:$0x3FAF] =	sst s6  }
0xf: {  	[smem:$0x3FB0] =	sst s7  }
0x10: {  	[smem:$0x3FB1] =	sst s8  }
0x11: {  	[smem:$0x3FB2] =	sst s9;
	s0 =	simm.s32 @!p0 $0x0  }
0x12: {  	s1 =	sld [smem:$0x3F98];
	s0 =	simm.s32 @p0 $0x1  }
0x13: {  	[smem:$0x3FB3] =	sst s0;
	s0 =	simm.s32 @!p1 $0x0  }
0x14: {  	s2 =	sld [smem:$0x3F97];
	s0 =	simm.s32 @p1 $0x1  }
0x15: {  	[smem:$0x3FB4] =	sst s0;
	s0 =	simm.s32 @!p2 $0x0  }
0x16: {  	s3 =	sld [smem:$0x3FDB];
	s0 =	simm.s32 @p2 $0x1  }
0x17: {  	s4 =	simm.s32 $0x1BF5;
	[smem:$0x3FB6] =	sst s0  }
0x18: {  	s0 =	sld [smem:$0x3F99];
	_ =	swait.ge [sflag:s4], $0x0  }
0x19: {  	s7 =	sld [smem:$0x3F9A]  }
0x1a: {  	s8 =	sadd.s32 $0xFFFFE003, lr  }
0x1b: {  	s9 =	sadd.s32 $0xFFFFFEF7, lr;
	s5 =	simm.s32 $0xFFFFFFFF;
	p2 =	slt.u32 s8, $0xFFFFF086  }
0x1c: {  	p1 =	slt.u32 s9, $0xF7A;
	s5 =	simm.s32 @!p2 $0x0  }
0x1d: {  	s5 =	simm.s32 @p1 $0x1;
	p0 =	seq.s32 s7, s2  }
0x1e: {  	s7 =	smul.u32 @!p0 $0xF7A, s2;
	p2 =	seq.s32 @!p0 s5, $0x0  }
0x1f: {  	s9 =	smul.u32 $0xF7A, s1;
	s8 =	simm.s32 @!p0 $0x1BF5;
	p2 =	por !p2, p0  }
0x20: {  	[sflag:s8] =	ssyncset.s32 @!p0 $0xFFFFF086;
	s6 =	sadd.s32 @!p0 s3, s7;
	s7 =	simm.s32 @!p0 $0x108  }
0x21: {  	s3 =	sadd.s32 s3, s9;
	s6 =	sadd.s32 @!p0 $0x88, s6;
	s7 =	simm.s32 @p2 $0x1082  }
0x22: {  	[simem:s7], [sflag:s8] =	dma.local @!p0 [hbm:s6], $0xF7A  }
0x23: {  	s9 =	sor.u32 $0xD0000000, s2;
	s6 =	simm.s32 $0x108;
	_ =	swait.ge @!p0 [sflag:s8], $0x0  }
0x24: {  	s3 =	sadd.s32 $0x88, s3;
	s6 =	simm.s32 @!p1 $0x1082;
	[sflag:s4] =	ssyncset.s32 $0xFFFFF086  }
0x25: {  	[simem:s6], [sflag:s4] =	dma.local [hbm:s3], $0xF7A  }
0x26: {  	[smem:$0x3F9A] =	sst s1;
	(tag) =	ssettag s2;
	_ =	strace s9  }
0x27: {  	s1 =	sld [smem:$0x3FAA]  }
0x28: {  	s2 =	sld [smem:$0x3FAB]  }
0x29: {  	s4 =	sld [smem:$0x3FAD]  }
0x2a: {  	p0 =	seq.s32 s5, $0x0;
	s5 =	sld [smem:$0x3FAE]  }
0x2b: {  	s6 =	sld [smem:$0x3FAF]  }
0x2c: {  	s7 =	sld [smem:$0x3FB0]  }
0x2d: {  	s3 =	simm.s32 $0x108;
	s8 =	sld [smem:$0x3FB1]  }
0x2e: {  	s3 =	simm.s32 @!p0 $0x1082;
	s9 =	sld [smem:$0x3FB2]  }
0x2f: {  	lr =	sadd.s32 s0, s3;
	s0 =	sld [smem:$0x3FA9]  }
0x30: {  	s3 =	sld [smem:$0x3FAC]  }
0x31: {  	[smem:$0x3FB5] =	sst s10  }
0x32: {  	s10 =	sld [smem:$0x3FB3];
	_ =	sdelay $0x3  }
0x33: {  	p0 =	seq.s32 s10, $0x1;
	s10 =	sld [smem:$0x3FB5];
	_ =	sdelay $0x3  }
0x34: {  	[smem:$0x3FB5] =	sst s10  }
0x35: {  	s10 =	sld [smem:$0x3FB4];
	_ =	sdelay $0x3  }
0x36: {  	p1 =	seq.s32 s10, $0x1;
	s10 =	sld [smem:$0x3FB5];
	_ =	sdelay $0x3  }
0x37: {  	[smem:$0x3FB5] =	sst s10  }
0x38: {  	s10 =	sld [smem:$0x3FB6]  }
0x39: {  	_ = 	snop;
	(pc) =	sbr.ind lr, $3  }
0x3a: {  	_ = 	snop  }
0x3b: {  	_ = 	snop  }
0x3c: {  	p2 =	seq.s32 s10, $0x1;
	s10 =	sld [smem:$0x3FB5]  }
0x3d: {  	_ =	shalt  }
0x3e: {  	_ =	shalt  }
0x3f: {  	_ =	shalt  }
0x40: {  	_ =	shalt  }
0x41: {  	_ =	shalt  }
0x42: {  	_ =	shalt  }
0x43: {  	_ =	shalt  }
0x44: {  	_ =	shalt  }
0x45: {  	_ =	shalt  }
0x46: {  	_ =	shalt  }
0x47: {  	_ =	shalt  }
0x48: {  	_ =	shalt  }
0x49: {  	_ =	shalt  }
0x4a: {  	_ =	shalt  }
0x4b: {  	_ =	shalt  }
0x4c: {  	_ =	shalt  }
0x4d: {  	_ =	shalt  }
0x4e: {  	_ =	shalt  }
0x4f: {  	_ =	shalt  }
0x50: {  	_ =	shalt  }
0x51: {  	_ =	shalt  }
0x52: {  	_ =	shalt  }
0x53: {  	_ =	shalt  }
0x54: {  	_ =	shalt  }
0x55: {  	_ =	shalt  }
0x56: {  	_ =	shalt  }
0x57: {  	_ =	shalt  }
0x58: {  	_ =	shalt  }
0x59: {  	_ =	shalt  }
0x5a: {  	_ =	shalt  }
0x5b: {  	_ =	shalt  }
0x5c: {  	_ =	shalt  }
0x5d: {  	_ =	shalt  }
0x5e: {  	_ =	shalt  }
0x5f: {  	_ =	shalt  }
0x60: {  	_ =	shalt  }
0x61: {  	_ =	shalt  }
0x62: {  	_ =	shalt  }
0x63: {  	_ =	shalt  }
0x64: {  	_ =	shalt  }
0x65: {  	_ =	shalt  }
0x66: {  	_ =	shalt  }
0x67: {  	_ =	shalt  }
0x68: {  	_ =	shalt  }
0x69: {  	_ =	shalt  }
0x6a: {  	_ =	shalt  }
0x6b: {  	_ =	shalt  }
0x6c: {  	_ =	shalt  }
0x6d: {  	_ =	shalt  }
0x6e: {  	_ =	shalt  }
0x6f: {  	_ =	shalt  }
0x70: {  	_ =	shalt  }
0x71: {  	_ =	shalt  }
0x72: {  	_ =	shalt  }
0x73: {  	_ =	shalt  }
0x74: {  	_ =	shalt  }
0x75: {  	_ =	shalt  }
0x76: {  	_ =	shalt  }
0x77: {  	_ =	shalt  }
0x78: {  	_ =	shalt  }
0x79: {  	_ =	shalt  }
0x7a: {  	_ =	shalt  }
0x7b: {  	_ =	shalt  }
0x7c: {  	_ =	shalt  }
0x7d: {  	_ =	shalt  }
0x7e: {  	_ =	shalt  }
0x7f: {  	_ =	shalt  }
0x80: {  	_ =	shalt  }
0x81: {  	_ =	shalt  }
0x82: {  	_ =	shalt  }
0x83: {  	_ =	shalt  }
0x84: {  	_ =	shalt  }
0x85: {  	_ =	shalt  }
0x86: {  	_ =	shalt  }
0x87: {  	_ =	shalt  }
.Lfunc_end0:
.L_simem_size_0:
called_computation.1_lowered:
.L_overlay_start_0:
0x88: {  	s2 =	sld [smem:$0x3FD9]  }
0x89: {  	s3 =	sld [smem:$0x3FFE];
	_ =	sdelay $0x1  }
0x8a: {  	s1 =	srdreg.scid  }
0x8b: {  	s0 =	sand.u32 $0x1, s1  }
0x8c: {  	s17 =	sshll.u32 s0, $0xA;
	s2 =	sadd.s32 s3, s2  }
0x8d: {  	s2 =	sadd.s32 s2, s17  }
0x8e: {  	[smem:$0x3FC1] =	sst s2  }
0x8f: {  	_ = 	snop  }
0x90: {  	s2 =	sld [smem:$0x3FD0];
	(tm) =	ssettm $0x1  }
0x91: {  	s18 =	sld [smem:$0x3FFB];
	_ =	sdelay $0x3  }
0x92: {  	_ =	strace s18  }
0x93: {  	s3 =	sld [smem:$0x3FFC];
	_ =	sdelay $0x3  }
0x94: {  	_ =	strace s3  }
0x95: {  	s3 =	sld [smem:$0x3FFD];
	_ =	sdelay $0x3  }
0x96: {  	_ =	strace s3  }
0x97: {  	_ =	strace $0x8FFFFFFF  }
0x98: {  	s19 =	sld [smem:$0x3FDB];
	_ =	sdelay $0x1  }
0x99: {  	s4 =	simm.s32 $_scs_section_size  }
0x9a: {  	s5 =	simm.s32 $_size__tile_overlayer_lowered;
	s6 =	simm.s32 $_tile_overlayer_lowered  }
0x9b: {  	s22 =	simm.s32 $0x1BFF;
	s21 =	sshll.u32 s6, $0x1;
	s3 =	sadd.s32 s4, s19  }
0x9c: {  	s7 =	simm.s32 $0x0;
	s20 =	sshll.u32 s5, $0x1;
	s5 =	sadd.s32 s21, s3  }
0x9d: {  	[timem:s7], [sflag:s22] =	dma.local [hbm:s5], s20  }
0x9e: {  	_ =	swait.ge [sflag:s22], s20  }
0x9f: {  	s4 =	ssub.s32 $0x0, s20;
	[sflag:s22] =	ssyncset.done $0x0  }
0xa0: {  	[sflag:s22] =	ssyncadd.s32 s4;
	_ =	sdelay $0x1  }
0xa1: {  	s23 =	simm.s32 $0x1B8B  }
0xa2: {  	_ =	swait.ge [sflag:s23], $0x1  }
0xa3: {  	[sflag:s23] =	ssyncset.done $0x0  }
0xa4: {  	s25 =	simm.s32 $0x1B8E;
	s24 =	sld [smem:$0x3FFE];
	[sflag:s23] =	ssyncadd.s32 $0xFFFFFFFF  }
0xa5: {  	s26 =	simm.s32 $execute0_lowered;
	[smem:$0x3FD2] =	sst s25  }
0xa6: {  	s5 =	sshll.u32 s26, $0x1;
	_ =	strace $0x80000049;
	[dreg:$0x1] =	wrdreg $0xFFFFFFFF  }
0xa7: {  	s28 =	simm.s32 $_size_execute0_lowered;
	s3 =	sadd.s32 s3, s5;
	[dreg:$0x0] =	wrdreg $0x0  }
0xa8: {  	s5 =	sshll.u32 s28, $0x1;
	[dreg:$0x2] =	wrdreg s3  }
0xa9: {  	[dreg:$0x3] =	wrdreg s5  }
0xaa: {  	[dreg:$0x4] =	wrdreg $0xC0  }
0xab: {  	_ =	task [dreg:s7], $0x5FFFF  }
0xac: {  	[dreg:$0x1] =	wrdreg $0xFFFFFFFF  }
0xad: {  	[dreg:$0x0] =	wrdreg $0x60  }
0xae: {  	[dreg:$0x2] =	wrdreg s2  }
0xaf: {  	[dreg:$0x3] =	wrdreg s24  }
0xb0: {  	[dreg:$0x4] =	wrdreg $0xC4000  }
0xb1: {  	[dreg:$0x5] =	wrdreg $0x9  }
0xb2: {  	_ =	task.clear_ibuf [dreg:s7], $0x6FFFF;
	_ =	strace $0x90000049  }
0xb3: {  	s29 =	simm.s32 $0x9;
	_ =	strace $0x8000004B  }
0xb4: {  	_ =	swait.ge [sflag:s29], $0x1  }
0xb5: {  	[sflag:s29] =	ssyncadd.s32 $0xFFFFFFFF  }
0xb6: {  	_ =	strace $0x9000004B  }
0xb7: {  	_ =	sfence  }
0xb8: {  	s30 =	sld [smem:$0x0];
	_ =	sdelay $0x2  }
0xb9: {  	s31 =	sshll.u32 s1, $0xD;
	s1 =	sshrl.u32 s1, $0x2  }
0xba: {  	s3 =	sand.u32 $0x4000, s31;
	s1 =	sadd.s32 s1, s30  }
0xbb: {  	s0 =	sor.u32 s3, s0;
	s1 =	sshll.u32 s1, $0x11  }
0xbc: {  	s0 =	sor.u32 s1, s0  }
0xbd: {  	s0 =	sadd.s32 $0x8F2B, s0  }
0xbe: {  	[sflag:s0] =	ssyncadd.remote.s32 $0x1  }
0xbf: {  	_ =	sfence.sel $0xFFFF  }
0xc0: {  	[dreg:$0x0] =	wrdreg $0xFFFFFFFF;
	(pc) =	sbr.abs _section_cstart, $3  }
0xc1: {  	[dreg:$0x1] =	wrdreg $0xFFFFFFFF  }
0xc2: {  	_ =	task.clear_ibuf [dreg:s7], $0x2FFFF;
	_ =	strace $0x9FFFFFFF  }
0xc3: {  	(tm) =	ssettm $0x7FFFFFFF  }
tec
execute0_lowered:
.L_overlay_start_1:
0x0: {  	(tag) =	ssettag $0x1  }
0x1: {  	s2 =	rddreg [dreg:$0x0]  }
0x2: {  	s0 =	rddreg [dreg:$0x1]  }
0x3: {  	s3 =	rddreg [dreg:$0x2]  }
0x4: {  	s19 =	stileid.u32;
	s1 =	srdreg.scid  }
0x5: {  	s4 =	simm.s32 $0x0;
	s22 =	simm.s32 $0x80;
	s28 =	simm.s32 $0x4  }
0x6: {  	s29 =	simm.s32 $0x2;
	s30 =	simm.s32 $0x7D;
	s7 =	smul.u32 $0x13C00, s19  }
0x7: {  	s21 =	simm.s32 $0x3;
	s23 =	simm.s32 $0x0;
	s11 =	smul.u32 $0x2800, s19  }
0x8: {  	s1 =	sand.u32 $0x1, s1;
	[smem:$0x7FF] =	sst s4;
	s15 =	smul.u32 $0x4F000, s19  }
0x9: {  	s5 =	sadd.s32 $0xD200, s0;
	s6 =	sadd.s32 $0x3200, s0;
	s8 =	smul.u32 $0x13C000, s1  }
0xa: {  	s31 =	sshll.u32 s19, $0x6;
	s9 =	smul.u32 $0x28000, s1;
	s1 =	ssub.s32 $0x2, s1  }
0xb: {  	_ =	strace $0x8000004A;
	s10 =	sshrl.u32 s7, $0x3;
	s24 =	sshrl.u32 s1, $0x1  }
0xc: {  	s18 =	sshrl.u32 s15, $0x2;
	s17 =	sadd.s32 s10, s0;
	s7 =	sadd.s32 s7, s8  }
0xd: {  	s1 =	ssub.s32 s1, s24;
	s8 =	sshrl.u32 s7, $0x3;
	s7 =	sadd.s32 s11, s9  }
0xe: {  	s17 =	sadd.s32 $0x17200, s17;
	s20 =	smax.u32 s1, $0x1;
	s13 =	sshrl.u32 s7, $0x3  }
0xf: {  	s1 =	simm.s32 $0x1;
	s0 =	sadd.s32 s8, s0;
	s25 =	sadd.s32 s5, s13  }
.Ltmp0:
0x10: {  	s9 =	sadd.s32 s6, s13;
	s26 =	sor.u32 $0x10, s13;
	(pc) =	sbr.rel .LBB2_1-.Ltmp0, $4  }
0x11: {  	s14 =	sor.u32 $0x20, s13;
	s16 =	sor.u32 $0x30, s13;
	s19 =	sadd.s32 $0x3EA00, s0  }
0x12: {  	[dreg:$0x4] =	wrdreg s25;
	s10 =	sadd.s32 s5, s26;
	s11 =	sadd.s32 s6, s26  }
0x13: {  	s12 =	sadd.s32 s5, s14;
	s13 =	sadd.s32 s6, s14;
	s14 =	sadd.s32 s5, s16  }
0x14: {  	s15 =	sadd.s32 s6, s16;
	s16 =	sadd.s32 s18, s3;
	s18 =	sor.u32 $0x1C04, s31  }
.LBB2_8:
0x15: {  	_ =	swait.ge [sflag:s21], $0x3E80  }
0x16: {  	s23 =	sadd.s32 $0x1, s23;
	[sflag:s21] =	ssyncset.done $0x0  }
0x17: {  	p0 =	sne.s32 s23, s20;
	[sflag:s21] =	ssyncadd.s32 $0xFFFFC180  }
.Ltmp1:
0x18: {  	[bflag:$0x0] =	sbarrier.arrive $0xFFFF;
	(pc) =	sbr.rel @!p0 .LBB2_9-.Ltmp1, $4  }
0x19: {  	[hbm:s19], [sflag:s18] =	dma.local [spmem:s24], $0x2780  }
0x1a: {  	_ =	swait.ge [sflag:s28], $0x2780  }
0x1b: {  	[sflag:s28] =	ssyncset.done $0x0  }
0x1c: {  	[sflag:s28] =	ssyncadd.s32 $0xFFFFD880  }
.LBB2_1:
0x1d: {  	s0 =	rddreg [dreg:$0x4]  }
0x1e: {  	[tilespmem:s4], [sflag:$0x2] =	stream.linear.gather [hbm4b:s0+s4], $0x80, $0x38;
	v63 =	vld [tilespmem:$0x0]  }
0x1f: {  	s25 =	simm.s32 $0x200  }
0x20: {  	[tilespmem:s25], [sflag:$0x2] =	stream.linear.gather [hbm4b:s9+s4], $0x80, $0x38;
	v63 =	vld [tilespmem:$0x0]  }
0x21: {  	_ = 	snop  }
0x22: {  	[tilespmem:s22], [sflag:$0x2] =	stream.linear.gather [hbm4b:s10+s4], $0x80, $0x38;
	v63 =	vld [tilespmem:$0x0]  }
0x23: {  	s26 =	simm.s32 $0x280  }
0x24: {  	[tilespmem:s26], [sflag:$0x2] =	stream.linear.gather [hbm4b:s11+s4], $0x80, $0x38;
	v63 =	vld [tilespmem:$0x0]  }
0x25: {  	s31 =	simm.s32 $0x100  }
0x26: {  	[tilespmem:s31], [sflag:$0x2] =	stream.linear.gather [hbm4b:s12+s4], $0x80, $0x38;
	v63 =	vld [tilespmem:$0x0]  }
0x27: {  	s8 =	simm.s32 $0x300  }
0x28: {  	[tilespmem:s8], [sflag:$0x2] =	stream.linear.gather [hbm4b:s13+s4], $0x80, $0x38;
	v63 =	vld [tilespmem:$0x0]  }
0x29: {  	s25 =	simm.s32 $0x180  }
0x2a: {  	[tilespmem:s25], [sflag:$0x2] =	stream.linear.gather [hbm4b:s14+s4], $0x80, $0x38;
	v63 =	vld [tilespmem:$0x0]  }
0x2b: {  	s24 =	simm.s32 $0x380  }
0x2c: {  	[tilespmem:s24], [sflag:$0x2] =	stream.linear.gather [hbm4b:s15+s4], $0x80, $0x38;
	v63 =	vld [tilespmem:$0x0]  }
0x2d: {  	s24 =	sshrl.u32 s16, $0x3  }
0x2e: {  	[spmem:s24], [sflag:s18] =	dma.local [hbm:s17], $0x2780  }
0x2f: {  	_ =	swait.ge [sflag:s28], $0x2780  }
0x30: {  	[sflag:s28] =	ssyncset.done $0x0  }
0x31: {  	[sflag:s28] =	ssyncadd.s32 $0xFFFFD880  }
0x32: {  	_ =	swait.ge [sflag:s29], $0x80  }
0x33: {  	[sflag:s29] =	ssyncset.done $0x0  }
0x34: {  	[sflag:s29] =	ssyncadd.s32 $0xFFFFFF80  }
0x35: {  	_ =	swait.ge [sflag:s29], $0x80  }
0x36: {  	[sflag:s29] =	ssyncset.done $0x0  }
0x37: {  	s26 =	simm.s32 $0x400;
	[sflag:s29] =	ssyncadd.s32 $0xFFFFFF80  }
0x38: {  	[tilespmem:s26], [sflag:$0x1] =	stream.indirect.gather [hbm4b:s2+s30], $0x80, s4, s30, $0xb8;
	v63 =	vld [tilespmem:$0x0]  }
0x39: {  	_ =	swait.ge [sflag:s29], $0x80  }
0x3a: {  	[sflag:s29] =	ssyncset.done $0x0  }
0x3b: {  	[sflag:s29] =	ssyncadd.s32 $0xFFFFFF80  }
0x3c: {  	_ =	swait.ge [sflag:s29], $0x80  }
.Ltmp2:
0x3d: {  	[sflag:s29] =	ssyncset.done $0x0;
	(pc) =	sbr.rel .LBB2_2-.Ltmp2, $4  }
0x3e: {  	s31 =	simm.s32 $0x4400;
	[sflag:s29] =	ssyncadd.s32 $0xFFFFFF80  }
0x3f: {  	[tilespmem:s31], [sflag:$0x1] =	stream.indirect.gather [hbm4b:s2+s30], $0x80, s22, s30, $0xb8;
	v63 =	vld [tilespmem:$0x0]  }
0x40: {  	[bflag:$0x0] =	sbarrier.arrive $0xFFFF  }
0x41: {  	s26 =	simm.s32 $0x0  }
.LBB2_4:
0x42: {  	s0 =	sand.u32 $0x7C00, s25  }
0x43: {  	s31 =	sand.u32 $0x380, s25;
	s0 =	sadd.s32 s7, s0  }
0x44: {  	s0 =	sor.u32 s31, s0  }
0x45: {  	s0 =	sshrl.u32 s0, $0x3  }
0x46: {  	s31 =	sand.u32 $0x180, s25;
	s8 =	sadd.s32 s5, s0  }
0x47: {  	[tilespmem:s31], [sflag:$0x2] =	stream.linear.gather [hbm4b:s8+s4], $0x80, $0x38;
	v63 =	vld [tilespmem:$0x0]  }
0x48: {  	s0 =	sadd.s32 s6, s0;
	s31 =	sor.u32 $0x200, s31  }
0x49: {  	[tilespmem:s31], [sflag:$0x2] =	stream.linear.gather [hbm4b:s0+s4], $0x80, $0x38;
	v63 =	vld [tilespmem:$0x0]  }
.LBB2_6:
0x4a: {  	s0 =	sadd.s32 $0x2, s26  }
0x4b: {  	s8 =	smul.u32 $0xAB, s0;
	_ =	sdelay $0x1  }
0x4c: {  	s8 =	sshrl.u32 s8, $0x9  }
0x4d: {  	s8 =	sand.u32 $0x7F, s8  }
0x4e: {  	_ =	swait.ge [sflag:s29], $0x80;
	s8 =	smul.u32 $0x3, s8  }
0x4f: {  	[sflag:s29] =	ssyncset.done $0x0  }
0x50: {  	[sflag:s29] =	ssyncadd.s32 $0xFFFFFF80;
	s0 =	ssub.s32 s0, s8  }
0x51: {  	_ =	swait.ge [sflag:s29], $0x80;
	s0 =	sand.u32 $0xFF, s0  }
0x52: {  	s31 =	sadd.s32 $0xFFFFFF80, s25;
	[sflag:s29] =	ssyncset.done $0x0;
	s0 =	sshll.u32 s0, $0xE  }
0x53: {  	[sflag:s29] =	ssyncadd.s32 $0xFFFFFF80;
	s8 =	sand.u32 $0x180, s31;
	s0 =	sor.u32 $0x400, s0  }
0x54: {  	[tilespmem:s0], [sflag:$0x1] =	stream.indirect.gather [hbm4b:s2+s30], $0x80, s8, s30, $0xb8;
	v63 =	vld [tilespmem:$0x0]  }
.LBB2_7:
0x55: {  	s25 =	sadd.s32 $0x80, s25  }
0x56: {  	p0 =	sne.s32 s25, $0x2980  }
.Ltmp3:
0x57: {  	_ = 	snop;
	(pc) =	sbr.rel @!p0 .LBB2_8-.Ltmp3, $2  }
0x58: {  	_ =	sdelay $0x2  }
0x59: {  	s26 =	sadd.s32 $0x1, s26  }
.LBB2_2:
0x5a: {  	s31 =	smul.u32 $0xAB, s26;
	_ =	sdelay $0x1  }
0x5b: {  	s31 =	sshrl.u32 s31, $0x9  }
0x5c: {  	s31 =	sand.u32 $0x7F, s31  }
0x5d: {  	s31 =	smul.u32 $0x3, s31  }
0x5e: {  	p0 =	seq.s32 s25, $0x180  }
.Ltmp4:
0x5f: {  	s31 =	ssub.s32 s26, s31;
	(pc) =	sbr.rel @p0 .LBB2_6-.Ltmp4, $4  }
0x60: {  	_ =	swait.ge [sflag:s1], $0x3E80;
	s0 =	sadd.s32 $0xFFFFFE80, s25;
	s31 =	sand.u32 $0xFF, s31  }
0x61: {  	[sflag:s1] =	ssyncset.done $0x0;
	s0 =	sand.u32 $0x180, s0;
	s31 =	sshll.u32 s31, $0xE  }
0x62: {  	[sflag:s1] =	ssyncadd.s32 $0xFFFFC180;
	s0 =	sor.u32 $0x200, s0;
	s31 =	sor.u32 $0x400, s31  }
0x63: {  	[spmem:s3] =	stream.indirect.scatter.add.f32 [tilespmem:s31], [sflag:$0x3], $0x80, s0, s30, $0xb8;
	v63 =	vld [tilespmem:$0x0]  }
0x64: {  	p0 =	sgt.u32 s26, $0x4C  }
.Ltmp5:
0x65: {  	_ = 	snop;
	(pc) =	sbr.rel @!p0 .LBB2_4-.Ltmp5, $4  }
0x66: {  	_ = 	snop  }
0x67: {  	_ =	swait.ge [sflag:s21], $0x3E80  }
0x68: {  	[sflag:s21] =	ssyncset.done $0x0  }
0x69: {  	[sflag:s21] =	ssyncadd.s32 $0xFFFFC180  }
0x6a: {  	p0 =	sne.s32 s25, $0x2800  }
.Ltmp6:
0x6b: {  	_ = 	snop;
	(pc) =	sbr.rel @p0 .LBB2_7-.Ltmp6, $4  }
.Ltmp7:
0x6c: {  	_ = 	snop;
	(pc) =	sbr.rel @!p0 .LBB2_6-.Ltmp7, $4  }
0x6d: {  	_ = 	snop  }
0x6e: {  	_ = 	snop  }
0x6f: {  	_ = 	snop  }
0x70: {  	_ = 	snop  }
.LBB2_9:
0x71: {  	_ =	sfence.sel $0x180000  }
0x72: {  	[bflag:$0x0] =	sbarrier.arrive $0xFFFF  }
0x73: {  	_ =	strace $0x9000004A  }
0x74: {  	s0 =	stileid.u32;
	[bflag:$0x2] =	sbarrier.arrive $0xFFFF  }
0x75: {  	p0 =	sne.s32 s0, $0x0;
	s0 =	rddreg [dreg:$0x3]  }
0x76: {  	s0 =	sadd.s32 @!p0 $0x100000, s0  }
0x77: {  	[sflag:s0] =	ssyncadd.tile.s32 @!p0 $0x1;
	_ =	shalt  }
.Lfunc_end2:
_tile_overlayer_lowered:
.L_overlay_start_2:
0x78: {  	(tag) =	ssettag $0x2  }
0x79: {  	s0 =	rddreg [dreg:$0x0];
	s2 =	stileid.u32  }
0x7a: {  	s1 =	rddreg [dreg:$0x1];
	p0 =	sne.s32 s2, $0x0  }
0x7b: {  	s3 =	rddreg [dreg:$0x2];
	[bflag:$0x3] =	sbarrier.arrive $0xFFFF;
	s2 =	simm.s32 @!p0 $0x1C04  }
0x7c: {  	[timem:s3], [sflag:s2] =	dma.local @!p0 [hbm:s0], s1  }
0x7d: {  	s0 =	simm.s32 @!p0 $0x4  }
0x7e: {  	_ =	swait.ge @!p0 [sflag:s0], s1  }
0x7f: {  	s1 =	ssub.s32 @!p0 $0x0, s1;
	[sflag:s0] =	ssyncset.done @!p0 $0x0  }
0x80: {  	[sflag:s0] =	ssyncadd.s32 @!p0 s1  }
0x81: {  	[bflag:$0x3] =	sbarrier.arrive $0xFFFF  }
0x82: {  	_ =	shalt  }

// kernel: kernel.19.cloned.1.call-start
scs
__scs_entry_jumppad:
0x0: {  	(pc) =	sbr.rel $0x88, $3  }
0x1: {  	(tag) =	ssettag $0x0;
	lr =	simm.s32 $0x1  }
0x2: {  	[smem:$0x3F9A] =	sst lr;
	_ =	strace $0xD0000000  }
0x3: {  	_ = 	snop  }
0x4: {  	_ = 	snop  }
0x5: {  	_ = 	snop  }
0x6: {  	_ = 	snop  }
0x7: {  	_ = 	snop  }
__scs_overlays_trampoline_lowered:
0x8: {  	[smem:$0x3FA9] =	sst s0  }
0x9: {  	[smem:$0x3FAA] =	sst s1  }
0xa: {  	[smem:$0x3FAB] =	sst s2  }
0xb: {  	[smem:$0x3FAC] =	sst s3  }
0xc: {  	[smem:$0x3FAD] =	sst s4  }
0xd: {  	[smem:$0x3FAE] =	sst s5  }
0xe: {  	[smem:$0x3FAF] =	sst s6  }
0xf: {  	[smem:$0x3FB0] =	sst s7  }
0x10: {  	[smem:$0x3FB1] =	sst s8  }
0x11: {  	[smem:$0x3FB2] =	sst s9;
	s0 =	simm.s32 @!p0 $0x0  }
0x12: {  	s1 =	sld [smem:$0x3F98];
	s0 =	simm.s32 @p0 $0x1  }
0x13: {  	[smem:$0x3FB3] =	sst s0;
	s0 =	simm.s32 @!p1 $0x0  }
0x14: {  	s2 =	sld [smem:$0x3F97];
	s0 =	simm.s32 @p1 $0x1  }
0x15: {  	[smem:$0x3FB4] =	sst s0;
	s0 =	simm.s32 @!p2 $0x0  }
0x16: {  	s3 =	sld [smem:$0x3FDB];
	s0 =	simm.s32 @p2 $0x1  }
0x17: {  	s4 =	simm.s32 $0x1BF5;
	[smem:$0x3FB6] =	sst s0  }
0x18: {  	s0 =	sld [smem:$0x3F99];
	_ =	swait.ge [sflag:s4], $0x0  }
0x19: {  	s7 =	sld [smem:$0x3F9A]  }
0x1a: {  	s8 =	sadd.s32 $0xFFFFE003, lr  }
0x1b: {  	s9 =	sadd.s32 $0xFFFFFEF7, lr;
	s5 =	simm.s32 $0xFFFFFFFF;
	p2 =	slt.u32 s8, $0xFFFFF086  }
0x1c: {  	p1 =	slt.u32 s9, $0xF7A;
	s5 =	simm.s32 @!p2 $0x0  }
0x1d: {  	s5 =	simm.s32 @p1 $0x1;
	p0 =	seq.s32 s7, s2  }
0x1e: {  	s7 =	smul.u32 @!p0 $0xF7A, s2;
	p2 =	seq.s32 @!p0 s5, $0x0  }
0x1f: {  	s9 =	smul.u32 $0xF7A, s1;
	s8 =	simm.s32 @!p0 $0x1BF5;
	p2 =	por !p2, p0  }
0x20: {  	[sflag:s8] =	ssyncset.s32 @!p0 $0xFFFFF086;
	s6 =	sadd.s32 @!p0 s3, s7;
	s7 =	simm.s32 @!p0 $0x108  }
0x21: {  	s3 =	sadd.s32 s3, s9;
	s6 =	sadd.s32 @!p0 $0x88, s6;
	s7 =	simm.s32 @p2 $0x1082  }
0x22: {  	[simem:s7], [sflag:s8] =	dma.local @!p0 [hbm:s6], $0xF7A  }
0x23: {  	s9 =	sor.u32 $0xD0000000, s2;
	s6 =	simm.s32 $0x108;
	_ =	swait.ge @!p0 [sflag:s8], $0x0  }
0x24: {  	s3 =	sadd.s32 $0x88, s3;
	s6 =	simm.s32 @!p1 $0x1082;
	[sflag:s4] =	ssyncset.s32 $0xFFFFF086  }
0x25: {  	[simem:s6], [sflag:s4] =	dma.local [hbm:s3], $0xF7A  }
0x26: {  	[smem:$0x3F9A] =	sst s1;
	(tag) =	ssettag s2;
	_ =	strace s9  }
0x27: {  	s1 =	sld [smem:$0x3FAA]  }
0x28: {  	s2 =	sld [smem:$0x3FAB]  }
0x29: {  	s4 =	sld [smem:$0x3FAD]  }
0x2a: {  	p0 =	seq.s32 s5, $0x0;
	s5 =	sld [smem:$0x3FAE]  }
0x2b: {  	s6 =	sld [smem:$0x3FAF]  }
0x2c: {  	s7 =	sld [smem:$0x3FB0]  }
0x2d: {  	s3 =	simm.s32 $0x108;
	s8 =	sld [smem:$0x3FB1]  }
0x2e: {  	s3 =	simm.s32 @!p0 $0x1082;
	s9 =	sld [smem:$0x3FB2]  }
0x2f: {  	lr =	sadd.s32 s0, s3;
	s0 =	sld [smem:$0x3FA9]  }
0x30: {  	s3 =	sld [smem:$0x3FAC]  }
0x31: {  	[smem:$0x3FB5] =	sst s10  }
0x32: {  	s10 =	sld [smem:$0x3FB3];
	_ =	sdelay $0x3  }
0x33: {  	p0 =	seq.s32 s10, $0x1;
	s10 =	sld [smem:$0x3FB5];
	_ =	sdelay $0x3  }
0x34: {  	[smem:$0x3FB5] =	sst s10  }
0x35: {  	s10 =	sld [smem:$0x3FB4];
	_ =	sdelay $0x3  }
0x36: {  	p1 =	seq.s32 s10, $0x1;
	s10 =	sld [smem:$0x3FB5];
	_ =	sdelay $0x3  }
0x37: {  	[smem:$0x3FB5] =	sst s10  }
0x38: {  	s10 =	sld [smem:$0x3FB6]  }
0x39: {  	_ = 	snop;
	(pc) =	sbr.ind lr, $3  }
0x3a: {  	_ = 	snop  }
0x3b: {  	_ = 	snop  }
0x3c: {  	p2 =	seq.s32 s10, $0x1;
	s10 =	sld [smem:$0x3FB5]  }
0x3d: {  	_ =	shalt  }
0x3e: {  	_ =	shalt  }
0x3f: {  	_ =	shalt  }
0x40: {  	_ =	shalt  }
0x41: {  	_ =	shalt  }
0x42: {  	_ =	shalt  }
0x43: {  	_ =	shalt  }
0x44: {  	_ =	shalt  }
0x45: {  	_ =	shalt  }
0x46: {  	_ =	shalt  }
0x47: {  	_ =	shalt  }
0x48: {  	_ =	shalt  }
0x49: {  	_ =	shalt  }
0x4a: {  	_ =	shalt  }
0x4b: {  	_ =	shalt  }
0x4c: {  	_ =	shalt  }
0x4d: {  	_ =	shalt  }
0x4e: {  	_ =	shalt  }
0x4f: {  	_ =	shalt  }
0x50: {  	_ =	shalt  }
0x51: {  	_ =	shalt  }
0x52: {  	_ =	shalt  }
0x53: {  	_ =	shalt  }
0x54: {  	_ =	shalt  }
0x55: {  	_ =	shalt  }
0x56: {  	_ =	shalt  }
0x57: {  	_ =	shalt  }
0x58: {  	_ =	shalt  }
0x59: {  	_ =	shalt  }
0x5a: {  	_ =	shalt  }
0x5b: {  	_ =	shalt  }
0x5c: {  	_ =	shalt  }
0x5d: {  	_ =	shalt  }
0x5e: {  	_ =	shalt  }
0x5f: {  	_ =	shalt  }
0x60: {  	_ =	shalt  }
0x61: {  	_ =	shalt  }
0x62: {  	_ =	shalt  }
0x63: {  	_ =	shalt  }
0x64: {  	_ =	shalt  }
0x65: {  	_ =	shalt  }
0x66: {  	_ =	shalt  }
0x67: {  	_ =	shalt  }
0x68: {  	_ =	shalt  }
0x69: {  	_ =	shalt  }
0x6a: {  	_ =	shalt  }
0x6b: {  	_ =	shalt  }
0x6c: {  	_ =	shalt  }
0x6d: {  	_ =	shalt  }
0x6e: {  	_ =	shalt  }
0x6f: {  	_ =	shalt  }
0x70: {  	_ =	shalt  }
0x71: {  	_ =	shalt  }
0x72: {  	_ =	shalt  }
0x73: {  	_ =	shalt  }
0x74: {  	_ =	shalt  }
0x75: {  	_ =	shalt  }
0x76: {  	_ =	shalt  }
0x77: {  	_ =	shalt  }
0x78: {  	_ =	shalt  }
0x79: {  	_ =	shalt  }
0x7a: {  	_ =	shalt  }
0x7b: {  	_ =	shalt  }
0x7c: {  	_ =	shalt  }
0x7d: {  	_ =	shalt  }
0x7e: {  	_ =	shalt  }
0x7f: {  	_ =	shalt  }
0x80: {  	_ =	shalt  }
0x81: {  	_ =	shalt  }
0x82: {  	_ =	shalt  }
0x83: {  	_ =	shalt  }
0x84: {  	_ =	shalt  }
0x85: {  	_ =	shalt  }
0x86: {  	_ =	shalt  }
0x87: {  	_ =	shalt  }
.Lfunc_end0:
.L_simem_size_0:
called_computation.2_lowered:
.L_overlay_start_0:
0x88: {  	s2 =	sld [smem:$0x3FD9]  }
0x89: {  	s3 =	sld [smem:$0x3FFE];
	_ =	sdelay $0x1  }
0x8a: {  	s1 =	srdreg.scid  }
0x8b: {  	s0 =	sand.u32 $0x1, s1  }
0x8c: {  	s17 =	sshll.u32 s0, $0xA;
	s2 =	sadd.s32 s3, s2  }
0x8d: {  	s2 =	sadd.s32 s2, s17  }
0x8e: {  	[smem:$0x3FC1] =	sst s2  }
0x8f: {  	_ = 	snop  }
0x90: {  	s2 =	sld [smem:$0x3FD0];
	(tm) =	ssettm $0x1  }
0x91: {  	s18 =	sld [smem:$0x3FFB];
	_ =	sdelay $0x3  }
0x92: {  	_ =	strace s18  }
0x93: {  	s3 =	sld [smem:$0x3FFC];
	_ =	sdelay $0x3  }
0x94: {  	_ =	strace s3  }
0x95: {  	s3 =	sld [smem:$0x3FFD];
	_ =	sdelay $0x3  }
0x96: {  	_ =	strace s3  }
0x97: {  	_ =	strace $0x8FFFFFFF  }
0x98: {  	s19 =	sld [smem:$0x3FDB];
	_ =	sdelay $0x1  }
0x99: {  	s4 =	simm.s32 $_scs_section_size  }
0x9a: {  	s5 =	simm.s32 $_size__tile_overlayer_lowered;
	s6 =	simm.s32 $_tile_overlayer_lowered  }
0x9b: {  	s22 =	simm.s32 $0x1BFF;
	s21 =	sshll.u32 s6, $0x1;
	s3 =	sadd.s32 s4, s19  }
0x9c: {  	s7 =	simm.s32 $0x0;
	s20 =	sshll.u32 s5, $0x1;
	s5 =	sadd.s32 s21, s3  }
0x9d: {  	[timem:s7], [sflag:s22] =	dma.local [hbm:s5], s20  }
0x9e: {  	_ =	swait.ge [sflag:s22], s20  }
0x9f: {  	s4 =	ssub.s32 $0x0, s20;
	[sflag:s22] =	ssyncset.done $0x0  }
0xa0: {  	[sflag:s22] =	ssyncadd.s32 s4;
	_ =	sdelay $0x1  }
0xa1: {  	s23 =	simm.s32 $0x1B8B  }
0xa2: {  	_ =	swait.ge [sflag:s23], $0x1  }
0xa3: {  	[sflag:s23] =	ssyncset.done $0x0  }
0xa4: {  	s25 =	simm.s32 $0x1B8E;
	s24 =	sld [smem:$0x3FFE];
	[sflag:s23] =	ssyncadd.s32 $0xFFFFFFFF  }
0xa5: {  	s26 =	simm.s32 $execute0_lowered;
	[smem:$0x3FD2] =	sst s25  }
0xa6: {  	s5 =	sshll.u32 s26, $0x1;
	_ =	strace $0x8000004C;
	[dreg:$0x1] =	wrdreg $0xFFFFFFFF  }
0xa7: {  	s28 =	simm.s32 $_size_execute0_lowered;
	s3 =	sadd.s32 s3, s5;
	[dreg:$0x0] =	wrdreg $0x0  }
0xa8: {  	s5 =	sshll.u32 s28, $0x1;
	[dreg:$0x2] =	wrdreg s3  }
0xa9: {  	[dreg:$0x3] =	wrdreg s5  }
0xaa: {  	[dreg:$0x4] =	wrdreg $0xC0  }
0xab: {  	_ =	task [dreg:s7], $0x5FFFF  }
0xac: {  	[dreg:$0x1] =	wrdreg $0xFFFFFFFF  }
0xad: {  	[dreg:$0x0] =	wrdreg $0x60  }
0xae: {  	[dreg:$0x2] =	wrdreg s2  }
0xaf: {  	[dreg:$0x3] =	wrdreg s24  }
0xb0: {  	[dreg:$0x4] =	wrdreg $0xC4000  }
0xb1: {  	[dreg:$0x5] =	wrdreg $0x9  }
0xb2: {  	_ =	task.clear_ibuf [dreg:s7], $0x6FFFF;
	_ =	strace $0x9000004C  }
0xb3: {  	s29 =	simm.s32 $0x9;
	_ =	strace $0x8000004E  }
0xb4: {  	_ =	swait.ge [sflag:s29], $0x1  }
0xb5: {  	[sflag:s29] =	ssyncadd.s32 $0xFFFFFFFF  }
0xb6: {  	_ =	strace $0x9000004E  }
0xb7: {  	_ =	sfence  }
0xb8: {  	s30 =	sld [smem:$0x0];
	_ =	sdelay $0x2  }
0xb9: {  	s31 =	sshll.u32 s1, $0xD;
	s1 =	sshrl.u32 s1, $0x2  }
0xba: {  	s3 =	sand.u32 $0x4000, s31;
	s1 =	sadd.s32 s1, s30  }
0xbb: {  	s0 =	sor.u32 s3, s0;
	s1 =	sshll.u32 s1, $0x11  }
0xbc: {  	s0 =	sor.u32 s1, s0  }
0xbd: {  	s0 =	sadd.s32 $0x8F2B, s0  }
0xbe: {  	[sflag:s0] =	ssyncadd.remote.s32 $0x1  }
0xbf: {  	_ =	sfence.sel $0xFFFF  }
0xc0: {  	[dreg:$0x0] =	wrdreg $0xFFFFFFFF;
	(pc) =	sbr.abs _section_cstart, $3  }
0xc1: {  	[dreg:$0x1] =	wrdreg $0xFFFFFFFF  }
0xc2: {  	_ =	task.clear_ibuf [dreg:s7], $0x2FFFF;
	_ =	strace $0x9FFFFFFF  }
0xc3: {  	(tm) =	ssettm $0x7FFFFFFF  }
tec
execute0_lowered:
.L_overlay_start_1:
0x0: {  	(tag) =	ssettag $0x1  }
0x1: {  	s2 =	rddreg [dreg:$0x0]  }
0x2: {  	s0 =	rddreg [dreg:$0x1]  }
0x3: {  	s3 =	rddreg [dreg:$0x2]  }
0x4: {  	s19 =	stileid.u32;
	s1 =	srdreg.scid  }
0x5: {  	s4 =	simm.s32 $0x0;
	s22 =	simm.s32 $0x80;
	s28 =	simm.s32 $0x4  }
0x6: {  	s29 =	simm.s32 $0x2;
	s30 =	simm.s32 $0x7D;
	s7 =	smul.u32 $0x13C00, s19  }
0x7: {  	s21 =	simm.s32 $0x3;
	s23 =	simm.s32 $0x0;
	s11 =	smul.u32 $0x2800, s19  }
0x8: {  	s1 =	sand.u32 $0x1, s1;
	[smem:$0x7FF] =	sst s4;
	s15 =	smul.u32 $0x4F000, s19  }
0x9: {  	s5 =	sadd.s32 $0xD200, s0;
	s6 =	sadd.s32 $0x3200, s0;
	s8 =	smul.u32 $0x13C000, s1  }
0xa: {  	s31 =	sshll.u32 s19, $0x6;
	s9 =	smul.u32 $0x28000, s1;
	s1 =	ssub.s32 $0x2, s1  }
0xb: {  	_ =	strace $0x8000004D;
	s10 =	sshrl.u32 s7, $0x3;
	s24 =	sshrl.u32 s1, $0x1  }
0xc: {  	s18 =	sshrl.u32 s15, $0x2;
	s17 =	sadd.s32 s10, s0;
	s7 =	sadd.s32 s7, s8  }
0xd: {  	s1 =	ssub.s32 s1, s24;
	s8 =	sshrl.u32 s7, $0x3;
	s7 =	sadd.s32 s11, s9  }
0xe: {  	s17 =	sadd.s32 $0x17200, s17;
	s20 =	smax.u32 s1, $0x1;
	s13 =	sshrl.u32 s7, $0x3  }
0xf: {  	s1 =	simm.s32 $0x1;
	s0 =	sadd.s32 s8, s0;
	s25 =	sadd.s32 s5, s13  }
.Ltmp0:
0x10: {  	s9 =	sadd.s32 s6, s13;
	s26 =	sor.u32 $0x10, s13;
	(pc) =	sbr.rel .LBB2_1-.Ltmp0, $4  }
0x11: {  	s14 =	sor.u32 $0x20, s13;
	s16 =	sor.u32 $0x30, s13;
	s19 =	sadd.s32 $0x3EA00, s0  }
0x12: {  	[dreg:$0x4] =	wrdreg s25;
	s10 =	sadd.s32 s5, s26;
	s11 =	sadd.s32 s6, s26  }
0x13: {  	s12 =	sadd.s32 s5, s14;
	s13 =	sadd.s32 s6, s14;
	s14 =	sadd.s32 s5, s16  }
0x14: {  	s15 =	sadd.s32 s6, s16;
	s16 =	sadd.s32 s18, s3;
	s18 =	sor.u32 $0x1C04, s31  }
.LBB2_8:
0x15: {  	_ =	swait.ge [sflag:s21], $0x3E80  }
0x16: {  	s23 =	sadd.s32 $0x1, s23;
	[sflag:s21] =	ssyncset.done $0x0  }
0x17: {  	p0 =	sne.s32 s23, s20;
	[sflag:s21] =	ssyncadd.s32 $0xFFFFC180  }
.Ltmp1:
0x18: {  	[bflag:$0x0] =	sbarrier.arrive $0xFFFF;
	(pc) =	sbr.rel @!p0 .LBB2_9-.Ltmp1, $4  }
0x19: {  	[hbm:s19], [sflag:s18] =	dma.local [spmem:s24], $0x2780  }
0x1a: {  	_ =	swait.ge [sflag:s28], $0x2780  }
0x1b: {  	[sflag:s28] =	ssyncset.done $0x0  }
0x1c: {  	[sflag:s28] =	ssyncadd.s32 $0xFFFFD880  }
.LBB2_1:
0x1d: {  	s0 =	rddreg [dreg:$0x4]  }
0x1e: {  	[tilespmem:s4], [sflag:$0x2] =	stream.linear.gather [hbm4b:s0+s4], $0x80, $0x38;
	v63 =	vld [tilespmem:$0x0]  }
0x1f: {  	s25 =	simm.s32 $0x200  }
0x20: {  	[tilespmem:s25], [sflag:$0x2] =	stream.linear.gather [hbm4b:s9+s4], $0x80, $0x38;
	v63 =	vld [tilespmem:$0x0]  }
0x21: {  	_ = 	snop  }
0x22: {  	[tilespmem:s22], [sflag:$0x2] =	stream.linear.gather [hbm4b:s10+s4], $0x80, $0x38;
	v63 =	vld [tilespmem:$0x0]  }
0x23: {  	s26 =	simm.s32 $0x280  }
0x24: {  	[tilespmem:s26], [sflag:$0x2] =	stream.linear.gather [hbm4b:s11+s4], $0x80, $0x38;
	v63 =	vld [tilespmem:$0x0]  }
0x25: {  	s31 =	simm.s32 $0x100  }
0x26: {  	[tilespmem:s31], [sflag:$0x2] =	stream.linear.gather [hbm4b:s12+s4], $0x80, $0x38;
	v63 =	vld [tilespmem:$0x0]  }
0x27: {  	s8 =	simm.s32 $0x300  }
0x28: {  	[tilespmem:s8], [sflag:$0x2] =	stream.linear.gather [hbm4b:s13+s4], $0x80, $0x38;
	v63 =	vld [tilespmem:$0x0]  }
0x29: {  	s25 =	simm.s32 $0x180  }
0x2a: {  	[tilespmem:s25], [sflag:$0x2] =	stream.linear.gather [hbm4b:s14+s4], $0x80, $0x38;
	v63 =	vld [tilespmem:$0x0]  }
0x2b: {  	s24 =	simm.s32 $0x380  }
0x2c: {  	[tilespmem:s24], [sflag:$0x2] =	stream.linear.gather [hbm4b:s15+s4], $0x80, $0x38;
	v63 =	vld [tilespmem:$0x0]  }
0x2d: {  	s24 =	sshrl.u32 s16, $0x3  }
0x2e: {  	[spmem:s24], [sflag:s18] =	dma.local [hbm:s17], $0x2780  }
0x2f: {  	_ =	swait.ge [sflag:s28], $0x2780  }
0x30: {  	[sflag:s28] =	ssyncset.done $0x0  }
0x31: {  	[sflag:s28] =	ssyncadd.s32 $0xFFFFD880  }
0x32: {  	_ =	swait.ge [sflag:s29], $0x80  }
0x33: {  	[sflag:s29] =	ssyncset.done $0x0  }
0x34: {  	[sflag:s29] =	ssyncadd.s32 $0xFFFFFF80  }
0x35: {  	_ =	swait.ge [sflag:s29], $0x80  }
0x36: {  	[sflag:s29] =	ssyncset.done $0x0  }
0x37: {  	s26 =	simm.s32 $0x400;
	[sflag:s29] =	ssyncadd.s32 $0xFFFFFF80  }
0x38: {  	[tilespmem:s26], [sflag:$0x1] =	stream.indirect.gather [hbm4b:s2+s30], $0x80, s4, s30, $0xb8;
	v63 =	vld [tilespmem:$0x0]  }
0x39: {  	_ =	swait.ge [sflag:s29], $0x80  }
0x3a: {  	[sflag:s29] =	ssyncset.done $0x0  }
0x3b: {  	[sflag:s29] =	ssyncadd.s32 $0xFFFFFF80  }
0x3c: {  	_ =	swait.ge [sflag:s29], $0x80  }
.Ltmp2:
0x3d: {  	[sflag:s29] =	ssyncset.done $0x0;
	(pc) =	sbr.rel .LBB2_2-.Ltmp2, $4  }
0x3e: {  	s31 =	simm.s32 $0x4400;
	[sflag:s29] =	ssyncadd.s32 $0xFFFFFF80  }
0x3f: {  	[tilespmem:s31], [sflag:$0x1] =	stream.indirect.gather [hbm4b:s2+s30], $0x80, s22, s30, $0xb8;
	v63 =	vld [tilespmem:$0x0]  }
0x40: {  	[bflag:$0x0] =	sbarrier.arrive $0xFFFF  }
0x41: {  	s26 =	simm.s32 $0x0  }
.LBB2_4:
0x42: {  	s0 =	sand.u32 $0x7C00, s25  }
0x43: {  	s31 =	sand.u32 $0x380, s25;
	s0 =	sadd.s32 s7, s0  }
0x44: {  	s0 =	sor.u32 s31, s0  }
0x45: {  	s0 =	sshrl.u32 s0, $0x3  }
0x46: {  	s31 =	sand.u32 $0x180, s25;
	s8 =	sadd.s32 s5, s0  }
0x47: {  	[tilespmem:s31], [sflag:$0x2] =	stream.linear.gather [hbm4b:s8+s4], $0x80, $0x38;
	v63 =	vld [tilespmem:$0x0]  }
0x48: {  	s0 =	sadd.s32 s6, s0;
	s31 =	sor.u32 $0x200, s31  }
0x49: {  	[tilespmem:s31], [sflag:$0x2] =	stream.linear.gather [hbm4b:s0+s4], $0x80, $0x38;
	v63 =	vld [tilespmem:$0x0]  }
.LBB2_6:
0x4a: {  	s0 =	sadd.s32 $0x2, s26  }
0x4b: {  	s8 =	smul.u32 $0xAB, s0;
	_ =	sdelay $0x1  }
0x4c: {  	s8 =	sshrl.u32 s8, $0x9  }
0x4d: {  	s8 =	sand.u32 $0x7F, s8  }
0x4e: {  	_ =	swait.ge [sflag:s29], $0x80;
	s8 =	smul.u32 $0x3, s8  }
0x4f: {  	[sflag:s29] =	ssyncset.done $0x0  }
0x50: {  	[sflag:s29] =	ssyncadd.s32 $0xFFFFFF80;
	s0 =	ssub.s32 s0, s8  }
0x51: {  	_ =	swait.ge [sflag:s29], $0x80;
	s0 =	sand.u32 $0xFF, s0  }
0x52: {  	s31 =	sadd.s32 $0xFFFFFF80, s25;
	[sflag:s29] =	ssyncset.done $0x0;
	s0 =	sshll.u32 s0, $0xE  }
0x53: {  	[sflag:s29] =	ssyncadd.s32 $0xFFFFFF80;
	s8 =	sand.u32 $0x180, s31;
	s0 =	sor.u32 $0x400, s0  }
0x54: {  	[tilespmem:s0], [sflag:$0x1] =	stream.indirect.gather [hbm4b:s2+s30], $0x80, s8, s30, $0xb8;
	v63 =	vld [tilespmem:$0x0]  }
.LBB2_7:
0x55: {  	s25 =	sadd.s32 $0x80, s25  }
0x56: {  	p0 =	sne.s32 s25, $0x2980  }
.Ltmp3:
0x57: {  	_ = 	snop;
	(pc) =	sbr.rel @!p0 .LBB2_8-.Ltmp3, $2  }
0x58: {  	_ =	sdelay $0x2  }
0x59: {  	s26 =	sadd.s32 $0x1, s26  }
.LBB2_2:
0x5a: {  	s31 =	smul.u32 $0xAB, s26;
	_ =	sdelay $0x1  }
0x5b: {  	s31 =	sshrl.u32 s31, $0x9  }
0x5c: {  	s31 =	sand.u32 $0x7F, s31  }
0x5d: {  	s31 =	smul.u32 $0x3, s31  }
0x5e: {  	p0 =	seq.s32 s25, $0x180  }
.Ltmp4:
0x5f: {  	s31 =	ssub.s32 s26, s31;
	(pc) =	sbr.rel @p0 .LBB2_6-.Ltmp4, $4  }
0x60: {  	_ =	swait.ge [sflag:s1], $0x3E80;
	s0 =	sadd.s32 $0xFFFFFE80, s25;
	s31 =	sand.u32 $0xFF, s31  }
0x61: {  	[sflag:s1] =	ssyncset.done $0x0;
	s0 =	sand.u32 $0x180, s0;
	s31 =	sshll.u32 s31, $0xE  }
0x62: {  	[sflag:s1] =	ssyncadd.s32 $0xFFFFC180;
	s0 =	sor.u32 $0x200, s0;
	s31 =	sor.u32 $0x400, s31  }
0x63: {  	[spmem:s3] =	stream.indirect.scatter.add.f32 [tilespmem:s31], [sflag:$0x3], $0x80, s0, s30, $0xb8;
	v63 =	vld [tilespmem:$0x0]  }
0x64: {  	p0 =	sgt.u32 s26, $0x4C  }
.Ltmp5:
0x65: {  	_ = 	snop;
	(pc) =	sbr.rel @!p0 .LBB2_4-.Ltmp5, $4  }
0x66: {  	_ = 	snop  }
0x67: {  	_ =	swait.ge [sflag:s21], $0x3E80  }
0x68: {  	[sflag:s21] =	ssyncset.done $0x0  }
0x69: {  	[sflag:s21] =	ssyncadd.s32 $0xFFFFC180  }
0x6a: {  	p0 =	sne.s32 s25, $0x2800  }
.Ltmp6:
0x6b: {  	_ = 	snop;
	(pc) =	sbr.rel @p0 .LBB2_7-.Ltmp6, $4  }
.Ltmp7:
0x6c: {  	_ = 	snop;
	(pc) =	sbr.rel @!p0 .LBB2_6-.Ltmp7, $4  }
0x6d: {  	_ = 	snop  }
0x6e: {  	_ = 	snop  }
0x6f: {  	_ = 	snop  }
0x70: {  	_ = 	snop  }
.LBB2_9:
0x71: {  	_ =	sfence.sel $0x180000  }
0x72: {  	[bflag:$0x0] =	sbarrier.arrive $0xFFFF  }
0x73: {  	_ =	strace $0x9000004D  }
0x74: {  	s0 =	stileid.u32;
	[bflag:$0x2] =	sbarrier.arrive $0xFFFF  }
0x75: {  	p0 =	sne.s32 s0, $0x0;
	s0 =	rddreg [dreg:$0x3]  }
0x76: {  	s0 =	sadd.s32 @!p0 $0x100000, s0  }
0x77: {  	[sflag:s0] =	ssyncadd.tile.s32 @!p0 $0x1;
	_ =	shalt  }
.Lfunc_end2:
_tile_overlayer_lowered:
.L_overlay_start_2:
0x78: {  	(tag) =	ssettag $0x2  }
0x79: {  	s0 =	rddreg [dreg:$0x0];
	s2 =	stileid.u32  }
0x7a: {  	s1 =	rddreg [dreg:$0x1];
	p0 =	sne.s32 s2, $0x0  }
0x7b: {  	s3 =	rddreg [dreg:$0x2];
	[bflag:$0x3] =	sbarrier.arrive $0xFFFF;
	s2 =	simm.s32 @!p0 $0x1C04  }
0x7c: {  	[timem:s3], [sflag:s2] =	dma.local @!p0 [hbm:s0], s1  }
0x7d: {  	s0 =	simm.s32 @!p0 $0x4  }
0x7e: {  	_ =	swait.ge @!p0 [sflag:s0], s1  }
0x7f: {  	s1 =	ssub.s32 @!p0 $0x0, s1;
	[sflag:s0] =	ssyncset.done @!p0 $0x0  }
0x80: {  	[sflag:s0] =	ssyncadd.s32 @!p0 s1  }
0x81: {  	[bflag:$0x3] =	sbarrier.arrive $0xFFFF  }
0x82: {  	_ =	shalt  }

// kernel: kernel.22.cloned.1.call-start
scs
__scs_entry_jumppad:
0x0: {  	(pc) =	sbr.rel $0x88, $3  }
0x1: {  	(tag) =	ssettag $0x0;
	lr =	simm.s32 $0x1  }
0x2: {  	[smem:$0x3F9A] =	sst lr;
	_ =	strace $0xD0000000  }
0x3: {  	_ = 	snop  }
0x4: {  	_ = 	snop  }
0x5: {  	_ = 	snop  }
0x6: {  	_ = 	snop  }
0x7: {  	_ = 	snop  }
__scs_overlays_trampoline_lowered:
0x8: {  	[smem:$0x3FA9] =	sst s0  }
0x9: {  	[smem:$0x3FAA] =	sst s1  }
0xa: {  	[smem:$0x3FAB] =	sst s2  }
0xb: {  	[smem:$0x3FAC] =	sst s3  }
0xc: {  	[smem:$0x3FAD] =	sst s4  }
0xd: {  	[smem:$0x3FAE] =	sst s5  }
0xe: {  	[smem:$0x3FAF] =	sst s6  }
0xf: {  	[smem:$0x3FB0] =	sst s7  }
0x10: {  	[smem:$0x3FB1] =	sst s8  }
0x11: {  	[smem:$0x3FB2] =	sst s9;
	s0 =	simm.s32 @!p0 $0x0  }
0x12: {  	s1 =	sld [smem:$0x3F98];
	s0 =	simm.s32 @p0 $0x1  }
0x13: {  	[smem:$0x3FB3] =	sst s0;
	s0 =	simm.s32 @!p1 $0x0  }
0x14: {  	s2 =	sld [smem:$0x3F97];
	s0 =	simm.s32 @p1 $0x1  }
0x15: {  	[smem:$0x3FB4] =	sst s0;
	s0 =	simm.s32 @!p2 $0x0  }
0x16: {  	s3 =	sld [smem:$0x3FDB];
	s0 =	simm.s32 @p2 $0x1  }
0x17: {  	s4 =	simm.s32 $0x1BF5;
	[smem:$0x3FB6] =	sst s0  }
0x18: {  	s0 =	sld [smem:$0x3F99];
	_ =	swait.ge [sflag:s4], $0x0  }
0x19: {  	s7 =	sld [smem:$0x3F9A]  }
0x1a: {  	s8 =	sadd.s32 $0xFFFFE003, lr  }
0x1b: {  	s9 =	sadd.s32 $0xFFFFFEF7, lr;
	s5 =	simm.s32 $0xFFFFFFFF;
	p2 =	slt.u32 s8, $0xFFFFF086  }
0x1c: {  	p1 =	slt.u32 s9, $0xF7A;
	s5 =	simm.s32 @!p2 $0x0  }
0x1d: {  	s5 =	simm.s32 @p1 $0x1;
	p0 =	seq.s32 s7, s2  }
0x1e: {  	s7 =	smul.u32 @!p0 $0xF7A, s2;
	p2 =	seq.s32 @!p0 s5, $0x0  }
0x1f: {  	s9 =	smul.u32 $0xF7A, s1;
	s8 =	simm.s32 @!p0 $0x1BF5;
	p2 =	por !p2, p0  }
0x20: {  	[sflag:s8] =	ssyncset.s32 @!p0 $0xFFFFF086;
	s6 =	sadd.s32 @!p0 s3, s7;
	s7 =	simm.s32 @!p0 $0x108  }
0x21: {  	s3 =	sadd.s32 s3, s9;
	s6 =	sadd.s32 @!p0 $0x88, s6;
	s7 =	simm.s32 @p2 $0x1082  }
0x22: {  	[simem:s7], [sflag:s8] =	dma.local @!p0 [hbm:s6], $0xF7A  }
0x23: {  	s9 =	sor.u32 $0xD0000000, s2;
	s6 =	simm.s32 $0x108;
	_ =	swait.ge @!p0 [sflag:s8], $0x0  }
0x24: {  	s3 =	sadd.s32 $0x88, s3;
	s6 =	simm.s32 @!p1 $0x1082;
	[sflag:s4] =	ssyncset.s32 $0xFFFFF086  }
0x25: {  	[simem:s6], [sflag:s4] =	dma.local [hbm:s3], $0xF7A  }
0x26: {  	[smem:$0x3F9A] =	sst s1;
	(tag) =	ssettag s2;
	_ =	strace s9  }
0x27: {  	s1 =	sld [smem:$0x3FAA]  }
0x28: {  	s2 =	sld [smem:$0x3FAB]  }
0x29: {  	s4 =	sld [smem:$0x3FAD]  }
0x2a: {  	p0 =	seq.s32 s5, $0x0;
	s5 =	sld [smem:$0x3FAE]  }
0x2b: {  	s6 =	sld [smem:$0x3FAF]  }
0x2c: {  	s7 =	sld [smem:$0x3FB0]  }
0x2d: {  	s3 =	simm.s32 $0x108;
	s8 =	sld [smem:$0x3FB1]  }
0x2e: {  	s3 =	simm.s32 @!p0 $0x1082;
	s9 =	sld [smem:$0x3FB2]  }
0x2f: {  	lr =	sadd.s32 s0, s3;
	s0 =	sld [smem:$0x3FA9]  }
0x30: {  	s3 =	sld [smem:$0x3FAC]  }
0x31: {  	[smem:$0x3FB5] =	sst s10  }
0x32: {  	s10 =	sld [smem:$0x3FB3];
	_ =	sdelay $0x3  }
0x33: {  	p0 =	seq.s32 s10, $0x1;
	s10 =	sld [smem:$0x3FB5];
	_ =	sdelay $0x3  }
0x34: {  	[smem:$0x3FB5] =	sst s10  }
0x35: {  	s10 =	sld [smem:$0x3FB4];
	_ =	sdelay $0x3  }
0x36: {  	p1 =	seq.s32 s10, $0x1;
	s10 =	sld [smem:$0x3FB5];
	_ =	sdelay $0x3  }
0x37: {  	[smem:$0x3FB5] =	sst s10  }
0x38: {  	s10 =	sld [smem:$0x3FB6]  }
0x39: {  	_ = 	snop;
	(pc) =	sbr.ind lr, $3  }
0x3a: {  	_ = 	snop  }
0x3b: {  	_ = 	snop  }
0x3c: {  	p2 =	seq.s32 s10, $0x1;
	s10 =	sld [smem:$0x3FB5]  }
0x3d: {  	_ =	shalt  }
0x3e: {  	_ =	shalt  }
0x3f: {  	_ =	shalt  }
0x40: {  	_ =	shalt  }
0x41: {  	_ =	shalt  }
0x42: {  	_ =	shalt  }
0x43: {  	_ =	shalt  }
0x44: {  	_ =	shalt  }
0x45: {  	_ =	shalt  }
0x46: {  	_ =	shalt  }
0x47: {  	_ =	shalt  }
0x48: {  	_ =	shalt  }
0x49: {  	_ =	shalt  }
0x4a: {  	_ =	shalt  }
0x4b: {  	_ =	shalt  }
0x4c: {  	_ =	shalt  }
0x4d: {  	_ =	shalt  }
0x4e: {  	_ =	shalt  }
0x4f: {  	_ =	shalt  }
0x50: {  	_ =	shalt  }
0x51: {  	_ =	shalt  }
0x52: {  	_ =	shalt  }
0x53: {  	_ =	shalt  }
0x54: {  	_ =	shalt  }
0x55: {  	_ =	shalt  }
0x56: {  	_ =	shalt  }
0x57: {  	_ =	shalt  }
0x58: {  	_ =	shalt  }
0x59: {  	_ =	shalt  }
0x5a: {  	_ =	shalt  }
0x5b: {  	_ =	shalt  }
0x5c: {  	_ =	shalt  }
0x5d: {  	_ =	shalt  }
0x5e: {  	_ =	shalt  }
0x5f: {  	_ =	shalt  }
0x60: {  	_ =	shalt  }
0x61: {  	_ =	shalt  }
0x62: {  	_ =	shalt  }
0x63: {  	_ =	shalt  }
0x64: {  	_ =	shalt  }
0x65: {  	_ =	shalt  }
0x66: {  	_ =	shalt  }
0x67: {  	_ =	shalt  }
0x68: {  	_ =	shalt  }
0x69: {  	_ =	shalt  }
0x6a: {  	_ =	shalt  }
0x6b: {  	_ =	shalt  }
0x6c: {  	_ =	shalt  }
0x6d: {  	_ =	shalt  }
0x6e: {  	_ =	shalt  }
0x6f: {  	_ =	shalt  }
0x70: {  	_ =	shalt  }
0x71: {  	_ =	shalt  }
0x72: {  	_ =	shalt  }
0x73: {  	_ =	shalt  }
0x74: {  	_ =	shalt  }
0x75: {  	_ =	shalt  }
0x76: {  	_ =	shalt  }
0x77: {  	_ =	shalt  }
0x78: {  	_ =	shalt  }
0x79: {  	_ =	shalt  }
0x7a: {  	_ =	shalt  }
0x7b: {  	_ =	shalt  }
0x7c: {  	_ =	shalt  }
0x7d: {  	_ =	shalt  }
0x7e: {  	_ =	shalt  }
0x7f: {  	_ =	shalt  }
0x80: {  	_ =	shalt  }
0x81: {  	_ =	shalt  }
0x82: {  	_ =	shalt  }
0x83: {  	_ =	shalt  }
0x84: {  	_ =	shalt  }
0x85: {  	_ =	shalt  }
0x86: {  	_ =	shalt  }
0x87: {  	_ =	shalt  }
.Lfunc_end0:
.L_simem_size_0:
called_computation.3_lowered:
.L_overlay_start_0:
0x88: {  	s2 =	sld [smem:$0x3FD9]  }
0x89: {  	s3 =	sld [smem:$0x3FFE];
	_ =	sdelay $0x1  }
0x8a: {  	s1 =	srdreg.scid  }
0x8b: {  	s0 =	sand.u32 $0x1, s1  }
0x8c: {  	s17 =	sshll.u32 s0, $0xA;
	s2 =	sadd.s32 s3, s2  }
0x8d: {  	s2 =	sadd.s32 s2, s17  }
0x8e: {  	[smem:$0x3FC1] =	sst s2  }
0x8f: {  	_ = 	snop  }
0x90: {  	s2 =	sld [smem:$0x3FD0];
	(tm) =	ssettm $0x1  }
0x91: {  	s18 =	sld [smem:$0x3FFB];
	_ =	sdelay $0x3  }
0x92: {  	_ =	strace s18  }
0x93: {  	s3 =	sld [smem:$0x3FFC];
	_ =	sdelay $0x3  }
0x94: {  	_ =	strace s3  }
0x95: {  	s3 =	sld [smem:$0x3FFD];
	_ =	sdelay $0x3  }
0x96: {  	_ =	strace s3  }
0x97: {  	_ =	strace $0x8FFFFFFF  }
0x98: {  	s19 =	sld [smem:$0x3FDB];
	_ =	sdelay $0x1  }
0x99: {  	s4 =	simm.s32 $_scs_section_size  }
0x9a: {  	s5 =	simm.s32 $_size__tile_overlayer_lowered;
	s6 =	simm.s32 $_tile_overlayer_lowered  }
0x9b: {  	s22 =	simm.s32 $0x1BFF;
	s21 =	sshll.u32 s6, $0x1;
	s3 =	sadd.s32 s4, s19  }
0x9c: {  	s7 =	simm.s32 $0x0;
	s20 =	sshll.u32 s5, $0x1;
	s5 =	sadd.s32 s21, s3  }
0x9d: {  	[timem:s7], [sflag:s22] =	dma.local [hbm:s5], s20  }
0x9e: {  	_ =	swait.ge [sflag:s22], s20  }
0x9f: {  	s4 =	ssub.s32 $0x0, s20;
	[sflag:s22] =	ssyncset.done $0x0  }
0xa0: {  	[sflag:s22] =	ssyncadd.s32 s4;
	_ =	sdelay $0x1  }
0xa1: {  	s23 =	simm.s32 $0x1B8B  }
0xa2: {  	_ =	swait.ge [sflag:s23], $0x1  }
0xa3: {  	[sflag:s23] =	ssyncset.done $0x0  }
0xa4: {  	s25 =	simm.s32 $0x1B8E;
	s24 =	sld [smem:$0x3FFE];
	[sflag:s23] =	ssyncadd.s32 $0xFFFFFFFF  }
0xa5: {  	s26 =	simm.s32 $execute0_lowered;
	[smem:$0x3FD2] =	sst s25  }
0xa6: {  	s5 =	sshll.u32 s26, $0x1;
	_ =	strace $0x8000004F;
	[dreg:$0x1] =	wrdreg $0xFFFFFFFF  }
0xa7: {  	s28 =	simm.s32 $_size_execute0_lowered;
	s3 =	sadd.s32 s3, s5;
	[dreg:$0x0] =	wrdreg $0x0  }
0xa8: {  	s5 =	sshll.u32 s28, $0x1;
	[dreg:$0x2] =	wrdreg s3  }
0xa9: {  	[dreg:$0x3] =	wrdreg s5  }
0xaa: {  	[dreg:$0x4] =	wrdreg $0xC0  }
0xab: {  	_ =	task [dreg:s7], $0x5FFFF  }
0xac: {  	[dreg:$0x1] =	wrdreg $0xFFFFFFFF  }
0xad: {  	[dreg:$0x0] =	wrdreg $0x60  }
0xae: {  	[dreg:$0x2] =	wrdreg s2  }
0xaf: {  	[dreg:$0x3] =	wrdreg s24  }
0xb0: {  	[dreg:$0x4] =	wrdreg $0xC4000  }
0xb1: {  	[dreg:$0x5] =	wrdreg $0x9  }
0xb2: {  	_ =	task.clear_ibuf [dreg:s7], $0x6FFFF;
	_ =	strace $0x9000004F  }
0xb3: {  	s29 =	simm.s32 $0x9;
	_ =	strace $0x80000051  }
0xb4: {  	_ =	swait.ge [sflag:s29], $0x1  }
0xb5: {  	[sflag:s29] =	ssyncadd.s32 $0xFFFFFFFF  }
0xb6: {  	_ =	strace $0x90000051  }
0xb7: {  	_ =	sfence  }
0xb8: {  	s30 =	sld [smem:$0x0];
	_ =	sdelay $0x2  }
0xb9: {  	s31 =	sshll.u32 s1, $0xD;
	s1 =	sshrl.u32 s1, $0x2  }
0xba: {  	s3 =	sand.u32 $0x4000, s31;
	s1 =	sadd.s32 s1, s30  }
0xbb: {  	s0 =	sor.u32 s3, s0;
	s1 =	sshll.u32 s1, $0x11  }
0xbc: {  	s0 =	sor.u32 s1, s0  }
0xbd: {  	s0 =	sadd.s32 $0x8F2B, s0  }
0xbe: {  	[sflag:s0] =	ssyncadd.remote.s32 $0x1  }
0xbf: {  	_ =	sfence.sel $0xFFFF  }
0xc0: {  	[dreg:$0x0] =	wrdreg $0xFFFFFFFF;
	(pc) =	sbr.abs _section_cstart, $3  }
0xc1: {  	[dreg:$0x1] =	wrdreg $0xFFFFFFFF  }
0xc2: {  	_ =	task.clear_ibuf [dreg:s7], $0x2FFFF;
	_ =	strace $0x9FFFFFFF  }
0xc3: {  	(tm) =	ssettm $0x7FFFFFFF  }
tec
execute0_lowered:
.L_overlay_start_1:
0x0: {  	(tag) =	ssettag $0x1  }
0x1: {  	s2 =	rddreg [dreg:$0x0]  }
0x2: {  	s0 =	rddreg [dreg:$0x1]  }
0x3: {  	s3 =	rddreg [dreg:$0x2]  }
0x4: {  	s19 =	stileid.u32;
	s1 =	srdreg.scid  }
0x5: {  	s4 =	simm.s32 $0x0;
	s22 =	simm.s32 $0x80;
	s28 =	simm.s32 $0x4  }
0x6: {  	s29 =	simm.s32 $0x2;
	s30 =	simm.s32 $0x7D;
	s7 =	smul.u32 $0x13C00, s19  }
0x7: {  	s21 =	simm.s32 $0x3;
	s23 =	simm.s32 $0x0;
	s11 =	smul.u32 $0x2800, s19  }
0x8: {  	s1 =	sand.u32 $0x1, s1;
	[smem:$0x7FF] =	sst s4;
	s15 =	smul.u32 $0x4F000, s19  }
0x9: {  	s5 =	sadd.s32 $0xD200, s0;
	s6 =	sadd.s32 $0x3200, s0;
	s8 =	smul.u32 $0x13C000, s1  }
0xa: {  	s31 =	sshll.u32 s19, $0x6;
	s9 =	smul.u32 $0x28000, s1;
	s1 =	ssub.s32 $0x2, s1  }
0xb: {  	_ =	strace $0x80000050;
	s10 =	sshrl.u32 s7, $0x3;
	s24 =	sshrl.u32 s1, $0x1  }
0xc: {  	s18 =	sshrl.u32 s15, $0x2;
	s17 =	sadd.s32 s10, s0;
	s7 =	sadd.s32 s7, s8  }
0xd: {  	s1 =	ssub.s32 s1, s24;
	s8 =	sshrl.u32 s7, $0x3;
	s7 =	sadd.s32 s11, s9  }
0xe: {  	s17 =	sadd.s32 $0x17200, s17;
	s20 =	smax.u32 s1, $0x1;
	s13 =	sshrl.u32 s7, $0x3  }
0xf: {  	s1 =	simm.s32 $0x1;
	s0 =	sadd.s32 s8, s0;
	s25 =	sadd.s32 s5, s13  }
.Ltmp0:
0x10: {  	s9 =	sadd.s32 s6, s13;
	s26 =	sor.u32 $0x10, s13;
	(pc) =	sbr.rel .LBB2_1-.Ltmp0, $4  }
0x11: {  	s14 =	sor.u32 $0x20, s13;
	s16 =	sor.u32 $0x30, s13;
	s19 =	sadd.s32 $0x3EA00, s0  }
0x12: {  	[dreg:$0x4] =	wrdreg s25;
	s10 =	sadd.s32 s5, s26;
	s11 =	sadd.s32 s6, s26  }
0x13: {  	s12 =	sadd.s32 s5, s14;
	s13 =	sadd.s32 s6, s14;
	s14 =	sadd.s32 s5, s16  }
0x14: {  	s15 =	sadd.s32 s6, s16;
	s16 =	sadd.s32 s18, s3;
	s18 =	sor.u32 $0x1C04, s31  }
.LBB2_8:
0x15: {  	_ =	swait.ge [sflag:s21], $0x3E80  }
0x16: {  	s23 =	sadd.s32 $0x1, s23;
	[sflag:s21] =	ssyncset.done $0x0  }
0x17: {  	p0 =	sne.s32 s23, s20;
	[sflag:s21] =	ssyncadd.s32 $0xFFFFC180  }
.Ltmp1:
0x18: {  	[bflag:$0x0] =	sbarrier.arrive $0xFFFF;
	(pc) =	sbr.rel @!p0 .LBB2_9-.Ltmp1, $4  }
0x19: {  	[hbm:s19], [sflag:s18] =	dma.local [spmem:s24], $0x2780  }
0x1a: {  	_ =	swait.ge [sflag:s28], $0x2780  }
0x1b: {  	[sflag:s28] =	ssyncset.done $0x0  }
0x1c: {  	[sflag:s28] =	ssyncadd.s32 $0xFFFFD880  }
.LBB2_1:
0x1d: {  	s0 =	rddreg [dreg:$0x4]  }
0x1e: {  	[tilespmem:s4], [sflag:$0x2] =	stream.linear.gather [hbm4b:s0+s4], $0x80, $0x38;
	v63 =	vld [tilespmem:$0x0]  }
0x1f: {  	s25 =	simm.s32 $0x200  }
0x20: {  	[tilespmem:s25], [sflag:$0x2] =	stream.linear.gather [hbm4b:s9+s4], $0x80, $0x38;
	v63 =	vld [tilespmem:$0x0]  }
0x21: {  	_ = 	snop  }
0x22: {  	[tilespmem:s22], [sflag:$0x2] =	stream.linear.gather [hbm4b:s10+s4], $0x80, $0x38;
	v63 =	vld [tilespmem:$0x0]  }
0x23: {  	s26 =	simm.s32 $0x280  }
0x24: {  	[tilespmem:s26], [sflag:$0x2] =	stream.linear.gather [hbm4b:s11+s4], $0x80, $0x38;
	v63 =	vld [tilespmem:$0x0]  }
0x25: {  	s31 =	simm.s32 $0x100  }
0x26: {  	[tilespmem:s31], [sflag:$0x2] =	stream.linear.gather [hbm4b:s12+s4], $0x80, $0x38;
	v63 =	vld [tilespmem:$0x0]  }
0x27: {  	s8 =	simm.s32 $0x300  }
0x28: {  	[tilespmem:s8], [sflag:$0x2] =	stream.linear.gather [hbm4b:s13+s4], $0x80, $0x38;
	v63 =	vld [tilespmem:$0x0]  }
0x29: {  	s25 =	simm.s32 $0x180  }
0x2a: {  	[tilespmem:s25], [sflag:$0x2] =	stream.linear.gather [hbm4b:s14+s4], $0x80, $0x38;
	v63 =	vld [tilespmem:$0x0]  }
0x2b: {  	s24 =	simm.s32 $0x380  }
0x2c: {  	[tilespmem:s24], [sflag:$0x2] =	stream.linear.gather [hbm4b:s15+s4], $0x80, $0x38;
	v63 =	vld [tilespmem:$0x0]  }
0x2d: {  	s24 =	sshrl.u32 s16, $0x3  }
0x2e: {  	[spmem:s24], [sflag:s18] =	dma.local [hbm:s17], $0x2780  }
0x2f: {  	_ =	swait.ge [sflag:s28], $0x2780  }
0x30: {  	[sflag:s28] =	ssyncset.done $0x0  }
0x31: {  	[sflag:s28] =	ssyncadd.s32 $0xFFFFD880  }
0x32: {  	_ =	swait.ge [sflag:s29], $0x80  }
0x33: {  	[sflag:s29] =	ssyncset.done $0x0  }
0x34: {  	[sflag:s29] =	ssyncadd.s32 $0xFFFFFF80  }
0x35: {  	_ =	swait.ge [sflag:s29], $0x80  }
0x36: {  	[sflag:s29] =	ssyncset.done $0x0  }
0x37: {  	s26 =	simm.s32 $0x400;
	[sflag:s29] =	ssyncadd.s32 $0xFFFFFF80  }
0x38: {  	[tilespmem:s26], [sflag:$0x1] =	stream.indirect.gather [hbm4b:s2+s30], $0x80, s4, s30, $0xb8;
	v63 =	vld [tilespmem:$0x0]  }
0x39: {  	_ =	swait.ge [sflag:s29], $0x80  }
0x3a: {  	[sflag:s29] =	ssyncset.done $0x0  }
0x3b: {  	[sflag:s29] =	ssyncadd.s32 $0xFFFFFF80  }
0x3c: {  	_ =	swait.ge [sflag:s29], $0x80  }
.Ltmp2:
0x3d: {  	[sflag:s29] =	ssyncset.done $0x0;
	(pc) =	sbr.rel .LBB2_2-.Ltmp2, $4  }
0x3e: {  	s31 =	simm.s32 $0x4400;
	[sflag:s29] =	ssyncadd.s32 $0xFFFFFF80  }
0x3f: {  	[tilespmem:s31], [sflag:$0x1] =	stream.indirect.gather [hbm4b:s2+s30], $0x80, s22, s30, $0xb8;
	v63 =	vld [tilespmem:$0x0]  }
0x40: {  	[bflag:$0x0] =	sbarrier.arrive $0xFFFF  }
0x41: {  	s26 =	simm.s32 $0x0  }
.LBB2_4:
0x42: {  	s0 =	sand.u32 $0x7C00, s25  }
0x43: {  	s31 =	sand.u32 $0x380, s25;
	s0 =	sadd.s32 s7, s0  }
0x44: {  	s0 =	sor.u32 s31, s0  }
0x45: {  	s0 =	sshrl.u32 s0, $0x3  }
0x46: {  	s31 =	sand.u32 $0x180, s25;
	s8 =	sadd.s32 s5, s0  }
0x47: {  	[tilespmem:s31], [sflag:$0x2] =	stream.linear.gather [hbm4b:s8+s4], $0x80, $0x38;
	v63 =	vld [tilespmem:$0x0]  }
0x48: {  	s0 =	sadd.s32 s6, s0;
	s31 =	sor.u32 $0x200, s31  }
0x49: {  	[tilespmem:s31], [sflag:$0x2] =	stream.linear.gather [hbm4b:s0+s4], $0x80, $0x38;
	v63 =	vld [tilespmem:$0x0]  }
.LBB2_6:
0x4a: {  	s0 =	sadd.s32 $0x2, s26  }
0x4b: {  	s8 =	smul.u32 $0xAB, s0;
	_ =	sdelay $0x1  }
0x4c: {  	s8 =	sshrl.u32 s8, $0x9  }
0x4d: {  	s8 =	sand.u32 $0x7F, s8  }
0x4e: {  	_ =	swait.ge [sflag:s29], $0x80;
	s8 =	smul.u32 $0x3, s8  }
0x4f: {  	[sflag:s29] =	ssyncset.done $0x0  }
0x50: {  	[sflag:s29] =	ssyncadd.s32 $0xFFFFFF80;
	s0 =	ssub.s32 s0, s8  }
0x51: {  	_ =	swait.ge [sflag:s29], $0x80;
	s0 =	sand.u32 $0xFF, s0  }
0x52: {  	s31 =	sadd.s32 $0xFFFFFF80, s25;
	[sflag:s29] =	ssyncset.done $0x0;
	s0 =	sshll.u32 s0, $0xE  }
0x53: {  	[sflag:s29] =	ssyncadd.s32 $0xFFFFFF80;
	s8 =	sand.u32 $0x180, s31;
	s0 =	sor.u32 $0x400, s0  }
0x54: {  	[tilespmem:s0], [sflag:$0x1] =	stream.indirect.gather [hbm4b:s2+s30], $0x80, s8, s30, $0xb8;
	v63 =	vld [tilespmem:$0x0]  }
.LBB2_7:
0x55: {  	s25 =	sadd.s32 $0x80, s25  }
0x56: {  	p0 =	sne.s32 s25, $0x2980  }
.Ltmp3:
0x57: {  	_ = 	snop;
	(pc) =	sbr.rel @!p0 .LBB2_8-.Ltmp3, $2  }
0x58: {  	_ =	sdelay $0x2  }
0x59: {  	s26 =	sadd.s32 $0x1, s26  }
.LBB2_2:
0x5a: {  	s31 =	smul.u32 $0xAB, s26;
	_ =	sdelay $0x1  }
0x5b: {  	s31 =	sshrl.u32 s31, $0x9  }
0x5c: {  	s31 =	sand.u32 $0x7F, s31  }
0x5d: {  	s31 =	smul.u32 $0x3, s31  }
0x5e: {  	p0 =	seq.s32 s25, $0x180  }
.Ltmp4:
0x5f: {  	s31 =	ssub.s32 s26, s31;
	(pc) =	sbr.rel @p0 .LBB2_6-.Ltmp4, $4  }
0x60: {  	_ =	swait.ge [sflag:s1], $0x3E80;
	s0 =	sadd.s32 $0xFFFFFE80, s25;
	s31 =	sand.u32 $0xFF, s31  }
0x61: {  	[sflag:s1] =	ssyncset.done $0x0;
	s0 =	sand.u32 $0x180, s0;
	s31 =	sshll.u32 s31, $0xE  }
0x62: {  	[sflag:s1] =	ssyncadd.s32 $0xFFFFC180;
	s0 =	sor.u32 $0x200, s0;
	s31 =	sor.u32 $0x400, s31  }
0x63: {  	[spmem:s3] =	stream.indirect.scatter.add.f32 [tilespmem:s31], [sflag:$0x3], $0x80, s0, s30, $0xb8;
	v63 =	vld [tilespmem:$0x0]  }
0x64: {  	p0 =	sgt.u32 s26, $0x4C  }
.Ltmp5:
0x65: {  	_ = 	snop;
	(pc) =	sbr.rel @!p0 .LBB2_4-.Ltmp5, $4  }
0x66: {  	_ = 	snop  }
0x67: {  	_ =	swait.ge [sflag:s21], $0x3E80  }
0x68: {  	[sflag:s21] =	ssyncset.done $0x0  }
0x69: {  	[sflag:s21] =	ssyncadd.s32 $0xFFFFC180  }
0x6a: {  	p0 =	sne.s32 s25, $0x2800  }
.Ltmp6:
0x6b: {  	_ = 	snop;
	(pc) =	sbr.rel @p0 .LBB2_7-.Ltmp6, $4  }
.Ltmp7:
0x6c: {  	_ = 	snop;
	(pc) =	sbr.rel @!p0 .LBB2_6-.Ltmp7, $4  }
0x6d: {  	_ = 	snop  }
0x6e: {  	_ = 	snop  }
0x6f: {  	_ = 	snop  }
0x70: {  	_ = 	snop  }
.LBB2_9:
0x71: {  	_ =	sfence.sel $0x180000  }
0x72: {  	[bflag:$0x0] =	sbarrier.arrive $0xFFFF  }
0x73: {  	_ =	strace $0x90000050  }
0x74: {  	s0 =	stileid.u32;
	[bflag:$0x2] =	sbarrier.arrive $0xFFFF  }
0x75: {  	p0 =	sne.s32 s0, $0x0;
	s0 =	rddreg [dreg:$0x3]  }
0x76: {  	s0 =	sadd.s32 @!p0 $0x100000, s0  }
0x77: {  	[sflag:s0] =	ssyncadd.tile.s32 @!p0 $0x1;
	_ =	shalt  }
.Lfunc_end2:
_tile_overlayer_lowered:
.L_overlay_start_2:
0x78: {  	(tag) =	ssettag $0x2  }
0x79: {  	s0 =	rddreg [dreg:$0x0];
	s2 =	stileid.u32  }
0x7a: {  	s1 =	rddreg [dreg:$0x1];
	p0 =	sne.s32 s2, $0x0  }
0x7b: {  	s3 =	rddreg [dreg:$0x2];
	[bflag:$0x3] =	sbarrier.arrive $0xFFFF;
	s2 =	simm.s32 @!p0 $0x1C04  }
0x7c: {  	[timem:s3], [sflag:s2] =	dma.local @!p0 [hbm:s0], s1  }
0x7d: {  	s0 =	simm.s32 @!p0 $0x4  }
0x7e: {  	_ =	swait.ge @!p0 [sflag:s0], s1  }
0x7f: {  	s1 =	ssub.s32 @!p0 $0x0, s1;
	[sflag:s0] =	ssyncset.done @!p0 $0x0  }
0x80: {  	[sflag:s0] =	ssyncadd.s32 @!p0 s1  }
0x81: {  	[bflag:$0x3] =	sbarrier.arrive $0xFFFF  }
0x82: {  	_ =	shalt  }

// kernel: kernel.25.cloned.1.call-start
scs
__scs_entry_jumppad:
0x0: {  	(pc) =	sbr.rel $0x88, $3  }
0x1: {  	(tag) =	ssettag $0x0;
	lr =	simm.s32 $0x1  }
0x2: {  	[smem:$0x3F9A] =	sst lr;
	_ =	strace $0xD0000000  }
0x3: {  	_ = 	snop  }
0x4: {  	_ = 	snop  }
0x5: {  	_ = 	snop  }
0x6: {  	_ = 	snop  }
0x7: {  	_ = 	snop  }
__scs_overlays_trampoline_lowered:
0x8: {  	[smem:$0x3FA9] =	sst s0  }
0x9: {  	[smem:$0x3FAA] =	sst s1  }
0xa: {  	[smem:$0x3FAB] =	sst s2  }
0xb: {  	[smem:$0x3FAC] =	sst s3  }
0xc: {  	[smem:$0x3FAD] =	sst s4  }
0xd: {  	[smem:$0x3FAE] =	sst s5  }
0xe: {  	[smem:$0x3FAF] =	sst s6  }
0xf: {  	[smem:$0x3FB0] =	sst s7  }
0x10: {  	[smem:$0x3FB1] =	sst s8  }
0x11: {  	[smem:$0x3FB2] =	sst s9;
	s0 =	simm.s32 @!p0 $0x0  }
0x12: {  	s1 =	sld [smem:$0x3F98];
	s0 =	simm.s32 @p0 $0x1  }
0x13: {  	[smem:$0x3FB3] =	sst s0;
	s0 =	simm.s32 @!p1 $0x0  }
0x14: {  	s2 =	sld [smem:$0x3F97];
	s0 =	simm.s32 @p1 $0x1  }
0x15: {  	[smem:$0x3FB4] =	sst s0;
	s0 =	simm.s32 @!p2 $0x0  }
0x16: {  	s3 =	sld [smem:$0x3FDB];
	s0 =	simm.s32 @p2 $0x1  }
0x17: {  	s4 =	simm.s32 $0x1BF5;
	[smem:$0x3FB6] =	sst s0  }
0x18: {  	s0 =	sld [smem:$0x3F99];
	_ =	swait.ge [sflag:s4], $0x0  }
0x19: {  	s7 =	sld [smem:$0x3F9A]  }
0x1a: {  	s8 =	sadd.s32 $0xFFFFE003, lr  }
0x1b: {  	s9 =	sadd.s32 $0xFFFFFEF7, lr;
	s5 =	simm.s32 $0xFFFFFFFF;
	p2 =	slt.u32 s8, $0xFFFFF086  }
0x1c: {  	p1 =	slt.u32 s9, $0xF7A;
	s5 =	simm.s32 @!p2 $0x0  }
0x1d: {  	s5 =	simm.s32 @p1 $0x1;
	p0 =	seq.s32 s7, s2  }
0x1e: {  	s7 =	smul.u32 @!p0 $0xF7A, s2;
	p2 =	seq.s32 @!p0 s5, $0x0  }
0x1f: {  	s9 =	smul.u32 $0xF7A, s1;
	s8 =	simm.s32 @!p0 $0x1BF5;
	p2 =	por !p2, p0  }
0x20: {  	[sflag:s8] =	ssyncset.s32 @!p0 $0xFFFFF086;
	s6 =	sadd.s32 @!p0 s3, s7;
	s7 =	simm.s32 @!p0 $0x108  }
0x21: {  	s3 =	sadd.s32 s3, s9;
	s6 =	sadd.s32 @!p0 $0x88, s6;
	s7 =	simm.s32 @p2 $0x1082  }
0x22: {  	[simem:s7], [sflag:s8] =	dma.local @!p0 [hbm:s6], $0xF7A  }
0x23: {  	s9 =	sor.u32 $0xD0000000, s2;
	s6 =	simm.s32 $0x108;
	_ =	swait.ge @!p0 [sflag:s8], $0x0  }
0x24: {  	s3 =	sadd.s32 $0x88, s3;
	s6 =	simm.s32 @!p1 $0x1082;
	[sflag:s4] =	ssyncset.s32 $0xFFFFF086  }
0x25: {  	[simem:s6], [sflag:s4] =	dma.local [hbm:s3], $0xF7A  }
0x26: {  	[smem:$0x3F9A] =	sst s1;
	(tag) =	ssettag s2;
	_ =	strace s9  }
0x27: {  	s1 =	sld [smem:$0x3FAA]  }
0x28: {  	s2 =	sld [smem:$0x3FAB]  }
0x29: {  	s4 =	sld [smem:$0x3FAD]  }
0x2a: {  	p0 =	seq.s32 s5, $0x0;
	s5 =	sld [smem:$0x3FAE]  }
0x2b: {  	s6 =	sld [smem:$0x3FAF]  }
0x2c: {  	s7 =	sld [smem:$0x3FB0]  }
0x2d: {  	s3 =	simm.s32 $0x108;
	s8 =	sld [smem:$0x3FB1]  }
0x2e: {  	s3 =	simm.s32 @!p0 $0x1082;
	s9 =	sld [smem:$0x3FB2]  }
0x2f: {  	lr =	sadd.s32 s0, s3;
	s0 =	sld [smem:$0x3FA9]  }
0x30: {  	s3 =	sld [smem:$0x3FAC]  }
0x31: {  	[smem:$0x3FB5] =	sst s10  }
0x32: {  	s10 =	sld [smem:$0x3FB3];
	_ =	sdelay $0x3  }
0x33: {  	p0 =	seq.s32 s10, $0x1;
	s10 =	sld [smem:$0x3FB5];
	_ =	sdelay $0x3  }
0x34: {  	[smem:$0x3FB5] =	sst s10  }
0x35: {  	s10 =	sld [smem:$0x3FB4];
	_ =	sdelay $0x3  }
0x36: {  	p1 =	seq.s32 s10, $0x1;
	s10 =	sld [smem:$0x3FB5];
	_ =	sdelay $0x3  }
0x37: {  	[smem:$0x3FB5] =	sst s10  }
0x38: {  	s10 =	sld [smem:$0x3FB6]  }
0x39: {  	_ = 	snop;
	(pc) =	sbr.ind lr, $3  }
0x3a: {  	_ = 	snop  }
0x3b: {  	_ = 	snop  }
0x3c: {  	p2 =	seq.s32 s10, $0x1;
	s10 =	sld [smem:$0x3FB5]  }
0x3d: {  	_ =	shalt  }
0x3e: {  	_ =	shalt  }
0x3f: {  	_ =	shalt  }
0x40: {  	_ =	shalt  }
0x41: {  	_ =	shalt  }
0x42: {  	_ =	shalt  }
0x43: {  	_ =	shalt  }
0x44: {  	_ =	shalt  }
0x45: {  	_ =	shalt  }
0x46: {  	_ =	shalt  }
0x47: {  	_ =	shalt  }
0x48: {  	_ =	shalt  }
0x49: {  	_ =	shalt  }
0x4a: {  	_ =	shalt  }
0x4b: {  	_ =	shalt  }
0x4c: {  	_ =	shalt  }
0x4d: {  	_ =	shalt  }
0x4e: {  	_ =	shalt  }
0x4f: {  	_ =	shalt  }
0x50: {  	_ =	shalt  }
0x51: {  	_ =	shalt  }
0x52: {  	_ =	shalt  }
0x53: {  	_ =	shalt  }
0x54: {  	_ =	shalt  }
0x55: {  	_ =	shalt  }
0x56: {  	_ =	shalt  }
0x57: {  	_ =	shalt  }
0x58: {  	_ =	shalt  }
0x59: {  	_ =	shalt  }
0x5a: {  	_ =	shalt  }
0x5b: {  	_ =	shalt  }
0x5c: {  	_ =	shalt  }
0x5d: {  	_ =	shalt  }
0x5e: {  	_ =	shalt  }
0x5f: {  	_ =	shalt  }
0x60: {  	_ =	shalt  }
0x61: {  	_ =	shalt  }
0x62: {  	_ =	shalt  }
0x63: {  	_ =	shalt  }
0x64: {  	_ =	shalt  }
0x65: {  	_ =	shalt  }
0x66: {  	_ =	shalt  }
0x67: {  	_ =	shalt  }
0x68: {  	_ =	shalt  }
0x69: {  	_ =	shalt  }
0x6a: {  	_ =	shalt  }
0x6b: {  	_ =	shalt  }
0x6c: {  	_ =	shalt  }
0x6d: {  	_ =	shalt  }
0x6e: {  	_ =	shalt  }
0x6f: {  	_ =	shalt  }
0x70: {  	_ =	shalt  }
0x71: {  	_ =	shalt  }
0x72: {  	_ =	shalt  }
0x73: {  	_ =	shalt  }
0x74: {  	_ =	shalt  }
0x75: {  	_ =	shalt  }
0x76: {  	_ =	shalt  }
0x77: {  	_ =	shalt  }
0x78: {  	_ =	shalt  }
0x79: {  	_ =	shalt  }
0x7a: {  	_ =	shalt  }
0x7b: {  	_ =	shalt  }
0x7c: {  	_ =	shalt  }
0x7d: {  	_ =	shalt  }
0x7e: {  	_ =	shalt  }
0x7f: {  	_ =	shalt  }
0x80: {  	_ =	shalt  }
0x81: {  	_ =	shalt  }
0x82: {  	_ =	shalt  }
0x83: {  	_ =	shalt  }
0x84: {  	_ =	shalt  }
0x85: {  	_ =	shalt  }
0x86: {  	_ =	shalt  }
0x87: {  	_ =	shalt  }
.Lfunc_end0:
.L_simem_size_0:
called_computation.4_lowered:
.L_overlay_start_0:
0x88: {  	s2 =	sld [smem:$0x3FD9]  }
0x89: {  	s3 =	sld [smem:$0x3FFE];
	_ =	sdelay $0x1  }
0x8a: {  	s1 =	srdreg.scid  }
0x8b: {  	s0 =	sand.u32 $0x1, s1  }
0x8c: {  	s17 =	sshll.u32 s0, $0xA;
	s2 =	sadd.s32 s3, s2  }
0x8d: {  	s2 =	sadd.s32 s2, s17  }
0x8e: {  	[smem:$0x3FC1] =	sst s2  }
0x8f: {  	_ = 	snop  }
0x90: {  	s2 =	sld [smem:$0x3FD0];
	(tm) =	ssettm $0x1  }
0x91: {  	s18 =	sld [smem:$0x3FFB];
	_ =	sdelay $0x3  }
0x92: {  	_ =	strace s18  }
0x93: {  	s3 =	sld [smem:$0x3FFC];
	_ =	sdelay $0x3  }
0x94: {  	_ =	strace s3  }
0x95: {  	s3 =	sld [smem:$0x3FFD];
	_ =	sdelay $0x3  }
0x96: {  	_ =	strace s3  }
0x97: {  	_ =	strace $0x8FFFFFFF  }
0x98: {  	s19 =	sld [smem:$0x3FDB];
	_ =	sdelay $0x1  }
0x99: {  	s4 =	simm.s32 $_scs_section_size  }
0x9a: {  	s5 =	simm.s32 $_size__tile_overlayer_lowered;
	s6 =	simm.s32 $_tile_overlayer_lowered  }
0x9b: {  	s22 =	simm.s32 $0x1BFF;
	s21 =	sshll.u32 s6, $0x1;
	s3 =	sadd.s32 s4, s19  }
0x9c: {  	s7 =	simm.s32 $0x0;
	s20 =	sshll.u32 s5, $0x1;
	s5 =	sadd.s32 s21, s3  }
0x9d: {  	[timem:s7], [sflag:s22] =	dma.local [hbm:s5], s20  }
0x9e: {  	_ =	swait.ge [sflag:s22], s20  }
0x9f: {  	s4 =	ssub.s32 $0x0, s20;
	[sflag:s22] =	ssyncset.done $0x0  }
0xa0: {  	[sflag:s22] =	ssyncadd.s32 s4;
	_ =	sdelay $0x1  }
0xa1: {  	s23 =	simm.s32 $0x1B8B  }
0xa2: {  	_ =	swait.ge [sflag:s23], $0x1  }
0xa3: {  	[sflag:s23] =	ssyncset.done $0x0  }
0xa4: {  	s25 =	simm.s32 $0x1B8E;
	s24 =	sld [smem:$0x3FFE];
	[sflag:s23] =	ssyncadd.s32 $0xFFFFFFFF  }
0xa5: {  	s26 =	simm.s32 $execute0_lowered;
	[smem:$0x3FD2] =	sst s25  }
0xa6: {  	s5 =	sshll.u32 s26, $0x1;
	_ =	strace $0x80000052;
	[dreg:$0x1] =	wrdreg $0xFFFFFFFF  }
0xa7: {  	s28 =	simm.s32 $_size_execute0_lowered;
	s3 =	sadd.s32 s3, s5;
	[dreg:$0x0] =	wrdreg $0x0  }
0xa8: {  	s5 =	sshll.u32 s28, $0x1;
	[dreg:$0x2] =	wrdreg s3  }
0xa9: {  	[dreg:$0x3] =	wrdreg s5  }
0xaa: {  	[dreg:$0x4] =	wrdreg $0xC0  }
0xab: {  	_ =	task [dreg:s7], $0x5FFFF  }
0xac: {  	[dreg:$0x1] =	wrdreg $0xFFFFFFFF  }
0xad: {  	[dreg:$0x0] =	wrdreg $0x60  }
0xae: {  	[dreg:$0x2] =	wrdreg s2  }
0xaf: {  	[dreg:$0x3] =	wrdreg s24  }
0xb0: {  	[dreg:$0x4] =	wrdreg $0xC4000  }
0xb1: {  	[dreg:$0x5] =	wrdreg $0x9  }
0xb2: {  	_ =	task.clear_ibuf [dreg:s7], $0x6FFFF;
	_ =	strace $0x90000052  }
0xb3: {  	s29 =	simm.s32 $0x9;
	_ =	strace $0x80000054  }
0xb4: {  	_ =	swait.ge [sflag:s29], $0x1  }
0xb5: {  	[sflag:s29] =	ssyncadd.s32 $0xFFFFFFFF  }
0xb6: {  	_ =	strace $0x90000054  }
0xb7: {  	_ =	sfence  }
0xb8: {  	s30 =	sld [smem:$0x0];
	_ =	sdelay $0x2  }
0xb9: {  	s31 =	sshll.u32 s1, $0xD;
	s1 =	sshrl.u32 s1, $0x2  }
0xba: {  	s3 =	sand.u32 $0x4000, s31;
	s1 =	sadd.s32 s1, s30  }
0xbb: {  	s0 =	sor.u32 s3, s0;
	s1 =	sshll.u32 s1, $0x11  }
0xbc: {  	s0 =	sor.u32 s1, s0  }
0xbd: {  	s0 =	sadd.s32 $0x8F2B, s0  }
0xbe: {  	[sflag:s0] =	ssyncadd.remote.s32 $0x1  }
0xbf: {  	_ =	sfence.sel $0xFFFF  }
0xc0: {  	[dreg:$0x0] =	wrdreg $0xFFFFFFFF;
	(pc) =	sbr.abs _section_cstart, $3  }
0xc1: {  	[dreg:$0x1] =	wrdreg $0xFFFFFFFF  }
0xc2: {  	_ =	task.clear_ibuf [dreg:s7], $0x2FFFF;
	_ =	strace $0x9FFFFFFF  }
0xc3: {  	(tm) =	ssettm $0x7FFFFFFF  }
tec
execute0_lowered:
.L_overlay_start_1:
0x0: {  	(tag) =	ssettag $0x1  }
0x1: {  	s2 =	rddreg [dreg:$0x0]  }
0x2: {  	s0 =	rddreg [dreg:$0x1]  }
0x3: {  	s3 =	rddreg [dreg:$0x2]  }
0x4: {  	s19 =	stileid.u32;
	s1 =	srdreg.scid  }
0x5: {  	s4 =	simm.s32 $0x0;
	s22 =	simm.s32 $0x80;
	s28 =	simm.s32 $0x4  }
0x6: {  	s29 =	simm.s32 $0x2;
	s30 =	simm.s32 $0x7D;
	s7 =	smul.u32 $0x13C00, s19  }
0x7: {  	s21 =	simm.s32 $0x3;
	s23 =	simm.s32 $0x0;
	s11 =	smul.u32 $0x2800, s19  }
0x8: {  	s1 =	sand.u32 $0x1, s1;
	[smem:$0x7FF] =	sst s4;
	s15 =	smul.u32 $0x4F000, s19  }
0x9: {  	s5 =	sadd.s32 $0xD200, s0;
	s6 =	sadd.s32 $0x3200, s0;
	s8 =	smul.u32 $0x13C000, s1  }
0xa: {  	s31 =	sshll.u32 s19, $0x6;
	s9 =	smul.u32 $0x28000, s1;
	s1 =	ssub.s32 $0x2, s1  }
0xb: {  	_ =	strace $0x80000053;
	s10 =	sshrl.u32 s7, $0x3;
	s24 =	sshrl.u32 s1, $0x1  }
0xc: {  	s18 =	sshrl.u32 s15, $0x2;
	s17 =	sadd.s32 s10, s0;
	s7 =	sadd.s32 s7, s8  }
0xd: {  	s1 =	ssub.s32 s1, s24;
	s8 =	sshrl.u32 s7, $0x3;
	s7 =	sadd.s32 s11, s9  }
0xe: {  	s17 =	sadd.s32 $0x17200, s17;
	s20 =	smax.u32 s1, $0x1;
	s13 =	sshrl.u32 s7, $0x3  }
0xf: {  	s1 =	simm.s32 $0x1;
	s0 =	sadd.s32 s8, s0;
	s25 =	sadd.s32 s5, s13  }
.Ltmp0:
0x10: {  	s9 =	sadd.s32 s6, s13;
	s26 =	sor.u32 $0x10, s13;
	(pc) =	sbr.rel .LBB2_1-.Ltmp0, $4  }
0x11: {  	s14 =	sor.u32 $0x20, s13;
	s16 =	sor.u32 $0x30, s13;
	s19 =	sadd.s32 $0x3EA00, s0  }
0x12: {  	[dreg:$0x4] =	wrdreg s25;
	s10 =	sadd.s32 s5, s26;
	s11 =	sadd.s32 s6, s26  }
0x13: {  	s12 =	sadd.s32 s5, s14;
	s13 =	sadd.s32 s6, s14;
	s14 =	sadd.s32 s5, s16  }
0x14: {  	s15 =	sadd.s32 s6, s16;
	s16 =	sadd.s32 s18, s3;
	s18 =	sor.u32 $0x1C04, s31  }
.LBB2_8:
0x15: {  	_ =	swait.ge [sflag:s21], $0x3E80  }
0x16: {  	s23 =	sadd.s32 $0x1, s23;
	[sflag:s21] =	ssyncset.done $0x0  }
0x17: {  	p0 =	sne.s32 s23, s20;
	[sflag:s21] =	ssyncadd.s32 $0xFFFFC180  }
.Ltmp1:
0x18: {  	[bflag:$0x0] =	sbarrier.arrive $0xFFFF;
	(pc) =	sbr.rel @!p0 .LBB2_9-.Ltmp1, $4  }
0x19: {  	[hbm:s19], [sflag:s18] =	dma.local [spmem:s24], $0x2780  }
0x1a: {  	_ =	swait.ge [sflag:s28], $0x2780  }
0x1b: {  	[sflag:s28] =	ssyncset.done $0x0  }
0x1c: {  	[sflag:s28] =	ssyncadd.s32 $0xFFFFD880  }
.LBB2_1:
0x1d: {  	s0 =	rddreg [dreg:$0x4]  }
0x1e: {  	[tilespmem:s4], [sflag:$0x2] =	stream.linear.gather [hbm4b:s0+s4], $0x80, $0x38;
	v63 =	vld [tilespmem:$0x0]  }
0x1f: {  	s25 =	simm.s32 $0x200  }
0x20: {  	[tilespmem:s25], [sflag:$0x2] =	stream.linear.gather [hbm4b:s9+s4], $0x80, $0x38;
	v63 =	vld [tilespmem:$0x0]  }
0x21: {  	_ = 	snop  }
0x22: {  	[tilespmem:s22], [sflag:$0x2] =	stream.linear.gather [hbm4b:s10+s4], $0x80, $0x38;
	v63 =	vld [tilespmem:$0x0]  }
0x23: {  	s26 =	simm.s32 $0x280  }
0x24: {  	[tilespmem:s26], [sflag:$0x2] =	stream.linear.gather [hbm4b:s11+s4], $0x80, $0x38;
	v63 =	vld [tilespmem:$0x0]  }
0x25: {  	s31 =	simm.s32 $0x100  }
0x26: {  	[tilespmem:s31], [sflag:$0x2] =	stream.linear.gather [hbm4b:s12+s4], $0x80, $0x38;
	v63 =	vld [tilespmem:$0x0]  }
0x27: {  	s8 =	simm.s32 $0x300  }
0x28: {  	[tilespmem:s8], [sflag:$0x2] =	stream.linear.gather [hbm4b:s13+s4], $0x80, $0x38;
	v63 =	vld [tilespmem:$0x0]  }
0x29: {  	s25 =	simm.s32 $0x180  }
0x2a: {  	[tilespmem:s25], [sflag:$0x2] =	stream.linear.gather [hbm4b:s14+s4], $0x80, $0x38;
	v63 =	vld [tilespmem:$0x0]  }
0x2b: {  	s24 =	simm.s32 $0x380  }
0x2c: {  	[tilespmem:s24], [sflag:$0x2] =	stream.linear.gather [hbm4b:s15+s4], $0x80, $0x38;
	v63 =	vld [tilespmem:$0x0]  }
0x2d: {  	s24 =	sshrl.u32 s16, $0x3  }
0x2e: {  	[spmem:s24], [sflag:s18] =	dma.local [hbm:s17], $0x2780  }
0x2f: {  	_ =	swait.ge [sflag:s28], $0x2780  }
0x30: {  	[sflag:s28] =	ssyncset.done $0x0  }
0x31: {  	[sflag:s28] =	ssyncadd.s32 $0xFFFFD880  }
0x32: {  	_ =	swait.ge [sflag:s29], $0x80  }
0x33: {  	[sflag:s29] =	ssyncset.done $0x0  }
0x34: {  	[sflag:s29] =	ssyncadd.s32 $0xFFFFFF80  }
0x35: {  	_ =	swait.ge [sflag:s29], $0x80  }
0x36: {  	[sflag:s29] =	ssyncset.done $0x0  }
0x37: {  	s26 =	simm.s32 $0x400;
	[sflag:s29] =	ssyncadd.s32 $0xFFFFFF80  }
0x38: {  	[tilespmem:s26], [sflag:$0x1] =	stream.indirect.gather [hbm4b:s2+s30], $0x80, s4, s30, $0xb8;
	v63 =	vld [tilespmem:$0x0]  }
0x39: {  	_ =	swait.ge [sflag:s29], $0x80  }
0x3a: {  	[sflag:s29] =	ssyncset.done $0x0  }
0x3b: {  	[sflag:s29] =	ssyncadd.s32 $0xFFFFFF80  }
0x3c: {  	_ =	swait.ge [sflag:s29], $0x80  }
.Ltmp2:
0x3d: {  	[sflag:s29] =	ssyncset.done $0x0;
	(pc) =	sbr.rel .LBB2_2-.Ltmp2, $4  }
0x3e: {  	s31 =	simm.s32 $0x4400;
	[sflag:s29] =	ssyncadd.s32 $0xFFFFFF80  }
0x3f: {  	[tilespmem:s31], [sflag:$0x1] =	stream.indirect.gather [hbm4b:s2+s30], $0x80, s22, s30, $0xb8;
	v63 =	vld [tilespmem:$0x0]  }
0x40: {  	[bflag:$0x0] =	sbarrier.arrive $0xFFFF  }
0x41: {  	s26 =	simm.s32 $0x0  }
.LBB2_4:
0x42: {  	s0 =	sand.u32 $0x7C00, s25  }
0x43: {  	s31 =	sand.u32 $0x380, s25;
	s0 =	sadd.s32 s7, s0  }
0x44: {  	s0 =	sor.u32 s31, s0  }
0x45: {  	s0 =	sshrl.u32 s0, $0x3  }
0x46: {  	s31 =	sand.u32 $0x180, s25;
	s8 =	sadd.s32 s5, s0  }
0x47: {  	[tilespmem:s31], [sflag:$0x2] =	stream.linear.gather [hbm4b:s8+s4], $0x80, $0x38;
	v63 =	vld [tilespmem:$0x0]  }
0x48: {  	s0 =	sadd.s32 s6, s0;
	s31 =	sor.u32 $0x200, s31  }
0x49: {  	[tilespmem:s31], [sflag:$0x2] =	stream.linear.gather [hbm4b:s0+s4], $0x80, $0x38;
	v63 =	vld [tilespmem:$0x0]  }
.LBB2_6:
0x4a: {  	s0 =	sadd.s32 $0x2, s26  }
0x4b: {  	s8 =	smul.u32 $0xAB, s0;
	_ =	sdelay $0x1  }
0x4c: {  	s8 =	sshrl.u32 s8, $0x9  }
0x4d: {  	s8 =	sand.u32 $0x7F, s8  }
0x4e: {  	_ =	swait.ge [sflag:s29], $0x80;
	s8 =	smul.u32 $0x3, s8  }
0x4f: {  	[sflag:s29] =	ssyncset.done $0x0  }
0x50: {  	[sflag:s29] =	ssyncadd.s32 $0xFFFFFF80;
	s0 =	ssub.s32 s0, s8  }
0x51: {  	_ =	swait.ge [sflag:s29], $0x80;
	s0 =	sand.u32 $0xFF, s0  }
0x52: {  	s31 =	sadd.s32 $0xFFFFFF80, s25;
	[sflag:s29] =	ssyncset.done $0x0;
	s0 =	sshll.u32 s0, $0xE  }
0x53: {  	[sflag:s29] =	ssyncadd.s32 $0xFFFFFF80;
	s8 =	sand.u32 $0x180, s31;
	s0 =	sor.u32 $0x400, s0  }
0x54: {  	[tilespmem:s0], [sflag:$0x1] =	stream.indirect.gather [hbm4b:s2+s30], $0x80, s8, s30, $0xb8;
	v63 =	vld [tilespmem:$0x0]  }
.LBB2_7:
0x55: {  	s25 =	sadd.s32 $0x80, s25  }
0x56: {  	p0 =	sne.s32 s25, $0x2980  }
.Ltmp3:
0x57: {  	_ = 	snop;
	(pc) =	sbr.rel @!p0 .LBB2_8-.Ltmp3, $2  }
0x58: {  	_ =	sdelay $0x2  }
0x59: {  	s26 =	sadd.s32 $0x1, s26  }
.LBB2_2:
0x5a: {  	s31 =	smul.u32 $0xAB, s26;
	_ =	sdelay $0x1  }
0x5b: {  	s31 =	sshrl.u32 s31, $0x9  }
0x5c: {  	s31 =	sand.u32 $0x7F, s31  }
0x5d: {  	s31 =	smul.u32 $0x3, s31  }
0x5e: {  	p0 =	seq.s32 s25, $0x180  }
.Ltmp4:
0x5f: {  	s31 =	ssub.s32 s26, s31;
	(pc) =	sbr.rel @p0 .LBB2_6-.Ltmp4, $4  }
0x60: {  	_ =	swait.ge [sflag:s1], $0x3E80;
	s0 =	sadd.s32 $0xFFFFFE80, s25;
	s31 =	sand.u32 $0xFF, s31  }
0x61: {  	[sflag:s1] =	ssyncset.done $0x0;
	s0 =	sand.u32 $0x180, s0;
	s31 =	sshll.u32 s31, $0xE  }
0x62: {  	[sflag:s1] =	ssyncadd.s32 $0xFFFFC180;
	s0 =	sor.u32 $0x200, s0;
	s31 =	sor.u32 $0x400, s31  }
0x63: {  	[spmem:s3] =	stream.indirect.scatter.add.f32 [tilespmem:s31], [sflag:$0x3], $0x80, s0, s30, $0xb8;
	v63 =	vld [tilespmem:$0x0]  }
0x64: {  	p0 =	sgt.u32 s26, $0x4C  }
.Ltmp5:
0x65: {  	_ = 	snop;
	(pc) =	sbr.rel @!p0 .LBB2_4-.Ltmp5, $4  }
0x66: {  	_ = 	snop  }
0x67: {  	_ =	swait.ge [sflag:s21], $0x3E80  }
0x68: {  	[sflag:s21] =	ssyncset.done $0x0  }
0x69: {  	[sflag:s21] =	ssyncadd.s32 $0xFFFFC180  }
0x6a: {  	p0 =	sne.s32 s25, $0x2800  }
.Ltmp6:
0x6b: {  	_ = 	snop;
	(pc) =	sbr.rel @p0 .LBB2_7-.Ltmp6, $4  }
.Ltmp7:
0x6c: {  	_ = 	snop;
	(pc) =	sbr.rel @!p0 .LBB2_6-.Ltmp7, $4  }
0x6d: {  	_ = 	snop  }
0x6e: {  	_ = 	snop  }
0x6f: {  	_ = 	snop  }
0x70: {  	_ = 	snop  }
.LBB2_9:
0x71: {  	_ =	sfence.sel $0x180000  }
0x72: {  	[bflag:$0x0] =	sbarrier.arrive $0xFFFF  }
0x73: {  	_ =	strace $0x90000053  }
0x74: {  	s0 =	stileid.u32;
	[bflag:$0x2] =	sbarrier.arrive $0xFFFF  }
0x75: {  	p0 =	sne.s32 s0, $0x0;
	s0 =	rddreg [dreg:$0x3]  }
0x76: {  	s0 =	sadd.s32 @!p0 $0x100000, s0  }
0x77: {  	[sflag:s0] =	ssyncadd.tile.s32 @!p0 $0x1;
	_ =	shalt  }
.Lfunc_end2:
_tile_overlayer_lowered:
.L_overlay_start_2:
0x78: {  	(tag) =	ssettag $0x2  }
0x79: {  	s0 =	rddreg [dreg:$0x0];
	s2 =	stileid.u32  }
0x7a: {  	s1 =	rddreg [dreg:$0x1];
	p0 =	sne.s32 s2, $0x0  }
0x7b: {  	s3 =	rddreg [dreg:$0x2];
	[bflag:$0x3] =	sbarrier.arrive $0xFFFF;
	s2 =	simm.s32 @!p0 $0x1C04  }
0x7c: {  	[timem:s3], [sflag:s2] =	dma.local @!p0 [hbm:s0], s1  }
0x7d: {  	s0 =	simm.s32 @!p0 $0x4  }
0x7e: {  	_ =	swait.ge @!p0 [sflag:s0], s1  }
0x7f: {  	s1 =	ssub.s32 @!p0 $0x0, s1;
	[sflag:s0] =	ssyncset.done @!p0 $0x0  }
0x80: {  	[sflag:s0] =	ssyncadd.s32 @!p0 s1  }
0x81: {  	[bflag:$0x3] =	sbarrier.arrive $0xFFFF  }
0x82: {  	_ =	shalt  }

</sc_bundles>
